<compile_context>
chip_gen: v7x
topology: tpu7x:2x2x1
jax: 0.10.2.dev20260603
libtpu: 0.0.44.dev20260713+nightly
codegen_flags: <defaults>
</compile_context>

<pallas_src>
import functools

import jax
import jax.numpy as jnp
from jax import lax
from jax.experimental import pallas as pl
from jax.experimental.pallas import tpu as pltpu
from jax.experimental.pallas import tpu_sc as plsc

D = 64
K = 4
C = 16
L = 50
ITER = 2

_NC = 2
_NS = 16
_NW = _NC * _NS
_CHUNK = 80


def _sc_gather(emb, ids3):
    n_chunk = ids3.shape[1]
    rpw = n_chunk * _CHUNK
    total = _NW * rpw
    mesh = plsc.VectorSubcoreMesh(core_axis_name="c", subcore_axis_name="s")

    @functools.partial(
        pl.kernel,
        mesh=mesh,
        out_type=jax.ShapeDtypeStruct((total, D), jnp.float32),
        scratch_types=[
            pltpu.VMEM((n_chunk, _CHUNK), jnp.int32),
            pltpu.VMEM((rpw, D), jnp.float32),
            pltpu.SemaphoreType.DMA,
        ],
        compiler_params=pltpu.CompilerParams(use_tc_tiling_on_sc=False),
    )
    def gather_kernel(emb_hbm, idx_hbm, out_hbm, idx_v, rows_v, sem):
        wid = lax.axis_index("s") * _NC + lax.axis_index("c")
        pltpu.sync_copy(idx_hbm.at[wid], idx_v)
        copies = []
        for c in range(n_chunk):
            copies.append(
                pltpu.async_copy(
                    emb_hbm.at[idx_v.at[c]],
                    rows_v.at[pl.ds(c * _CHUNK, _CHUNK)],
                    sem,
                )
            )
        for cp in copies:
            cp.wait()
        pltpu.sync_copy(rows_v, out_hbm.at[pl.ds(wid * rpw, rpw)])

    return gather_kernel(emb, ids3)


_NB = 64


def _tc_body(a_ref, hid_ref,
             wc_ref, bc_ref, g_ref,
             wio_ref, bio_ref, wih_ref, bih_ref, whh_ref, bhh_ref,
             out_ref, cor_ref,
             h_sc, p_sc, x_sc):
    f32 = jnp.float32
    bf16 = jnp.bfloat16
    R = _NB * L

    def mm(x, w_ref):
        return jnp.dot(x, w_ref[...], preferred_element_type=f32)

    hid = hid_ref[...].astype(bf16)
    hk = jnp.tanh(mm(hid, wc_ref) + bc_ref[...])
    hk2 = (hk * hk).astype(bf16)
    ssq = jnp.dot(hk2, g_ref[...], preferred_element_type=f32)
    hk = hk * lax.rsqrt(ssq + 1e-12)
    for k in range(K):
        cor_ref[k] = jnp.reshape(hk[:, k * C:(k + 1) * C], (_NB, L, C))
    h_sc[...] = hk

    a_bf = a_ref[...].astype(bf16)
    col = lax.broadcasted_iota(jnp.int32, (L, 2 * D), 1)
    mlo = (col < D).astype(bf16)
    mhi = (col >= D).astype(bf16)
    for _ in range(ITER):
        h = h_sc[...]
        h_bf = h.astype(bf16)
        p_sc[...] = (mm(h_bf, wio_ref) + bio_ref[...]).astype(bf16)
        for s in range(_NB):
            p_s = p_sc[pl.ds(s * L, L), :]
            pp = jnp.concatenate([p_s * mlo, p_s * mhi], axis=0)
            x_sc[pl.ds(s * L, L), :] = jnp.dot(
                a_bf[s], pp, preferred_element_type=f32).astype(bf16)
        gi = mm(x_sc[...], wih_ref) + bih_ref[...]
        gh = mm(h_bf, whh_ref) + bhh_ref[...]
        r = jax.nn.sigmoid(gi[:, :D] + gh[:, :D])
        z = jax.nn.sigmoid(gi[:, D:2 * D] + gh[:, D:2 * D])
        n = jnp.tanh(gi[:, 2 * D:] + r * gh[:, 2 * D:])
        h_sc[...] = (1.0 - z) * n + z * h
    out_ref[...] = jnp.reshape(h_sc[...], (_NB, L, D))


def _block_diag(w):
    eye = jnp.eye(K, dtype=w.dtype)
    t = w[:, :, None, :] * eye[:, None, :, None]
    return t.reshape(K * w.shape[1], K * w.shape[2])


def _pack_weights(Wc, bc, Win, bin_, Wout, bout, Wih, bih, Whh, bhh):
    wc_all = Wc.transpose(1, 0, 2).reshape(D, K * C)
    bc2 = bc.reshape(1, K * C)
    gmask = jnp.kron(jnp.eye(K, dtype=jnp.float32),
                     jnp.ones((C, C), jnp.float32))
    wio = jnp.concatenate([_block_diag(Win), _block_diag(Wout)], axis=1)
    bio = jnp.concatenate([bin_.reshape(1, K * C), bout.reshape(1, K * C)],
                          axis=1)

    def gates(w):
        return jnp.concatenate(
            [_block_diag(w[:, :, g * C:(g + 1) * C]) for g in range(3)],
            axis=1)

    wih_p = jnp.concatenate([gates(Wih[:, :C, :]), gates(Wih[:, C:, :])],
                            axis=0)
    bih_p = jnp.concatenate(
        [bih[:, g * C:(g + 1) * C].reshape(1, K * C) for g in range(3)],
        axis=1)
    whh_p = gates(Whh)
    bhh_p = jnp.concatenate(
        [bhh[:, g * C:(g + 1) * C].reshape(1, K * C) for g in range(3)],
        axis=1)
    bf16 = jnp.bfloat16
    return (wc_all.astype(bf16), bc2, gmask.astype(bf16), wio.astype(bf16),
            bio, wih_p.astype(bf16), bih_p, whh_p.astype(bf16), bhh_p)


def _dense(A, gathered, packed):
    B = A.shape[0]
    R = _NB * L
    grid = B // _NB
    f32 = jnp.float32

    def wspec(shape):
        nd = len(shape)
        return pl.BlockSpec(shape, lambda i, _n=nd: (0,) * _n)

    in_specs = [
        pl.BlockSpec((_NB, L, 2 * L), lambda i: (i, 0, 0)),
        pl.BlockSpec((R, D), lambda i: (i, 0)),
    ] + [wspec(p.shape) for p in packed]

    out_specs = [
        pl.BlockSpec((_NB, L, D), lambda i: (i, 0, 0)),
        pl.BlockSpec((K, _NB, L, C), lambda i: (0, i, 0, 0)),
    ]

    out, cor = pl.pallas_call(
        _tc_body,
        grid=(grid,),
        in_specs=in_specs,
        out_specs=out_specs,
        out_shape=[
            jax.ShapeDtypeStruct((B, L, D), f32),
            jax.ShapeDtypeStruct((K, B, L, C), f32),
        ],
        scratch_shapes=[
            pltpu.VMEM((R, D), f32),
            pltpu.VMEM((R, 2 * D), jnp.bfloat16),
            pltpu.VMEM((R, 2 * D), jnp.bfloat16),
        ],
    )(A, gathered, *packed)
    return out, cor


def kernel(inputs, A, emb, Wc, bc, Win, bin_, Wout, bout, Wih, bih, Whh, bhh):
    B, Ls = inputs.shape
    rows = B * Ls
    rpw = rows // _NW
    n_chunk = rpw // _CHUNK
    ids3 = inputs.astype(jnp.int32).reshape(_NW, n_chunk, _CHUNK)
    gathered = _sc_gather(emb, ids3)
    packed = _pack_weights(Wc, bc, Win, bin_, Wout, bout, Wih, bih, Whh, bhh)
    return _dense(A, gathered, packed)

# --- scband reference (transcript-rebuilt; emitter-appended) ---
"""Pipeline reference for scband-session-graph-3796751089857 (READ-ONLY COPY).

The authoritative reference and input builder live on the scoring server;
editing this copy changes nothing except your own understanding.
"""

import jax, jax.numpy as jnp
import numpy as np

N_NODE = 100000
D = 64        # hiddenSize
K = 4         # channels[-1] (disentangled channels)
C = 16        # c_dims[-1] per-channel dim
B = 1024      # batchSize
L = 50        # session length
ITER = 2      # opt.iterations


def setup_inputs(seed: int = 0) -> dict:
    key = jax.random.key(seed)
    ks = jax.random.split(key, 16)
    inputs = jax.random.randint(ks[0], (B, L), 0, N_NODE, dtype=jnp.int64 if jax.config.jax_enable_x64 else jnp.int32)
    A = jax.random.uniform(ks[1], (B, L, 2 * L), dtype=jnp.float32)
    s = 1.0 / np.sqrt(D)

    def u(k, shape):
        return jax.random.uniform(k, shape, jnp.float32, -s, s)

    emb = u(ks[2], (N_NODE, D))
    Wc = u(ks[3], (K, D, C)); bc = u(ks[4], (K, C))
    Win = u(ks[5], (K, C, C)); bin_ = u(ks[6], (K, C))
    Wout = u(ks[7], (K, C, C)); bout = u(ks[8], (K, C))
    Wih = u(ks[9], (K, 2 * C, 3 * C)); bih = u(ks[10], (K, 3 * C))
    Whh = u(ks[11], (K, C, 3 * C)); bhh = u(ks[12], (K, 3 * C))
    return {"inputs": inputs, "A": A, "emb": emb, "Wc": Wc, "bc": bc,
            "Win": Win, "bin_": bin_, "Wout": Wout, "bout": bout,
            "Wih": Wih, "bih": bih, "Whh": Whh, "bhh": bhh}


def _gru_cell(x, h, Wih, bih, Whh, bhh):
    gi = x @ Wih + bih
    gh = h @ Whh + bhh
    ir, iz, in_ = jnp.split(gi, 3, axis=-1)
    hr, hz, hn = jnp.split(gh, 3, axis=-1)
    r = jax.nn.sigmoid(ir + hr)
    z = jax.nn.sigmoid(iz + hz)
    n = jnp.tanh(in_ + r * hn)
    return (1.0 - z) * n + z * h


def reference(inputs, A, emb, Wc, bc, Win, bin_, Wout, bout, Wih, bih, Whh, bhh):
    # SessionGraph.forward:
    #   hidden = embedding(inputs)
    #   cor_hidden = DAGNN.rout_emb_cor(hidden)   # per-channel routed (disentangled) embeddings
    #   hidden = DAGNN(A, hidden)                 # per-channel GGNN propagation over session graph
    hidden = jnp.take(emb, inputs, axis=0)        # [B, L, D] gather (memory-bound)
    Lc = hidden.shape[1]
    A_in = A[:, :, :Lc]
    A_out = A[:, :, Lc:]
    cor = []
    outs = []
    for k in range(K):
        # channel routing: project + l2-normalize (disentangle)
        hk = jnp.tanh(hidden @ Wc[k] + bc[k])
        hk = hk / (jnp.linalg.norm(hk, axis=-1, keepdims=True) + 1e-8)
        cor.append(hk)
        # GGNN propagation within this channel
        h = hk
        for _ in range(ITER):
            ai = jnp.matmul(A_in, h @ Win[k] + bin_[k])
            ao = jnp.matmul(A_out, h @ Wout[k] + bout[k])
            x = jnp.concatenate([ai, ao], axis=-1)
            h = _gru_cell(x, h, Wih[k], bih[k], Whh[k], bhh[k])
        outs.append(h)
    hidden_out = jnp.concatenate(outs, axis=-1)   # [B, L, K*C] == [B, L, D]
    cor_hidden = jnp.stack(cor, axis=0)           # [K, B, L, C]
    return hidden_out, cor_hidden

if __name__ == "__main__":
    import jax
    _d = setup_inputs()
    print(jax.jit(kernel)(*tuple(_d.values())))

</pallas_src>

<mosaic_0001>
#map = affine_map<(d0, d1) -> (0, 0)>
#map1 = affine_map<(d0, d1) -> (0, 0, 0)>
module attributes {stable_mosaic.version = 14 : i64} {
  func.func @gather_kernel(%arg0: i32, %arg1: i32, %arg2: memref<100000x64xf32, #tpu.memory_space<hbm>>, %arg3: memref<32x20x80xi32, #tpu.memory_space<hbm>>, %arg4: memref<51200x64xf32, #tpu.memory_space<hbm>>, %arg5: memref<20x80xi32, #tpu.memory_space<vmem>>, %arg6: memref<1600x64xf32, #tpu.memory_space<vmem>>, %arg7: memref<!tpu.dma_semaphore, #tpu.memory_space<semaphore_mem>>) attributes {dimension_semantics = [#tpu.dimension_semantics<core_parallel>, #tpu.dimension_semantics<subcore_parallel>], iteration_bounds = array<i64: 2, 16>, scalar_prefetch = 0 : i64, scratch_operands = 3 : i64, tpu.core_type = #tpu.core_type<sc_vector_subcore>, window_params = [{transform_indices = #map}, {transform_indices = #map1}, {transform_indices = #map}]} {
    %mul3A = arith.constant 2 : i32
    %mul3A_0 = arith.muli %arg1, %mul3A : i32
    %add3A = arith.addi %mul3A_0, %arg0 : i32
    "tpu.region"() ({
      %run_scoped3A = tpu.sem_alloc : memref<!tpu.dma_semaphore, #tpu.memory_space<semaphore_mem>>
      %dma_start3A_401 = arith.constant 0 : i32
      %dma_start3A_402 = arith.constant 0 : i32
      %dma_start3A_403 = tpu.memref_slice %arg3[%add3A, %dma_start3A_401, %dma_start3A_402] : memref<32x20x80xi32, #tpu.memory_space<hbm>> -> memref<1x20x80xi32, #tpu.memory_space<hbm>>
      %dma_start3A_404 = tpu.memref_squeeze %dma_start3A_403 : memref<1x20x80xi32, #tpu.memory_space<hbm>> -> memref<20x80xi32, #tpu.memory_space<hbm>>
      %dma_start3A_405 = arith.constant 0 : i32
      %dma_start3A_406 = arith.constant 0 : i32
      %dma_start3A_407 = tpu.memref_slice %arg3[%add3A, %dma_start3A_405, %dma_start3A_406] : memref<32x20x80xi32, #tpu.memory_space<hbm>> -> memref<1x20x80xi32, #tpu.memory_space<hbm>>
      %dma_start3A_408 = tpu.memref_squeeze %dma_start3A_407 : memref<1x20x80xi32, #tpu.memory_space<hbm>> -> memref<20x80xi32, #tpu.memory_space<hbm>>
      tpu.enqueue_dma source(%dma_start3A_408 : memref<20x80xi32, #tpu.memory_space<hbm>>) target(%arg5 : memref<20x80xi32, #tpu.memory_space<vmem>>) target_semaphore(%run_scoped3A : memref<!tpu.dma_semaphore, #tpu.memory_space<semaphore_mem>>)
      %dma_wait3A_409 = arith.constant 0 : i32
      %dma_wait3A_410 = arith.constant 0 : i32
      %dma_wait3A_411 = tpu.memref_slice %arg3[%add3A, %dma_wait3A_409, %dma_wait3A_410] : memref<32x20x80xi32, #tpu.memory_space<hbm>> -> memref<1x20x80xi32, #tpu.memory_space<hbm>>
      %dma_wait3A_412 = tpu.memref_squeeze %dma_wait3A_411 : memref<1x20x80xi32, #tpu.memory_space<hbm>> -> memref<20x80xi32, #tpu.memory_space<hbm>>
      %dma_wait3A_413 = arith.constant 0 : i32
      %dma_wait3A_414 = arith.constant 0 : i32
      %dma_wait3A_415 = tpu.memref_slice %arg3[%add3A, %dma_wait3A_413, %dma_wait3A_414] : memref<32x20x80xi32, #tpu.memory_space<hbm>> -> memref<1x20x80xi32, #tpu.memory_space<hbm>>
      %dma_wait3A_416 = tpu.memref_squeeze %dma_wait3A_415 : memref<1x20x80xi32, #tpu.memory_space<hbm>> -> memref<20x80xi32, #tpu.memory_space<hbm>>
      tpu.wait_dma2 semaphore(%run_scoped3A : memref<!tpu.dma_semaphore, #tpu.memory_space<semaphore_mem>>) src(%dma_wait3A_416 : memref<20x80xi32, #tpu.memory_space<hbm>>) dst(%arg5 : memref<20x80xi32, #tpu.memory_space<vmem>>)
      tpu.yield
    }) : () -> ()
    %dma_start3A = arith.constant 0 : i32
    %dma_start3A_1 = arith.constant 0 : i32
    %dma_start3A_2 = arith.constant 0 : i32
    %dma_start3A_3 = tpu.memref_slice %arg6[%dma_start3A_1, %dma_start3A_2] : memref<1600x64xf32, #tpu.memory_space<vmem>> -> memref<80x64xf32, #tpu.memory_space<vmem>>
    %dma_start3A_4 = arith.constant 0 : i32
    %dma_start3A_5 = tpu.memref_slice %arg5[%dma_start3A, %dma_start3A_4] : memref<20x80xi32, #tpu.memory_space<vmem>> -> memref<1x80xi32, #tpu.memory_space<vmem>>
    %dma_start3A_6 = tpu.memref_squeeze %dma_start3A_5 : memref<1x80xi32, #tpu.memory_space<vmem>> -> memref<80xi32, #tpu.memory_space<vmem>>
    %dma_start3A_7 = arith.constant 0 : i32
    %dma_start3A_8 = arith.constant 0 : i32
    %dma_start3A_9 = tpu.memref_slice %arg2[%dma_start3A_7, %dma_start3A_8] : memref<100000x64xf32, #tpu.memory_space<hbm>> -> memref<100000x64xf32, #tpu.memory_space<hbm>>
    tpu.enqueue_indirect_dma source(%dma_start3A_9 : memref<100000x64xf32, #tpu.memory_space<hbm>>) target(%dma_start3A_3 : memref<80x64xf32, #tpu.memory_space<vmem>>) offsets(%dma_start3A_6 : memref<80xi32, #tpu.memory_space<vmem>>) semaphore(%arg7 : memref<!tpu.dma_semaphore, #tpu.memory_space<semaphore_mem>>)
    %dma_start3A_10 = arith.constant 1 : i32
    %dma_start3A_11 = arith.constant 80 : i32
    %dma_start3A_12 = arith.constant 0 : i32
    %dma_start3A_13 = tpu.memref_slice %arg6[%dma_start3A_11, %dma_start3A_12] : memref<1600x64xf32, #tpu.memory_space<vmem>> -> memref<80x64xf32, #tpu.memory_space<vmem>>
    %dma_start3A_14 = arith.constant 0 : i32
    %dma_start3A_15 = tpu.memref_slice %arg5[%dma_start3A_10, %dma_start3A_14] : memref<20x80xi32, #tpu.memory_space<vmem>> -> memref<1x80xi32, #tpu.memory_space<vmem>>
    %dma_start3A_16 = tpu.memref_squeeze %dma_start3A_15 : memref<1x80xi32, #tpu.memory_space<vmem>> -> memref<80xi32, #tpu.memory_space<vmem>>
    %dma_start3A_17 = arith.constant 0 : i32
    %dma_start3A_18 = arith.constant 0 : i32
    %dma_start3A_19 = tpu.memref_slice %arg2[%dma_start3A_17, %dma_start3A_18] : memref<100000x64xf32, #tpu.memory_space<hbm>> -> memref<100000x64xf32, #tpu.memory_space<hbm>>
    tpu.enqueue_indirect_dma source(%dma_start3A_19 : memref<100000x64xf32, #tpu.memory_space<hbm>>) target(%dma_start3A_13 : memref<80x64xf32, #tpu.memory_space<vmem>>) offsets(%dma_start3A_16 : memref<80xi32, #tpu.memory_space<vmem>>) semaphore(%arg7 : memref<!tpu.dma_semaphore, #tpu.memory_space<semaphore_mem>>)
    %dma_start3A_20 = arith.constant 2 : i32
    %dma_start3A_21 = arith.constant 160 : i32
    %dma_start3A_22 = arith.constant 0 : i32
    %dma_start3A_23 = tpu.memref_slice %arg6[%dma_start3A_21, %dma_start3A_22] : memref<1600x64xf32, #tpu.memory_space<vmem>> -> memref<80x64xf32, #tpu.memory_space<vmem>>
    %dma_start3A_24 = arith.constant 0 : i32
    %dma_start3A_25 = tpu.memref_slice %arg5[%dma_start3A_20, %dma_start3A_24] : memref<20x80xi32, #tpu.memory_space<vmem>> -> memref<1x80xi32, #tpu.memory_space<vmem>>
    %dma_start3A_26 = tpu.memref_squeeze %dma_start3A_25 : memref<1x80xi32, #tpu.memory_space<vmem>> -> memref<80xi32, #tpu.memory_space<vmem>>
    %dma_start3A_27 = arith.constant 0 : i32
    %dma_start3A_28 = arith.constant 0 : i32
    %dma_start3A_29 = tpu.memref_slice %arg2[%dma_start3A_27, %dma_start3A_28] : memref<100000x64xf32, #tpu.memory_space<hbm>> -> memref<100000x64xf32, #tpu.memory_space<hbm>>
    tpu.enqueue_indirect_dma source(%dma_start3A_29 : memref<100000x64xf32, #tpu.memory_space<hbm>>) target(%dma_start3A_23 : memref<80x64xf32, #tpu.memory_space<vmem>>) offsets(%dma_start3A_26 : memref<80xi32, #tpu.memory_space<vmem>>) semaphore(%arg7 : memref<!tpu.dma_semaphore, #tpu.memory_space<semaphore_mem>>)
    %dma_start3A_30 = arith.constant 3 : i32
    %dma_start3A_31 = arith.constant 240 : i32
    %dma_start3A_32 = arith.constant 0 : i32
    %dma_start3A_33 = tpu.memref_slice %arg6[%dma_start3A_31, %dma_start3A_32] : memref<1600x64xf32, #tpu.memory_space<vmem>> -> memref<80x64xf32, #tpu.memory_space<vmem>>
    %dma_start3A_34 = arith.constant 0 : i32
    %dma_start3A_35 = tpu.memref_slice %arg5[%dma_start3A_30, %dma_start3A_34] : memref<20x80xi32, #tpu.memory_space<vmem>> -> memref<1x80xi32, #tpu.memory_space<vmem>>
    %dma_start3A_36 = tpu.memref_squeeze %dma_start3A_35 : memref<1x80xi32, #tpu.memory_space<vmem>> -> memref<80xi32, #tpu.memory_space<vmem>>
    %dma_start3A_37 = arith.constant 0 : i32
    %dma_start3A_38 = arith.constant 0 : i32
    %dma_start3A_39 = tpu.memref_slice %arg2[%dma_start3A_37, %dma_start3A_38] : memref<100000x64xf32, #tpu.memory_space<hbm>> -> memref<100000x64xf32, #tpu.memory_space<hbm>>
    tpu.enqueue_indirect_dma source(%dma_start3A_39 : memref<100000x64xf32, #tpu.memory_space<hbm>>) target(%dma_start3A_33 : memref<80x64xf32, #tpu.memory_space<vmem>>) offsets(%dma_start3A_36 : memref<80xi32, #tpu.memory_space<vmem>>) semaphore(%arg7 : memref<!tpu.dma_semaphore, #tpu.memory_space<semaphore_mem>>)
    %dma_start3A_40 = arith.constant 4 : i32
    %dma_start3A_41 = arith.constant 320 : i32
    %dma_start3A_42 = arith.constant 0 : i32
    %dma_start3A_43 = tpu.memref_slice %arg6[%dma_start3A_41, %dma_start3A_42] : memref<1600x64xf32, #tpu.memory_space<vmem>> -> memref<80x64xf32, #tpu.memory_space<vmem>>
    %dma_start3A_44 = arith.constant 0 : i32
    %dma_start3A_45 = tpu.memref_slice %arg5[%dma_start3A_40, %dma_start3A_44] : memref<20x80xi32, #tpu.memory_space<vmem>> -> memref<1x80xi32, #tpu.memory_space<vmem>>
    %dma_start3A_46 = tpu.memref_squeeze %dma_start3A_45 : memref<1x80xi32, #tpu.memory_space<vmem>> -> memref<80xi32, #tpu.memory_space<vmem>>
    %dma_start3A_47 = arith.constant 0 : i32
    %dma_start3A_48 = arith.constant 0 : i32
    %dma_start3A_49 = tpu.memref_slice %arg2[%dma_start3A_47, %dma_start3A_48] : memref<100000x64xf32, #tpu.memory_space<hbm>> -> memref<100000x64xf32, #tpu.memory_space<hbm>>
    tpu.enqueue_indirect_dma source(%dma_start3A_49 : memref<100000x64xf32, #tpu.memory_space<hbm>>) target(%dma_start3A_43 : memref<80x64xf32, #tpu.memory_space<vmem>>) offsets(%dma_start3A_46 : memref<80xi32, #tpu.memory_space<vmem>>) semaphore(%arg7 : memref<!tpu.dma_semaphore, #tpu.memory_space<semaphore_mem>>)
    %dma_start3A_50 = arith.constant 5 : i32
    %dma_start3A_51 = arith.constant 400 : i32
    %dma_start3A_52 = arith.constant 0 : i32
    %dma_start3A_53 = tpu.memref_slice %arg6[%dma_start3A_51, %dma_start3A_52] : memref<1600x64xf32, #tpu.memory_space<vmem>> -> memref<80x64xf32, #tpu.memory_space<vmem>>
    %dma_start3A_54 = arith.constant 0 : i32
    %dma_start3A_55 = tpu.memref_slice %arg5[%dma_start3A_50, %dma_start3A_54] : memref<20x80xi32, #tpu.memory_space<vmem>> -> memref<1x80xi32, #tpu.memory_space<vmem>>
    %dma_start3A_56 = tpu.memref_squeeze %dma_start3A_55 : memref<1x80xi32, #tpu.memory_space<vmem>> -> memref<80xi32, #tpu.memory_space<vmem>>
    %dma_start3A_57 = arith.constant 0 : i32
    %dma_start3A_58 = arith.constant 0 : i32
    %dma_start3A_59 = tpu.memref_slice %arg2[%dma_start3A_57, %dma_start3A_58] : memref<100000x64xf32, #tpu.memory_space<hbm>> -> memref<100000x64xf32, #tpu.memory_space<hbm>>
    tpu.enqueue_indirect_dma source(%dma_start3A_59 : memref<100000x64xf32, #tpu.memory_space<hbm>>) target(%dma_start3A_53 : memref<80x64xf32, #tpu.memory_space<vmem>>) offsets(%dma_start3A_56 : memref<80xi32, #tpu.memory_space<vmem>>) semaphore(%arg7 : memref<!tpu.dma_semaphore, #tpu.memory_space<semaphore_mem>>)
    %dma_start3A_60 = arith.constant 6 : i32
    %dma_start3A_61 = arith.constant 480 : i32
    %dma_start3A_62 = arith.constant 0 : i32
    %dma_start3A_63 = tpu.memref_slice %arg6[%dma_start3A_61, %dma_start3A_62] : memref<1600x64xf32, #tpu.memory_space<vmem>> -> memref<80x64xf32, #tpu.memory_space<vmem>>
    %dma_start3A_64 = arith.constant 0 : i32
    %dma_start3A_65 = tpu.memref_slice %arg5[%dma_start3A_60, %dma_start3A_64] : memref<20x80xi32, #tpu.memory_space<vmem>> -> memref<1x80xi32, #tpu.memory_space<vmem>>
    %dma_start3A_66 = tpu.memref_squeeze %dma_start3A_65 : memref<1x80xi32, #tpu.memory_space<vmem>> -> memref<80xi32, #tpu.memory_space<vmem>>
    %dma_start3A_67 = arith.constant 0 : i32
    %dma_start3A_68 = arith.constant 0 : i32
    %dma_start3A_69 = tpu.memref_slice %arg2[%dma_start3A_67, %dma_start3A_68] : memref<100000x64xf32, #tpu.memory_space<hbm>> -> memref<100000x64xf32, #tpu.memory_space<hbm>>
    tpu.enqueue_indirect_dma source(%dma_start3A_69 : memref<100000x64xf32, #tpu.memory_space<hbm>>) target(%dma_start3A_63 : memref<80x64xf32, #tpu.memory_space<vmem>>) offsets(%dma_start3A_66 : memref<80xi32, #tpu.memory_space<vmem>>) semaphore(%arg7 : memref<!tpu.dma_semaphore, #tpu.memory_space<semaphore_mem>>)
    %dma_start3A_70 = arith.constant 7 : i32
    %dma_start3A_71 = arith.constant 560 : i32
    %dma_start3A_72 = arith.constant 0 : i32
    %dma_start3A_73 = tpu.memref_slice %arg6[%dma_start3A_71, %dma_start3A_72] : memref<1600x64xf32, #tpu.memory_space<vmem>> -> memref<80x64xf32, #tpu.memory_space<vmem>>
    %dma_start3A_74 = arith.constant 0 : i32
    %dma_start3A_75 = tpu.memref_slice %arg5[%dma_start3A_70, %dma_start3A_74] : memref<20x80xi32, #tpu.memory_space<vmem>> -> memref<1x80xi32, #tpu.memory_space<vmem>>
    %dma_start3A_76 = tpu.memref_squeeze %dma_start3A_75 : memref<1x80xi32, #tpu.memory_space<vmem>> -> memref<80xi32, #tpu.memory_space<vmem>>
    %dma_start3A_77 = arith.constant 0 : i32
    %dma_start3A_78 = arith.constant 0 : i32
    %dma_start3A_79 = tpu.memref_slice %arg2[%dma_start3A_77, %dma_start3A_78] : memref<100000x64xf32, #tpu.memory_space<hbm>> -> memref<100000x64xf32, #tpu.memory_space<hbm>>
    tpu.enqueue_indirect_dma source(%dma_start3A_79 : memref<100000x64xf32, #tpu.memory_space<hbm>>) target(%dma_start3A_73 : memref<80x64xf32, #tpu.memory_space<vmem>>) offsets(%dma_start3A_76 : memref<80xi32, #tpu.memory_space<vmem>>) semaphore(%arg7 : memref<!tpu.dma_semaphore, #tpu.memory_space<semaphore_mem>>)
    %dma_start3A_80 = arith.constant 8 : i32
    %dma_start3A_81 = arith.constant 640 : i32
    %dma_start3A_82 = arith.constant 0 : i32
    %dma_start3A_83 = tpu.memref_slice %arg6[%dma_start3A_81, %dma_start3A_82] : memref<1600x64xf32, #tpu.memory_space<vmem>> -> memref<80x64xf32, #tpu.memory_space<vmem>>
    %dma_start3A_84 = arith.constant 0 : i32
    %dma_start3A_85 = tpu.memref_slice %arg5[%dma_start3A_80, %dma_start3A_84] : memref<20x80xi32, #tpu.memory_space<vmem>> -> memref<1x80xi32, #tpu.memory_space<vmem>>
    %dma_start3A_86 = tpu.memref_squeeze %dma_start3A_85 : memref<1x80xi32, #tpu.memory_space<vmem>> -> memref<80xi32, #tpu.memory_space<vmem>>
    %dma_start3A_87 = arith.constant 0 : i32
    %dma_start3A_88 = arith.constant 0 : i32
    %dma_start3A_89 = tpu.memref_slice %arg2[%dma_start3A_87, %dma_start3A_88] : memref<100000x64xf32, #tpu.memory_space<hbm>> -> memref<100000x64xf32, #tpu.memory_space<hbm>>
    tpu.enqueue_indirect_dma source(%dma_start3A_89 : memref<100000x64xf32, #tpu.memory_space<hbm>>) target(%dma_start3A_83 : memref<80x64xf32, #tpu.memory_space<vmem>>) offsets(%dma_start3A_86 : memref<80xi32, #tpu.memory_space<vmem>>) semaphore(%arg7 : memref<!tpu.dma_semaphore, #tpu.memory_space<semaphore_mem>>)
    %dma_start3A_90 = arith.constant 9 : i32
    %dma_start3A_91 = arith.constant 720 : i32
    %dma_start3A_92 = arith.constant 0 : i32
    %dma_start3A_93 = tpu.memref_slice %arg6[%dma_start3A_91, %dma_start3A_92] : memref<1600x64xf32, #tpu.memory_space<vmem>> -> memref<80x64xf32, #tpu.memory_space<vmem>>
    %dma_start3A_94 = arith.constant 0 : i32
    %dma_start3A_95 = tpu.memref_slice %arg5[%dma_start3A_90, %dma_start3A_94] : memref<20x80xi32, #tpu.memory_space<vmem>> -> memref<1x80xi32, #tpu.memory_space<vmem>>
    %dma_start3A_96 = tpu.memref_squeeze %dma_start3A_95 : memref<1x80xi32, #tpu.memory_space<vmem>> -> memref<80xi32, #tpu.memory_space<vmem>>
    %dma_start3A_97 = arith.constant 0 : i32
    %dma_start3A_98 = arith.constant 0 : i32
    %dma_start3A_99 = tpu.memref_slice %arg2[%dma_start3A_97, %dma_start3A_98] : memref<100000x64xf32, #tpu.memory_space<hbm>> -> memref<100000x64xf32, #tpu.memory_space<hbm>>
    tpu.enqueue_indirect_dma source(%dma_start3A_99 : memref<100000x64xf32, #tpu.memory_space<hbm>>) target(%dma_start3A_93 : memref<80x64xf32, #tpu.memory_space<vmem>>) offsets(%dma_start3A_96 : memref<80xi32, #tpu.memory_space<vmem>>) semaphore(%arg7 : memref<!tpu.dma_semaphore, #tpu.memory_space<semaphore_mem>>)
    %dma_start3A_100 = arith.constant 10 : i32
    %dma_start3A_101 = arith.constant 800 : i32
    %dma_start3A_102 = arith.constant 0 : i32
    %dma_start3A_103 = tpu.memref_slice %arg6[%dma_start3A_101, %dma_start3A_102] : memref<1600x64xf32, #tpu.memory_space<vmem>> -> memref<80x64xf32, #tpu.memory_space<vmem>>
    %dma_start3A_104 = arith.constant 0 : i32
    %dma_start3A_105 = tpu.memref_slice %arg5[%dma_start3A_100, %dma_start3A_104] : memref<20x80xi32, #tpu.memory_space<vmem>> -> memref<1x80xi32, #tpu.memory_space<vmem>>
    %dma_start3A_106 = tpu.memref_squeeze %dma_start3A_105 : memref<1x80xi32, #tpu.memory_space<vmem>> -> memref<80xi32, #tpu.memory_space<vmem>>
    %dma_start3A_107 = arith.constant 0 : i32
    %dma_start3A_108 = arith.constant 0 : i32
    %dma_start3A_109 = tpu.memref_slice %arg2[%dma_start3A_107, %dma_start3A_108] : memref<100000x64xf32, #tpu.memory_space<hbm>> -> memref<100000x64xf32, #tpu.memory_space<hbm>>
    tpu.enqueue_indirect_dma source(%dma_start3A_109 : memref<100000x64xf32, #tpu.memory_space<hbm>>) target(%dma_start3A_103 : memref<80x64xf32, #tpu.memory_space<vmem>>) offsets(%dma_start3A_106 : memref<80xi32, #tpu.memory_space<vmem>>) semaphore(%arg7 : memref<!tpu.dma_semaphore, #tpu.memory_space<semaphore_mem>>)
    %dma_start3A_110 = arith.constant 11 : i32
    %dma_start3A_111 = arith.constant 880 : i32
    %dma_start3A_112 = arith.constant 0 : i32
    %dma_start3A_113 = tpu.memref_slice %arg6[%dma_start3A_111, %dma_start3A_112] : memref<1600x64xf32, #tpu.memory_space<vmem>> -> memref<80x64xf32, #tpu.memory_space<vmem>>
    %dma_start3A_114 = arith.constant 0 : i32
    %dma_start3A_115 = tpu.memref_slice %arg5[%dma_start3A_110, %dma_start3A_114] : memref<20x80xi32, #tpu.memory_space<vmem>> -> memref<1x80xi32, #tpu.memory_space<vmem>>
    %dma_start3A_116 = tpu.memref_squeeze %dma_start3A_115 : memref<1x80xi32, #tpu.memory_space<vmem>> -> memref<80xi32, #tpu.memory_space<vmem>>
    %dma_start3A_117 = arith.constant 0 : i32
    %dma_start3A_118 = arith.constant 0 : i32
    %dma_start3A_119 = tpu.memref_slice %arg2[%dma_start3A_117, %dma_start3A_118] : memref<100000x64xf32, #tpu.memory_space<hbm>> -> memref<100000x64xf32, #tpu.memory_space<hbm>>
    tpu.enqueue_indirect_dma source(%dma_start3A_119 : memref<100000x64xf32, #tpu.memory_space<hbm>>) target(%dma_start3A_113 : memref<80x64xf32, #tpu.memory_space<vmem>>) offsets(%dma_start3A_116 : memref<80xi32, #tpu.memory_space<vmem>>) semaphore(%arg7 : memref<!tpu.dma_semaphore, #tpu.memory_space<semaphore_mem>>)
    %dma_start3A_120 = arith.constant 12 : i32
    %dma_start3A_121 = arith.constant 960 : i32
    %dma_start3A_122 = arith.constant 0 : i32
    %dma_start3A_123 = tpu.memref_slice %arg6[%dma_start3A_121, %dma_start3A_122] : memref<1600x64xf32, #tpu.memory_space<vmem>> -> memref<80x64xf32, #tpu.memory_space<vmem>>
    %dma_start3A_124 = arith.constant 0 : i32
    %dma_start3A_125 = tpu.memref_slice %arg5[%dma_start3A_120, %dma_start3A_124] : memref<20x80xi32, #tpu.memory_space<vmem>> -> memref<1x80xi32, #tpu.memory_space<vmem>>
    %dma_start3A_126 = tpu.memref_squeeze %dma_start3A_125 : memref<1x80xi32, #tpu.memory_space<vmem>> -> memref<80xi32, #tpu.memory_space<vmem>>
    %dma_start3A_127 = arith.constant 0 : i32
    %dma_start3A_128 = arith.constant 0 : i32
    %dma_start3A_129 = tpu.memref_slice %arg2[%dma_start3A_127, %dma_start3A_128] : memref<100000x64xf32, #tpu.memory_space<hbm>> -> memref<100000x64xf32, #tpu.memory_space<hbm>>
    tpu.enqueue_indirect_dma source(%dma_start3A_129 : memref<100000x64xf32, #tpu.memory_space<hbm>>) target(%dma_start3A_123 : memref<80x64xf32, #tpu.memory_space<vmem>>) offsets(%dma_start3A_126 : memref<80xi32, #tpu.memory_space<vmem>>) semaphore(%arg7 : memref<!tpu.dma_semaphore, #tpu.memory_space<semaphore_mem>>)
    %dma_start3A_130 = arith.constant 13 : i32
    %dma_start3A_131 = arith.constant 1040 : i32
    %dma_start3A_132 = arith.constant 0 : i32
    %dma_start3A_133 = tpu.memref_slice %arg6[%dma_start3A_131, %dma_start3A_132] : memref<1600x64xf32, #tpu.memory_space<vmem>> -> memref<80x64xf32, #tpu.memory_space<vmem>>
    %dma_start3A_134 = arith.constant 0 : i32
    %dma_start3A_135 = tpu.memref_slice %arg5[%dma_start3A_130, %dma_start3A_134] : memref<20x80xi32, #tpu.memory_space<vmem>> -> memref<1x80xi32, #tpu.memory_space<vmem>>
    %dma_start3A_136 = tpu.memref_squeeze %dma_start3A_135 : memref<1x80xi32, #tpu.memory_space<vmem>> -> memref<80xi32, #tpu.memory_space<vmem>>
    %dma_start3A_137 = arith.constant 0 : i32
    %dma_start3A_138 = arith.constant 0 : i32
    %dma_start3A_139 = tpu.memref_slice %arg2[%dma_start3A_137, %dma_start3A_138] : memref<100000x64xf32, #tpu.memory_space<hbm>> -> memref<100000x64xf32, #tpu.memory_space<hbm>>
    tpu.enqueue_indirect_dma source(%dma_start3A_139 : memref<100000x64xf32, #tpu.memory_space<hbm>>) target(%dma_start3A_133 : memref<80x64xf32, #tpu.memory_space<vmem>>) offsets(%dma_start3A_136 : memref<80xi32, #tpu.memory_space<vmem>>) semaphore(%arg7 : memref<!tpu.dma_semaphore, #tpu.memory_space<semaphore_mem>>)
    %dma_start3A_140 = arith.constant 14 : i32
    %dma_start3A_141 = arith.constant 1120 : i32
    %dma_start3A_142 = arith.constant 0 : i32
    %dma_start3A_143 = tpu.memref_slice %arg6[%dma_start3A_141, %dma_start3A_142] : memref<1600x64xf32, #tpu.memory_space<vmem>> -> memref<80x64xf32, #tpu.memory_space<vmem>>
    %dma_start3A_144 = arith.constant 0 : i32
    %dma_start3A_145 = tpu.memref_slice %arg5[%dma_start3A_140, %dma_start3A_144] : memref<20x80xi32, #tpu.memory_space<vmem>> -> memref<1x80xi32, #tpu.memory_space<vmem>>
    %dma_start3A_146 = tpu.memref_squeeze %dma_start3A_145 : memref<1x80xi32, #tpu.memory_space<vmem>> -> memref<80xi32, #tpu.memory_space<vmem>>
    %dma_start3A_147 = arith.constant 0 : i32
    %dma_start3A_148 = arith.constant 0 : i32
    %dma_start3A_149 = tpu.memref_slice %arg2[%dma_start3A_147, %dma_start3A_148] : memref<100000x64xf32, #tpu.memory_space<hbm>> -> memref<100000x64xf32, #tpu.memory_space<hbm>>
    tpu.enqueue_indirect_dma source(%dma_start3A_149 : memref<100000x64xf32, #tpu.memory_space<hbm>>) target(%dma_start3A_143 : memref<80x64xf32, #tpu.memory_space<vmem>>) offsets(%dma_start3A_146 : memref<80xi32, #tpu.memory_space<vmem>>) semaphore(%arg7 : memref<!tpu.dma_semaphore, #tpu.memory_space<semaphore_mem>>)
    %dma_start3A_150 = arith.constant 15 : i32
    %dma_start3A_151 = arith.constant 1200 : i32
    %dma_start3A_152 = arith.constant 0 : i32
    %dma_start3A_153 = tpu.memref_slice %arg6[%dma_start3A_151, %dma_start3A_152] : memref<1600x64xf32, #tpu.memory_space<vmem>> -> memref<80x64xf32, #tpu.memory_space<vmem>>
    %dma_start3A_154 = arith.constant 0 : i32
    %dma_start3A_155 = tpu.memref_slice %arg5[%dma_start3A_150, %dma_start3A_154] : memref<20x80xi32, #tpu.memory_space<vmem>> -> memref<1x80xi32, #tpu.memory_space<vmem>>
    %dma_start3A_156 = tpu.memref_squeeze %dma_start3A_155 : memref<1x80xi32, #tpu.memory_space<vmem>> -> memref<80xi32, #tpu.memory_space<vmem>>
    %dma_start3A_157 = arith.constant 0 : i32
    %dma_start3A_158 = arith.constant 0 : i32
    %dma_start3A_159 = tpu.memref_slice %arg2[%dma_start3A_157, %dma_start3A_158] : memref<100000x64xf32, #tpu.memory_space<hbm>> -> memref<100000x64xf32, #tpu.memory_space<hbm>>
    tpu.enqueue_indirect_dma source(%dma_start3A_159 : memref<100000x64xf32, #tpu.memory_space<hbm>>) target(%dma_start3A_153 : memref<80x64xf32, #tpu.memory_space<vmem>>) offsets(%dma_start3A_156 : memref<80xi32, #tpu.memory_space<vmem>>) semaphore(%arg7 : memref<!tpu.dma_semaphore, #tpu.memory_space<semaphore_mem>>)
    %dma_start3A_160 = arith.constant 16 : i32
    %dma_start3A_161 = arith.constant 1280 : i32
    %dma_start3A_162 = arith.constant 0 : i32
    %dma_start3A_163 = tpu.memref_slice %arg6[%dma_start3A_161, %dma_start3A_162] : memref<1600x64xf32, #tpu.memory_space<vmem>> -> memref<80x64xf32, #tpu.memory_space<vmem>>
    %dma_start3A_164 = arith.constant 0 : i32
    %dma_start3A_165 = tpu.memref_slice %arg5[%dma_start3A_160, %dma_start3A_164] : memref<20x80xi32, #tpu.memory_space<vmem>> -> memref<1x80xi32, #tpu.memory_space<vmem>>
    %dma_start3A_166 = tpu.memref_squeeze %dma_start3A_165 : memref<1x80xi32, #tpu.memory_space<vmem>> -> memref<80xi32, #tpu.memory_space<vmem>>
    %dma_start3A_167 = arith.constant 0 : i32
    %dma_start3A_168 = arith.constant 0 : i32
    %dma_start3A_169 = tpu.memref_slice %arg2[%dma_start3A_167, %dma_start3A_168] : memref<100000x64xf32, #tpu.memory_space<hbm>> -> memref<100000x64xf32, #tpu.memory_space<hbm>>
    tpu.enqueue_indirect_dma source(%dma_start3A_169 : memref<100000x64xf32, #tpu.memory_space<hbm>>) target(%dma_start3A_163 : memref<80x64xf32, #tpu.memory_space<vmem>>) offsets(%dma_start3A_166 : memref<80xi32, #tpu.memory_space<vmem>>) semaphore(%arg7 : memref<!tpu.dma_semaphore, #tpu.memory_space<semaphore_mem>>)
    %dma_start3A_170 = arith.constant 17 : i32
    %dma_start3A_171 = arith.constant 1360 : i32
    %dma_start3A_172 = arith.constant 0 : i32
    %dma_start3A_173 = tpu.memref_slice %arg6[%dma_start3A_171, %dma_start3A_172] : memref<1600x64xf32, #tpu.memory_space<vmem>> -> memref<80x64xf32, #tpu.memory_space<vmem>>
    %dma_start3A_174 = arith.constant 0 : i32
    %dma_start3A_175 = tpu.memref_slice %arg5[%dma_start3A_170, %dma_start3A_174] : memref<20x80xi32, #tpu.memory_space<vmem>> -> memref<1x80xi32, #tpu.memory_space<vmem>>
    %dma_start3A_176 = tpu.memref_squeeze %dma_start3A_175 : memref<1x80xi32, #tpu.memory_space<vmem>> -> memref<80xi32, #tpu.memory_space<vmem>>
    %dma_start3A_177 = arith.constant 0 : i32
    %dma_start3A_178 = arith.constant 0 : i32
    %dma_start3A_179 = tpu.memref_slice %arg2[%dma_start3A_177, %dma_start3A_178] : memref<100000x64xf32, #tpu.memory_space<hbm>> -> memref<100000x64xf32, #tpu.memory_space<hbm>>
    tpu.enqueue_indirect_dma source(%dma_start3A_179 : memref<100000x64xf32, #tpu.memory_space<hbm>>) target(%dma_start3A_173 : memref<80x64xf32, #tpu.memory_space<vmem>>) offsets(%dma_start3A_176 : memref<80xi32, #tpu.memory_space<vmem>>) semaphore(%arg7 : memref<!tpu.dma_semaphore, #tpu.memory_space<semaphore_mem>>)
    %dma_start3A_180 = arith.constant 18 : i32
    %dma_start3A_181 = arith.constant 1440 : i32
    %dma_start3A_182 = arith.constant 0 : i32
    %dma_start3A_183 = tpu.memref_slice %arg6[%dma_start3A_181, %dma_start3A_182] : memref<1600x64xf32, #tpu.memory_space<vmem>> -> memref<80x64xf32, #tpu.memory_space<vmem>>
    %dma_start3A_184 = arith.constant 0 : i32
    %dma_start3A_185 = tpu.memref_slice %arg5[%dma_start3A_180, %dma_start3A_184] : memref<20x80xi32, #tpu.memory_space<vmem>> -> memref<1x80xi32, #tpu.memory_space<vmem>>
    %dma_start3A_186 = tpu.memref_squeeze %dma_start3A_185 : memref<1x80xi32, #tpu.memory_space<vmem>> -> memref<80xi32, #tpu.memory_space<vmem>>
    %dma_start3A_187 = arith.constant 0 : i32
    %dma_start3A_188 = arith.constant 0 : i32
    %dma_start3A_189 = tpu.memref_slice %arg2[%dma_start3A_187, %dma_start3A_188] : memref<100000x64xf32, #tpu.memory_space<hbm>> -> memref<100000x64xf32, #tpu.memory_space<hbm>>
    tpu.enqueue_indirect_dma source(%dma_start3A_189 : memref<100000x64xf32, #tpu.memory_space<hbm>>) target(%dma_start3A_183 : memref<80x64xf32, #tpu.memory_space<vmem>>) offsets(%dma_start3A_186 : memref<80xi32, #tpu.memory_space<vmem>>) semaphore(%arg7 : memref<!tpu.dma_semaphore, #tpu.memory_space<semaphore_mem>>)
    %dma_start3A_190 = arith.constant 19 : i32
    %dma_start3A_191 = arith.constant 1520 : i32
    %dma_start3A_192 = arith.constant 0 : i32
    %dma_start3A_193 = tpu.memref_slice %arg6[%dma_start3A_191, %dma_start3A_192] : memref<1600x64xf32, #tpu.memory_space<vmem>> -> memref<80x64xf32, #tpu.memory_space<vmem>>
    %dma_start3A_194 = arith.constant 0 : i32
    %dma_start3A_195 = tpu.memref_slice %arg5[%dma_start3A_190, %dma_start3A_194] : memref<20x80xi32, #tpu.memory_space<vmem>> -> memref<1x80xi32, #tpu.memory_space<vmem>>
    %dma_start3A_196 = tpu.memref_squeeze %dma_start3A_195 : memref<1x80xi32, #tpu.memory_space<vmem>> -> memref<80xi32, #tpu.memory_space<vmem>>
    %dma_start3A_197 = arith.constant 0 : i32
    %dma_start3A_198 = arith.constant 0 : i32
    %dma_start3A_199 = tpu.memref_slice %arg2[%dma_start3A_197, %dma_start3A_198] : memref<100000x64xf32, #tpu.memory_space<hbm>> -> memref<100000x64xf32, #tpu.memory_space<hbm>>
    tpu.enqueue_indirect_dma source(%dma_start3A_199 : memref<100000x64xf32, #tpu.memory_space<hbm>>) target(%dma_start3A_193 : memref<80x64xf32, #tpu.memory_space<vmem>>) offsets(%dma_start3A_196 : memref<80xi32, #tpu.memory_space<vmem>>) semaphore(%arg7 : memref<!tpu.dma_semaphore, #tpu.memory_space<semaphore_mem>>)
    %dma_wait3A = arith.constant 0 : i32
    %dma_wait3A_200 = arith.constant 0 : i32
    %dma_wait3A_201 = arith.constant 0 : i32
    %dma_wait3A_202 = tpu.memref_slice %arg6[%dma_wait3A_200, %dma_wait3A_201] : memref<1600x64xf32, #tpu.memory_space<vmem>> -> memref<80x64xf32, #tpu.memory_space<vmem>>
    %dma_wait3A_203 = arith.constant 0 : i32
    %dma_wait3A_204 = tpu.memref_slice %arg5[%dma_wait3A, %dma_wait3A_203] : memref<20x80xi32, #tpu.memory_space<vmem>> -> memref<1x80xi32, #tpu.memory_space<vmem>>
    %dma_wait3A_205 = tpu.memref_squeeze %dma_wait3A_204 : memref<1x80xi32, #tpu.memory_space<vmem>> -> memref<80xi32, #tpu.memory_space<vmem>>
    %dma_wait3A_206 = arith.constant 0 : i32
    %dma_wait3A_207 = arith.constant 0 : i32
    %dma_wait3A_208 = tpu.memref_slice %arg2[%dma_wait3A_206, %dma_wait3A_207] : memref<100000x64xf32, #tpu.memory_space<hbm>> -> memref<100000x64xf32, #tpu.memory_space<hbm>>
    tpu.wait_indirect_dma semaphore(%arg7 : memref<!tpu.dma_semaphore, #tpu.memory_space<semaphore_mem>>) src(%dma_wait3A_208 : memref<100000x64xf32, #tpu.memory_space<hbm>>) dst(%dma_wait3A_202 : memref<80x64xf32, #tpu.memory_space<vmem>>)
    %dma_wait3A_209 = arith.constant 1 : i32
    %dma_wait3A_210 = arith.constant 80 : i32
    %dma_wait3A_211 = arith.constant 0 : i32
    %dma_wait3A_212 = tpu.memref_slice %arg6[%dma_wait3A_210, %dma_wait3A_211] : memref<1600x64xf32, #tpu.memory_space<vmem>> -> memref<80x64xf32, #tpu.memory_space<vmem>>
    %dma_wait3A_213 = arith.constant 0 : i32
    %dma_wait3A_214 = tpu.memref_slice %arg5[%dma_wait3A_209, %dma_wait3A_213] : memref<20x80xi32, #tpu.memory_space<vmem>> -> memref<1x80xi32, #tpu.memory_space<vmem>>
    %dma_wait3A_215 = tpu.memref_squeeze %dma_wait3A_214 : memref<1x80xi32, #tpu.memory_space<vmem>> -> memref<80xi32, #tpu.memory_space<vmem>>
    %dma_wait3A_216 = arith.constant 0 : i32
    %dma_wait3A_217 = arith.constant 0 : i32
    %dma_wait3A_218 = tpu.memref_slice %arg2[%dma_wait3A_216, %dma_wait3A_217] : memref<100000x64xf32, #tpu.memory_space<hbm>> -> memref<100000x64xf32, #tpu.memory_space<hbm>>
    tpu.wait_indirect_dma semaphore(%arg7 : memref<!tpu.dma_semaphore, #tpu.memory_space<semaphore_mem>>) src(%dma_wait3A_218 : memref<100000x64xf32, #tpu.memory_space<hbm>>) dst(%dma_wait3A_212 : memref<80x64xf32, #tpu.memory_space<vmem>>)
    %dma_wait3A_219 = arith.constant 2 : i32
    %dma_wait3A_220 = arith.constant 160 : i32
    %dma_wait3A_221 = arith.constant 0 : i32
    %dma_wait3A_222 = tpu.memref_slice %arg6[%dma_wait3A_220, %dma_wait3A_221] : memref<1600x64xf32, #tpu.memory_space<vmem>> -> memref<80x64xf32, #tpu.memory_space<vmem>>
    %dma_wait3A_223 = arith.constant 0 : i32
    %dma_wait3A_224 = tpu.memref_slice %arg5[%dma_wait3A_219, %dma_wait3A_223] : memref<20x80xi32, #tpu.memory_space<vmem>> -> memref<1x80xi32, #tpu.memory_space<vmem>>
    %dma_wait3A_225 = tpu.memref_squeeze %dma_wait3A_224 : memref<1x80xi32, #tpu.memory_space<vmem>> -> memref<80xi32, #tpu.memory_space<vmem>>
    %dma_wait3A_226 = arith.constant 0 : i32
    %dma_wait3A_227 = arith.constant 0 : i32
    %dma_wait3A_228 = tpu.memref_slice %arg2[%dma_wait3A_226, %dma_wait3A_227] : memref<100000x64xf32, #tpu.memory_space<hbm>> -> memref<100000x64xf32, #tpu.memory_space<hbm>>
    tpu.wait_indirect_dma semaphore(%arg7 : memref<!tpu.dma_semaphore, #tpu.memory_space<semaphore_mem>>) src(%dma_wait3A_228 : memref<100000x64xf32, #tpu.memory_space<hbm>>) dst(%dma_wait3A_222 : memref<80x64xf32, #tpu.memory_space<vmem>>)
    %dma_wait3A_229 = arith.constant 3 : i32
    %dma_wait3A_230 = arith.constant 240 : i32
    %dma_wait3A_231 = arith.constant 0 : i32
    %dma_wait3A_232 = tpu.memref_slice %arg6[%dma_wait3A_230, %dma_wait3A_231] : memref<1600x64xf32, #tpu.memory_space<vmem>> -> memref<80x64xf32, #tpu.memory_space<vmem>>
    %dma_wait3A_233 = arith.constant 0 : i32
    %dma_wait3A_234 = tpu.memref_slice %arg5[%dma_wait3A_229, %dma_wait3A_233] : memref<20x80xi32, #tpu.memory_space<vmem>> -> memref<1x80xi32, #tpu.memory_space<vmem>>
    %dma_wait3A_235 = tpu.memref_squeeze %dma_wait3A_234 : memref<1x80xi32, #tpu.memory_space<vmem>> -> memref<80xi32, #tpu.memory_space<vmem>>
    %dma_wait3A_236 = arith.constant 0 : i32
    %dma_wait3A_237 = arith.constant 0 : i32
    %dma_wait3A_238 = tpu.memref_slice %arg2[%dma_wait3A_236, %dma_wait3A_237] : memref<100000x64xf32, #tpu.memory_space<hbm>> -> memref<100000x64xf32, #tpu.memory_space<hbm>>
    tpu.wait_indirect_dma semaphore(%arg7 : memref<!tpu.dma_semaphore, #tpu.memory_space<semaphore_mem>>) src(%dma_wait3A_238 : memref<100000x64xf32, #tpu.memory_space<hbm>>) dst(%dma_wait3A_232 : memref<80x64xf32, #tpu.memory_space<vmem>>)
    %dma_wait3A_239 = arith.constant 4 : i32
    %dma_wait3A_240 = arith.constant 320 : i32
    %dma_wait3A_241 = arith.constant 0 : i32
    %dma_wait3A_242 = tpu.memref_slice %arg6[%dma_wait3A_240, %dma_wait3A_241] : memref<1600x64xf32, #tpu.memory_space<vmem>> -> memref<80x64xf32, #tpu.memory_space<vmem>>
    %dma_wait3A_243 = arith.constant 0 : i32
    %dma_wait3A_244 = tpu.memref_slice %arg5[%dma_wait3A_239, %dma_wait3A_243] : memref<20x80xi32, #tpu.memory_space<vmem>> -> memref<1x80xi32, #tpu.memory_space<vmem>>
    %dma_wait3A_245 = tpu.memref_squeeze %dma_wait3A_244 : memref<1x80xi32, #tpu.memory_space<vmem>> -> memref<80xi32, #tpu.memory_space<vmem>>
    %dma_wait3A_246 = arith.constant 0 : i32
    %dma_wait3A_247 = arith.constant 0 : i32
    %dma_wait3A_248 = tpu.memref_slice %arg2[%dma_wait3A_246, %dma_wait3A_247] : memref<100000x64xf32, #tpu.memory_space<hbm>> -> memref<100000x64xf32, #tpu.memory_space<hbm>>
    tpu.wait_indirect_dma semaphore(%arg7 : memref<!tpu.dma_semaphore, #tpu.memory_space<semaphore_mem>>) src(%dma_wait3A_248 : memref<100000x64xf32, #tpu.memory_space<hbm>>) dst(%dma_wait3A_242 : memref<80x64xf32, #tpu.memory_space<vmem>>)
    %dma_wait3A_249 = arith.constant 5 : i32
    %dma_wait3A_250 = arith.constant 400 : i32
    %dma_wait3A_251 = arith.constant 0 : i32
    %dma_wait3A_252 = tpu.memref_slice %arg6[%dma_wait3A_250, %dma_wait3A_251] : memref<1600x64xf32, #tpu.memory_space<vmem>> -> memref<80x64xf32, #tpu.memory_space<vmem>>
    %dma_wait3A_253 = arith.constant 0 : i32
    %dma_wait3A_254 = tpu.memref_slice %arg5[%dma_wait3A_249, %dma_wait3A_253] : memref<20x80xi32, #tpu.memory_space<vmem>> -> memref<1x80xi32, #tpu.memory_space<vmem>>
    %dma_wait3A_255 = tpu.memref_squeeze %dma_wait3A_254 : memref<1x80xi32, #tpu.memory_space<vmem>> -> memref<80xi32, #tpu.memory_space<vmem>>
    %dma_wait3A_256 = arith.constant 0 : i32
    %dma_wait3A_257 = arith.constant 0 : i32
    %dma_wait3A_258 = tpu.memref_slice %arg2[%dma_wait3A_256, %dma_wait3A_257] : memref<100000x64xf32, #tpu.memory_space<hbm>> -> memref<100000x64xf32, #tpu.memory_space<hbm>>
    tpu.wait_indirect_dma semaphore(%arg7 : memref<!tpu.dma_semaphore, #tpu.memory_space<semaphore_mem>>) src(%dma_wait3A_258 : memref<100000x64xf32, #tpu.memory_space<hbm>>) dst(%dma_wait3A_252 : memref<80x64xf32, #tpu.memory_space<vmem>>)
    %dma_wait3A_259 = arith.constant 6 : i32
    %dma_wait3A_260 = arith.constant 480 : i32
    %dma_wait3A_261 = arith.constant 0 : i32
    %dma_wait3A_262 = tpu.memref_slice %arg6[%dma_wait3A_260, %dma_wait3A_261] : memref<1600x64xf32, #tpu.memory_space<vmem>> -> memref<80x64xf32, #tpu.memory_space<vmem>>
    %dma_wait3A_263 = arith.constant 0 : i32
    %dma_wait3A_264 = tpu.memref_slice %arg5[%dma_wait3A_259, %dma_wait3A_263] : memref<20x80xi32, #tpu.memory_space<vmem>> -> memref<1x80xi32, #tpu.memory_space<vmem>>
    %dma_wait3A_265 = tpu.memref_squeeze %dma_wait3A_264 : memref<1x80xi32, #tpu.memory_space<vmem>> -> memref<80xi32, #tpu.memory_space<vmem>>
    %dma_wait3A_266 = arith.constant 0 : i32
    %dma_wait3A_267 = arith.constant 0 : i32
    %dma_wait3A_268 = tpu.memref_slice %arg2[%dma_wait3A_266, %dma_wait3A_267] : memref<100000x64xf32, #tpu.memory_space<hbm>> -> memref<100000x64xf32, #tpu.memory_space<hbm>>
    tpu.wait_indirect_dma semaphore(%arg7 : memref<!tpu.dma_semaphore, #tpu.memory_space<semaphore_mem>>) src(%dma_wait3A_268 : memref<100000x64xf32, #tpu.memory_space<hbm>>) dst(%dma_wait3A_262 : memref<80x64xf32, #tpu.memory_space<vmem>>)
    %dma_wait3A_269 = arith.constant 7 : i32
    %dma_wait3A_270 = arith.constant 560 : i32
    %dma_wait3A_271 = arith.constant 0 : i32
    %dma_wait3A_272 = tpu.memref_slice %arg6[%dma_wait3A_270, %dma_wait3A_271] : memref<1600x64xf32, #tpu.memory_space<vmem>> -> memref<80x64xf32, #tpu.memory_space<vmem>>
    %dma_wait3A_273 = arith.constant 0 : i32
    %dma_wait3A_274 = tpu.memref_slice %arg5[%dma_wait3A_269, %dma_wait3A_273] : memref<20x80xi32, #tpu.memory_space<vmem>> -> memref<1x80xi32, #tpu.memory_space<vmem>>
    %dma_wait3A_275 = tpu.memref_squeeze %dma_wait3A_274 : memref<1x80xi32, #tpu.memory_space<vmem>> -> memref<80xi32, #tpu.memory_space<vmem>>
    %dma_wait3A_276 = arith.constant 0 : i32
    %dma_wait3A_277 = arith.constant 0 : i32
    %dma_wait3A_278 = tpu.memref_slice %arg2[%dma_wait3A_276, %dma_wait3A_277] : memref<100000x64xf32, #tpu.memory_space<hbm>> -> memref<100000x64xf32, #tpu.memory_space<hbm>>
    tpu.wait_indirect_dma semaphore(%arg7 : memref<!tpu.dma_semaphore, #tpu.memory_space<semaphore_mem>>) src(%dma_wait3A_278 : memref<100000x64xf32, #tpu.memory_space<hbm>>) dst(%dma_wait3A_272 : memref<80x64xf32, #tpu.memory_space<vmem>>)
    %dma_wait3A_279 = arith.constant 8 : i32
    %dma_wait3A_280 = arith.constant 640 : i32
    %dma_wait3A_281 = arith.constant 0 : i32
    %dma_wait3A_282 = tpu.memref_slice %arg6[%dma_wait3A_280, %dma_wait3A_281] : memref<1600x64xf32, #tpu.memory_space<vmem>> -> memref<80x64xf32, #tpu.memory_space<vmem>>
    %dma_wait3A_283 = arith.constant 0 : i32
    %dma_wait3A_284 = tpu.memref_slice %arg5[%dma_wait3A_279, %dma_wait3A_283] : memref<20x80xi32, #tpu.memory_space<vmem>> -> memref<1x80xi32, #tpu.memory_space<vmem>>
    %dma_wait3A_285 = tpu.memref_squeeze %dma_wait3A_284 : memref<1x80xi32, #tpu.memory_space<vmem>> -> memref<80xi32, #tpu.memory_space<vmem>>
    %dma_wait3A_286 = arith.constant 0 : i32
    %dma_wait3A_287 = arith.constant 0 : i32
    %dma_wait3A_288 = tpu.memref_slice %arg2[%dma_wait3A_286, %dma_wait3A_287] : memref<100000x64xf32, #tpu.memory_space<hbm>> -> memref<100000x64xf32, #tpu.memory_space<hbm>>
    tpu.wait_indirect_dma semaphore(%arg7 : memref<!tpu.dma_semaphore, #tpu.memory_space<semaphore_mem>>) src(%dma_wait3A_288 : memref<100000x64xf32, #tpu.memory_space<hbm>>) dst(%dma_wait3A_282 : memref<80x64xf32, #tpu.memory_space<vmem>>)
    %dma_wait3A_289 = arith.constant 9 : i32
    %dma_wait3A_290 = arith.constant 720 : i32
    %dma_wait3A_291 = arith.constant 0 : i32
    %dma_wait3A_292 = tpu.memref_slice %arg6[%dma_wait3A_290, %dma_wait3A_291] : memref<1600x64xf32, #tpu.memory_space<vmem>> -> memref<80x64xf32, #tpu.memory_space<vmem>>
    %dma_wait3A_293 = arith.constant 0 : i32
    %dma_wait3A_294 = tpu.memref_slice %arg5[%dma_wait3A_289, %dma_wait3A_293] : memref<20x80xi32, #tpu.memory_space<vmem>> -> memref<1x80xi32, #tpu.memory_space<vmem>>
    %dma_wait3A_295 = tpu.memref_squeeze %dma_wait3A_294 : memref<1x80xi32, #tpu.memory_space<vmem>> -> memref<80xi32, #tpu.memory_space<vmem>>
    %dma_wait3A_296 = arith.constant 0 : i32
    %dma_wait3A_297 = arith.constant 0 : i32
    %dma_wait3A_298 = tpu.memref_slice %arg2[%dma_wait3A_296, %dma_wait3A_297] : memref<100000x64xf32, #tpu.memory_space<hbm>> -> memref<100000x64xf32, #tpu.memory_space<hbm>>
    tpu.wait_indirect_dma semaphore(%arg7 : memref<!tpu.dma_semaphore, #tpu.memory_space<semaphore_mem>>) src(%dma_wait3A_298 : memref<100000x64xf32, #tpu.memory_space<hbm>>) dst(%dma_wait3A_292 : memref<80x64xf32, #tpu.memory_space<vmem>>)
    %dma_wait3A_299 = arith.constant 10 : i32
    %dma_wait3A_300 = arith.constant 800 : i32
    %dma_wait3A_301 = arith.constant 0 : i32
    %dma_wait3A_302 = tpu.memref_slice %arg6[%dma_wait3A_300, %dma_wait3A_301] : memref<1600x64xf32, #tpu.memory_space<vmem>> -> memref<80x64xf32, #tpu.memory_space<vmem>>
    %dma_wait3A_303 = arith.constant 0 : i32
    %dma_wait3A_304 = tpu.memref_slice %arg5[%dma_wait3A_299, %dma_wait3A_303] : memref<20x80xi32, #tpu.memory_space<vmem>> -> memref<1x80xi32, #tpu.memory_space<vmem>>
    %dma_wait3A_305 = tpu.memref_squeeze %dma_wait3A_304 : memref<1x80xi32, #tpu.memory_space<vmem>> -> memref<80xi32, #tpu.memory_space<vmem>>
    %dma_wait3A_306 = arith.constant 0 : i32
    %dma_wait3A_307 = arith.constant 0 : i32
    %dma_wait3A_308 = tpu.memref_slice %arg2[%dma_wait3A_306, %dma_wait3A_307] : memref<100000x64xf32, #tpu.memory_space<hbm>> -> memref<100000x64xf32, #tpu.memory_space<hbm>>
    tpu.wait_indirect_dma semaphore(%arg7 : memref<!tpu.dma_semaphore, #tpu.memory_space<semaphore_mem>>) src(%dma_wait3A_308 : memref<100000x64xf32, #tpu.memory_space<hbm>>) dst(%dma_wait3A_302 : memref<80x64xf32, #tpu.memory_space<vmem>>)
    %dma_wait3A_309 = arith.constant 11 : i32
    %dma_wait3A_310 = arith.constant 880 : i32
    %dma_wait3A_311 = arith.constant 0 : i32
    %dma_wait3A_312 = tpu.memref_slice %arg6[%dma_wait3A_310, %dma_wait3A_311] : memref<1600x64xf32, #tpu.memory_space<vmem>> -> memref<80x64xf32, #tpu.memory_space<vmem>>
    %dma_wait3A_313 = arith.constant 0 : i32
    %dma_wait3A_314 = tpu.memref_slice %arg5[%dma_wait3A_309, %dma_wait3A_313] : memref<20x80xi32, #tpu.memory_space<vmem>> -> memref<1x80xi32, #tpu.memory_space<vmem>>
    %dma_wait3A_315 = tpu.memref_squeeze %dma_wait3A_314 : memref<1x80xi32, #tpu.memory_space<vmem>> -> memref<80xi32, #tpu.memory_space<vmem>>
    %dma_wait3A_316 = arith.constant 0 : i32
    %dma_wait3A_317 = arith.constant 0 : i32
    %dma_wait3A_318 = tpu.memref_slice %arg2[%dma_wait3A_316, %dma_wait3A_317] : memref<100000x64xf32, #tpu.memory_space<hbm>> -> memref<100000x64xf32, #tpu.memory_space<hbm>>
    tpu.wait_indirect_dma semaphore(%arg7 : memref<!tpu.dma_semaphore, #tpu.memory_space<semaphore_mem>>) src(%dma_wait3A_318 : memref<100000x64xf32, #tpu.memory_space<hbm>>) dst(%dma_wait3A_312 : memref<80x64xf32, #tpu.memory_space<vmem>>)
    %dma_wait3A_319 = arith.constant 12 : i32
    %dma_wait3A_320 = arith.constant 960 : i32
    %dma_wait3A_321 = arith.constant 0 : i32
    %dma_wait3A_322 = tpu.memref_slice %arg6[%dma_wait3A_320, %dma_wait3A_321] : memref<1600x64xf32, #tpu.memory_space<vmem>> -> memref<80x64xf32, #tpu.memory_space<vmem>>
    %dma_wait3A_323 = arith.constant 0 : i32
    %dma_wait3A_324 = tpu.memref_slice %arg5[%dma_wait3A_319, %dma_wait3A_323] : memref<20x80xi32, #tpu.memory_space<vmem>> -> memref<1x80xi32, #tpu.memory_space<vmem>>
    %dma_wait3A_325 = tpu.memref_squeeze %dma_wait3A_324 : memref<1x80xi32, #tpu.memory_space<vmem>> -> memref<80xi32, #tpu.memory_space<vmem>>
    %dma_wait3A_326 = arith.constant 0 : i32
    %dma_wait3A_327 = arith.constant 0 : i32
    %dma_wait3A_328 = tpu.memref_slice %arg2[%dma_wait3A_326, %dma_wait3A_327] : memref<100000x64xf32, #tpu.memory_space<hbm>> -> memref<100000x64xf32, #tpu.memory_space<hbm>>
    tpu.wait_indirect_dma semaphore(%arg7 : memref<!tpu.dma_semaphore, #tpu.memory_space<semaphore_mem>>) src(%dma_wait3A_328 : memref<100000x64xf32, #tpu.memory_space<hbm>>) dst(%dma_wait3A_322 : memref<80x64xf32, #tpu.memory_space<vmem>>)
    %dma_wait3A_329 = arith.constant 13 : i32
    %dma_wait3A_330 = arith.constant 1040 : i32
    %dma_wait3A_331 = arith.constant 0 : i32
    %dma_wait3A_332 = tpu.memref_slice %arg6[%dma_wait3A_330, %dma_wait3A_331] : memref<1600x64xf32, #tpu.memory_space<vmem>> -> memref<80x64xf32, #tpu.memory_space<vmem>>
    %dma_wait3A_333 = arith.constant 0 : i32
    %dma_wait3A_334 = tpu.memref_slice %arg5[%dma_wait3A_329, %dma_wait3A_333] : memref<20x80xi32, #tpu.memory_space<vmem>> -> memref<1x80xi32, #tpu.memory_space<vmem>>
    %dma_wait3A_335 = tpu.memref_squeeze %dma_wait3A_334 : memref<1x80xi32, #tpu.memory_space<vmem>> -> memref<80xi32, #tpu.memory_space<vmem>>
    %dma_wait3A_336 = arith.constant 0 : i32
    %dma_wait3A_337 = arith.constant 0 : i32
    %dma_wait3A_338 = tpu.memref_slice %arg2[%dma_wait3A_336, %dma_wait3A_337] : memref<100000x64xf32, #tpu.memory_space<hbm>> -> memref<100000x64xf32, #tpu.memory_space<hbm>>
    tpu.wait_indirect_dma semaphore(%arg7 : memref<!tpu.dma_semaphore, #tpu.memory_space<semaphore_mem>>) src(%dma_wait3A_338 : memref<100000x64xf32, #tpu.memory_space<hbm>>) dst(%dma_wait3A_332 : memref<80x64xf32, #tpu.memory_space<vmem>>)
    %dma_wait3A_339 = arith.constant 14 : i32
    %dma_wait3A_340 = arith.constant 1120 : i32
    %dma_wait3A_341 = arith.constant 0 : i32
    %dma_wait3A_342 = tpu.memref_slice %arg6[%dma_wait3A_340, %dma_wait3A_341] : memref<1600x64xf32, #tpu.memory_space<vmem>> -> memref<80x64xf32, #tpu.memory_space<vmem>>
    %dma_wait3A_343 = arith.constant 0 : i32
    %dma_wait3A_344 = tpu.memref_slice %arg5[%dma_wait3A_339, %dma_wait3A_343] : memref<20x80xi32, #tpu.memory_space<vmem>> -> memref<1x80xi32, #tpu.memory_space<vmem>>
    %dma_wait3A_345 = tpu.memref_squeeze %dma_wait3A_344 : memref<1x80xi32, #tpu.memory_space<vmem>> -> memref<80xi32, #tpu.memory_space<vmem>>
    %dma_wait3A_346 = arith.constant 0 : i32
    %dma_wait3A_347 = arith.constant 0 : i32
    %dma_wait3A_348 = tpu.memref_slice %arg2[%dma_wait3A_346, %dma_wait3A_347] : memref<100000x64xf32, #tpu.memory_space<hbm>> -> memref<100000x64xf32, #tpu.memory_space<hbm>>
    tpu.wait_indirect_dma semaphore(%arg7 : memref<!tpu.dma_semaphore, #tpu.memory_space<semaphore_mem>>) src(%dma_wait3A_348 : memref<100000x64xf32, #tpu.memory_space<hbm>>) dst(%dma_wait3A_342 : memref<80x64xf32, #tpu.memory_space<vmem>>)
    %dma_wait3A_349 = arith.constant 15 : i32
    %dma_wait3A_350 = arith.constant 1200 : i32
    %dma_wait3A_351 = arith.constant 0 : i32
    %dma_wait3A_352 = tpu.memref_slice %arg6[%dma_wait3A_350, %dma_wait3A_351] : memref<1600x64xf32, #tpu.memory_space<vmem>> -> memref<80x64xf32, #tpu.memory_space<vmem>>
    %dma_wait3A_353 = arith.constant 0 : i32
    %dma_wait3A_354 = tpu.memref_slice %arg5[%dma_wait3A_349, %dma_wait3A_353] : memref<20x80xi32, #tpu.memory_space<vmem>> -> memref<1x80xi32, #tpu.memory_space<vmem>>
    %dma_wait3A_355 = tpu.memref_squeeze %dma_wait3A_354 : memref<1x80xi32, #tpu.memory_space<vmem>> -> memref<80xi32, #tpu.memory_space<vmem>>
    %dma_wait3A_356 = arith.constant 0 : i32
    %dma_wait3A_357 = arith.constant 0 : i32
    %dma_wait3A_358 = tpu.memref_slice %arg2[%dma_wait3A_356, %dma_wait3A_357] : memref<100000x64xf32, #tpu.memory_space<hbm>> -> memref<100000x64xf32, #tpu.memory_space<hbm>>
    tpu.wait_indirect_dma semaphore(%arg7 : memref<!tpu.dma_semaphore, #tpu.memory_space<semaphore_mem>>) src(%dma_wait3A_358 : memref<100000x64xf32, #tpu.memory_space<hbm>>) dst(%dma_wait3A_352 : memref<80x64xf32, #tpu.memory_space<vmem>>)
    %dma_wait3A_359 = arith.constant 16 : i32
    %dma_wait3A_360 = arith.constant 1280 : i32
    %dma_wait3A_361 = arith.constant 0 : i32
    %dma_wait3A_362 = tpu.memref_slice %arg6[%dma_wait3A_360, %dma_wait3A_361] : memref<1600x64xf32, #tpu.memory_space<vmem>> -> memref<80x64xf32, #tpu.memory_space<vmem>>
    %dma_wait3A_363 = arith.constant 0 : i32
    %dma_wait3A_364 = tpu.memref_slice %arg5[%dma_wait3A_359, %dma_wait3A_363] : memref<20x80xi32, #tpu.memory_space<vmem>> -> memref<1x80xi32, #tpu.memory_space<vmem>>
    %dma_wait3A_365 = tpu.memref_squeeze %dma_wait3A_364 : memref<1x80xi32, #tpu.memory_space<vmem>> -> memref<80xi32, #tpu.memory_space<vmem>>
    %dma_wait3A_366 = arith.constant 0 : i32
    %dma_wait3A_367 = arith.constant 0 : i32
    %dma_wait3A_368 = tpu.memref_slice %arg2[%dma_wait3A_366, %dma_wait3A_367] : memref<100000x64xf32, #tpu.memory_space<hbm>> -> memref<100000x64xf32, #tpu.memory_space<hbm>>
    tpu.wait_indirect_dma semaphore(%arg7 : memref<!tpu.dma_semaphore, #tpu.memory_space<semaphore_mem>>) src(%dma_wait3A_368 : memref<100000x64xf32, #tpu.memory_space<hbm>>) dst(%dma_wait3A_362 : memref<80x64xf32, #tpu.memory_space<vmem>>)
    %dma_wait3A_369 = arith.constant 17 : i32
    %dma_wait3A_370 = arith.constant 1360 : i32
    %dma_wait3A_371 = arith.constant 0 : i32
    %dma_wait3A_372 = tpu.memref_slice %arg6[%dma_wait3A_370, %dma_wait3A_371] : memref<1600x64xf32, #tpu.memory_space<vmem>> -> memref<80x64xf32, #tpu.memory_space<vmem>>
    %dma_wait3A_373 = arith.constant 0 : i32
    %dma_wait3A_374 = tpu.memref_slice %arg5[%dma_wait3A_369, %dma_wait3A_373] : memref<20x80xi32, #tpu.memory_space<vmem>> -> memref<1x80xi32, #tpu.memory_space<vmem>>
    %dma_wait3A_375 = tpu.memref_squeeze %dma_wait3A_374 : memref<1x80xi32, #tpu.memory_space<vmem>> -> memref<80xi32, #tpu.memory_space<vmem>>
    %dma_wait3A_376 = arith.constant 0 : i32
    %dma_wait3A_377 = arith.constant 0 : i32
    %dma_wait3A_378 = tpu.memref_slice %arg2[%dma_wait3A_376, %dma_wait3A_377] : memref<100000x64xf32, #tpu.memory_space<hbm>> -> memref<100000x64xf32, #tpu.memory_space<hbm>>
    tpu.wait_indirect_dma semaphore(%arg7 : memref<!tpu.dma_semaphore, #tpu.memory_space<semaphore_mem>>) src(%dma_wait3A_378 : memref<100000x64xf32, #tpu.memory_space<hbm>>) dst(%dma_wait3A_372 : memref<80x64xf32, #tpu.memory_space<vmem>>)
    %dma_wait3A_379 = arith.constant 18 : i32
    %dma_wait3A_380 = arith.constant 1440 : i32
    %dma_wait3A_381 = arith.constant 0 : i32
    %dma_wait3A_382 = tpu.memref_slice %arg6[%dma_wait3A_380, %dma_wait3A_381] : memref<1600x64xf32, #tpu.memory_space<vmem>> -> memref<80x64xf32, #tpu.memory_space<vmem>>
    %dma_wait3A_383 = arith.constant 0 : i32
    %dma_wait3A_384 = tpu.memref_slice %arg5[%dma_wait3A_379, %dma_wait3A_383] : memref<20x80xi32, #tpu.memory_space<vmem>> -> memref<1x80xi32, #tpu.memory_space<vmem>>
    %dma_wait3A_385 = tpu.memref_squeeze %dma_wait3A_384 : memref<1x80xi32, #tpu.memory_space<vmem>> -> memref<80xi32, #tpu.memory_space<vmem>>
    %dma_wait3A_386 = arith.constant 0 : i32
    %dma_wait3A_387 = arith.constant 0 : i32
    %dma_wait3A_388 = tpu.memref_slice %arg2[%dma_wait3A_386, %dma_wait3A_387] : memref<100000x64xf32, #tpu.memory_space<hbm>> -> memref<100000x64xf32, #tpu.memory_space<hbm>>
    tpu.wait_indirect_dma semaphore(%arg7 : memref<!tpu.dma_semaphore, #tpu.memory_space<semaphore_mem>>) src(%dma_wait3A_388 : memref<100000x64xf32, #tpu.memory_space<hbm>>) dst(%dma_wait3A_382 : memref<80x64xf32, #tpu.memory_space<vmem>>)
    %dma_wait3A_389 = arith.constant 19 : i32
    %dma_wait3A_390 = arith.constant 1520 : i32
    %dma_wait3A_391 = arith.constant 0 : i32
    %dma_wait3A_392 = tpu.memref_slice %arg6[%dma_wait3A_390, %dma_wait3A_391] : memref<1600x64xf32, #tpu.memory_space<vmem>> -> memref<80x64xf32, #tpu.memory_space<vmem>>
    %dma_wait3A_393 = arith.constant 0 : i32
    %dma_wait3A_394 = tpu.memref_slice %arg5[%dma_wait3A_389, %dma_wait3A_393] : memref<20x80xi32, #tpu.memory_space<vmem>> -> memref<1x80xi32, #tpu.memory_space<vmem>>
    %dma_wait3A_395 = tpu.memref_squeeze %dma_wait3A_394 : memref<1x80xi32, #tpu.memory_space<vmem>> -> memref<80xi32, #tpu.memory_space<vmem>>
    %dma_wait3A_396 = arith.constant 0 : i32
    %dma_wait3A_397 = arith.constant 0 : i32
    %dma_wait3A_398 = tpu.memref_slice %arg2[%dma_wait3A_396, %dma_wait3A_397] : memref<100000x64xf32, #tpu.memory_space<hbm>> -> memref<100000x64xf32, #tpu.memory_space<hbm>>
    tpu.wait_indirect_dma semaphore(%arg7 : memref<!tpu.dma_semaphore, #tpu.memory_space<semaphore_mem>>) src(%dma_wait3A_398 : memref<100000x64xf32, #tpu.memory_space<hbm>>) dst(%dma_wait3A_392 : memref<80x64xf32, #tpu.memory_space<vmem>>)
    %mul3A_399 = arith.constant 1600 : i32
    %mul3A_400 = arith.muli %add3A, %mul3A_399 : i32
    "tpu.region"() ({
      %run_scoped3A = tpu.sem_alloc : memref<!tpu.dma_semaphore, #tpu.memory_space<semaphore_mem>>
      %dma_start3A_401 = arith.constant 0 : i32
      %dma_start3A_402 = tpu.memref_slice %arg4[%mul3A_400, %dma_start3A_401] : memref<51200x64xf32, #tpu.memory_space<hbm>> -> memref<1600x64xf32, #tpu.memory_space<hbm>>
      %dma_start3A_403 = arith.constant 0 : i32
      %dma_start3A_404 = tpu.memref_slice %arg4[%mul3A_400, %dma_start3A_403] : memref<51200x64xf32, #tpu.memory_space<hbm>> -> memref<1600x64xf32, #tpu.memory_space<hbm>>
      tpu.enqueue_dma source(%arg6 : memref<1600x64xf32, #tpu.memory_space<vmem>>) target(%dma_start3A_404 : memref<1600x64xf32, #tpu.memory_space<hbm>>) target_semaphore(%run_scoped3A : memref<!tpu.dma_semaphore, #tpu.memory_space<semaphore_mem>>)
      %dma_wait3A_405 = arith.constant 0 : i32
      %dma_wait3A_406 = tpu.memref_slice %arg4[%mul3A_400, %dma_wait3A_405] : memref<51200x64xf32, #tpu.memory_space<hbm>> -> memref<1600x64xf32, #tpu.memory_space<hbm>>
      %dma_wait3A_407 = arith.constant 0 : i32
      %dma_wait3A_408 = tpu.memref_slice %arg4[%mul3A_400, %dma_wait3A_407] : memref<51200x64xf32, #tpu.memory_space<hbm>> -> memref<1600x64xf32, #tpu.memory_space<hbm>>
      tpu.wait_dma2 semaphore(%run_scoped3A : memref<!tpu.dma_semaphore, #tpu.memory_space<semaphore_mem>>) src(%arg6 : memref<1600x64xf32, #tpu.memory_space<vmem>>) dst(%dma_wait3A_408 : memref<1600x64xf32, #tpu.memory_space<hbm>>)
      tpu.yield
    }) : () -> ()
    return
  }
}

module attributes {stable_mosaic.version = 14 : i64} {
  func.func @_tc_body(%arg0: i32, %arg1: memref<64x50x100xf32, #tpu.memory_space<vmem>>, %arg2: memref<3200x64xf32, #tpu.memory_space<vmem>>, %arg3: memref<64x64xbf16, #tpu.memory_space<vmem>>, %arg4: memref<1x64xf32, #tpu.memory_space<vmem>>, %arg5: memref<64x64xbf16, #tpu.memory_space<vmem>>, %arg6: memref<64x128xbf16, #tpu.memory_space<vmem>>, %arg7: memref<1x128xf32, #tpu.memory_space<vmem>>, %arg8: memref<128x192xbf16, #tpu.memory_space<vmem>>, %arg9: memref<1x192xf32, #tpu.memory_space<vmem>>, %arg10: memref<64x192xbf16, #tpu.memory_space<vmem>>, %arg11: memref<1x192xf32, #tpu.memory_space<vmem>>, %arg12: memref<64x50x64xf32, #tpu.memory_space<vmem>>, %arg13: memref<4x64x50x16xf32, #tpu.memory_space<vmem>>, %arg14: memref<3200x64xf32, #tpu.memory_space<vmem>>, %arg15: memref<3200x128xbf16, #tpu.memory_space<vmem>>, %arg16: memref<3200x128xbf16, #tpu.memory_space<vmem>>) attributes {dimension_semantics = [#tpu.dimension_semantics<arbitrary>], iteration_bounds = array<i64: 16>, scalar_prefetch = 0 : i64, scratch_operands = 3 : i64, tpu.core_type = #tpu.core_type<tc>, window_params = [{transform_indices = @transform_0, window_bounds = array<i64: 64, 50, 100>}, {transform_indices = @transform_1, window_bounds = array<i64: 3200, 64>}, {pipeline_mode = #tpu.pipeline_mode<synchronous>, transform_indices = @transform_2, window_bounds = array<i64: 64, 64>}, {pipeline_mode = #tpu.pipeline_mode<synchronous>, transform_indices = @transform_3, window_bounds = array<i64: 1, 64>}, {pipeline_mode = #tpu.pipeline_mode<synchronous>, transform_indices = @transform_4, window_bounds = array<i64: 64, 64>}, {pipeline_mode = #tpu.pipeline_mode<synchronous>, transform_indices = @transform_5, window_bounds = array<i64: 64, 128>}, {pipeline_mode = #tpu.pipeline_mode<synchronous>, transform_indices = @transform_6, window_bounds = array<i64: 1, 128>}, {pipeline_mode = #tpu.pipeline_mode<synchronous>, transform_indices = @transform_7, window_bounds = array<i64: 128, 192>}, {pipeline_mode = #tpu.pipeline_mode<synchronous>, transform_indices = @transform_8, window_bounds = array<i64: 1, 192>}, {pipeline_mode = #tpu.pipeline_mode<synchronous>, transform_indices = @transform_9, window_bounds = array<i64: 64, 192>}, {pipeline_mode = #tpu.pipeline_mode<synchronous>, transform_indices = @transform_10, window_bounds = array<i64: 1, 192>}, {transform_indices = @transform_11, window_bounds = array<i64: 64, 50, 64>}, {transform_indices = @transform_12, window_bounds = array<i64: 4, 64, 50, 16>}]} {
    %get3A = arith.constant 0 : index
    %get3A_0 = arith.constant 0 : index
    %get3A_1 = vector.load %arg2[%get3A, %get3A_0] : memref<3200x64xf32, #tpu.memory_space<vmem>>, vector<3200x64xf32>
    %convert_element_type3A = arith.truncf %get3A_1 : vector<3200x64xf32> to vector<3200x64xbf16>
    %get3A_2 = arith.constant 0 : index
    %get3A_3 = arith.constant 0 : index
    %get3A_4 = vector.load %arg3[%get3A_2, %get3A_3] : memref<64x64xbf16, #tpu.memory_space<vmem>>, vector<64x64xbf16>
    %dot_general3A = arith.constant dense<0.000000e+00> : vector<3200x64xf32>
    %dot_general3A_5 = tpu.matmul %convert_element_type3A, %get3A_4, %dot_general3A {dimension_numbers = #tpu.dot_dimension_numbers<[1], [0], [0], [1], [0, 0, 1, 1], [], []>, transpose_lhs_hint = false} : vector<3200x64xbf16>, vector<64x64xbf16>, vector<3200x64xf32> -> vector<3200x64xf32>
    %get3A_6 = arith.constant 0 : index
    %get3A_7 = arith.constant 0 : index
    %get3A_8 = vector.load %arg4[%get3A_6, %get3A_7] : memref<1x64xf32, #tpu.memory_space<vmem>>, vector<1x64xf32>
    %add3A = vector.broadcast %get3A_8 : vector<1x64xf32> to vector<3200x64xf32>
    %add3A_9 = arith.addf %dot_general3A_5, %add3A : vector<3200x64xf32>
    %tanh3A = math.tanh %add3A_9 : vector<3200x64xf32>
    %mul3A = arith.mulf %tanh3A, %tanh3A : vector<3200x64xf32>
    %convert_element_type3A_10 = arith.truncf %mul3A : vector<3200x64xf32> to vector<3200x64xbf16>
    %get3A_11 = arith.constant 0 : index
    %get3A_12 = arith.constant 0 : index
    %get3A_13 = vector.load %arg5[%get3A_11, %get3A_12] : memref<64x64xbf16, #tpu.memory_space<vmem>>, vector<64x64xbf16>
    %dot_general3A_14 = arith.constant dense<0.000000e+00> : vector<3200x64xf32>
    %dot_general3A_15 = tpu.matmul %convert_element_type3A_10, %get3A_13, %dot_general3A_14 {dimension_numbers = #tpu.dot_dimension_numbers<[1], [0], [0], [1], [0, 0, 1, 1], [], []>, transpose_lhs_hint = false} : vector<3200x64xbf16>, vector<64x64xbf16>, vector<3200x64xf32> -> vector<3200x64xf32>
    %add3A_16 = arith.constant 9.99999996E-13 : f32
    %add3A_17 = vector.broadcast %add3A_16 : f32 to vector<3200x64xf32>
    %add3A_18 = arith.addf %dot_general3A_15, %add3A_17 : vector<3200x64xf32>
    %rsqrt3A = math.rsqrt %add3A_18 : vector<3200x64xf32>
    %mul3A_19 = arith.mulf %tanh3A, %rsqrt3A : vector<3200x64xf32>
    %slice3A = vector.extract_strided_slice %mul3A_19 {offsets = [0, 0], sizes = [3200, 16], strides = [1, 1]} : vector<3200x64xf32> to vector<3200x16xf32>
    %reshape3A = vector.shape_cast %slice3A : vector<3200x16xf32> to vector<64x50x16xf32>
    %swap3A = arith.constant 0 : index
    %swap3A_20 = arith.constant 0 : index
    %swap3A_21 = arith.constant 0 : index
    %swap3A_22 = arith.constant 0 : index
    %swap3A_23 = vector.load %arg13[%swap3A, %swap3A_20, %swap3A_21, %swap3A_22] : memref<4x64x50x16xf32, #tpu.memory_space<vmem>>, vector<1x64x50x16xf32>
    %swap3A_24 = vector.shape_cast %swap3A_23 : vector<1x64x50x16xf32> to vector<64x50x16xf32>
    %swap3A_25 = vector.shape_cast %reshape3A : vector<64x50x16xf32> to vector<1x64x50x16xf32>
    tpu.vector_store %arg13[%swap3A, %swap3A_20, %swap3A_21, %swap3A_22], %swap3A_25 {strides = array<i32>} : memref<4x64x50x16xf32, #tpu.memory_space<vmem>>, vector<1x64x50x16xf32>,
    %slice3A_26 = vector.extract_strided_slice %mul3A_19 {offsets = [0, 16], sizes = [3200, 16], strides = [1, 1]} : vector<3200x64xf32> to vector<3200x16xf32>
    %reshape3A_27 = vector.shape_cast %slice3A_26 : vector<3200x16xf32> to vector<64x50x16xf32>
    %swap3A_28 = arith.constant 1 : index
    %swap3A_29 = arith.constant 0 : index
    %swap3A_30 = arith.constant 0 : index
    %swap3A_31 = arith.constant 0 : index
    %swap3A_32 = vector.load %arg13[%swap3A_28, %swap3A_29, %swap3A_30, %swap3A_31] : memref<4x64x50x16xf32, #tpu.memory_space<vmem>>, vector<1x64x50x16xf32>
    %swap3A_33 = vector.shape_cast %swap3A_32 : vector<1x64x50x16xf32> to vector<64x50x16xf32>
    %swap3A_34 = vector.shape_cast %reshape3A_27 : vector<64x50x16xf32> to vector<1x64x50x16xf32>
    tpu.vector_store %arg13[%swap3A_28, %swap3A_29, %swap3A_30, %swap3A_31], %swap3A_34 {strides = array<i32>} : memref<4x64x50x16xf32, #tpu.memory_space<vmem>>, vector<1x64x50x16xf32>,
    %slice3A_35 = vector.extract_strided_slice %mul3A_19 {offsets = [0, 32], sizes = [3200, 16], strides = [1, 1]} : vector<3200x64xf32> to vector<3200x16xf32>
    %reshape3A_36 = vector.shape_cast %slice3A_35 : vector<3200x16xf32> to vector<64x50x16xf32>
    %swap3A_37 = arith.constant 2 : index
    %swap3A_38 = arith.constant 0 : index
    %swap3A_39 = arith.constant 0 : index
    %swap3A_40 = arith.constant 0 : index
    %swap3A_41 = vector.load %arg13[%swap3A_37, %swap3A_38, %swap3A_39, %swap3A_40] : memref<4x64x50x16xf32, #tpu.memory_space<vmem>>, vector<1x64x50x16xf32>
    %swap3A_42 = vector.shape_cast %swap3A_41 : vector<1x64x50x16xf32> to vector<64x50x16xf32>
    %swap3A_43 = vector.shape_cast %reshape3A_36 : vector<64x50x16xf32> to vector<1x64x50x16xf32>
    tpu.vector_store %arg13[%swap3A_37, %swap3A_38, %swap3A_39, %swap3A_40], %swap3A_43 {strides = array<i32>} : memref<4x64x50x16xf32, #tpu.memory_space<vmem>>, vector<1x64x50x16xf32>,
    %slice3A_44 = vector.extract_strided_slice %mul3A_19 {offsets = [0, 48], sizes = [3200, 16], strides = [1, 1]} : vector<3200x64xf32> to vector<3200x16xf32>
    %reshape3A_45 = vector.shape_cast %slice3A_44 : vector<3200x16xf32> to vector<64x50x16xf32>
    %swap3A_46 = arith.constant 3 : index
    %swap3A_47 = arith.constant 0 : index
    %swap3A_48 = arith.constant 0 : index
    %swap3A_49 = arith.constant 0 : index
    %swap3A_50 = vector.load %arg13[%swap3A_46, %swap3A_47, %swap3A_48, %swap3A_49] : memref<4x64x50x16xf32, #tpu.memory_space<vmem>>, vector<1x64x50x16xf32>
    %swap3A_51 = vector.shape_cast %swap3A_50 : vector<1x64x50x16xf32> to vector<64x50x16xf32>
    %swap3A_52 = vector.shape_cast %reshape3A_45 : vector<64x50x16xf32> to vector<1x64x50x16xf32>
    tpu.vector_store %arg13[%swap3A_46, %swap3A_47, %swap3A_48, %swap3A_49], %swap3A_52 {strides = array<i32>} : memref<4x64x50x16xf32, #tpu.memory_space<vmem>>, vector<1x64x50x16xf32>,
    %swap3A_53 = arith.constant 0 : index
    %swap3A_54 = arith.constant 0 : index
    %swap3A_55 = vector.load %arg14[%swap3A_53, %swap3A_54] : memref<3200x64xf32, #tpu.memory_space<vmem>>, vector<3200x64xf32>
    tpu.vector_store %arg14[%swap3A_53, %swap3A_54], %mul3A_19 {strides = array<i32>} : memref<3200x64xf32, #tpu.memory_space<vmem>>, vector<3200x64xf32>,
    %get3A_56 = arith.constant 0 : index
    %get3A_57 = arith.constant 0 : index
    %get3A_58 = arith.constant 0 : index
    %get3A_59 = vector.load %arg1[%get3A_56, %get3A_57, %get3A_58] : memref<64x50x100xf32, #tpu.memory_space<vmem>>, vector<64x50x100xf32>
    %convert_element_type3A_60 = arith.truncf %get3A_59 : vector<64x50x100xf32> to vector<64x50x100xbf16>
    %iota3A = tpu.iota {dimensions = array<i32: 1>} : vector<50x128xi32>
    %lt3A = arith.constant 64 : i32
    %lt3A_61 = vector.broadcast %lt3A : i32 to vector<50x128xi32>
    %lt3A_62 = arith.cmpi slt, %iota3A, %lt3A_61 : vector<50x128xi32>
    %convert_element_type3A_63 = arith.extui %lt3A_62 : vector<50x128xi1> to vector<50x128xi32>
    %convert_element_type3A_64 = arith.sitofp %convert_element_type3A_63 : vector<50x128xi32> to vector<50x128xf32>
    %convert_element_type3A_65 = arith.truncf %convert_element_type3A_64 : vector<50x128xf32> to vector<50x128xbf16>
    %ge3A = arith.constant 64 : i32
    %ge3A_66 = vector.broadcast %ge3A : i32 to vector<50x128xi32>
    %ge3A_67 = arith.cmpi sge, %iota3A, %ge3A_66 : vector<50x128xi32>
    %convert_element_type3A_68 = arith.extui %ge3A_67 : vector<50x128xi1> to vector<50x128xi32>
    %convert_element_type3A_69 = arith.sitofp %convert_element_type3A_68 : vector<50x128xi32> to vector<50x128xf32>
    %convert_element_type3A_70 = arith.truncf %convert_element_type3A_69 : vector<50x128xf32> to vector<50x128xbf16>
    %get3A_71 = arith.constant 0 : index
    %get3A_72 = arith.constant 0 : index
    %get3A_73 = vector.load %arg14[%get3A_71, %get3A_72] : memref<3200x64xf32, #tpu.memory_space<vmem>>, vector<3200x64xf32>
    %convert_element_type3A_74 = arith.truncf %get3A_73 : vector<3200x64xf32> to vector<3200x64xbf16>
    %get3A_75 = arith.constant 0 : index
    %get3A_76 = arith.constant 0 : index
    %get3A_77 = vector.load %arg6[%get3A_75, %get3A_76] : memref<64x128xbf16, #tpu.memory_space<vmem>>, vector<64x128xbf16>
    %dot_general3A_78 = arith.constant dense<0.000000e+00> : vector<3200x128xf32>
    %dot_general3A_79 = tpu.matmul %convert_element_type3A_74, %get3A_77, %dot_general3A_78 {dimension_numbers = #tpu.dot_dimension_numbers<[1], [0], [0], [1], [0, 0, 1, 1], [], []>, transpose_lhs_hint = false} : vector<3200x64xbf16>, vector<64x128xbf16>, vector<3200x128xf32> -> vector<3200x128xf32>
    %get3A_80 = arith.constant 0 : index
    %get3A_81 = arith.constant 0 : index
    %get3A_82 = vector.load %arg7[%get3A_80, %get3A_81] : memref<1x128xf32, #tpu.memory_space<vmem>>, vector<1x128xf32>
    %add3A_83 = vector.broadcast %get3A_82 : vector<1x128xf32> to vector<3200x128xf32>
    %add3A_84 = arith.addf %dot_general3A_79, %add3A_83 : vector<3200x128xf32>
    %convert_element_type3A_85 = arith.truncf %add3A_84 : vector<3200x128xf32> to vector<3200x128xbf16>
    %swap3A_86 = arith.constant 0 : index
    %swap3A_87 = arith.constant 0 : index
    %swap3A_88 = vector.load %arg15[%swap3A_86, %swap3A_87] : memref<3200x128xbf16, #tpu.memory_space<vmem>>, vector<3200x128xbf16>
    tpu.vector_store %arg15[%swap3A_86, %swap3A_87], %convert_element_type3A_85 {strides = array<i32>} : memref<3200x128xbf16, #tpu.memory_space<vmem>>, vector<3200x128xbf16>,
    %get3A_89 = arith.constant 0 : index
    %get3A_90 = arith.constant 0 : index
    %get3A_91 = vector.load %arg15[%get3A_89, %get3A_90] : memref<3200x128xbf16, #tpu.memory_space<vmem>>, vector<50x128xbf16>
    %mul3A_92 = arith.mulf %get3A_91, %convert_element_type3A_65 : vector<50x128xbf16>
    %mul3A_93 = arith.mulf %get3A_91, %convert_element_type3A_70 : vector<50x128xbf16>
    %concatenate3A = tpu.concatenate %mul3A_92, %mul3A_93 in 0 : vector<50x128xbf16>, vector<50x128xbf16> -> vector<100x128xbf16>
    %slice3A_94 = vector.extract_strided_slice %convert_element_type3A_60 {offsets = [0, 0, 0], sizes = [1, 50, 100], strides = [1, 1, 1]} : vector<64x50x100xbf16> to vector<1x50x100xbf16>
    %squeeze3A = vector.shape_cast %slice3A_94 : vector<1x50x100xbf16> to vector<50x100xbf16>
    %dot_general3A_95 = arith.constant dense<0.000000e+00> : vector<50x128xf32>
    %dot_general3A_96 = tpu.matmul %squeeze3A, %concatenate3A, %dot_general3A_95 {dimension_numbers = #tpu.dot_dimension_numbers<[1], [0], [0], [1], [0, 0, 1, 1], [], []>, transpose_lhs_hint = false} : vector<50x100xbf16>, vector<100x128xbf16>, vector<50x128xf32> -> vector<50x128xf32>
    %convert_element_type3A_97 = arith.truncf %dot_general3A_96 : vector<50x128xf32> to vector<50x128xbf16>
    %swap3A_98 = arith.constant 0 : index
    %swap3A_99 = arith.constant 0 : index
    %swap3A_100 = vector.load %arg16[%swap3A_98, %swap3A_99] : memref<3200x128xbf16, #tpu.memory_space<vmem>>, vector<50x128xbf16>
    tpu.vector_store %arg16[%swap3A_98, %swap3A_99], %convert_element_type3A_97 {strides = array<i32>} : memref<3200x128xbf16, #tpu.memory_space<vmem>>, vector<50x128xbf16>,
    %get3A_101 = arith.constant 50 : index
    %get3A_102 = arith.constant 0 : index
    %get3A_103 = vector.load %arg15[%get3A_101, %get3A_102] : memref<3200x128xbf16, #tpu.memory_space<vmem>>, vector<50x128xbf16>
    %mul3A_104 = arith.mulf %get3A_103, %convert_element_type3A_65 : vector<50x128xbf16>
    %mul3A_105 = arith.mulf %get3A_103, %convert_element_type3A_70 : vector<50x128xbf16>
    %concatenate3A_106 = tpu.concatenate %mul3A_104, %mul3A_105 in 0 : vector<50x128xbf16>, vector<50x128xbf16> -> vector<100x128xbf16>
    %slice3A_107 = vector.extract_strided_slice %convert_element_type3A_60 {offsets = [1, 0, 0], sizes = [1, 50, 100], strides = [1, 1, 1]} : vector<64x50x100xbf16> to vector<1x50x100xbf16>
    %squeeze3A_108 = vector.shape_cast %slice3A_107 : vector<1x50x100xbf16> to vector<50x100xbf16>
    %dot_general3A_109 = arith.constant dense<0.000000e+00> : vector<50x128xf32>
    %dot_general3A_110 = tpu.matmul %squeeze3A_108, %concatenate3A_106, %dot_general3A_109 {dimension_numbers = #tpu.dot_dimension_numbers<[1], [0], [0], [1], [0, 0, 1, 1], [], []>, transpose_lhs_hint = false} : vector<50x100xbf16>, vector<100x128xbf16>, vector<50x128xf32> -> vector<50x128xf32>
    %convert_element_type3A_111 = arith.truncf %dot_general3A_110 : vector<50x128xf32> to vector<50x128xbf16>
    %swap3A_112 = arith.constant 50 : index
    %swap3A_113 = arith.constant 0 : index
    %swap3A_114 = vector.load %arg16[%swap3A_112, %swap3A_113] : memref<3200x128xbf16, #tpu.memory_space<vmem>>, vector<50x128xbf16>
    tpu.vector_store %arg16[%swap3A_112, %swap3A_113], %convert_element_type3A_111 {strides = array<i32>} : memref<3200x128xbf16, #tpu.memory_space<vmem>>, vector<50x128xbf16>,
    %get3A_115 = arith.constant 100 : index
    %get3A_116 = arith.constant 0 : index
    %get3A_117 = vector.load %arg15[%get3A_115, %get3A_116] : memref<3200x128xbf16, #tpu.memory_space<vmem>>, vector<50x128xbf16>
    %mul3A_118 = arith.mulf %get3A_117, %convert_element_type3A_65 : vector<50x128xbf16>
    %mul3A_119 = arith.mulf %get3A_117, %convert_element_type3A_70 : vector<50x128xbf16>
    %concatenate3A_120 = tpu.concatenate %mul3A_118, %mul3A_119 in 0 : vector<50x128xbf16>, vector<50x128xbf16> -> vector<100x128xbf16>
    %slice3A_121 = vector.extract_strided_slice %convert_element_type3A_60 {offsets = [2, 0, 0], sizes = [1, 50, 100], strides = [1, 1, 1]} : vector<64x50x100xbf16> to vector<1x50x100xbf16>
    %squeeze3A_122 = vector.shape_cast %slice3A_121 : vector<1x50x100xbf16> to vector<50x100xbf16>
    %dot_general3A_123 = arith.constant dense<0.000000e+00> : vector<50x128xf32>
    %dot_general3A_124 = tpu.matmul %squeeze3A_122, %concatenate3A_120, %dot_general3A_123 {dimension_numbers = #tpu.dot_dimension_numbers<[1], [0], [0], [1], [0, 0, 1, 1], [], []>, transpose_lhs_hint = false} : vector<50x100xbf16>, vector<100x128xbf16>, vector<50x128xf32> -> vector<50x128xf32>
    %convert_element_type3A_125 = arith.truncf %dot_general3A_124 : vector<50x128xf32> to vector<50x128xbf16>
    %swap3A_126 = arith.constant 100 : index
    %swap3A_127 = arith.constant 0 : index
    %swap3A_128 = vector.load %arg16[%swap3A_126, %swap3A_127] : memref<3200x128xbf16, #tpu.memory_space<vmem>>, vector<50x128xbf16>
    tpu.vector_store %arg16[%swap3A_126, %swap3A_127], %convert_element_type3A_125 {strides = array<i32>} : memref<3200x128xbf16, #tpu.memory_space<vmem>>, vector<50x128xbf16>,
    %get3A_129 = arith.constant 150 : index
    %get3A_130 = arith.constant 0 : index
    %get3A_131 = vector.load %arg15[%get3A_129, %get3A_130] : memref<3200x128xbf16, #tpu.memory_space<vmem>>, vector<50x128xbf16>
    %mul3A_132 = arith.mulf %get3A_131, %convert_element_type3A_65 : vector<50x128xbf16>
    %mul3A_133 = arith.mulf %get3A_131, %convert_element_type3A_70 : vector<50x128xbf16>
    %concatenate3A_134 = tpu.concatenate %mul3A_132, %mul3A_133 in 0 : vector<50x128xbf16>, vector<50x128xbf16> -> vector<100x128xbf16>
    %slice3A_135 = vector.extract_strided_slice %convert_element_type3A_60 {offsets = [3, 0, 0], sizes = [1, 50, 100], strides = [1, 1, 1]} : vector<64x50x100xbf16> to vector<1x50x100xbf16>
    %squeeze3A_136 = vector.shape_cast %slice3A_135 : vector<1x50x100xbf16> to vector<50x100xbf16>
    %dot_general3A_137 = arith.constant dense<0.000000e+00> : vector<50x128xf32>
    %dot_general3A_138 = tpu.matmul %squeeze3A_136, %concatenate3A_134, %dot_general3A_137 {dimension_numbers = #tpu.dot_dimension_numbers<[1], [0], [0], [1], [0, 0, 1, 1], [], []>, transpose_lhs_hint = false} : vector<50x100xbf16>, vector<100x128xbf16>, vector<50x128xf32> -> vector<50x128xf32>
    %convert_element_type3A_139 = arith.truncf %dot_general3A_138 : vector<50x128xf32> to vector<50x128xbf16>
    %swap3A_140 = arith.constant 150 : index
    %swap3A_141 = arith.constant 0 : index
    %swap3A_142 = vector.load %arg16[%swap3A_140, %swap3A_141] : memref<3200x128xbf16, #tpu.memory_space<vmem>>, vector<50x128xbf16>
    tpu.vector_store %arg16[%swap3A_140, %swap3A_141], %convert_element_type3A_139 {strides = array<i32>} : memref<3200x128xbf16, #tpu.memory_space<vmem>>, vector<50x128xbf16>,
    %get3A_143 = arith.constant 200 : index
    %get3A_144 = arith.constant 0 : index
    %get3A_145 = vector.load %arg15[%get3A_143, %get3A_144] : memref<3200x128xbf16, #tpu.memory_space<vmem>>, vector<50x128xbf16>
    %mul3A_146 = arith.mulf %get3A_145, %convert_element_type3A_65 : vector<50x128xbf16>
    %mul3A_147 = arith.mulf %get3A_145, %convert_element_type3A_70 : vector<50x128xbf16>
    %concatenate3A_148 = tpu.concatenate %mul3A_146, %mul3A_147 in 0 : vector<50x128xbf16>, vector<50x128xbf16> -> vector<100x128xbf16>
    %slice3A_149 = vector.extract_strided_slice %convert_element_type3A_60 {offsets = [4, 0, 0], sizes = [1, 50, 100], strides = [1, 1, 1]} : vector<64x50x100xbf16> to vector<1x50x100xbf16>
    %squeeze3A_150 = vector.shape_cast %slice3A_149 : vector<1x50x100xbf16> to vector<50x100xbf16>
    %dot_general3A_151 = arith.constant dense<0.000000e+00> : vector<50x128xf32>
    %dot_general3A_152 = tpu.matmul %squeeze3A_150, %concatenate3A_148, %dot_general3A_151 {dimension_numbers = #tpu.dot_dimension_numbers<[1], [0], [0], [1], [0, 0, 1, 1], [], []>, transpose_lhs_hint = false} : vector<50x100xbf16>, vector<100x128xbf16>, vector<50x128xf32> -> vector<50x128xf32>
    %convert_element_type3A_153 = arith.truncf %dot_general3A_152 : vector<50x128xf32> to vector<50x128xbf16>
    %swap3A_154 = arith.constant 200 : index
    %swap3A_155 = arith.constant 0 : index
    %swap3A_156 = vector.load %arg16[%swap3A_154, %swap3A_155] : memref<3200x128xbf16, #tpu.memory_space<vmem>>, vector<50x128xbf16>
    tpu.vector_store %arg16[%swap3A_154, %swap3A_155], %convert_element_type3A_153 {strides = array<i32>} : memref<3200x128xbf16, #tpu.memory_space<vmem>>, vector<50x128xbf16>,
    %get3A_157 = arith.constant 250 : index
    %get3A_158 = arith.constant 0 : index
    %get3A_159 = vector.load %arg15[%get3A_157, %get3A_158] : memref<3200x128xbf16, #tpu.memory_space<vmem>>, vector<50x128xbf16>
    %mul3A_160 = arith.mulf %get3A_159, %convert_element_type3A_65 : vector<50x128xbf16>
    %mul3A_161 = arith.mulf %get3A_159, %convert_element_type3A_70 : vector<50x128xbf16>
    %concatenate3A_162 = tpu.concatenate %mul3A_160, %mul3A_161 in 0 : vector<50x128xbf16>, vector<50x128xbf16> -> vector<100x128xbf16>
    %slice3A_163 = vector.extract_strided_slice %convert_element_type3A_60 {offsets = [5, 0, 0], sizes = [1, 50, 100], strides = [1, 1, 1]} : vector<64x50x100xbf16> to vector<1x50x100xbf16>
    %squeeze3A_164 = vector.shape_cast %slice3A_163 : vector<1x50x100xbf16> to vector<50x100xbf16>
    %dot_general3A_165 = arith.constant dense<0.000000e+00> : vector<50x128xf32>
    %dot_general3A_166 = tpu.matmul %squeeze3A_164, %concatenate3A_162, %dot_general3A_165 {dimension_numbers = #tpu.dot_dimension_numbers<[1], [0], [0], [1], [0, 0, 1, 1], [], []>, transpose_lhs_hint = false} : vector<50x100xbf16>, vector<100x128xbf16>, vector<50x128xf32> -> vector<50x128xf32>
    %convert_element_type3A_167 = arith.truncf %dot_general3A_166 : vector<50x128xf32> to vector<50x128xbf16>
    %swap3A_168 = arith.constant 250 : index
    %swap3A_169 = arith.constant 0 : index
    %swap3A_170 = vector.load %arg16[%swap3A_168, %swap3A_169] : memref<3200x128xbf16, #tpu.memory_space<vmem>>, vector<50x128xbf16>
    tpu.vector_store %arg16[%swap3A_168, %swap3A_169], %convert_element_type3A_167 {strides = array<i32>} : memref<3200x128xbf16, #tpu.memory_space<vmem>>, vector<50x128xbf16>,
    %get3A_171 = arith.constant 300 : index
    %get3A_172 = arith.constant 0 : index
    %get3A_173 = vector.load %arg15[%get3A_171, %get3A_172] : memref<3200x128xbf16, #tpu.memory_space<vmem>>, vector<50x128xbf16>
    %mul3A_174 = arith.mulf %get3A_173, %convert_element_type3A_65 : vector<50x128xbf16>
    %mul3A_175 = arith.mulf %get3A_173, %convert_element_type3A_70 : vector<50x128xbf16>
    %concatenate3A_176 = tpu.concatenate %mul3A_174, %mul3A_175 in 0 : vector<50x128xbf16>, vector<50x128xbf16> -> vector<100x128xbf16>
    %slice3A_177 = vector.extract_strided_slice %convert_element_type3A_60 {offsets = [6, 0, 0], sizes = [1, 50, 100], strides = [1, 1, 1]} : vector<64x50x100xbf16> to vector<1x50x100xbf16>
    %squeeze3A_178 = vector.shape_cast %slice3A_177 : vector<1x50x100xbf16> to vector<50x100xbf16>
    %dot_general3A_179 = arith.constant dense<0.000000e+00> : vector<50x128xf32>
    %dot_general3A_180 = tpu.matmul %squeeze3A_178, %concatenate3A_176, %dot_general3A_179 {dimension_numbers = #tpu.dot_dimension_numbers<[1], [0], [0], [1], [0, 0, 1, 1], [], []>, transpose_lhs_hint = false} : vector<50x100xbf16>, vector<100x128xbf16>, vector<50x128xf32> -> vector<50x128xf32>
    %convert_element_type3A_181 = arith.truncf %dot_general3A_180 : vector<50x128xf32> to vector<50x128xbf16>
    %swap3A_182 = arith.constant 300 : index
    %swap3A_183 = arith.constant 0 : index
    %swap3A_184 = vector.load %arg16[%swap3A_182, %swap3A_183] : memref<3200x128xbf16, #tpu.memory_space<vmem>>, vector<50x128xbf16>
    tpu.vector_store %arg16[%swap3A_182, %swap3A_183], %convert_element_type3A_181 {strides = array<i32>} : memref<3200x128xbf16, #tpu.memory_space<vmem>>, vector<50x128xbf16>,
    %get3A_185 = arith.constant 350 : index
    %get3A_186 = arith.constant 0 : index
    %get3A_187 = vector.load %arg15[%get3A_185, %get3A_186] : memref<3200x128xbf16, #tpu.memory_space<vmem>>, vector<50x128xbf16>
    %mul3A_188 = arith.mulf %get3A_187, %convert_element_type3A_65 : vector<50x128xbf16>
    %mul3A_189 = arith.mulf %get3A_187, %convert_element_type3A_70 : vector<50x128xbf16>
    %concatenate3A_190 = tpu.concatenate %mul3A_188, %mul3A_189 in 0 : vector<50x128xbf16>, vector<50x128xbf16> -> vector<100x128xbf16>
    %slice3A_191 = vector.extract_strided_slice %convert_element_type3A_60 {offsets = [7, 0, 0], sizes = [1, 50, 100], strides = [1, 1, 1]} : vector<64x50x100xbf16> to vector<1x50x100xbf16>
    %squeeze3A_192 = vector.shape_cast %slice3A_191 : vector<1x50x100xbf16> to vector<50x100xbf16>
    %dot_general3A_193 = arith.constant dense<0.000000e+00> : vector<50x128xf32>
    %dot_general3A_194 = tpu.matmul %squeeze3A_192, %concatenate3A_190, %dot_general3A_193 {dimension_numbers = #tpu.dot_dimension_numbers<[1], [0], [0], [1], [0, 0, 1, 1], [], []>, transpose_lhs_hint = false} : vector<50x100xbf16>, vector<100x128xbf16>, vector<50x128xf32> -> vector<50x128xf32>
    %convert_element_type3A_195 = arith.truncf %dot_general3A_194 : vector<50x128xf32> to vector<50x128xbf16>
    %swap3A_196 = arith.constant 350 : index
    %swap3A_197 = arith.constant 0 : index
    %swap3A_198 = vector.load %arg16[%swap3A_196, %swap3A_197] : memref<3200x128xbf16, #tpu.memory_space<vmem>>, vector<50x128xbf16>
    tpu.vector_store %arg16[%swap3A_196, %swap3A_197], %convert_element_type3A_195 {strides = array<i32>} : memref<3200x128xbf16, #tpu.memory_space<vmem>>, vector<50x128xbf16>,
    %get3A_199 = arith.constant 400 : index
    %get3A_200 = arith.constant 0 : index
    %get3A_201 = vector.load %arg15[%get3A_199, %get3A_200] : memref<3200x128xbf16, #tpu.memory_space<vmem>>, vector<50x128xbf16>
    %mul3A_202 = arith.mulf %get3A_201, %convert_element_type3A_65 : vector<50x128xbf16>
    %mul3A_203 = arith.mulf %get3A_201, %convert_element_type3A_70 : vector<50x128xbf16>
    %concatenate3A_204 = tpu.concatenate %mul3A_202, %mul3A_203 in 0 : vector<50x128xbf16>, vector<50x128xbf16> -> vector<100x128xbf16>
    %slice3A_205 = vector.extract_strided_slice %convert_element_type3A_60 {offsets = [8, 0, 0], sizes = [1, 50, 100], strides = [1, 1, 1]} : vector<64x50x100xbf16> to vector<1x50x100xbf16>
    %squeeze3A_206 = vector.shape_cast %slice3A_205 : vector<1x50x100xbf16> to vector<50x100xbf16>
    %dot_general3A_207 = arith.constant dense<0.000000e+00> : vector<50x128xf32>
    %dot_general3A_208 = tpu.matmul %squeeze3A_206, %concatenate3A_204, %dot_general3A_207 {dimension_numbers = #tpu.dot_dimension_numbers<[1], [0], [0], [1], [0, 0, 1, 1], [], []>, transpose_lhs_hint = false} : vector<50x100xbf16>, vector<100x128xbf16>, vector<50x128xf32> -> vector<50x128xf32>
    %convert_element_type3A_209 = arith.truncf %dot_general3A_208 : vector<50x128xf32> to vector<50x128xbf16>
    %swap3A_210 = arith.constant 400 : index
    %swap3A_211 = arith.constant 0 : index
    %swap3A_212 = vector.load %arg16[%swap3A_210, %swap3A_211] : memref<3200x128xbf16, #tpu.memory_space<vmem>>, vector<50x128xbf16>
    tpu.vector_store %arg16[%swap3A_210, %swap3A_211], %convert_element_type3A_209 {strides = array<i32>} : memref<3200x128xbf16, #tpu.memory_space<vmem>>, vector<50x128xbf16>,
    %get3A_213 = arith.constant 450 : index
    %get3A_214 = arith.constant 0 : index
    %get3A_215 = vector.load %arg15[%get3A_213, %get3A_214] : memref<3200x128xbf16, #tpu.memory_space<vmem>>, vector<50x128xbf16>
    %mul3A_216 = arith.mulf %get3A_215, %convert_element_type3A_65 : vector<50x128xbf16>
    %mul3A_217 = arith.mulf %get3A_215, %convert_element_type3A_70 : vector<50x128xbf16>
    %concatenate3A_218 = tpu.concatenate %mul3A_216, %mul3A_217 in 0 : vector<50x128xbf16>, vector<50x128xbf16> -> vector<100x128xbf16>
    %slice3A_219 = vector.extract_strided_slice %convert_element_type3A_60 {offsets = [9, 0, 0], sizes = [1, 50, 100], strides = [1, 1, 1]} : vector<64x50x100xbf16> to vector<1x50x100xbf16>
    %squeeze3A_220 = vector.shape_cast %slice3A_219 : vector<1x50x100xbf16> to vector<50x100xbf16>
    %dot_general3A_221 = arith.constant dense<0.000000e+00> : vector<50x128xf32>
    %dot_general3A_222 = tpu.matmul %squeeze3A_220, %concatenate3A_218, %dot_general3A_221 {dimension_numbers = #tpu.dot_dimension_numbers<[1], [0], [0], [1], [0, 0, 1, 1], [], []>, transpose_lhs_hint = false} : vector<50x100xbf16>, vector<100x128xbf16>, vector<50x128xf32> -> vector<50x128xf32>
    %convert_element_type3A_223 = arith.truncf %dot_general3A_222 : vector<50x128xf32> to vector<50x128xbf16>
    %swap3A_224 = arith.constant 450 : index
    %swap3A_225 = arith.constant 0 : index
    %swap3A_226 = vector.load %arg16[%swap3A_224, %swap3A_225] : memref<3200x128xbf16, #tpu.memory_space<vmem>>, vector<50x128xbf16>
    tpu.vector_store %arg16[%swap3A_224, %swap3A_225], %convert_element_type3A_223 {strides = array<i32>} : memref<3200x128xbf16, #tpu.memory_space<vmem>>, vector<50x128xbf16>,
    %get3A_227 = arith.constant 500 : index
    %get3A_228 = arith.constant 0 : index
    %get3A_229 = vector.load %arg15[%get3A_227, %get3A_228] : memref<3200x128xbf16, #tpu.memory_space<vmem>>, vector<50x128xbf16>
    %mul3A_230 = arith.mulf %get3A_229, %convert_element_type3A_65 : vector<50x128xbf16>
    %mul3A_231 = arith.mulf %get3A_229, %convert_element_type3A_70 : vector<50x128xbf16>
    %concatenate3A_232 = tpu.concatenate %mul3A_230, %mul3A_231 in 0 : vector<50x128xbf16>, vector<50x128xbf16> -> vector<100x128xbf16>
    %slice3A_233 = vector.extract_strided_slice %convert_element_type3A_60 {offsets = [10, 0, 0], sizes = [1, 50, 100], strides = [1, 1, 1]} : vector<64x50x100xbf16> to vector<1x50x100xbf16>
    %squeeze3A_234 = vector.shape_cast %slice3A_233 : vector<1x50x100xbf16> to vector<50x100xbf16>
    %dot_general3A_235 = arith.constant dense<0.000000e+00> : vector<50x128xf32>
    %dot_general3A_236 = tpu.matmul %squeeze3A_234, %concatenate3A_232, %dot_general3A_235 {dimension_numbers = #tpu.dot_dimension_numbers<[1], [0], [0], [1], [0, 0, 1, 1], [], []>, transpose_lhs_hint = false} : vector<50x100xbf16>, vector<100x128xbf16>, vector<50x128xf32> -> vector<50x128xf32>
    %convert_element_type3A_237 = arith.truncf %dot_general3A_236 : vector<50x128xf32> to vector<50x128xbf16>
    %swap3A_238 = arith.constant 500 : index
    %swap3A_239 = arith.constant 0 : index
    %swap3A_240 = vector.load %arg16[%swap3A_238, %swap3A_239] : memref<3200x128xbf16, #tpu.memory_space<vmem>>, vector<50x128xbf16>
    tpu.vector_store %arg16[%swap3A_238, %swap3A_239], %convert_element_type3A_237 {strides = array<i32>} : memref<3200x128xbf16, #tpu.memory_space<vmem>>, vector<50x128xbf16>,
    %get3A_241 = arith.constant 550 : index
    %get3A_242 = arith.constant 0 : index
    %get3A_243 = vector.load %arg15[%get3A_241, %get3A_242] : memref<3200x128xbf16, #tpu.memory_space<vmem>>, vector<50x128xbf16>
    %mul3A_244 = arith.mulf %get3A_243, %convert_element_type3A_65 : vector<50x128xbf16>
    %mul3A_245 = arith.mulf %get3A_243, %convert_element_type3A_70 : vector<50x128xbf16>
    %concatenate3A_246 = tpu.concatenate %mul3A_244, %mul3A_245 in 0 : vector<50x128xbf16>, vector<50x128xbf16> -> vector<100x128xbf16>
    %slice3A_247 = vector.extract_strided_slice %convert_element_type3A_60 {offsets = [11, 0, 0], sizes = [1, 50, 100], strides = [1, 1, 1]} : vector<64x50x100xbf16> to vector<1x50x100xbf16>
    %squeeze3A_248 = vector.shape_cast %slice3A_247 : vector<1x50x100xbf16> to vector<50x100xbf16>
    %dot_general3A_249 = arith.constant dense<0.000000e+00> : vector<50x128xf32>
    %dot_general3A_250 = tpu.matmul %squeeze3A_248, %concatenate3A_246, %dot_general3A_249 {dimension_numbers = #tpu.dot_dimension_numbers<[1], [0], [0], [1], [0, 0, 1, 1], [], []>, transpose_lhs_hint = false} : vector<50x100xbf16>, vector<100x128xbf16>, vector<50x128xf32> -> vector<50x128xf32>
    %convert_element_type3A_251 = arith.truncf %dot_general3A_250 : vector<50x128xf32> to vector<50x128xbf16>
    %swap3A_252 = arith.constant 550 : index
    %swap3A_253 = arith.constant 0 : index
    %swap3A_254 = vector.load %arg16[%swap3A_252, %swap3A_253] : memref<3200x128xbf16, #tpu.memory_space<vmem>>, vector<50x128xbf16>
    tpu.vector_store %arg16[%swap3A_252, %swap3A_253], %convert_element_type3A_251 {strides = array<i32>} : memref<3200x128xbf16, #tpu.memory_space<vmem>>, vector<50x128xbf16>,
    %get3A_255 = arith.constant 600 : index
    %get3A_256 = arith.constant 0 : index
    %get3A_257 = vector.load %arg15[%get3A_255, %get3A_256] : memref<3200x128xbf16, #tpu.memory_space<vmem>>, vector<50x128xbf16>
    %mul3A_258 = arith.mulf %get3A_257, %convert_element_type3A_65 : vector<50x128xbf16>
    %mul3A_259 = arith.mulf %get3A_257, %convert_element_type3A_70 : vector<50x128xbf16>
    %concatenate3A_260 = tpu.concatenate %mul3A_258, %mul3A_259 in 0 : vector<50x128xbf16>, vector<50x128xbf16> -> vector<100x128xbf16>
    %slice3A_261 = vector.extract_strided_slice %convert_element_type3A_60 {offsets = [12, 0, 0], sizes = [1, 50, 100], strides = [1, 1, 1]} : vector<64x50x100xbf16> to vector<1x50x100xbf16>
    %squeeze3A_262 = vector.shape_cast %slice3A_261 : vector<1x50x100xbf16> to vector<50x100xbf16>
    %dot_general3A_263 = arith.constant dense<0.000000e+00> : vector<50x128xf32>
    %dot_general3A_264 = tpu.matmul %squeeze3A_262, %concatenate3A_260, %dot_general3A_263 {dimension_numbers = #tpu.dot_dimension_numbers<[1], [0], [0], [1], [0, 0, 1, 1], [], []>, transpose_lhs_hint = false} : vector<50x100xbf16>, vector<100x128xbf16>, vector<50x128xf32> -> vector<50x128xf32>
    %convert_element_type3A_265 = arith.truncf %dot_general3A_264 : vector<50x128xf32> to vector<50x128xbf16>
    %swap3A_266 = arith.constant 600 : index
    %swap3A_267 = arith.constant 0 : index
    %swap3A_268 = vector.load %arg16[%swap3A_266, %swap3A_267] : memref<3200x128xbf16, #tpu.memory_space<vmem>>, vector<50x128xbf16>
    tpu.vector_store %arg16[%swap3A_266, %swap3A_267], %convert_element_type3A_265 {strides = array<i32>} : memref<3200x128xbf16, #tpu.memory_space<vmem>>, vector<50x128xbf16>,
    %get3A_269 = arith.constant 650 : index
    %get3A_270 = arith.constant 0 : index
    %get3A_271 = vector.load %arg15[%get3A_269, %get3A_270] : memref<3200x128xbf16, #tpu.memory_space<vmem>>, vector<50x128xbf16>
    %mul3A_272 = arith.mulf %get3A_271, %convert_element_type3A_65 : vector<50x128xbf16>
    %mul3A_273 = arith.mulf %get3A_271, %convert_element_type3A_70 : vector<50x128xbf16>
    %concatenate3A_274 = tpu.concatenate %mul3A_272, %mul3A_273 in 0 : vector<50x128xbf16>, vector<50x128xbf16> -> vector<100x128xbf16>
    %slice3A_275 = vector.extract_strided_slice %convert_element_type3A_60 {offsets = [13, 0, 0], sizes = [1, 50, 100], strides = [1, 1, 1]} : vector<64x50x100xbf16> to vector<1x50x100xbf16>
    %squeeze3A_276 = vector.shape_cast %slice3A_275 : vector<1x50x100xbf16> to vector<50x100xbf16>
    %dot_general3A_277 = arith.constant dense<0.000000e+00> : vector<50x128xf32>
    %dot_general3A_278 = tpu.matmul %squeeze3A_276, %concatenate3A_274, %dot_general3A_277 {dimension_numbers = #tpu.dot_dimension_numbers<[1], [0], [0], [1], [0, 0, 1, 1], [], []>, transpose_lhs_hint = false} : vector<50x100xbf16>, vector<100x128xbf16>, vector<50x128xf32> -> vector<50x128xf32>
    %convert_element_type3A_279 = arith.truncf %dot_general3A_278 : vector<50x128xf32> to vector<50x128xbf16>
    %swap3A_280 = arith.constant 650 : index
    %swap3A_281 = arith.constant 0 : index
    %swap3A_282 = vector.load %arg16[%swap3A_280, %swap3A_281] : memref<3200x128xbf16, #tpu.memory_space<vmem>>, vector<50x128xbf16>
    tpu.vector_store %arg16[%swap3A_280, %swap3A_281], %convert_element_type3A_279 {strides = array<i32>} : memref<3200x128xbf16, #tpu.memory_space<vmem>>, vector<50x128xbf16>,
    %get3A_283 = arith.constant 700 : index
    %get3A_284 = arith.constant 0 : index
    %get3A_285 = vector.load %arg15[%get3A_283, %get3A_284] : memref<3200x128xbf16, #tpu.memory_space<vmem>>, vector<50x128xbf16>
    %mul3A_286 = arith.mulf %get3A_285, %convert_element_type3A_65 : vector<50x128xbf16>
    %mul3A_287 = arith.mulf %get3A_285, %convert_element_type3A_70 : vector<50x128xbf16>
    %concatenate3A_288 = tpu.concatenate %mul3A_286, %mul3A_287 in 0 : vector<50x128xbf16>, vector<50x128xbf16> -> vector<100x128xbf16>
    %slice3A_289 = vector.extract_strided_slice %convert_element_type3A_60 {offsets = [14, 0, 0], sizes = [1, 50, 100], strides = [1, 1, 1]} : vector<64x50x100xbf16> to vector<1x50x100xbf16>
    %squeeze3A_290 = vector.shape_cast %slice3A_289 : vector<1x50x100xbf16> to vector<50x100xbf16>
    %dot_general3A_291 = arith.constant dense<0.000000e+00> : vector<50x128xf32>
    %dot_general3A_292 = tpu.matmul %squeeze3A_290, %concatenate3A_288, %dot_general3A_291 {dimension_numbers = #tpu.dot_dimension_numbers<[1], [0], [0], [1], [0, 0, 1, 1], [], []>, transpose_lhs_hint = false} : vector<50x100xbf16>, vector<100x128xbf16>, vector<50x128xf32> -> vector<50x128xf32>
    %convert_element_type3A_293 = arith.truncf %dot_general3A_292 : vector<50x128xf32> to vector<50x128xbf16>
    %swap3A_294 = arith.constant 700 : index
    %swap3A_295 = arith.constant 0 : index
    %swap3A_296 = vector.load %arg16[%swap3A_294, %swap3A_295] : memref<3200x128xbf16, #tpu.memory_space<vmem>>, vector<50x128xbf16>
    tpu.vector_store %arg16[%swap3A_294, %swap3A_295], %convert_element_type3A_293 {strides = array<i32>} : memref<3200x128xbf16, #tpu.memory_space<vmem>>, vector<50x128xbf16>,
    %get3A_297 = arith.constant 750 : index
    %get3A_298 = arith.constant 0 : index
    %get3A_299 = vector.load %arg15[%get3A_297, %get3A_298] : memref<3200x128xbf16, #tpu.memory_space<vmem>>, vector<50x128xbf16>
    %mul3A_300 = arith.mulf %get3A_299, %convert_element_type3A_65 : vector<50x128xbf16>
    %mul3A_301 = arith.mulf %get3A_299, %convert_element_type3A_70 : vector<50x128xbf16>
    %concatenate3A_302 = tpu.concatenate %mul3A_300, %mul3A_301 in 0 : vector<50x128xbf16>, vector<50x128xbf16> -> vector<100x128xbf16>
    %slice3A_303 = vector.extract_strided_slice %convert_element_type3A_60 {offsets = [15, 0, 0], sizes = [1, 50, 100], strides = [1, 1, 1]} : vector<64x50x100xbf16> to vector<1x50x100xbf16>
    %squeeze3A_304 = vector.shape_cast %slice3A_303 : vector<1x50x100xbf16> to vector<50x100xbf16>
    %dot_general3A_305 = arith.constant dense<0.000000e+00> : vector<50x128xf32>
    %dot_general3A_306 = tpu.matmul %squeeze3A_304, %concatenate3A_302, %dot_general3A_305 {dimension_numbers = #tpu.dot_dimension_numbers<[1], [0], [0], [1], [0, 0, 1, 1], [], []>, transpose_lhs_hint = false} : vector<50x100xbf16>, vector<100x128xbf16>, vector<50x128xf32> -> vector<50x128xf32>
    %convert_element_type3A_307 = arith.truncf %dot_general3A_306 : vector<50x128xf32> to vector<50x128xbf16>
    %swap3A_308 = arith.constant 750 : index
    %swap3A_309 = arith.constant 0 : index
    %swap3A_310 = vector.load %arg16[%swap3A_308, %swap3A_309] : memref<3200x128xbf16, #tpu.memory_space<vmem>>, vector<50x128xbf16>
    tpu.vector_store %arg16[%swap3A_308, %swap3A_309], %convert_element_type3A_307 {strides = array<i32>} : memref<3200x128xbf16, #tpu.memory_space<vmem>>, vector<50x128xbf16>,
    %get3A_311 = arith.constant 800 : index
    %get3A_312 = arith.constant 0 : index
    %get3A_313 = vector.load %arg15[%get3A_311, %get3A_312] : memref<3200x128xbf16, #tpu.memory_space<vmem>>, vector<50x128xbf16>
    %mul3A_314 = arith.mulf %get3A_313, %convert_element_type3A_65 : vector<50x128xbf16>
    %mul3A_315 = arith.mulf %get3A_313, %convert_element_type3A_70 : vector<50x128xbf16>
    %concatenate3A_316 = tpu.concatenate %mul3A_314, %mul3A_315 in 0 : vector<50x128xbf16>, vector<50x128xbf16> -> vector<100x128xbf16>
    %slice3A_317 = vector.extract_strided_slice %convert_element_type3A_60 {offsets = [16, 0, 0], sizes = [1, 50, 100], strides = [1, 1, 1]} : vector<64x50x100xbf16> to vector<1x50x100xbf16>
    %squeeze3A_318 = vector.shape_cast %slice3A_317 : vector<1x50x100xbf16> to vector<50x100xbf16>
    %dot_general3A_319 = arith.constant dense<0.000000e+00> : vector<50x128xf32>
    %dot_general3A_320 = tpu.matmul %squeeze3A_318, %concatenate3A_316, %dot_general3A_319 {dimension_numbers = #tpu.dot_dimension_numbers<[1], [0], [0], [1], [0, 0, 1, 1], [], []>, transpose_lhs_hint = false} : vector<50x100xbf16>, vector<100x128xbf16>, vector<50x128xf32> -> vector<50x128xf32>
    %convert_element_type3A_321 = arith.truncf %dot_general3A_320 : vector<50x128xf32> to vector<50x128xbf16>
    %swap3A_322 = arith.constant 800 : index
    %swap3A_323 = arith.constant 0 : index
    %swap3A_324 = vector.load %arg16[%swap3A_322, %swap3A_323] : memref<3200x128xbf16, #tpu.memory_space<vmem>>, vector<50x128xbf16>
    tpu.vector_store %arg16[%swap3A_322, %swap3A_323], %convert_element_type3A_321 {strides = array<i32>} : memref<3200x128xbf16, #tpu.memory_space<vmem>>, vector<50x128xbf16>,
    %get3A_325 = arith.constant 850 : index
    %get3A_326 = arith.constant 0 : index
    %get3A_327 = vector.load %arg15[%get3A_325, %get3A_326] : memref<3200x128xbf16, #tpu.memory_space<vmem>>, vector<50x128xbf16>
    %mul3A_328 = arith.mulf %get3A_327, %convert_element_type3A_65 : vector<50x128xbf16>
    %mul3A_329 = arith.mulf %get3A_327, %convert_element_type3A_70 : vector<50x128xbf16>
    %concatenate3A_330 = tpu.concatenate %mul3A_328, %mul3A_329 in 0 : vector<50x128xbf16>, vector<50x128xbf16> -> vector<100x128xbf16>
    %slice3A_331 = vector.extract_strided_slice %convert_element_type3A_60 {offsets = [17, 0, 0], sizes = [1, 50, 100], strides = [1, 1, 1]} : vector<64x50x100xbf16> to vector<1x50x100xbf16>
    %squeeze3A_332 = vector.shape_cast %slice3A_331 : vector<1x50x100xbf16> to vector<50x100xbf16>
    %dot_general3A_333 = arith.constant dense<0.000000e+00> : vector<50x128xf32>
    %dot_general3A_334 = tpu.matmul %squeeze3A_332, %concatenate3A_330, %dot_general3A_333 {dimension_numbers = #tpu.dot_dimension_numbers<[1], [0], [0], [1], [0, 0, 1, 1], [], []>, transpose_lhs_hint = false} : vector<50x100xbf16>, vector<100x128xbf16>, vector<50x128xf32> -> vector<50x128xf32>
    %convert_element_type3A_335 = arith.truncf %dot_general3A_334 : vector<50x128xf32> to vector<50x128xbf16>
    %swap3A_336 = arith.constant 850 : index
    %swap3A_337 = arith.constant 0 : index
    %swap3A_338 = vector.load %arg16[%swap3A_336, %swap3A_337] : memref<3200x128xbf16, #tpu.memory_space<vmem>>, vector<50x128xbf16>
    tpu.vector_store %arg16[%swap3A_336, %swap3A_337], %convert_element_type3A_335 {strides = array<i32>} : memref<3200x128xbf16, #tpu.memory_space<vmem>>, vector<50x128xbf16>,
    %get3A_339 = arith.constant 900 : index
    %get3A_340 = arith.constant 0 : index
    %get3A_341 = vector.load %arg15[%get3A_339, %get3A_340] : memref<3200x128xbf16, #tpu.memory_space<vmem>>, vector<50x128xbf16>
    %mul3A_342 = arith.mulf %get3A_341, %convert_element_type3A_65 : vector<50x128xbf16>
    %mul3A_343 = arith.mulf %get3A_341, %convert_element_type3A_70 : vector<50x128xbf16>
    %concatenate3A_344 = tpu.concatenate %mul3A_342, %mul3A_343 in 0 : vector<50x128xbf16>, vector<50x128xbf16> -> vector<100x128xbf16>
    %slice3A_345 = vector.extract_strided_slice %convert_element_type3A_60 {offsets = [18, 0, 0], sizes = [1, 50, 100], strides = [1, 1, 1]} : vector<64x50x100xbf16> to vector<1x50x100xbf16>
    %squeeze3A_346 = vector.shape_cast %slice3A_345 : vector<1x50x100xbf16> to vector<50x100xbf16>
    %dot_general3A_347 = arith.constant dense<0.000000e+00> : vector<50x128xf32>
    %dot_general3A_348 = tpu.matmul %squeeze3A_346, %concatenate3A_344, %dot_general3A_347 {dimension_numbers = #tpu.dot_dimension_numbers<[1], [0], [0], [1], [0, 0, 1, 1], [], []>, transpose_lhs_hint = false} : vector<50x100xbf16>, vector<100x128xbf16>, vector<50x128xf32> -> vector<50x128xf32>
    %convert_element_type3A_349 = arith.truncf %dot_general3A_348 : vector<50x128xf32> to vector<50x128xbf16>
    %swap3A_350 = arith.constant 900 : index
    %swap3A_351 = arith.constant 0 : index
    %swap3A_352 = vector.load %arg16[%swap3A_350, %swap3A_351] : memref<3200x128xbf16, #tpu.memory_space<vmem>>, vector<50x128xbf16>
    tpu.vector_store %arg16[%swap3A_350, %swap3A_351], %convert_element_type3A_349 {strides = array<i32>} : memref<3200x128xbf16, #tpu.memory_space<vmem>>, vector<50x128xbf16>,
    %get3A_353 = arith.constant 950 : index
    %get3A_354 = arith.constant 0 : index
    %get3A_355 = vector.load %arg15[%get3A_353, %get3A_354] : memref<3200x128xbf16, #tpu.memory_space<vmem>>, vector<50x128xbf16>
    %mul3A_356 = arith.mulf %get3A_355, %convert_element_type3A_65 : vector<50x128xbf16>
    %mul3A_357 = arith.mulf %get3A_355, %convert_element_type3A_70 : vector<50x128xbf16>
    %concatenate3A_358 = tpu.concatenate %mul3A_356, %mul3A_357 in 0 : vector<50x128xbf16>, vector<50x128xbf16> -> vector<100x128xbf16>
    %slice3A_359 = vector.extract_strided_slice %convert_element_type3A_60 {offsets = [19, 0, 0], sizes = [1, 50, 100], strides = [1, 1, 1]} : vector<64x50x100xbf16> to vector<1x50x100xbf16>
    %squeeze3A_360 = vector.shape_cast %slice3A_359 : vector<1x50x100xbf16> to vector<50x100xbf16>
    %dot_general3A_361 = arith.constant dense<0.000000e+00> : vector<50x128xf32>
    %dot_general3A_362 = tpu.matmul %squeeze3A_360, %concatenate3A_358, %dot_general3A_361 {dimension_numbers = #tpu.dot_dimension_numbers<[1], [0], [0], [1], [0, 0, 1, 1], [], []>, transpose_lhs_hint = false} : vector<50x100xbf16>, vector<100x128xbf16>, vector<50x128xf32> -> vector<50x128xf32>
    %convert_element_type3A_363 = arith.truncf %dot_general3A_362 : vector<50x128xf32> to vector<50x128xbf16>
    %swap3A_364 = arith.constant 950 : index
    %swap3A_365 = arith.constant 0 : index
    %swap3A_366 = vector.load %arg16[%swap3A_364, %swap3A_365] : memref<3200x128xbf16, #tpu.memory_space<vmem>>, vector<50x128xbf16>
    tpu.vector_store %arg16[%swap3A_364, %swap3A_365], %convert_element_type3A_363 {strides = array<i32>} : memref<3200x128xbf16, #tpu.memory_space<vmem>>, vector<50x128xbf16>,
    %get3A_367 = arith.constant 1000 : index
    %get3A_368 = arith.constant 0 : index
    %get3A_369 = vector.load %arg15[%get3A_367, %get3A_368] : memref<3200x128xbf16, #tpu.memory_space<vmem>>, vector<50x128xbf16>
    %mul3A_370 = arith.mulf %get3A_369, %convert_element_type3A_65 : vector<50x128xbf16>
    %mul3A_371 = arith.mulf %get3A_369, %convert_element_type3A_70 : vector<50x128xbf16>
    %concatenate3A_372 = tpu.concatenate %mul3A_370, %mul3A_371 in 0 : vector<50x128xbf16>, vector<50x128xbf16> -> vector<100x128xbf16>
    %slice3A_373 = vector.extract_strided_slice %convert_element_type3A_60 {offsets = [20, 0, 0], sizes = [1, 50, 100], strides = [1, 1, 1]} : vector<64x50x100xbf16> to vector<1x50x100xbf16>
    %squeeze3A_374 = vector.shape_cast %slice3A_373 : vector<1x50x100xbf16> to vector<50x100xbf16>
    %dot_general3A_375 = arith.constant dense<0.000000e+00> : vector<50x128xf32>
    %dot_general3A_376 = tpu.matmul %squeeze3A_374, %concatenate3A_372, %dot_general3A_375 {dimension_numbers = #tpu.dot_dimension_numbers<[1], [0], [0], [1], [0, 0, 1, 1], [], []>, transpose_lhs_hint = false} : vector<50x100xbf16>, vector<100x128xbf16>, vector<50x128xf32> -> vector<50x128xf32>
    %convert_element_type3A_377 = arith.truncf %dot_general3A_376 : vector<50x128xf32> to vector<50x128xbf16>
    %swap3A_378 = arith.constant 1000 : index
    %swap3A_379 = arith.constant 0 : index
    %swap3A_380 = vector.load %arg16[%swap3A_378, %swap3A_379] : memref<3200x128xbf16, #tpu.memory_space<vmem>>, vector<50x128xbf16>
    tpu.vector_store %arg16[%swap3A_378, %swap3A_379], %convert_element_type3A_377 {strides = array<i32>} : memref<3200x128xbf16, #tpu.memory_space<vmem>>, vector<50x128xbf16>,
    %get3A_381 = arith.constant 1050 : index
    %get3A_382 = arith.constant 0 : index
    %get3A_383 = vector.load %arg15[%get3A_381, %get3A_382] : memref<3200x128xbf16, #tpu.memory_space<vmem>>, vector<50x128xbf16>
    %mul3A_384 = arith.mulf %get3A_383, %convert_element_type3A_65 : vector<50x128xbf16>
    %mul3A_385 = arith.mulf %get3A_383, %convert_element_type3A_70 : vector<50x128xbf16>
    %concatenate3A_386 = tpu.concatenate %mul3A_384, %mul3A_385 in 0 : vector<50x128xbf16>, vector<50x128xbf16> -> vector<100x128xbf16>
    %slice3A_387 = vector.extract_strided_slice %convert_element_type3A_60 {offsets = [21, 0, 0], sizes = [1, 50, 100], strides = [1, 1, 1]} : vector<64x50x100xbf16> to vector<1x50x100xbf16>
    %squeeze3A_388 = vector.shape_cast %slice3A_387 : vector<1x50x100xbf16> to vector<50x100xbf16>
    %dot_general3A_389 = arith.constant dense<0.000000e+00> : vector<50x128xf32>
    %dot_general3A_390 = tpu.matmul %squeeze3A_388, %concatenate3A_386, %dot_general3A_389 {dimension_numbers = #tpu.dot_dimension_numbers<[1], [0], [0], [1], [0, 0, 1, 1], [], []>, transpose_lhs_hint = false} : vector<50x100xbf16>, vector<100x128xbf16>, vector<50x128xf32> -> vector<50x128xf32>
    %convert_element_type3A_391 = arith.truncf %dot_general3A_390 : vector<50x128xf32> to vector<50x128xbf16>
    %swap3A_392 = arith.constant 1050 : index
    %swap3A_393 = arith.constant 0 : index
    %swap3A_394 = vector.load %arg16[%swap3A_392, %swap3A_393] : memref<3200x128xbf16, #tpu.memory_space<vmem>>, vector<50x128xbf16>
    tpu.vector_store %arg16[%swap3A_392, %swap3A_393], %convert_element_type3A_391 {strides = array<i32>} : memref<3200x128xbf16, #tpu.memory_space<vmem>>, vector<50x128xbf16>,
    %get3A_395 = arith.constant 1100 : index
    %get3A_396 = arith.constant 0 : index
    %get3A_397 = vector.load %arg15[%get3A_395, %get3A_396] : memref<3200x128xbf16, #tpu.memory_space<vmem>>, vector<50x128xbf16>
    %mul3A_398 = arith.mulf %get3A_397, %convert_element_type3A_65 : vector<50x128xbf16>
    %mul3A_399 = arith.mulf %get3A_397, %convert_element_type3A_70 : vector<50x128xbf16>
    %concatenate3A_400 = tpu.concatenate %mul3A_398, %mul3A_399 in 0 : vector<50x128xbf16>, vector<50x128xbf16> -> vector<100x128xbf16>
    %slice3A_401 = vector.extract_strided_slice %convert_element_type3A_60 {offsets = [22, 0, 0], sizes = [1, 50, 100], strides = [1, 1, 1]} : vector<64x50x100xbf16> to vector<1x50x100xbf16>
    %squeeze3A_402 = vector.shape_cast %slice3A_401 : vector<1x50x100xbf16> to vector<50x100xbf16>
    %dot_general3A_403 = arith.constant dense<0.000000e+00> : vector<50x128xf32>
    %dot_general3A_404 = tpu.matmul %squeeze3A_402, %concatenate3A_400, %dot_general3A_403 {dimension_numbers = #tpu.dot_dimension_numbers<[1], [0], [0], [1], [0, 0, 1, 1], [], []>, transpose_lhs_hint = false} : vector<50x100xbf16>, vector<100x128xbf16>, vector<50x128xf32> -> vector<50x128xf32>
    %convert_element_type3A_405 = arith.truncf %dot_general3A_404 : vector<50x128xf32> to vector<50x128xbf16>
    %swap3A_406 = arith.constant 1100 : index
    %swap3A_407 = arith.constant 0 : index
    %swap3A_408 = vector.load %arg16[%swap3A_406, %swap3A_407] : memref<3200x128xbf16, #tpu.memory_space<vmem>>, vector<50x128xbf16>
    tpu.vector_store %arg16[%swap3A_406, %swap3A_407], %convert_element_type3A_405 {strides = array<i32>} : memref<3200x128xbf16, #tpu.memory_space<vmem>>, vector<50x128xbf16>,
    %get3A_409 = arith.constant 1150 : index
    %get3A_410 = arith.constant 0 : index
    %get3A_411 = vector.load %arg15[%get3A_409, %get3A_410] : memref<3200x128xbf16, #tpu.memory_space<vmem>>, vector<50x128xbf16>
    %mul3A_412 = arith.mulf %get3A_411, %convert_element_type3A_65 : vector<50x128xbf16>
    %mul3A_413 = arith.mulf %get3A_411, %convert_element_type3A_70 : vector<50x128xbf16>
    %concatenate3A_414 = tpu.concatenate %mul3A_412, %mul3A_413 in 0 : vector<50x128xbf16>, vector<50x128xbf16> -> vector<100x128xbf16>
    %slice3A_415 = vector.extract_strided_slice %convert_element_type3A_60 {offsets = [23, 0, 0], sizes = [1, 50, 100], strides = [1, 1, 1]} : vector<64x50x100xbf16> to vector<1x50x100xbf16>
    %squeeze3A_416 = vector.shape_cast %slice3A_415 : vector<1x50x100xbf16> to vector<50x100xbf16>
    %dot_general3A_417 = arith.constant dense<0.000000e+00> : vector<50x128xf32>
    %dot_general3A_418 = tpu.matmul %squeeze3A_416, %concatenate3A_414, %dot_general3A_417 {dimension_numbers = #tpu.dot_dimension_numbers<[1], [0], [0], [1], [0, 0, 1, 1], [], []>, transpose_lhs_hint = false} : vector<50x100xbf16>, vector<100x128xbf16>, vector<50x128xf32> -> vector<50x128xf32>
    %convert_element_type3A_419 = arith.truncf %dot_general3A_418 : vector<50x128xf32> to vector<50x128xbf16>
    %swap3A_420 = arith.constant 1150 : index
    %swap3A_421 = arith.constant 0 : index
    %swap3A_422 = vector.load %arg16[%swap3A_420, %swap3A_421] : memref<3200x128xbf16, #tpu.memory_space<vmem>>, vector<50x128xbf16>
    tpu.vector_store %arg16[%swap3A_420, %swap3A_421], %convert_element_type3A_419 {strides = array<i32>} : memref<3200x128xbf16, #tpu.memory_space<vmem>>, vector<50x128xbf16>,
    %get3A_423 = arith.constant 1200 : index
    %get3A_424 = arith.constant 0 : index
    %get3A_425 = vector.load %arg15[%get3A_423, %get3A_424] : memref<3200x128xbf16, #tpu.memory_space<vmem>>, vector<50x128xbf16>
    %mul3A_426 = arith.mulf %get3A_425, %convert_element_type3A_65 : vector<50x128xbf16>
    %mul3A_427 = arith.mulf %get3A_425, %convert_element_type3A_70 : vector<50x128xbf16>
    %concatenate3A_428 = tpu.concatenate %mul3A_426, %mul3A_427 in 0 : vector<50x128xbf16>, vector<50x128xbf16> -> vector<100x128xbf16>
    %slice3A_429 = vector.extract_strided_slice %convert_element_type3A_60 {offsets = [24, 0, 0], sizes = [1, 50, 100], strides = [1, 1, 1]} : vector<64x50x100xbf16> to vector<1x50x100xbf16>
    %squeeze3A_430 = vector.shape_cast %slice3A_429 : vector<1x50x100xbf16> to vector<50x100xbf16>
    %dot_general3A_431 = arith.constant dense<0.000000e+00> : vector<50x128xf32>
    %dot_general3A_432 = tpu.matmul %squeeze3A_430, %concatenate3A_428, %dot_general3A_431 {dimension_numbers = #tpu.dot_dimension_numbers<[1], [0], [0], [1], [0, 0, 1, 1], [], []>, transpose_lhs_hint = false} : vector<50x100xbf16>, vector<100x128xbf16>, vector<50x128xf32> -> vector<50x128xf32>
    %convert_element_type3A_433 = arith.truncf %dot_general3A_432 : vector<50x128xf32> to vector<50x128xbf16>
    %swap3A_434 = arith.constant 1200 : index
    %swap3A_435 = arith.constant 0 : index
    %swap3A_436 = vector.load %arg16[%swap3A_434, %swap3A_435] : memref<3200x128xbf16, #tpu.memory_space<vmem>>, vector<50x128xbf16>
    tpu.vector_store %arg16[%swap3A_434, %swap3A_435], %convert_element_type3A_433 {strides = array<i32>} : memref<3200x128xbf16, #tpu.memory_space<vmem>>, vector<50x128xbf16>,
    %get3A_437 = arith.constant 1250 : index
    %get3A_438 = arith.constant 0 : index
    %get3A_439 = vector.load %arg15[%get3A_437, %get3A_438] : memref<3200x128xbf16, #tpu.memory_space<vmem>>, vector<50x128xbf16>
    %mul3A_440 = arith.mulf %get3A_439, %convert_element_type3A_65 : vector<50x128xbf16>
    %mul3A_441 = arith.mulf %get3A_439, %convert_element_type3A_70 : vector<50x128xbf16>
    %concatenate3A_442 = tpu.concatenate %mul3A_440, %mul3A_441 in 0 : vector<50x128xbf16>, vector<50x128xbf16> -> vector<100x128xbf16>
    %slice3A_443 = vector.extract_strided_slice %convert_element_type3A_60 {offsets = [25, 0, 0], sizes = [1, 50, 100], strides = [1, 1, 1]} : vector<64x50x100xbf16> to vector<1x50x100xbf16>
    %squeeze3A_444 = vector.shape_cast %slice3A_443 : vector<1x50x100xbf16> to vector<50x100xbf16>
    %dot_general3A_445 = arith.constant dense<0.000000e+00> : vector<50x128xf32>
    %dot_general3A_446 = tpu.matmul %squeeze3A_444, %concatenate3A_442, %dot_general3A_445 {dimension_numbers = #tpu.dot_dimension_numbers<[1], [0], [0], [1], [0, 0, 1, 1], [], []>, transpose_lhs_hint = false} : vector<50x100xbf16>, vector<100x128xbf16>, vector<50x128xf32> -> vector<50x128xf32>
    %convert_element_type3A_447 = arith.truncf %dot_general3A_446 : vector<50x128xf32> to vector<50x128xbf16>
    %swap3A_448 = arith.constant 1250 : index
    %swap3A_449 = arith.constant 0 : index
    %swap3A_450 = vector.load %arg16[%swap3A_448, %swap3A_449] : memref<3200x128xbf16, #tpu.memory_space<vmem>>, vector<50x128xbf16>
    tpu.vector_store %arg16[%swap3A_448, %swap3A_449], %convert_element_type3A_447 {strides = array<i32>} : memref<3200x128xbf16, #tpu.memory_space<vmem>>, vector<50x128xbf16>,
    %get3A_451 = arith.constant 1300 : index
    %get3A_452 = arith.constant 0 : index
    %get3A_453 = vector.load %arg15[%get3A_451, %get3A_452] : memref<3200x128xbf16, #tpu.memory_space<vmem>>, vector<50x128xbf16>
    %mul3A_454 = arith.mulf %get3A_453, %convert_element_type3A_65 : vector<50x128xbf16>
    %mul3A_455 = arith.mulf %get3A_453, %convert_element_type3A_70 : vector<50x128xbf16>
    %concatenate3A_456 = tpu.concatenate %mul3A_454, %mul3A_455 in 0 : vector<50x128xbf16>, vector<50x128xbf16> -> vector<100x128xbf16>
    %slice3A_457 = vector.extract_strided_slice %convert_element_type3A_60 {offsets = [26, 0, 0], sizes = [1, 50, 100], strides = [1, 1, 1]} : vector<64x50x100xbf16> to vector<1x50x100xbf16>
    %squeeze3A_458 = vector.shape_cast %slice3A_457 : vector<1x50x100xbf16> to vector<50x100xbf16>
    %dot_general3A_459 = arith.constant dense<0.000000e+00> : vector<50x128xf32>
    %dot_general3A_460 = tpu.matmul %squeeze3A_458, %concatenate3A_456, %dot_general3A_459 {dimension_numbers = #tpu.dot_dimension_numbers<[1], [0], [0], [1], [0, 0, 1, 1], [], []>, transpose_lhs_hint = false} : vector<50x100xbf16>, vector<100x128xbf16>, vector<50x128xf32> -> vector<50x128xf32>
    %convert_element_type3A_461 = arith.truncf %dot_general3A_460 : vector<50x128xf32> to vector<50x128xbf16>
    %swap3A_462 = arith.constant 1300 : index
    %swap3A_463 = arith.constant 0 : index
    %swap3A_464 = vector.load %arg16[%swap3A_462, %swap3A_463] : memref<3200x128xbf16, #tpu.memory_space<vmem>>, vector<50x128xbf16>
    tpu.vector_store %arg16[%swap3A_462, %swap3A_463], %convert_element_type3A_461 {strides = array<i32>} : memref<3200x128xbf16, #tpu.memory_space<vmem>>, vector<50x128xbf16>,
    %get3A_465 = arith.constant 1350 : index
    %get3A_466 = arith.constant 0 : index
    %get3A_467 = vector.load %arg15[%get3A_465, %get3A_466] : memref<3200x128xbf16, #tpu.memory_space<vmem>>, vector<50x128xbf16>
    %mul3A_468 = arith.mulf %get3A_467, %convert_element_type3A_65 : vector<50x128xbf16>
    %mul3A_469 = arith.mulf %get3A_467, %convert_element_type3A_70 : vector<50x128xbf16>
    %concatenate3A_470 = tpu.concatenate %mul3A_468, %mul3A_469 in 0 : vector<50x128xbf16>, vector<50x128xbf16> -> vector<100x128xbf16>
    %slice3A_471 = vector.extract_strided_slice %convert_element_type3A_60 {offsets = [27, 0, 0], sizes = [1, 50, 100], strides = [1, 1, 1]} : vector<64x50x100xbf16> to vector<1x50x100xbf16>
    %squeeze3A_472 = vector.shape_cast %slice3A_471 : vector<1x50x100xbf16> to vector<50x100xbf16>
    %dot_general3A_473 = arith.constant dense<0.000000e+00> : vector<50x128xf32>
    %dot_general3A_474 = tpu.matmul %squeeze3A_472, %concatenate3A_470, %dot_general3A_473 {dimension_numbers = #tpu.dot_dimension_numbers<[1], [0], [0], [1], [0, 0, 1, 1], [], []>, transpose_lhs_hint = false} : vector<50x100xbf16>, vector<100x128xbf16>, vector<50x128xf32> -> vector<50x128xf32>
    %convert_element_type3A_475 = arith.truncf %dot_general3A_474 : vector<50x128xf32> to vector<50x128xbf16>
    %swap3A_476 = arith.constant 1350 : index
    %swap3A_477 = arith.constant 0 : index
    %swap3A_478 = vector.load %arg16[%swap3A_476, %swap3A_477] : memref<3200x128xbf16, #tpu.memory_space<vmem>>, vector<50x128xbf16>
    tpu.vector_store %arg16[%swap3A_476, %swap3A_477], %convert_element_type3A_475 {strides = array<i32>} : memref<3200x128xbf16, #tpu.memory_space<vmem>>, vector<50x128xbf16>,
    %get3A_479 = arith.constant 1400 : index
    %get3A_480 = arith.constant 0 : index
    %get3A_481 = vector.load %arg15[%get3A_479, %get3A_480] : memref<3200x128xbf16, #tpu.memory_space<vmem>>, vector<50x128xbf16>
    %mul3A_482 = arith.mulf %get3A_481, %convert_element_type3A_65 : vector<50x128xbf16>
    %mul3A_483 = arith.mulf %get3A_481, %convert_element_type3A_70 : vector<50x128xbf16>
    %concatenate3A_484 = tpu.concatenate %mul3A_482, %mul3A_483 in 0 : vector<50x128xbf16>, vector<50x128xbf16> -> vector<100x128xbf16>
    %slice3A_485 = vector.extract_strided_slice %convert_element_type3A_60 {offsets = [28, 0, 0], sizes = [1, 50, 100], strides = [1, 1, 1]} : vector<64x50x100xbf16> to vector<1x50x100xbf16>
    %squeeze3A_486 = vector.shape_cast %slice3A_485 : vector<1x50x100xbf16> to vector<50x100xbf16>
    %dot_general3A_487 = arith.constant dense<0.000000e+00> : vector<50x128xf32>
    %dot_general3A_488 = tpu.matmul %squeeze3A_486, %concatenate3A_484, %dot_general3A_487 {dimension_numbers = #tpu.dot_dimension_numbers<[1], [0], [0], [1], [0, 0, 1, 1], [], []>, transpose_lhs_hint = false} : vector<50x100xbf16>, vector<100x128xbf16>, vector<50x128xf32> -> vector<50x128xf32>
    %convert_element_type3A_489 = arith.truncf %dot_general3A_488 : vector<50x128xf32> to vector<50x128xbf16>
    %swap3A_490 = arith.constant 1400 : index
    %swap3A_491 = arith.constant 0 : index
    %swap3A_492 = vector.load %arg16[%swap3A_490, %swap3A_491] : memref<3200x128xbf16, #tpu.memory_space<vmem>>, vector<50x128xbf16>
    tpu.vector_store %arg16[%swap3A_490, %swap3A_491], %convert_element_type3A_489 {strides = array<i32>} : memref<3200x128xbf16, #tpu.memory_space<vmem>>, vector<50x128xbf16>,
    %get3A_493 = arith.constant 1450 : index
    %get3A_494 = arith.constant 0 : index
    %get3A_495 = vector.load %arg15[%get3A_493, %get3A_494] : memref<3200x128xbf16, #tpu.memory_space<vmem>>, vector<50x128xbf16>
    %mul3A_496 = arith.mulf %get3A_495, %convert_element_type3A_65 : vector<50x128xbf16>
    %mul3A_497 = arith.mulf %get3A_495, %convert_element_type3A_70 : vector<50x128xbf16>
    %concatenate3A_498 = tpu.concatenate %mul3A_496, %mul3A_497 in 0 : vector<50x128xbf16>, vector<50x128xbf16> -> vector<100x128xbf16>
    %slice3A_499 = vector.extract_strided_slice %convert_element_type3A_60 {offsets = [29, 0, 0], sizes = [1, 50, 100], strides = [1, 1, 1]} : vector<64x50x100xbf16> to vector<1x50x100xbf16>
    %squeeze3A_500 = vector.shape_cast %slice3A_499 : vector<1x50x100xbf16> to vector<50x100xbf16>
    %dot_general3A_501 = arith.constant dense<0.000000e+00> : vector<50x128xf32>
    %dot_general3A_502 = tpu.matmul %squeeze3A_500, %concatenate3A_498, %dot_general3A_501 {dimension_numbers = #tpu.dot_dimension_numbers<[1], [0], [0], [1], [0, 0, 1, 1], [], []>, transpose_lhs_hint = false} : vector<50x100xbf16>, vector<100x128xbf16>, vector<50x128xf32> -> vector<50x128xf32>
    %convert_element_type3A_503 = arith.truncf %dot_general3A_502 : vector<50x128xf32> to vector<50x128xbf16>
    %swap3A_504 = arith.constant 1450 : index
    %swap3A_505 = arith.constant 0 : index
    %swap3A_506 = vector.load %arg16[%swap3A_504, %swap3A_505] : memref<3200x128xbf16, #tpu.memory_space<vmem>>, vector<50x128xbf16>
    tpu.vector_store %arg16[%swap3A_504, %swap3A_505], %convert_element_type3A_503 {strides = array<i32>} : memref<3200x128xbf16, #tpu.memory_space<vmem>>, vector<50x128xbf16>,
    %get3A_507 = arith.constant 1500 : index
    %get3A_508 = arith.constant 0 : index
    %get3A_509 = vector.load %arg15[%get3A_507, %get3A_508] : memref<3200x128xbf16, #tpu.memory_space<vmem>>, vector<50x128xbf16>
    %mul3A_510 = arith.mulf %get3A_509, %convert_element_type3A_65 : vector<50x128xbf16>
    %mul3A_511 = arith.mulf %get3A_509, %convert_element_type3A_70 : vector<50x128xbf16>
    %concatenate3A_512 = tpu.concatenate %mul3A_510, %mul3A_511 in 0 : vector<50x128xbf16>, vector<50x128xbf16> -> vector<100x128xbf16>
    %slice3A_513 = vector.extract_strided_slice %convert_element_type3A_60 {offsets = [30, 0, 0], sizes = [1, 50, 100], strides = [1, 1, 1]} : vector<64x50x100xbf16> to vector<1x50x100xbf16>
    %squeeze3A_514 = vector.shape_cast %slice3A_513 : vector<1x50x100xbf16> to vector<50x100xbf16>
    %dot_general3A_515 = arith.constant dense<0.000000e+00> : vector<50x128xf32>
    %dot_general3A_516 = tpu.matmul %squeeze3A_514, %concatenate3A_512, %dot_general3A_515 {dimension_numbers = #tpu.dot_dimension_numbers<[1], [0], [0], [1], [0, 0, 1, 1], [], []>, transpose_lhs_hint = false} : vector<50x100xbf16>, vector<100x128xbf16>, vector<50x128xf32> -> vector<50x128xf32>
    %convert_element_type3A_517 = arith.truncf %dot_general3A_516 : vector<50x128xf32> to vector<50x128xbf16>
    %swap3A_518 = arith.constant 1500 : index
    %swap3A_519 = arith.constant 0 : index
    %swap3A_520 = vector.load %arg16[%swap3A_518, %swap3A_519] : memref<3200x128xbf16, #tpu.memory_space<vmem>>, vector<50x128xbf16>
    tpu.vector_store %arg16[%swap3A_518, %swap3A_519], %convert_element_type3A_517 {strides = array<i32>} : memref<3200x128xbf16, #tpu.memory_space<vmem>>, vector<50x128xbf16>,
    %get3A_521 = arith.constant 1550 : index
    %get3A_522 = arith.constant 0 : index
    %get3A_523 = vector.load %arg15[%get3A_521, %get3A_522] : memref<3200x128xbf16, #tpu.memory_space<vmem>>, vector<50x128xbf16>
    %mul3A_524 = arith.mulf %get3A_523, %convert_element_type3A_65 : vector<50x128xbf16>
    %mul3A_525 = arith.mulf %get3A_523, %convert_element_type3A_70 : vector<50x128xbf16>
    %concatenate3A_526 = tpu.concatenate %mul3A_524, %mul3A_525 in 0 : vector<50x128xbf16>, vector<50x128xbf16> -> vector<100x128xbf16>
    %slice3A_527 = vector.extract_strided_slice %convert_element_type3A_60 {offsets = [31, 0, 0], sizes = [1, 50, 100], strides = [1, 1, 1]} : vector<64x50x100xbf16> to vector<1x50x100xbf16>
    %squeeze3A_528 = vector.shape_cast %slice3A_527 : vector<1x50x100xbf16> to vector<50x100xbf16>
    %dot_general3A_529 = arith.constant dense<0.000000e+00> : vector<50x128xf32>
    %dot_general3A_530 = tpu.matmul %squeeze3A_528, %concatenate3A_526, %dot_general3A_529 {dimension_numbers = #tpu.dot_dimension_numbers<[1], [0], [0], [1], [0, 0, 1, 1], [], []>, transpose_lhs_hint = false} : vector<50x100xbf16>, vector<100x128xbf16>, vector<50x128xf32> -> vector<50x128xf32>
    %convert_element_type3A_531 = arith.truncf %dot_general3A_530 : vector<50x128xf32> to vector<50x128xbf16>
    %swap3A_532 = arith.constant 1550 : index
    %swap3A_533 = arith.constant 0 : index
    %swap3A_534 = vector.load %arg16[%swap3A_532, %swap3A_533] : memref<3200x128xbf16, #tpu.memory_space<vmem>>, vector<50x128xbf16>
    tpu.vector_store %arg16[%swap3A_532, %swap3A_533], %convert_element_type3A_531 {strides = array<i32>} : memref<3200x128xbf16, #tpu.memory_space<vmem>>, vector<50x128xbf16>,
    %get3A_535 = arith.constant 1600 : index
    %get3A_536 = arith.constant 0 : index
    %get3A_537 = vector.load %arg15[%get3A_535, %get3A_536] : memref<3200x128xbf16, #tpu.memory_space<vmem>>, vector<50x128xbf16>
    %mul3A_538 = arith.mulf %get3A_537, %convert_element_type3A_65 : vector<50x128xbf16>
    %mul3A_539 = arith.mulf %get3A_537, %convert_element_type3A_70 : vector<50x128xbf16>
    %concatenate3A_540 = tpu.concatenate %mul3A_538, %mul3A_539 in 0 : vector<50x128xbf16>, vector<50x128xbf16> -> vector<100x128xbf16>
    %slice3A_541 = vector.extract_strided_slice %convert_element_type3A_60 {offsets = [32, 0, 0], sizes = [1, 50, 100], strides = [1, 1, 1]} : vector<64x50x100xbf16> to vector<1x50x100xbf16>
    %squeeze3A_542 = vector.shape_cast %slice3A_541 : vector<1x50x100xbf16> to vector<50x100xbf16>
    %dot_general3A_543 = arith.constant dense<0.000000e+00> : vector<50x128xf32>
    %dot_general3A_544 = tpu.matmul %squeeze3A_542, %concatenate3A_540, %dot_general3A_543 {dimension_numbers = #tpu.dot_dimension_numbers<[1], [0], [0], [1], [0, 0, 1, 1], [], []>, transpose_lhs_hint = false} : vector<50x100xbf16>, vector<100x128xbf16>, vector<50x128xf32> -> vector<50x128xf32>
    %convert_element_type3A_545 = arith.truncf %dot_general3A_544 : vector<50x128xf32> to vector<50x128xbf16>
    %swap3A_546 = arith.constant 1600 : index
    %swap3A_547 = arith.constant 0 : index
    %swap3A_548 = vector.load %arg16[%swap3A_546, %swap3A_547] : memref<3200x128xbf16, #tpu.memory_space<vmem>>, vector<50x128xbf16>
    tpu.vector_store %arg16[%swap3A_546, %swap3A_547], %convert_element_type3A_545 {strides = array<i32>} : memref<3200x128xbf16, #tpu.memory_space<vmem>>, vector<50x128xbf16>,
    %get3A_549 = arith.constant 1650 : index
    %get3A_550 = arith.constant 0 : index
    %get3A_551 = vector.load %arg15[%get3A_549, %get3A_550] : memref<3200x128xbf16, #tpu.memory_space<vmem>>, vector<50x128xbf16>
    %mul3A_552 = arith.mulf %get3A_551, %convert_element_type3A_65 : vector<50x128xbf16>
    %mul3A_553 = arith.mulf %get3A_551, %convert_element_type3A_70 : vector<50x128xbf16>
    %concatenate3A_554 = tpu.concatenate %mul3A_552, %mul3A_553 in 0 : vector<50x128xbf16>, vector<50x128xbf16> -> vector<100x128xbf16>
    %slice3A_555 = vector.extract_strided_slice %convert_element_type3A_60 {offsets = [33, 0, 0], sizes = [1, 50, 100], strides = [1, 1, 1]} : vector<64x50x100xbf16> to vector<1x50x100xbf16>
    %squeeze3A_556 = vector.shape_cast %slice3A_555 : vector<1x50x100xbf16> to vector<50x100xbf16>
    %dot_general3A_557 = arith.constant dense<0.000000e+00> : vector<50x128xf32>
    %dot_general3A_558 = tpu.matmul %squeeze3A_556, %concatenate3A_554, %dot_general3A_557 {dimension_numbers = #tpu.dot_dimension_numbers<[1], [0], [0], [1], [0, 0, 1, 1], [], []>, transpose_lhs_hint = false} : vector<50x100xbf16>, vector<100x128xbf16>, vector<50x128xf32> -> vector<50x128xf32>
    %convert_element_type3A_559 = arith.truncf %dot_general3A_558 : vector<50x128xf32> to vector<50x128xbf16>
    %swap3A_560 = arith.constant 1650 : index
    %swap3A_561 = arith.constant 0 : index
    %swap3A_562 = vector.load %arg16[%swap3A_560, %swap3A_561] : memref<3200x128xbf16, #tpu.memory_space<vmem>>, vector<50x128xbf16>
    tpu.vector_store %arg16[%swap3A_560, %swap3A_561], %convert_element_type3A_559 {strides = array<i32>} : memref<3200x128xbf16, #tpu.memory_space<vmem>>, vector<50x128xbf16>,
    %get3A_563 = arith.constant 1700 : index
    %get3A_564 = arith.constant 0 : index
    %get3A_565 = vector.load %arg15[%get3A_563, %get3A_564] : memref<3200x128xbf16, #tpu.memory_space<vmem>>, vector<50x128xbf16>
    %mul3A_566 = arith.mulf %get3A_565, %convert_element_type3A_65 : vector<50x128xbf16>
    %mul3A_567 = arith.mulf %get3A_565, %convert_element_type3A_70 : vector<50x128xbf16>
    %concatenate3A_568 = tpu.concatenate %mul3A_566, %mul3A_567 in 0 : vector<50x128xbf16>, vector<50x128xbf16> -> vector<100x128xbf16>
    %slice3A_569 = vector.extract_strided_slice %convert_element_type3A_60 {offsets = [34, 0, 0], sizes = [1, 50, 100], strides = [1, 1, 1]} : vector<64x50x100xbf16> to vector<1x50x100xbf16>
    %squeeze3A_570 = vector.shape_cast %slice3A_569 : vector<1x50x100xbf16> to vector<50x100xbf16>
    %dot_general3A_571 = arith.constant dense<0.000000e+00> : vector<50x128xf32>
    %dot_general3A_572 = tpu.matmul %squeeze3A_570, %concatenate3A_568, %dot_general3A_571 {dimension_numbers = #tpu.dot_dimension_numbers<[1], [0], [0], [1], [0, 0, 1, 1], [], []>, transpose_lhs_hint = false} : vector<50x100xbf16>, vector<100x128xbf16>, vector<50x128xf32> -> vector<50x128xf32>
    %convert_element_type3A_573 = arith.truncf %dot_general3A_572 : vector<50x128xf32> to vector<50x128xbf16>
    %swap3A_574 = arith.constant 1700 : index
    %swap3A_575 = arith.constant 0 : index
    %swap3A_576 = vector.load %arg16[%swap3A_574, %swap3A_575] : memref<3200x128xbf16, #tpu.memory_space<vmem>>, vector<50x128xbf16>
    tpu.vector_store %arg16[%swap3A_574, %swap3A_575], %convert_element_type3A_573 {strides = array<i32>} : memref<3200x128xbf16, #tpu.memory_space<vmem>>, vector<50x128xbf16>,
    %get3A_577 = arith.constant 1750 : index
    %get3A_578 = arith.constant 0 : index
    %get3A_579 = vector.load %arg15[%get3A_577, %get3A_578] : memref<3200x128xbf16, #tpu.memory_space<vmem>>, vector<50x128xbf16>
    %mul3A_580 = arith.mulf %get3A_579, %convert_element_type3A_65 : vector<50x128xbf16>
    %mul3A_581 = arith.mulf %get3A_579, %convert_element_type3A_70 : vector<50x128xbf16>
    %concatenate3A_582 = tpu.concatenate %mul3A_580, %mul3A_581 in 0 : vector<50x128xbf16>, vector<50x128xbf16> -> vector<100x128xbf16>
    %slice3A_583 = vector.extract_strided_slice %convert_element_type3A_60 {offsets = [35, 0, 0], sizes = [1, 50, 100], strides = [1, 1, 1]} : vector<64x50x100xbf16> to vector<1x50x100xbf16>
    %squeeze3A_584 = vector.shape_cast %slice3A_583 : vector<1x50x100xbf16> to vector<50x100xbf16>
    %dot_general3A_585 = arith.constant dense<0.000000e+00> : vector<50x128xf32>
    %dot_general3A_586 = tpu.matmul %squeeze3A_584, %concatenate3A_582, %dot_general3A_585 {dimension_numbers = #tpu.dot_dimension_numbers<[1], [0], [0], [1], [0, 0, 1, 1], [], []>, transpose_lhs_hint = false} : vector<50x100xbf16>, vector<100x128xbf16>, vector<50x128xf32> -> vector<50x128xf32>
    %convert_element_type3A_587 = arith.truncf %dot_general3A_586 : vector<50x128xf32> to vector<50x128xbf16>
    %swap3A_588 = arith.constant 1750 : index
    %swap3A_589 = arith.constant 0 : index
    %swap3A_590 = vector.load %arg16[%swap3A_588, %swap3A_589] : memref<3200x128xbf16, #tpu.memory_space<vmem>>, vector<50x128xbf16>
    tpu.vector_store %arg16[%swap3A_588, %swap3A_589], %convert_element_type3A_587 {strides = array<i32>} : memref<3200x128xbf16, #tpu.memory_space<vmem>>, vector<50x128xbf16>,
    %get3A_591 = arith.constant 1800 : index
    %get3A_592 = arith.constant 0 : index
    %get3A_593 = vector.load %arg15[%get3A_591, %get3A_592] : memref<3200x128xbf16, #tpu.memory_space<vmem>>, vector<50x128xbf16>
    %mul3A_594 = arith.mulf %get3A_593, %convert_element_type3A_65 : vector<50x128xbf16>
    %mul3A_595 = arith.mulf %get3A_593, %convert_element_type3A_70 : vector<50x128xbf16>
    %concatenate3A_596 = tpu.concatenate %mul3A_594, %mul3A_595 in 0 : vector<50x128xbf16>, vector<50x128xbf16> -> vector<100x128xbf16>
    %slice3A_597 = vector.extract_strided_slice %convert_element_type3A_60 {offsets = [36, 0, 0], sizes = [1, 50, 100], strides = [1, 1, 1]} : vector<64x50x100xbf16> to vector<1x50x100xbf16>
    %squeeze3A_598 = vector.shape_cast %slice3A_597 : vector<1x50x100xbf16> to vector<50x100xbf16>
    %dot_general3A_599 = arith.constant dense<0.000000e+00> : vector<50x128xf32>
    %dot_general3A_600 = tpu.matmul %squeeze3A_598, %concatenate3A_596, %dot_general3A_599 {dimension_numbers = #tpu.dot_dimension_numbers<[1], [0], [0], [1], [0, 0, 1, 1], [], []>, transpose_lhs_hint = false} : vector<50x100xbf16>, vector<100x128xbf16>, vector<50x128xf32> -> vector<50x128xf32>
    %convert_element_type3A_601 = arith.truncf %dot_general3A_600 : vector<50x128xf32> to vector<50x128xbf16>
    %swap3A_602 = arith.constant 1800 : index
    %swap3A_603 = arith.constant 0 : index
    %swap3A_604 = vector.load %arg16[%swap3A_602, %swap3A_603] : memref<3200x128xbf16, #tpu.memory_space<vmem>>, vector<50x128xbf16>
    tpu.vector_store %arg16[%swap3A_602, %swap3A_603], %convert_element_type3A_601 {strides = array<i32>} : memref<3200x128xbf16, #tpu.memory_space<vmem>>, vector<50x128xbf16>,
    %get3A_605 = arith.constant 1850 : index
    %get3A_606 = arith.constant 0 : index
    %get3A_607 = vector.load %arg15[%get3A_605, %get3A_606] : memref<3200x128xbf16, #tpu.memory_space<vmem>>, vector<50x128xbf16>
    %mul3A_608 = arith.mulf %get3A_607, %convert_element_type3A_65 : vector<50x128xbf16>
    %mul3A_609 = arith.mulf %get3A_607, %convert_element_type3A_70 : vector<50x128xbf16>
    %concatenate3A_610 = tpu.concatenate %mul3A_608, %mul3A_609 in 0 : vector<50x128xbf16>, vector<50x128xbf16> -> vector<100x128xbf16>
    %slice3A_611 = vector.extract_strided_slice %convert_element_type3A_60 {offsets = [37, 0, 0], sizes = [1, 50, 100], strides = [1, 1, 1]} : vector<64x50x100xbf16> to vector<1x50x100xbf16>
    %squeeze3A_612 = vector.shape_cast %slice3A_611 : vector<1x50x100xbf16> to vector<50x100xbf16>
    %dot_general3A_613 = arith.constant dense<0.000000e+00> : vector<50x128xf32>
    %dot_general3A_614 = tpu.matmul %squeeze3A_612, %concatenate3A_610, %dot_general3A_613 {dimension_numbers = #tpu.dot_dimension_numbers<[1], [0], [0], [1], [0, 0, 1, 1], [], []>, transpose_lhs_hint = false} : vector<50x100xbf16>, vector<100x128xbf16>, vector<50x128xf32> -> vector<50x128xf32>
    %convert_element_type3A_615 = arith.truncf %dot_general3A_614 : vector<50x128xf32> to vector<50x128xbf16>
    %swap3A_616 = arith.constant 1850 : index
    %swap3A_617 = arith.constant 0 : index
    %swap3A_618 = vector.load %arg16[%swap3A_616, %swap3A_617] : memref<3200x128xbf16, #tpu.memory_space<vmem>>, vector<50x128xbf16>
    tpu.vector_store %arg16[%swap3A_616, %swap3A_617], %convert_element_type3A_615 {strides = array<i32>} : memref<3200x128xbf16, #tpu.memory_space<vmem>>, vector<50x128xbf16>,
    %get3A_619 = arith.constant 1900 : index
    %get3A_620 = arith.constant 0 : index
    %get3A_621 = vector.load %arg15[%get3A_619, %get3A_620] : memref<3200x128xbf16, #tpu.memory_space<vmem>>, vector<50x128xbf16>
    %mul3A_622 = arith.mulf %get3A_621, %convert_element_type3A_65 : vector<50x128xbf16>
    %mul3A_623 = arith.mulf %get3A_621, %convert_element_type3A_70 : vector<50x128xbf16>
    %concatenate3A_624 = tpu.concatenate %mul3A_622, %mul3A_623 in 0 : vector<50x128xbf16>, vector<50x128xbf16> -> vector<100x128xbf16>
    %slice3A_625 = vector.extract_strided_slice %convert_element_type3A_60 {offsets = [38, 0, 0], sizes = [1, 50, 100], strides = [1, 1, 1]} : vector<64x50x100xbf16> to vector<1x50x100xbf16>
    %squeeze3A_626 = vector.shape_cast %slice3A_625 : vector<1x50x100xbf16> to vector<50x100xbf16>
    %dot_general3A_627 = arith.constant dense<0.000000e+00> : vector<50x128xf32>
    %dot_general3A_628 = tpu.matmul %squeeze3A_626, %concatenate3A_624, %dot_general3A_627 {dimension_numbers = #tpu.dot_dimension_numbers<[1], [0], [0], [1], [0, 0, 1, 1], [], []>, transpose_lhs_hint = false} : vector<50x100xbf16>, vector<100x128xbf16>, vector<50x128xf32> -> vector<50x128xf32>
    %convert_element_type3A_629 = arith.truncf %dot_general3A_628 : vector<50x128xf32> to vector<50x128xbf16>
    %swap3A_630 = arith.constant 1900 : index
    %swap3A_631 = arith.constant 0 : index
    %swap3A_632 = vector.load %arg16[%swap3A_630, %swap3A_631] : memref<3200x128xbf16, #tpu.memory_space<vmem>>, vector<50x128xbf16>
    tpu.vector_store %arg16[%swap3A_630, %swap3A_631], %convert_element_type3A_629 {strides = array<i32>} : memref<3200x128xbf16, #tpu.memory_space<vmem>>, vector<50x128xbf16>,
    %get3A_633 = arith.constant 1950 : index
    %get3A_634 = arith.constant 0 : index
    %get3A_635 = vector.load %arg15[%get3A_633, %get3A_634] : memref<3200x128xbf16, #tpu.memory_space<vmem>>, vector<50x128xbf16>
    %mul3A_636 = arith.mulf %get3A_635, %convert_element_type3A_65 : vector<50x128xbf16>
    %mul3A_637 = arith.mulf %get3A_635, %convert_element_type3A_70 : vector<50x128xbf16>
    %concatenate3A_638 = tpu.concatenate %mul3A_636, %mul3A_637 in 0 : vector<50x128xbf16>, vector<50x128xbf16> -> vector<100x128xbf16>
    %slice3A_639 = vector.extract_strided_slice %convert_element_type3A_60 {offsets = [39, 0, 0], sizes = [1, 50, 100], strides = [1, 1, 1]} : vector<64x50x100xbf16> to vector<1x50x100xbf16>
    %squeeze3A_640 = vector.shape_cast %slice3A_639 : vector<1x50x100xbf16> to vector<50x100xbf16>
    %dot_general3A_641 = arith.constant dense<0.000000e+00> : vector<50x128xf32>
    %dot_general3A_642 = tpu.matmul %squeeze3A_640, %concatenate3A_638, %dot_general3A_641 {dimension_numbers = #tpu.dot_dimension_numbers<[1], [0], [0], [1], [0, 0, 1, 1], [], []>, transpose_lhs_hint = false} : vector<50x100xbf16>, vector<100x128xbf16>, vector<50x128xf32> -> vector<50x128xf32>
    %convert_element_type3A_643 = arith.truncf %dot_general3A_642 : vector<50x128xf32> to vector<50x128xbf16>
    %swap3A_644 = arith.constant 1950 : index
    %swap3A_645 = arith.constant 0 : index
    %swap3A_646 = vector.load %arg16[%swap3A_644, %swap3A_645] : memref<3200x128xbf16, #tpu.memory_space<vmem>>, vector<50x128xbf16>
    tpu.vector_store %arg16[%swap3A_644, %swap3A_645], %convert_element_type3A_643 {strides = array<i32>} : memref<3200x128xbf16, #tpu.memory_space<vmem>>, vector<50x128xbf16>,
    %get3A_647 = arith.constant 2000 : index
    %get3A_648 = arith.constant 0 : index
    %get3A_649 = vector.load %arg15[%get3A_647, %get3A_648] : memref<3200x128xbf16, #tpu.memory_space<vmem>>, vector<50x128xbf16>
    %mul3A_650 = arith.mulf %get3A_649, %convert_element_type3A_65 : vector<50x128xbf16>
    %mul3A_651 = arith.mulf %get3A_649, %convert_element_type3A_70 : vector<50x128xbf16>
    %concatenate3A_652 = tpu.concatenate %mul3A_650, %mul3A_651 in 0 : vector<50x128xbf16>, vector<50x128xbf16> -> vector<100x128xbf16>
    %slice3A_653 = vector.extract_strided_slice %convert_element_type3A_60 {offsets = [40, 0, 0], sizes = [1, 50, 100], strides = [1, 1, 1]} : vector<64x50x100xbf16> to vector<1x50x100xbf16>
    %squeeze3A_654 = vector.shape_cast %slice3A_653 : vector<1x50x100xbf16> to vector<50x100xbf16>
    %dot_general3A_655 = arith.constant dense<0.000000e+00> : vector<50x128xf32>
    %dot_general3A_656 = tpu.matmul %squeeze3A_654, %concatenate3A_652, %dot_general3A_655 {dimension_numbers = #tpu.dot_dimension_numbers<[1], [0], [0], [1], [0, 0, 1, 1], [], []>, transpose_lhs_hint = false} : vector<50x100xbf16>, vector<100x128xbf16>, vector<50x128xf32> -> vector<50x128xf32>
    %convert_element_type3A_657 = arith.truncf %dot_general3A_656 : vector<50x128xf32> to vector<50x128xbf16>
    %swap3A_658 = arith.constant 2000 : index
    %swap3A_659 = arith.constant 0 : index
    %swap3A_660 = vector.load %arg16[%swap3A_658, %swap3A_659] : memref<3200x128xbf16, #tpu.memory_space<vmem>>, vector<50x128xbf16>
    tpu.vector_store %arg16[%swap3A_658, %swap3A_659], %convert_element_type3A_657 {strides = array<i32>} : memref<3200x128xbf16, #tpu.memory_space<vmem>>, vector<50x128xbf16>,
    %get3A_661 = arith.constant 2050 : index
    %get3A_662 = arith.constant 0 : index
    %get3A_663 = vector.load %arg15[%get3A_661, %get3A_662] : memref<3200x128xbf16, #tpu.memory_space<vmem>>, vector<50x128xbf16>
    %mul3A_664 = arith.mulf %get3A_663, %convert_element_type3A_65 : vector<50x128xbf16>
    %mul3A_665 = arith.mulf %get3A_663, %convert_element_type3A_70 : vector<50x128xbf16>
    %concatenate3A_666 = tpu.concatenate %mul3A_664, %mul3A_665 in 0 : vector<50x128xbf16>, vector<50x128xbf16> -> vector<100x128xbf16>
    %slice3A_667 = vector.extract_strided_slice %convert_element_type3A_60 {offsets = [41, 0, 0], sizes = [1, 50, 100], strides = [1, 1, 1]} : vector<64x50x100xbf16> to vector<1x50x100xbf16>
    %squeeze3A_668 = vector.shape_cast %slice3A_667 : vector<1x50x100xbf16> to vector<50x100xbf16>
    %dot_general3A_669 = arith.constant dense<0.000000e+00> : vector<50x128xf32>
    %dot_general3A_670 = tpu.matmul %squeeze3A_668, %concatenate3A_666, %dot_general3A_669 {dimension_numbers = #tpu.dot_dimension_numbers<[1], [0], [0], [1], [0, 0, 1, 1], [], []>, transpose_lhs_hint = false} : vector<50x100xbf16>, vector<100x128xbf16>, vector<50x128xf32> -> vector<50x128xf32>
    %convert_element_type3A_671 = arith.truncf %dot_general3A_670 : vector<50x128xf32> to vector<50x128xbf16>
    %swap3A_672 = arith.constant 2050 : index
    %swap3A_673 = arith.constant 0 : index
    %swap3A_674 = vector.load %arg16[%swap3A_672, %swap3A_673] : memref<3200x128xbf16, #tpu.memory_space<vmem>>, vector<50x128xbf16>
    tpu.vector_store %arg16[%swap3A_672, %swap3A_673], %convert_element_type3A_671 {strides = array<i32>} : memref<3200x128xbf16, #tpu.memory_space<vmem>>, vector<50x128xbf16>,
    %get3A_675 = arith.constant 2100 : index
    %get3A_676 = arith.constant 0 : index
    %get3A_677 = vector.load %arg15[%get3A_675, %get3A_676] : memref<3200x128xbf16, #tpu.memory_space<vmem>>, vector<50x128xbf16>
    %mul3A_678 = arith.mulf %get3A_677, %convert_element_type3A_65 : vector<50x128xbf16>
    %mul3A_679 = arith.mulf %get3A_677, %convert_element_type3A_70 : vector<50x128xbf16>
    %concatenate3A_680 = tpu.concatenate %mul3A_678, %mul3A_679 in 0 : vector<50x128xbf16>, vector<50x128xbf16> -> vector<100x128xbf16>
    %slice3A_681 = vector.extract_strided_slice %convert_element_type3A_60 {offsets = [42, 0, 0], sizes = [1, 50, 100], strides = [1, 1, 1]} : vector<64x50x100xbf16> to vector<1x50x100xbf16>
    %squeeze3A_682 = vector.shape_cast %slice3A_681 : vector<1x50x100xbf16> to vector<50x100xbf16>
    %dot_general3A_683 = arith.constant dense<0.000000e+00> : vector<50x128xf32>
    %dot_general3A_684 = tpu.matmul %squeeze3A_682, %concatenate3A_680, %dot_general3A_683 {dimension_numbers = #tpu.dot_dimension_numbers<[1], [0], [0], [1], [0, 0, 1, 1], [], []>, transpose_lhs_hint = false} : vector<50x100xbf16>, vector<100x128xbf16>, vector<50x128xf32> -> vector<50x128xf32>
    %convert_element_type3A_685 = arith.truncf %dot_general3A_684 : vector<50x128xf32> to vector<50x128xbf16>
    %swap3A_686 = arith.constant 2100 : index
    %swap3A_687 = arith.constant 0 : index
    %swap3A_688 = vector.load %arg16[%swap3A_686, %swap3A_687] : memref<3200x128xbf16, #tpu.memory_space<vmem>>, vector<50x128xbf16>
    tpu.vector_store %arg16[%swap3A_686, %swap3A_687], %convert_element_type3A_685 {strides = array<i32>} : memref<3200x128xbf16, #tpu.memory_space<vmem>>, vector<50x128xbf16>,
    %get3A_689 = arith.constant 2150 : index
    %get3A_690 = arith.constant 0 : index
    %get3A_691 = vector.load %arg15[%get3A_689, %get3A_690] : memref<3200x128xbf16, #tpu.memory_space<vmem>>, vector<50x128xbf16>
    %mul3A_692 = arith.mulf %get3A_691, %convert_element_type3A_65 : vector<50x128xbf16>
    %mul3A_693 = arith.mulf %get3A_691, %convert_element_type3A_70 : vector<50x128xbf16>
    %concatenate3A_694 = tpu.concatenate %mul3A_692, %mul3A_693 in 0 : vector<50x128xbf16>, vector<50x128xbf16> -> vector<100x128xbf16>
    %slice3A_695 = vector.extract_strided_slice %convert_element_type3A_60 {offsets = [43, 0, 0], sizes = [1, 50, 100], strides = [1, 1, 1]} : vector<64x50x100xbf16> to vector<1x50x100xbf16>
    %squeeze3A_696 = vector.shape_cast %slice3A_695 : vector<1x50x100xbf16> to vector<50x100xbf16>
    %dot_general3A_697 = arith.constant dense<0.000000e+00> : vector<50x128xf32>
    %dot_general3A_698 = tpu.matmul %squeeze3A_696, %concatenate3A_694, %dot_general3A_697 {dimension_numbers = #tpu.dot_dimension_numbers<[1], [0], [0], [1], [0, 0, 1, 1], [], []>, transpose_lhs_hint = false} : vector<50x100xbf16>, vector<100x128xbf16>, vector<50x128xf32> -> vector<50x128xf32>
    %convert_element_type3A_699 = arith.truncf %dot_general3A_698 : vector<50x128xf32> to vector<50x128xbf16>
    %swap3A_700 = arith.constant 2150 : index
    %swap3A_701 = arith.constant 0 : index
    %swap3A_702 = vector.load %arg16[%swap3A_700, %swap3A_701] : memref<3200x128xbf16, #tpu.memory_space<vmem>>, vector<50x128xbf16>
    tpu.vector_store %arg16[%swap3A_700, %swap3A_701], %convert_element_type3A_699 {strides = array<i32>} : memref<3200x128xbf16, #tpu.memory_space<vmem>>, vector<50x128xbf16>,
    %get3A_703 = arith.constant 2200 : index
    %get3A_704 = arith.constant 0 : index
    %get3A_705 = vector.load %arg15[%get3A_703, %get3A_704] : memref<3200x128xbf16, #tpu.memory_space<vmem>>, vector<50x128xbf16>
    %mul3A_706 = arith.mulf %get3A_705, %convert_element_type3A_65 : vector<50x128xbf16>
    %mul3A_707 = arith.mulf %get3A_705, %convert_element_type3A_70 : vector<50x128xbf16>
    %concatenate3A_708 = tpu.concatenate %mul3A_706, %mul3A_707 in 0 : vector<50x128xbf16>, vector<50x128xbf16> -> vector<100x128xbf16>
    %slice3A_709 = vector.extract_strided_slice %convert_element_type3A_60 {offsets = [44, 0, 0], sizes = [1, 50, 100], strides = [1, 1, 1]} : vector<64x50x100xbf16> to vector<1x50x100xbf16>
    %squeeze3A_710 = vector.shape_cast %slice3A_709 : vector<1x50x100xbf16> to vector<50x100xbf16>
    %dot_general3A_711 = arith.constant dense<0.000000e+00> : vector<50x128xf32>
    %dot_general3A_712 = tpu.matmul %squeeze3A_710, %concatenate3A_708, %dot_general3A_711 {dimension_numbers = #tpu.dot_dimension_numbers<[1], [0], [0], [1], [0, 0, 1, 1], [], []>, transpose_lhs_hint = false} : vector<50x100xbf16>, vector<100x128xbf16>, vector<50x128xf32> -> vector<50x128xf32>
    %convert_element_type3A_713 = arith.truncf %dot_general3A_712 : vector<50x128xf32> to vector<50x128xbf16>
    %swap3A_714 = arith.constant 2200 : index
    %swap3A_715 = arith.constant 0 : index
    %swap3A_716 = vector.load %arg16[%swap3A_714, %swap3A_715] : memref<3200x128xbf16, #tpu.memory_space<vmem>>, vector<50x128xbf16>
    tpu.vector_store %arg16[%swap3A_714, %swap3A_715], %convert_element_type3A_713 {strides = array<i32>} : memref<3200x128xbf16, #tpu.memory_space<vmem>>, vector<50x128xbf16>,
    %get3A_717 = arith.constant 2250 : index
    %get3A_718 = arith.constant 0 : index
    %get3A_719 = vector.load %arg15[%get3A_717, %get3A_718] : memref<3200x128xbf16, #tpu.memory_space<vmem>>, vector<50x128xbf16>
    %mul3A_720 = arith.mulf %get3A_719, %convert_element_type3A_65 : vector<50x128xbf16>
    %mul3A_721 = arith.mulf %get3A_719, %convert_element_type3A_70 : vector<50x128xbf16>
    %concatenate3A_722 = tpu.concatenate %mul3A_720, %mul3A_721 in 0 : vector<50x128xbf16>, vector<50x128xbf16> -> vector<100x128xbf16>
    %slice3A_723 = vector.extract_strided_slice %convert_element_type3A_60 {offsets = [45, 0, 0], sizes = [1, 50, 100], strides = [1, 1, 1]} : vector<64x50x100xbf16> to vector<1x50x100xbf16>
    %squeeze3A_724 = vector.shape_cast %slice3A_723 : vector<1x50x100xbf16> to vector<50x100xbf16>
    %dot_general3A_725 = arith.constant dense<0.000000e+00> : vector<50x128xf32>
    %dot_general3A_726 = tpu.matmul %squeeze3A_724, %concatenate3A_722, %dot_general3A_725 {dimension_numbers = #tpu.dot_dimension_numbers<[1], [0], [0], [1], [0, 0, 1, 1], [], []>, transpose_lhs_hint = false} : vector<50x100xbf16>, vector<100x128xbf16>, vector<50x128xf32> -> vector<50x128xf32>
    %convert_element_type3A_727 = arith.truncf %dot_general3A_726 : vector<50x128xf32> to vector<50x128xbf16>
    %swap3A_728 = arith.constant 2250 : index
    %swap3A_729 = arith.constant 0 : index
    %swap3A_730 = vector.load %arg16[%swap3A_728, %swap3A_729] : memref<3200x128xbf16, #tpu.memory_space<vmem>>, vector<50x128xbf16>
    tpu.vector_store %arg16[%swap3A_728, %swap3A_729], %convert_element_type3A_727 {strides = array<i32>} : memref<3200x128xbf16, #tpu.memory_space<vmem>>, vector<50x128xbf16>,
    %get3A_731 = arith.constant 2300 : index
    %get3A_732 = arith.constant 0 : index
    %get3A_733 = vector.load %arg15[%get3A_731, %get3A_732] : memref<3200x128xbf16, #tpu.memory_space<vmem>>, vector<50x128xbf16>
    %mul3A_734 = arith.mulf %get3A_733, %convert_element_type3A_65 : vector<50x128xbf16>
    %mul3A_735 = arith.mulf %get3A_733, %convert_element_type3A_70 : vector<50x128xbf16>
    %concatenate3A_736 = tpu.concatenate %mul3A_734, %mul3A_735 in 0 : vector<50x128xbf16>, vector<50x128xbf16> -> vector<100x128xbf16>
    %slice3A_737 = vector.extract_strided_slice %convert_element_type3A_60 {offsets = [46, 0, 0], sizes = [1, 50, 100], strides = [1, 1, 1]} : vector<64x50x100xbf16> to vector<1x50x100xbf16>
    %squeeze3A_738 = vector.shape_cast %slice3A_737 : vector<1x50x100xbf16> to vector<50x100xbf16>
    %dot_general3A_739 = arith.constant dense<0.000000e+00> : vector<50x128xf32>
    %dot_general3A_740 = tpu.matmul %squeeze3A_738, %concatenate3A_736, %dot_general3A_739 {dimension_numbers = #tpu.dot_dimension_numbers<[1], [0], [0], [1], [0, 0, 1, 1], [], []>, transpose_lhs_hint = false} : vector<50x100xbf16>, vector<100x128xbf16>, vector<50x128xf32> -> vector<50x128xf32>
    %convert_element_type3A_741 = arith.truncf %dot_general3A_740 : vector<50x128xf32> to vector<50x128xbf16>
    %swap3A_742 = arith.constant 2300 : index
    %swap3A_743 = arith.constant 0 : index
    %swap3A_744 = vector.load %arg16[%swap3A_742, %swap3A_743] : memref<3200x128xbf16, #tpu.memory_space<vmem>>, vector<50x128xbf16>
    tpu.vector_store %arg16[%swap3A_742, %swap3A_743], %convert_element_type3A_741 {strides = array<i32>} : memref<3200x128xbf16, #tpu.memory_space<vmem>>, vector<50x128xbf16>,
    %get3A_745 = arith.constant 2350 : index
    %get3A_746 = arith.constant 0 : index
    %get3A_747 = vector.load %arg15[%get3A_745, %get3A_746] : memref<3200x128xbf16, #tpu.memory_space<vmem>>, vector<50x128xbf16>
    %mul3A_748 = arith.mulf %get3A_747, %convert_element_type3A_65 : vector<50x128xbf16>
    %mul3A_749 = arith.mulf %get3A_747, %convert_element_type3A_70 : vector<50x128xbf16>
    %concatenate3A_750 = tpu.concatenate %mul3A_748, %mul3A_749 in 0 : vector<50x128xbf16>, vector<50x128xbf16> -> vector<100x128xbf16>
    %slice3A_751 = vector.extract_strided_slice %convert_element_type3A_60 {offsets = [47, 0, 0], sizes = [1, 50, 100], strides = [1, 1, 1]} : vector<64x50x100xbf16> to vector<1x50x100xbf16>
    %squeeze3A_752 = vector.shape_cast %slice3A_751 : vector<1x50x100xbf16> to vector<50x100xbf16>
    %dot_general3A_753 = arith.constant dense<0.000000e+00> : vector<50x128xf32>
    %dot_general3A_754 = tpu.matmul %squeeze3A_752, %concatenate3A_750, %dot_general3A_753 {dimension_numbers = #tpu.dot_dimension_numbers<[1], [0], [0], [1], [0, 0, 1, 1], [], []>, transpose_lhs_hint = false} : vector<50x100xbf16>, vector<100x128xbf16>, vector<50x128xf32> -> vector<50x128xf32>
    %convert_element_type3A_755 = arith.truncf %dot_general3A_754 : vector<50x128xf32> to vector<50x128xbf16>
    %swap3A_756 = arith.constant 2350 : index
    %swap3A_757 = arith.constant 0 : index
    %swap3A_758 = vector.load %arg16[%swap3A_756, %swap3A_757] : memref<3200x128xbf16, #tpu.memory_space<vmem>>, vector<50x128xbf16>
    tpu.vector_store %arg16[%swap3A_756, %swap3A_757], %convert_element_type3A_755 {strides = array<i32>} : memref<3200x128xbf16, #tpu.memory_space<vmem>>, vector<50x128xbf16>,
    %get3A_759 = arith.constant 2400 : index
    %get3A_760 = arith.constant 0 : index
    %get3A_761 = vector.load %arg15[%get3A_759, %get3A_760] : memref<3200x128xbf16, #tpu.memory_space<vmem>>, vector<50x128xbf16>
    %mul3A_762 = arith.mulf %get3A_761, %convert_element_type3A_65 : vector<50x128xbf16>
    %mul3A_763 = arith.mulf %get3A_761, %convert_element_type3A_70 : vector<50x128xbf16>
    %concatenate3A_764 = tpu.concatenate %mul3A_762, %mul3A_763 in 0 : vector<50x128xbf16>, vector<50x128xbf16> -> vector<100x128xbf16>
    %slice3A_765 = vector.extract_strided_slice %convert_element_type3A_60 {offsets = [48, 0, 0], sizes = [1, 50, 100], strides = [1, 1, 1]} : vector<64x50x100xbf16> to vector<1x50x100xbf16>
    %squeeze3A_766 = vector.shape_cast %slice3A_765 : vector<1x50x100xbf16> to vector<50x100xbf16>
    %dot_general3A_767 = arith.constant dense<0.000000e+00> : vector<50x128xf32>
    %dot_general3A_768 = tpu.matmul %squeeze3A_766, %concatenate3A_764, %dot_general3A_767 {dimension_numbers = #tpu.dot_dimension_numbers<[1], [0], [0], [1], [0, 0, 1, 1], [], []>, transpose_lhs_hint = false} : vector<50x100xbf16>, vector<100x128xbf16>, vector<50x128xf32> -> vector<50x128xf32>
    %convert_element_type3A_769 = arith.truncf %dot_general3A_768 : vector<50x128xf32> to vector<50x128xbf16>
    %swap3A_770 = arith.constant 2400 : index
    %swap3A_771 = arith.constant 0 : index
    %swap3A_772 = vector.load %arg16[%swap3A_770, %swap3A_771] : memref<3200x128xbf16, #tpu.memory_space<vmem>>, vector<50x128xbf16>
    tpu.vector_store %arg16[%swap3A_770, %swap3A_771], %convert_element_type3A_769 {strides = array<i32>} : memref<3200x128xbf16, #tpu.memory_space<vmem>>, vector<50x128xbf16>,
    %get3A_773 = arith.constant 2450 : index
    %get3A_774 = arith.constant 0 : index
    %get3A_775 = vector.load %arg15[%get3A_773, %get3A_774] : memref<3200x128xbf16, #tpu.memory_space<vmem>>, vector<50x128xbf16>
    %mul3A_776 = arith.mulf %get3A_775, %convert_element_type3A_65 : vector<50x128xbf16>
    %mul3A_777 = arith.mulf %get3A_775, %convert_element_type3A_70 : vector<50x128xbf16>
    %concatenate3A_778 = tpu.concatenate %mul3A_776, %mul3A_777 in 0 : vector<50x128xbf16>, vector<50x128xbf16> -> vector<100x128xbf16>
    %slice3A_779 = vector.extract_strided_slice %convert_element_type3A_60 {offsets = [49, 0, 0], sizes = [1, 50, 100], strides = [1, 1, 1]} : vector<64x50x100xbf16> to vector<1x50x100xbf16>
    %squeeze3A_780 = vector.shape_cast %slice3A_779 : vector<1x50x100xbf16> to vector<50x100xbf16>
    %dot_general3A_781 = arith.constant dense<0.000000e+00> : vector<50x128xf32>
    %dot_general3A_782 = tpu.matmul %squeeze3A_780, %concatenate3A_778, %dot_general3A_781 {dimension_numbers = #tpu.dot_dimension_numbers<[1], [0], [0], [1], [0, 0, 1, 1], [], []>, transpose_lhs_hint = false} : vector<50x100xbf16>, vector<100x128xbf16>, vector<50x128xf32> -> vector<50x128xf32>
    %convert_element_type3A_783 = arith.truncf %dot_general3A_782 : vector<50x128xf32> to vector<50x128xbf16>
    %swap3A_784 = arith.constant 2450 : index
    %swap3A_785 = arith.constant 0 : index
    %swap3A_786 = vector.load %arg16[%swap3A_784, %swap3A_785] : memref<3200x128xbf16, #tpu.memory_space<vmem>>, vector<50x128xbf16>
    tpu.vector_store %arg16[%swap3A_784, %swap3A_785], %convert_element_type3A_783 {strides = array<i32>} : memref<3200x128xbf16, #tpu.memory_space<vmem>>, vector<50x128xbf16>,
    %get3A_787 = arith.constant 2500 : index
    %get3A_788 = arith.constant 0 : index
    %get3A_789 = vector.load %arg15[%get3A_787, %get3A_788] : memref<3200x128xbf16, #tpu.memory_space<vmem>>, vector<50x128xbf16>
    %mul3A_790 = arith.mulf %get3A_789, %convert_element_type3A_65 : vector<50x128xbf16>
    %mul3A_791 = arith.mulf %get3A_789, %convert_element_type3A_70 : vector<50x128xbf16>
    %concatenate3A_792 = tpu.concatenate %mul3A_790, %mul3A_791 in 0 : vector<50x128xbf16>, vector<50x128xbf16> -> vector<100x128xbf16>
    %slice3A_793 = vector.extract_strided_slice %convert_element_type3A_60 {offsets = [50, 0, 0], sizes = [1, 50, 100], strides = [1, 1, 1]} : vector<64x50x100xbf16> to vector<1x50x100xbf16>
    %squeeze3A_794 = vector.shape_cast %slice3A_793 : vector<1x50x100xbf16> to vector<50x100xbf16>
    %dot_general3A_795 = arith.constant dense<0.000000e+00> : vector<50x128xf32>
    %dot_general3A_796 = tpu.matmul %squeeze3A_794, %concatenate3A_792, %dot_general3A_795 {dimension_numbers = #tpu.dot_dimension_numbers<[1], [0], [0], [1], [0, 0, 1, 1], [], []>, transpose_lhs_hint = false} : vector<50x100xbf16>, vector<100x128xbf16>, vector<50x128xf32> -> vector<50x128xf32>
    %convert_element_type3A_797 = arith.truncf %dot_general3A_796 : vector<50x128xf32> to vector<50x128xbf16>
    %swap3A_798 = arith.constant 2500 : index
    %swap3A_799 = arith.constant 0 : index
    %swap3A_800 = vector.load %arg16[%swap3A_798, %swap3A_799] : memref<3200x128xbf16, #tpu.memory_space<vmem>>, vector<50x128xbf16>
    tpu.vector_store %arg16[%swap3A_798, %swap3A_799], %convert_element_type3A_797 {strides = array<i32>} : memref<3200x128xbf16, #tpu.memory_space<vmem>>, vector<50x128xbf16>,
    %get3A_801 = arith.constant 2550 : index
    %get3A_802 = arith.constant 0 : index
    %get3A_803 = vector.load %arg15[%get3A_801, %get3A_802] : memref<3200x128xbf16, #tpu.memory_space<vmem>>, vector<50x128xbf16>
    %mul3A_804 = arith.mulf %get3A_803, %convert_element_type3A_65 : vector<50x128xbf16>
    %mul3A_805 = arith.mulf %get3A_803, %convert_element_type3A_70 : vector<50x128xbf16>
    %concatenate3A_806 = tpu.concatenate %mul3A_804, %mul3A_805 in 0 : vector<50x128xbf16>, vector<50x128xbf16> -> vector<100x128xbf16>
    %slice3A_807 = vector.extract_strided_slice %convert_element_type3A_60 {offsets = [51, 0, 0], sizes = [1, 50, 100], strides = [1, 1, 1]} : vector<64x50x100xbf16> to vector<1x50x100xbf16>
    %squeeze3A_808 = vector.shape_cast %slice3A_807 : vector<1x50x100xbf16> to vector<50x100xbf16>
    %dot_general3A_809 = arith.constant dense<0.000000e+00> : vector<50x128xf32>
    %dot_general3A_810 = tpu.matmul %squeeze3A_808, %concatenate3A_806, %dot_general3A_809 {dimension_numbers = #tpu.dot_dimension_numbers<[1], [0], [0], [1], [0, 0, 1, 1], [], []>, transpose_lhs_hint = false} : vector<50x100xbf16>, vector<100x128xbf16>, vector<50x128xf32> -> vector<50x128xf32>
    %convert_element_type3A_811 = arith.truncf %dot_general3A_810 : vector<50x128xf32> to vector<50x128xbf16>
    %swap3A_812 = arith.constant 2550 : index
    %swap3A_813 = arith.constant 0 : index
    %swap3A_814 = vector.load %arg16[%swap3A_812, %swap3A_813] : memref<3200x128xbf16, #tpu.memory_space<vmem>>, vector<50x128xbf16>
    tpu.vector_store %arg16[%swap3A_812, %swap3A_813], %convert_element_type3A_811 {strides = array<i32>} : memref<3200x128xbf16, #tpu.memory_space<vmem>>, vector<50x128xbf16>,
    %get3A_815 = arith.constant 2600 : index
    %get3A_816 = arith.constant 0 : index
    %get3A_817 = vector.load %arg15[%get3A_815, %get3A_816] : memref<3200x128xbf16, #tpu.memory_space<vmem>>, vector<50x128xbf16>
    %mul3A_818 = arith.mulf %get3A_817, %convert_element_type3A_65 : vector<50x128xbf16>
    %mul3A_819 = arith.mulf %get3A_817, %convert_element_type3A_70 : vector<50x128xbf16>
    %concatenate3A_820 = tpu.concatenate %mul3A_818, %mul3A_819 in 0 : vector<50x128xbf16>, vector<50x128xbf16> -> vector<100x128xbf16>
    %slice3A_821 = vector.extract_strided_slice %convert_element_type3A_60 {offsets = [52, 0, 0], sizes = [1, 50, 100], strides = [1, 1, 1]} : vector<64x50x100xbf16> to vector<1x50x100xbf16>
    %squeeze3A_822 = vector.shape_cast %slice3A_821 : vector<1x50x100xbf16> to vector<50x100xbf16>
    %dot_general3A_823 = arith.constant dense<0.000000e+00> : vector<50x128xf32>
    %dot_general3A_824 = tpu.matmul %squeeze3A_822, %concatenate3A_820, %dot_general3A_823 {dimension_numbers = #tpu.dot_dimension_numbers<[1], [0], [0], [1], [0, 0, 1, 1], [], []>, transpose_lhs_hint = false} : vector<50x100xbf16>, vector<100x128xbf16>, vector<50x128xf32> -> vector<50x128xf32>
    %convert_element_type3A_825 = arith.truncf %dot_general3A_824 : vector<50x128xf32> to vector<50x128xbf16>
    %swap3A_826 = arith.constant 2600 : index
    %swap3A_827 = arith.constant 0 : index
    %swap3A_828 = vector.load %arg16[%swap3A_826, %swap3A_827] : memref<3200x128xbf16, #tpu.memory_space<vmem>>, vector<50x128xbf16>
    tpu.vector_store %arg16[%swap3A_826, %swap3A_827], %convert_element_type3A_825 {strides = array<i32>} : memref<3200x128xbf16, #tpu.memory_space<vmem>>, vector<50x128xbf16>,
    %get3A_829 = arith.constant 2650 : index
    %get3A_830 = arith.constant 0 : index
    %get3A_831 = vector.load %arg15[%get3A_829, %get3A_830] : memref<3200x128xbf16, #tpu.memory_space<vmem>>, vector<50x128xbf16>
    %mul3A_832 = arith.mulf %get3A_831, %convert_element_type3A_65 : vector<50x128xbf16>
    %mul3A_833 = arith.mulf %get3A_831, %convert_element_type3A_70 : vector<50x128xbf16>
    %concatenate3A_834 = tpu.concatenate %mul3A_832, %mul3A_833 in 0 : vector<50x128xbf16>, vector<50x128xbf16> -> vector<100x128xbf16>
    %slice3A_835 = vector.extract_strided_slice %convert_element_type3A_60 {offsets = [53, 0, 0], sizes = [1, 50, 100], strides = [1, 1, 1]} : vector<64x50x100xbf16> to vector<1x50x100xbf16>
    %squeeze3A_836 = vector.shape_cast %slice3A_835 : vector<1x50x100xbf16> to vector<50x100xbf16>
    %dot_general3A_837 = arith.constant dense<0.000000e+00> : vector<50x128xf32>
    %dot_general3A_838 = tpu.matmul %squeeze3A_836, %concatenate3A_834, %dot_general3A_837 {dimension_numbers = #tpu.dot_dimension_numbers<[1], [0], [0], [1], [0, 0, 1, 1], [], []>, transpose_lhs_hint = false} : vector<50x100xbf16>, vector<100x128xbf16>, vector<50x128xf32> -> vector<50x128xf32>
    %convert_element_type3A_839 = arith.truncf %dot_general3A_838 : vector<50x128xf32> to vector<50x128xbf16>
    %swap3A_840 = arith.constant 2650 : index
    %swap3A_841 = arith.constant 0 : index
    %swap3A_842 = vector.load %arg16[%swap3A_840, %swap3A_841] : memref<3200x128xbf16, #tpu.memory_space<vmem>>, vector<50x128xbf16>
    tpu.vector_store %arg16[%swap3A_840, %swap3A_841], %convert_element_type3A_839 {strides = array<i32>} : memref<3200x128xbf16, #tpu.memory_space<vmem>>, vector<50x128xbf16>,
    %get3A_843 = arith.constant 2700 : index
    %get3A_844 = arith.constant 0 : index
    %get3A_845 = vector.load %arg15[%get3A_843, %get3A_844] : memref<3200x128xbf16, #tpu.memory_space<vmem>>, vector<50x128xbf16>
    %mul3A_846 = arith.mulf %get3A_845, %convert_element_type3A_65 : vector<50x128xbf16>
    %mul3A_847 = arith.mulf %get3A_845, %convert_element_type3A_70 : vector<50x128xbf16>
    %concatenate3A_848 = tpu.concatenate %mul3A_846, %mul3A_847 in 0 : vector<50x128xbf16>, vector<50x128xbf16> -> vector<100x128xbf16>
    %slice3A_849 = vector.extract_strided_slice %convert_element_type3A_60 {offsets = [54, 0, 0], sizes = [1, 50, 100], strides = [1, 1, 1]} : vector<64x50x100xbf16> to vector<1x50x100xbf16>
    %squeeze3A_850 = vector.shape_cast %slice3A_849 : vector<1x50x100xbf16> to vector<50x100xbf16>
    %dot_general3A_851 = arith.constant dense<0.000000e+00> : vector<50x128xf32>
    %dot_general3A_852 = tpu.matmul %squeeze3A_850, %concatenate3A_848, %dot_general3A_851 {dimension_numbers = #tpu.dot_dimension_numbers<[1], [0], [0], [1], [0, 0, 1, 1], [], []>, transpose_lhs_hint = false} : vector<50x100xbf16>, vector<100x128xbf16>, vector<50x128xf32> -> vector<50x128xf32>
    %convert_element_type3A_853 = arith.truncf %dot_general3A_852 : vector<50x128xf32> to vector<50x128xbf16>
    %swap3A_854 = arith.constant 2700 : index
    %swap3A_855 = arith.constant 0 : index
    %swap3A_856 = vector.load %arg16[%swap3A_854, %swap3A_855] : memref<3200x128xbf16, #tpu.memory_space<vmem>>, vector<50x128xbf16>
    tpu.vector_store %arg16[%swap3A_854, %swap3A_855], %convert_element_type3A_853 {strides = array<i32>} : memref<3200x128xbf16, #tpu.memory_space<vmem>>, vector<50x128xbf16>,
    %get3A_857 = arith.constant 2750 : index
    %get3A_858 = arith.constant 0 : index
    %get3A_859 = vector.load %arg15[%get3A_857, %get3A_858] : memref<3200x128xbf16, #tpu.memory_space<vmem>>, vector<50x128xbf16>
    %mul3A_860 = arith.mulf %get3A_859, %convert_element_type3A_65 : vector<50x128xbf16>
    %mul3A_861 = arith.mulf %get3A_859, %convert_element_type3A_70 : vector<50x128xbf16>
    %concatenate3A_862 = tpu.concatenate %mul3A_860, %mul3A_861 in 0 : vector<50x128xbf16>, vector<50x128xbf16> -> vector<100x128xbf16>
    %slice3A_863 = vector.extract_strided_slice %convert_element_type3A_60 {offsets = [55, 0, 0], sizes = [1, 50, 100], strides = [1, 1, 1]} : vector<64x50x100xbf16> to vector<1x50x100xbf16>
    %squeeze3A_864 = vector.shape_cast %slice3A_863 : vector<1x50x100xbf16> to vector<50x100xbf16>
    %dot_general3A_865 = arith.constant dense<0.000000e+00> : vector<50x128xf32>
    %dot_general3A_866 = tpu.matmul %squeeze3A_864, %concatenate3A_862, %dot_general3A_865 {dimension_numbers = #tpu.dot_dimension_numbers<[1], [0], [0], [1], [0, 0, 1, 1], [], []>, transpose_lhs_hint = false} : vector<50x100xbf16>, vector<100x128xbf16>, vector<50x128xf32> -> vector<50x128xf32>
    %convert_element_type3A_867 = arith.truncf %dot_general3A_866 : vector<50x128xf32> to vector<50x128xbf16>
    %swap3A_868 = arith.constant 2750 : index
    %swap3A_869 = arith.constant 0 : index
    %swap3A_870 = vector.load %arg16[%swap3A_868, %swap3A_869] : memref<3200x128xbf16, #tpu.memory_space<vmem>>, vector<50x128xbf16>
    tpu.vector_store %arg16[%swap3A_868, %swap3A_869], %convert_element_type3A_867 {strides = array<i32>} : memref<3200x128xbf16, #tpu.memory_space<vmem>>, vector<50x128xbf16>,
    %get3A_871 = arith.constant 2800 : index
    %get3A_872 = arith.constant 0 : index
    %get3A_873 = vector.load %arg15[%get3A_871, %get3A_872] : memref<3200x128xbf16, #tpu.memory_space<vmem>>, vector<50x128xbf16>
    %mul3A_874 = arith.mulf %get3A_873, %convert_element_type3A_65 : vector<50x128xbf16>
    %mul3A_875 = arith.mulf %get3A_873, %convert_element_type3A_70 : vector<50x128xbf16>
    %concatenate3A_876 = tpu.concatenate %mul3A_874, %mul3A_875 in 0 : vector<50x128xbf16>, vector<50x128xbf16> -> vector<100x128xbf16>
    %slice3A_877 = vector.extract_strided_slice %convert_element_type3A_60 {offsets = [56, 0, 0], sizes = [1, 50, 100], strides = [1, 1, 1]} : vector<64x50x100xbf16> to vector<1x50x100xbf16>
    %squeeze3A_878 = vector.shape_cast %slice3A_877 : vector<1x50x100xbf16> to vector<50x100xbf16>
    %dot_general3A_879 = arith.constant dense<0.000000e+00> : vector<50x128xf32>
    %dot_general3A_880 = tpu.matmul %squeeze3A_878, %concatenate3A_876, %dot_general3A_879 {dimension_numbers = #tpu.dot_dimension_numbers<[1], [0], [0], [1], [0, 0, 1, 1], [], []>, transpose_lhs_hint = false} : vector<50x100xbf16>, vector<100x128xbf16>, vector<50x128xf32> -> vector<50x128xf32>
    %convert_element_type3A_881 = arith.truncf %dot_general3A_880 : vector<50x128xf32> to vector<50x128xbf16>
    %swap3A_882 = arith.constant 2800 : index
    %swap3A_883 = arith.constant 0 : index
    %swap3A_884 = vector.load %arg16[%swap3A_882, %swap3A_883] : memref<3200x128xbf16, #tpu.memory_space<vmem>>, vector<50x128xbf16>
    tpu.vector_store %arg16[%swap3A_882, %swap3A_883], %convert_element_type3A_881 {strides = array<i32>} : memref<3200x128xbf16, #tpu.memory_space<vmem>>, vector<50x128xbf16>,
    %get3A_885 = arith.constant 2850 : index
    %get3A_886 = arith.constant 0 : index
    %get3A_887 = vector.load %arg15[%get3A_885, %get3A_886] : memref<3200x128xbf16, #tpu.memory_space<vmem>>, vector<50x128xbf16>
    %mul3A_888 = arith.mulf %get3A_887, %convert_element_type3A_65 : vector<50x128xbf16>
    %mul3A_889 = arith.mulf %get3A_887, %convert_element_type3A_70 : vector<50x128xbf16>
    %concatenate3A_890 = tpu.concatenate %mul3A_888, %mul3A_889 in 0 : vector<50x128xbf16>, vector<50x128xbf16> -> vector<100x128xbf16>
    %slice3A_891 = vector.extract_strided_slice %convert_element_type3A_60 {offsets = [57, 0, 0], sizes = [1, 50, 100], strides = [1, 1, 1]} : vector<64x50x100xbf16> to vector<1x50x100xbf16>
    %squeeze3A_892 = vector.shape_cast %slice3A_891 : vector<1x50x100xbf16> to vector<50x100xbf16>
    %dot_general3A_893 = arith.constant dense<0.000000e+00> : vector<50x128xf32>
    %dot_general3A_894 = tpu.matmul %squeeze3A_892, %concatenate3A_890, %dot_general3A_893 {dimension_numbers = #tpu.dot_dimension_numbers<[1], [0], [0], [1], [0, 0, 1, 1], [], []>, transpose_lhs_hint = false} : vector<50x100xbf16>, vector<100x128xbf16>, vector<50x128xf32> -> vector<50x128xf32>
    %convert_element_type3A_895 = arith.truncf %dot_general3A_894 : vector<50x128xf32> to vector<50x128xbf16>
    %swap3A_896 = arith.constant 2850 : index
    %swap3A_897 = arith.constant 0 : index
    %swap3A_898 = vector.load %arg16[%swap3A_896, %swap3A_897] : memref<3200x128xbf16, #tpu.memory_space<vmem>>, vector<50x128xbf16>
    tpu.vector_store %arg16[%swap3A_896, %swap3A_897], %convert_element_type3A_895 {strides = array<i32>} : memref<3200x128xbf16, #tpu.memory_space<vmem>>, vector<50x128xbf16>,
    %get3A_899 = arith.constant 2900 : index
    %get3A_900 = arith.constant 0 : index
    %get3A_901 = vector.load %arg15[%get3A_899, %get3A_900] : memref<3200x128xbf16, #tpu.memory_space<vmem>>, vector<50x128xbf16>
    %mul3A_902 = arith.mulf %get3A_901, %convert_element_type3A_65 : vector<50x128xbf16>
    %mul3A_903 = arith.mulf %get3A_901, %convert_element_type3A_70 : vector<50x128xbf16>
    %concatenate3A_904 = tpu.concatenate %mul3A_902, %mul3A_903 in 0 : vector<50x128xbf16>, vector<50x128xbf16> -> vector<100x128xbf16>
    %slice3A_905 = vector.extract_strided_slice %convert_element_type3A_60 {offsets = [58, 0, 0], sizes = [1, 50, 100], strides = [1, 1, 1]} : vector<64x50x100xbf16> to vector<1x50x100xbf16>
    %squeeze3A_906 = vector.shape_cast %slice3A_905 : vector<1x50x100xbf16> to vector<50x100xbf16>
    %dot_general3A_907 = arith.constant dense<0.000000e+00> : vector<50x128xf32>
    %dot_general3A_908 = tpu.matmul %squeeze3A_906, %concatenate3A_904, %dot_general3A_907 {dimension_numbers = #tpu.dot_dimension_numbers<[1], [0], [0], [1], [0, 0, 1, 1], [], []>, transpose_lhs_hint = false} : vector<50x100xbf16>, vector<100x128xbf16>, vector<50x128xf32> -> vector<50x128xf32>
    %convert_element_type3A_909 = arith.truncf %dot_general3A_908 : vector<50x128xf32> to vector<50x128xbf16>
    %swap3A_910 = arith.constant 2900 : index
    %swap3A_911 = arith.constant 0 : index
    %swap3A_912 = vector.load %arg16[%swap3A_910, %swap3A_911] : memref<3200x128xbf16, #tpu.memory_space<vmem>>, vector<50x128xbf16>
    tpu.vector_store %arg16[%swap3A_910, %swap3A_911], %convert_element_type3A_909 {strides = array<i32>} : memref<3200x128xbf16, #tpu.memory_space<vmem>>, vector<50x128xbf16>,
    %get3A_913 = arith.constant 2950 : index
    %get3A_914 = arith.constant 0 : index
    %get3A_915 = vector.load %arg15[%get3A_913, %get3A_914] : memref<3200x128xbf16, #tpu.memory_space<vmem>>, vector<50x128xbf16>
    %mul3A_916 = arith.mulf %get3A_915, %convert_element_type3A_65 : vector<50x128xbf16>
    %mul3A_917 = arith.mulf %get3A_915, %convert_element_type3A_70 : vector<50x128xbf16>
    %concatenate3A_918 = tpu.concatenate %mul3A_916, %mul3A_917 in 0 : vector<50x128xbf16>, vector<50x128xbf16> -> vector<100x128xbf16>
    %slice3A_919 = vector.extract_strided_slice %convert_element_type3A_60 {offsets = [59, 0, 0], sizes = [1, 50, 100], strides = [1, 1, 1]} : vector<64x50x100xbf16> to vector<1x50x100xbf16>
    %squeeze3A_920 = vector.shape_cast %slice3A_919 : vector<1x50x100xbf16> to vector<50x100xbf16>
    %dot_general3A_921 = arith.constant dense<0.000000e+00> : vector<50x128xf32>
    %dot_general3A_922 = tpu.matmul %squeeze3A_920, %concatenate3A_918, %dot_general3A_921 {dimension_numbers = #tpu.dot_dimension_numbers<[1], [0], [0], [1], [0, 0, 1, 1], [], []>, transpose_lhs_hint = false} : vector<50x100xbf16>, vector<100x128xbf16>, vector<50x128xf32> -> vector<50x128xf32>
    %convert_element_type3A_923 = arith.truncf %dot_general3A_922 : vector<50x128xf32> to vector<50x128xbf16>
    %swap3A_924 = arith.constant 2950 : index
    %swap3A_925 = arith.constant 0 : index
    %swap3A_926 = vector.load %arg16[%swap3A_924, %swap3A_925] : memref<3200x128xbf16, #tpu.memory_space<vmem>>, vector<50x128xbf16>
    tpu.vector_store %arg16[%swap3A_924, %swap3A_925], %convert_element_type3A_923 {strides = array<i32>} : memref<3200x128xbf16, #tpu.memory_space<vmem>>, vector<50x128xbf16>,
    %get3A_927 = arith.constant 3000 : index
    %get3A_928 = arith.constant 0 : index
    %get3A_929 = vector.load %arg15[%get3A_927, %get3A_928] : memref<3200x128xbf16, #tpu.memory_space<vmem>>, vector<50x128xbf16>
    %mul3A_930 = arith.mulf %get3A_929, %convert_element_type3A_65 : vector<50x128xbf16>
    %mul3A_931 = arith.mulf %get3A_929, %convert_element_type3A_70 : vector<50x128xbf16>
    %concatenate3A_932 = tpu.concatenate %mul3A_930, %mul3A_931 in 0 : vector<50x128xbf16>, vector<50x128xbf16> -> vector<100x128xbf16>
    %slice3A_933 = vector.extract_strided_slice %convert_element_type3A_60 {offsets = [60, 0, 0], sizes = [1, 50, 100], strides = [1, 1, 1]} : vector<64x50x100xbf16> to vector<1x50x100xbf16>
    %squeeze3A_934 = vector.shape_cast %slice3A_933 : vector<1x50x100xbf16> to vector<50x100xbf16>
    %dot_general3A_935 = arith.constant dense<0.000000e+00> : vector<50x128xf32>
    %dot_general3A_936 = tpu.matmul %squeeze3A_934, %concatenate3A_932, %dot_general3A_935 {dimension_numbers = #tpu.dot_dimension_numbers<[1], [0], [0], [1], [0, 0, 1, 1], [], []>, transpose_lhs_hint = false} : vector<50x100xbf16>, vector<100x128xbf16>, vector<50x128xf32> -> vector<50x128xf32>
    %convert_element_type3A_937 = arith.truncf %dot_general3A_936 : vector<50x128xf32> to vector<50x128xbf16>
    %swap3A_938 = arith.constant 3000 : index
    %swap3A_939 = arith.constant 0 : index
    %swap3A_940 = vector.load %arg16[%swap3A_938, %swap3A_939] : memref<3200x128xbf16, #tpu.memory_space<vmem>>, vector<50x128xbf16>
    tpu.vector_store %arg16[%swap3A_938, %swap3A_939], %convert_element_type3A_937 {strides = array<i32>} : memref<3200x128xbf16, #tpu.memory_space<vmem>>, vector<50x128xbf16>,
    %get3A_941 = arith.constant 3050 : index
    %get3A_942 = arith.constant 0 : index
    %get3A_943 = vector.load %arg15[%get3A_941, %get3A_942] : memref<3200x128xbf16, #tpu.memory_space<vmem>>, vector<50x128xbf16>
    %mul3A_944 = arith.mulf %get3A_943, %convert_element_type3A_65 : vector<50x128xbf16>
    %mul3A_945 = arith.mulf %get3A_943, %convert_element_type3A_70 : vector<50x128xbf16>
    %concatenate3A_946 = tpu.concatenate %mul3A_944, %mul3A_945 in 0 : vector<50x128xbf16>, vector<50x128xbf16> -> vector<100x128xbf16>
    %slice3A_947 = vector.extract_strided_slice %convert_element_type3A_60 {offsets = [61, 0, 0], sizes = [1, 50, 100], strides = [1, 1, 1]} : vector<64x50x100xbf16> to vector<1x50x100xbf16>
    %squeeze3A_948 = vector.shape_cast %slice3A_947 : vector<1x50x100xbf16> to vector<50x100xbf16>
    %dot_general3A_949 = arith.constant dense<0.000000e+00> : vector<50x128xf32>
    %dot_general3A_950 = tpu.matmul %squeeze3A_948, %concatenate3A_946, %dot_general3A_949 {dimension_numbers = #tpu.dot_dimension_numbers<[1], [0], [0], [1], [0, 0, 1, 1], [], []>, transpose_lhs_hint = false} : vector<50x100xbf16>, vector<100x128xbf16>, vector<50x128xf32> -> vector<50x128xf32>
    %convert_element_type3A_951 = arith.truncf %dot_general3A_950 : vector<50x128xf32> to vector<50x128xbf16>
    %swap3A_952 = arith.constant 3050 : index
    %swap3A_953 = arith.constant 0 : index
    %swap3A_954 = vector.load %arg16[%swap3A_952, %swap3A_953] : memref<3200x128xbf16, #tpu.memory_space<vmem>>, vector<50x128xbf16>
    tpu.vector_store %arg16[%swap3A_952, %swap3A_953], %convert_element_type3A_951 {strides = array<i32>} : memref<3200x128xbf16, #tpu.memory_space<vmem>>, vector<50x128xbf16>,
    %get3A_955 = arith.constant 3100 : index
    %get3A_956 = arith.constant 0 : index
    %get3A_957 = vector.load %arg15[%get3A_955, %get3A_956] : memref<3200x128xbf16, #tpu.memory_space<vmem>>, vector<50x128xbf16>
    %mul3A_958 = arith.mulf %get3A_957, %convert_element_type3A_65 : vector<50x128xbf16>
    %mul3A_959 = arith.mulf %get3A_957, %convert_element_type3A_70 : vector<50x128xbf16>
    %concatenate3A_960 = tpu.concatenate %mul3A_958, %mul3A_959 in 0 : vector<50x128xbf16>, vector<50x128xbf16> -> vector<100x128xbf16>
    %slice3A_961 = vector.extract_strided_slice %convert_element_type3A_60 {offsets = [62, 0, 0], sizes = [1, 50, 100], strides = [1, 1, 1]} : vector<64x50x100xbf16> to vector<1x50x100xbf16>
    %squeeze3A_962 = vector.shape_cast %slice3A_961 : vector<1x50x100xbf16> to vector<50x100xbf16>
    %dot_general3A_963 = arith.constant dense<0.000000e+00> : vector<50x128xf32>
    %dot_general3A_964 = tpu.matmul %squeeze3A_962, %concatenate3A_960, %dot_general3A_963 {dimension_numbers = #tpu.dot_dimension_numbers<[1], [0], [0], [1], [0, 0, 1, 1], [], []>, transpose_lhs_hint = false} : vector<50x100xbf16>, vector<100x128xbf16>, vector<50x128xf32> -> vector<50x128xf32>
    %convert_element_type3A_965 = arith.truncf %dot_general3A_964 : vector<50x128xf32> to vector<50x128xbf16>
    %swap3A_966 = arith.constant 3100 : index
    %swap3A_967 = arith.constant 0 : index
    %swap3A_968 = vector.load %arg16[%swap3A_966, %swap3A_967] : memref<3200x128xbf16, #tpu.memory_space<vmem>>, vector<50x128xbf16>
    tpu.vector_store %arg16[%swap3A_966, %swap3A_967], %convert_element_type3A_965 {strides = array<i32>} : memref<3200x128xbf16, #tpu.memory_space<vmem>>, vector<50x128xbf16>,
    %get3A_969 = arith.constant 3150 : index
    %get3A_970 = arith.constant 0 : index
    %get3A_971 = vector.load %arg15[%get3A_969, %get3A_970] : memref<3200x128xbf16, #tpu.memory_space<vmem>>, vector<50x128xbf16>
    %mul3A_972 = arith.mulf %get3A_971, %convert_element_type3A_65 : vector<50x128xbf16>
    %mul3A_973 = arith.mulf %get3A_971, %convert_element_type3A_70 : vector<50x128xbf16>
    %concatenate3A_974 = tpu.concatenate %mul3A_972, %mul3A_973 in 0 : vector<50x128xbf16>, vector<50x128xbf16> -> vector<100x128xbf16>
    %slice3A_975 = vector.extract_strided_slice %convert_element_type3A_60 {offsets = [63, 0, 0], sizes = [1, 50, 100], strides = [1, 1, 1]} : vector<64x50x100xbf16> to vector<1x50x100xbf16>
    %squeeze3A_976 = vector.shape_cast %slice3A_975 : vector<1x50x100xbf16> to vector<50x100xbf16>
    %dot_general3A_977 = arith.constant dense<0.000000e+00> : vector<50x128xf32>
    %dot_general3A_978 = tpu.matmul %squeeze3A_976, %concatenate3A_974, %dot_general3A_977 {dimension_numbers = #tpu.dot_dimension_numbers<[1], [0], [0], [1], [0, 0, 1, 1], [], []>, transpose_lhs_hint = false} : vector<50x100xbf16>, vector<100x128xbf16>, vector<50x128xf32> -> vector<50x128xf32>
    %convert_element_type3A_979 = arith.truncf %dot_general3A_978 : vector<50x128xf32> to vector<50x128xbf16>
    %swap3A_980 = arith.constant 3150 : index
    %swap3A_981 = arith.constant 0 : index
    %swap3A_982 = vector.load %arg16[%swap3A_980, %swap3A_981] : memref<3200x128xbf16, #tpu.memory_space<vmem>>, vector<50x128xbf16>
    tpu.vector_store %arg16[%swap3A_980, %swap3A_981], %convert_element_type3A_979 {strides = array<i32>} : memref<3200x128xbf16, #tpu.memory_space<vmem>>, vector<50x128xbf16>,
    %get3A_983 = arith.constant 0 : index
    %get3A_984 = arith.constant 0 : index
    %get3A_985 = vector.load %arg16[%get3A_983, %get3A_984] : memref<3200x128xbf16, #tpu.memory_space<vmem>>, vector<3200x128xbf16>
    %get3A_986 = arith.constant 0 : index
    %get3A_987 = arith.constant 0 : index
    %get3A_988 = vector.load %arg8[%get3A_986, %get3A_987] : memref<128x192xbf16, #tpu.memory_space<vmem>>, vector<128x192xbf16>
    %dot_general3A_989 = arith.constant dense<0.000000e+00> : vector<3200x192xf32>
    %dot_general3A_990 = tpu.matmul %get3A_985, %get3A_988, %dot_general3A_989 {dimension_numbers = #tpu.dot_dimension_numbers<[1], [0], [0], [1], [0, 0, 1, 1], [], []>, transpose_lhs_hint = false} : vector<3200x128xbf16>, vector<128x192xbf16>, vector<3200x192xf32> -> vector<3200x192xf32>
    %get3A_991 = arith.constant 0 : index
    %get3A_992 = arith.constant 0 : index
    %get3A_993 = vector.load %arg9[%get3A_991, %get3A_992] : memref<1x192xf32, #tpu.memory_space<vmem>>, vector<1x192xf32>
    %add3A_994 = vector.broadcast %get3A_993 : vector<1x192xf32> to vector<3200x192xf32>
    %add3A_995 = arith.addf %dot_general3A_990, %add3A_994 : vector<3200x192xf32>
    %get3A_996 = arith.constant 0 : index
    %get3A_997 = arith.constant 0 : index
    %get3A_998 = vector.load %arg10[%get3A_996, %get3A_997] : memref<64x192xbf16, #tpu.memory_space<vmem>>, vector<64x192xbf16>
    %dot_general3A_999 = arith.constant dense<0.000000e+00> : vector<3200x192xf32>
    %dot_general3A_1000 = tpu.matmul %convert_element_type3A_74, %get3A_998, %dot_general3A_999 {dimension_numbers = #tpu.dot_dimension_numbers<[1], [0], [0], [1], [0, 0, 1, 1], [], []>, transpose_lhs_hint = false} : vector<3200x64xbf16>, vector<64x192xbf16>, vector<3200x192xf32> -> vector<3200x192xf32>
    %get3A_1001 = arith.constant 0 : index
    %get3A_1002 = arith.constant 0 : index
    %get3A_1003 = vector.load %arg11[%get3A_1001, %get3A_1002] : memref<1x192xf32, #tpu.memory_space<vmem>>, vector<1x192xf32>
    %add3A_1004 = vector.broadcast %get3A_1003 : vector<1x192xf32> to vector<3200x192xf32>
    %add3A_1005 = arith.addf %dot_general3A_1000, %add3A_1004 : vector<3200x192xf32>
    %slice3A_1006 = vector.extract_strided_slice %add3A_995 {offsets = [0, 0], sizes = [3200, 64], strides = [1, 1]} : vector<3200x192xf32> to vector<3200x64xf32>
    %slice3A_1007 = vector.extract_strided_slice %add3A_1005 {offsets = [0, 0], sizes = [3200, 64], strides = [1, 1]} : vector<3200x192xf32> to vector<3200x64xf32>
    %add3A_1008 = arith.addf %slice3A_1006, %slice3A_1007 : vector<3200x64xf32>
    %logistic3A = arith.negf %add3A_1008 : vector<3200x64xf32>
    %logistic3A_1009 = math.exp %logistic3A : vector<3200x64xf32>
    %logistic3A_1010 = arith.constant 1.000000e+00 : f32
    %logistic3A_1011 = vector.broadcast %logistic3A_1010 : f32 to vector<3200x64xf32>
    %logistic3A_1012 = arith.addf %logistic3A_1011, %logistic3A_1009 : vector<3200x64xf32>
    %logistic3A_1013 = arith.divf %logistic3A_1011, %logistic3A_1012 : vector<3200x64xf32>
    %slice3A_1014 = vector.extract_strided_slice %add3A_995 {offsets = [0, 64], sizes = [3200, 64], strides = [1, 1]} : vector<3200x192xf32> to vector<3200x64xf32>
    %slice3A_1015 = vector.extract_strided_slice %add3A_1005 {offsets = [0, 64], sizes = [3200, 64], strides = [1, 1]} : vector<3200x192xf32> to vector<3200x64xf32>
    %add3A_1016 = arith.addf %slice3A_1014, %slice3A_1015 : vector<3200x64xf32>
    %logistic3A_1017 = arith.negf %add3A_1016 : vector<3200x64xf32>
    %logistic3A_1018 = math.exp %logistic3A_1017 : vector<3200x64xf32>
    %logistic3A_1019 = arith.constant 1.000000e+00 : f32
    %logistic3A_1020 = vector.broadcast %logistic3A_1019 : f32 to vector<3200x64xf32>
    %logistic3A_1021 = arith.addf %logistic3A_1020, %logistic3A_1018 : vector<3200x64xf32>
    %logistic3A_1022 = arith.divf %logistic3A_1020, %logistic3A_1021 : vector<3200x64xf32>
    %slice3A_1023 = vector.extract_strided_slice %add3A_995 {offsets = [0, 128], sizes = [3200, 64], strides = [1, 1]} : vector<3200x192xf32> to vector<3200x64xf32>
    %slice3A_1024 = vector.extract_strided_slice %add3A_1005 {offsets = [0, 128], sizes = [3200, 64], strides = [1, 1]} : vector<3200x192xf32> to vector<3200x64xf32>
    %mul3A_1025 = arith.mulf %logistic3A_1013, %slice3A_1024 : vector<3200x64xf32>
    %add3A_1026 = arith.addf %slice3A_1023, %mul3A_1025 : vector<3200x64xf32>
    %tanh3A_1027 = math.tanh %add3A_1026 : vector<3200x64xf32>
    %sub3A = arith.constant 1.000000e+00 : f32
    %sub3A_1028 = vector.broadcast %sub3A : f32 to vector<3200x64xf32>
    %sub3A_1029 = arith.subf %sub3A_1028, %logistic3A_1022 : vector<3200x64xf32>
    %mul3A_1030 = arith.mulf %sub3A_1029, %tanh3A_1027 : vector<3200x64xf32>
    %mul3A_1031 = arith.mulf %logistic3A_1022, %get3A_73 : vector<3200x64xf32>
    %add3A_1032 = arith.addf %mul3A_1030, %mul3A_1031 : vector<3200x64xf32>
    %swap3A_1033 = arith.constant 0 : index
    %swap3A_1034 = arith.constant 0 : index
    %swap3A_1035 = vector.load %arg14[%swap3A_1033, %swap3A_1034] : memref<3200x64xf32, #tpu.memory_space<vmem>>, vector<3200x64xf32>
    tpu.vector_store %arg14[%swap3A_1033, %swap3A_1034], %add3A_1032 {strides = array<i32>} : memref<3200x64xf32, #tpu.memory_space<vmem>>, vector<3200x64xf32>,
    %get3A_1036 = arith.constant 0 : index
    %get3A_1037 = arith.constant 0 : index
    %get3A_1038 = vector.load %arg14[%get3A_1036, %get3A_1037] : memref<3200x64xf32, #tpu.memory_space<vmem>>, vector<3200x64xf32>
    %convert_element_type3A_1039 = arith.truncf %get3A_1038 : vector<3200x64xf32> to vector<3200x64xbf16>
    %get3A_1040 = arith.constant 0 : index
    %get3A_1041 = arith.constant 0 : index
    %get3A_1042 = vector.load %arg6[%get3A_1040, %get3A_1041] : memref<64x128xbf16, #tpu.memory_space<vmem>>, vector<64x128xbf16>
    %dot_general3A_1043 = arith.constant dense<0.000000e+00> : vector<3200x128xf32>
    %dot_general3A_1044 = tpu.matmul %convert_element_type3A_1039, %get3A_1042, %dot_general3A_1043 {dimension_numbers = #tpu.dot_dimension_numbers<[1], [0], [0], [1], [0, 0, 1, 1], [], []>, transpose_lhs_hint = false} : vector<3200x64xbf16>, vector<64x128xbf16>, vector<3200x128xf32> -> vector<3200x128xf32>
    %get3A_1045 = arith.constant 0 : index
    %get3A_1046 = arith.constant 0 : index
    %get3A_1047 = vector.load %arg7[%get3A_1045, %get3A_1046] : memref<1x128xf32, #tpu.memory_space<vmem>>, vector<1x128xf32>
    %add3A_1048 = vector.broadcast %get3A_1047 : vector<1x128xf32> to vector<3200x128xf32>
    %add3A_1049 = arith.addf %dot_general3A_1044, %add3A_1048 : vector<3200x128xf32>
    %convert_element_type3A_1050 = arith.truncf %add3A_1049 : vector<3200x128xf32> to vector<3200x128xbf16>
    %swap3A_1051 = arith.constant 0 : index
    %swap3A_1052 = arith.constant 0 : index
    %swap3A_1053 = vector.load %arg15[%swap3A_1051, %swap3A_1052] : memref<3200x128xbf16, #tpu.memory_space<vmem>>, vector<3200x128xbf16>
    tpu.vector_store %arg15[%swap3A_1051, %swap3A_1052], %convert_element_type3A_1050 {strides = array<i32>} : memref<3200x128xbf16, #tpu.memory_space<vmem>>, vector<3200x128xbf16>,
    %get3A_1054 = arith.constant 0 : index
    %get3A_1055 = arith.constant 0 : index
    %get3A_1056 = vector.load %arg15[%get3A_1054, %get3A_1055] : memref<3200x128xbf16, #tpu.memory_space<vmem>>, vector<50x128xbf16>
    %mul3A_1057 = arith.mulf %get3A_1056, %convert_element_type3A_65 : vector<50x128xbf16>
    %mul3A_1058 = arith.mulf %get3A_1056, %convert_element_type3A_70 : vector<50x128xbf16>
    %concatenate3A_1059 = tpu.concatenate %mul3A_1057, %mul3A_1058 in 0 : vector<50x128xbf16>, vector<50x128xbf16> -> vector<100x128xbf16>
    %slice3A_1060 = vector.extract_strided_slice %convert_element_type3A_60 {offsets = [0, 0, 0], sizes = [1, 50, 100], strides = [1, 1, 1]} : vector<64x50x100xbf16> to vector<1x50x100xbf16>
    %squeeze3A_1061 = vector.shape_cast %slice3A_1060 : vector<1x50x100xbf16> to vector<50x100xbf16>
    %dot_general3A_1062 = arith.constant dense<0.000000e+00> : vector<50x128xf32>
    %dot_general3A_1063 = tpu.matmul %squeeze3A_1061, %concatenate3A_1059, %dot_general3A_1062 {dimension_numbers = #tpu.dot_dimension_numbers<[1], [0], [0], [1], [0, 0, 1, 1], [], []>, transpose_lhs_hint = false} : vector<50x100xbf16>, vector<100x128xbf16>, vector<50x128xf32> -> vector<50x128xf32>
    %convert_element_type3A_1064 = arith.truncf %dot_general3A_1063 : vector<50x128xf32> to vector<50x128xbf16>
    %swap3A_1065 = arith.constant 0 : index
    %swap3A_1066 = arith.constant 0 : index
    %swap3A_1067 = vector.load %arg16[%swap3A_1065, %swap3A_1066] : memref<3200x128xbf16, #tpu.memory_space<vmem>>, vector<50x128xbf16>
    tpu.vector_store %arg16[%swap3A_1065, %swap3A_1066], %convert_element_type3A_1064 {strides = array<i32>} : memref<3200x128xbf16, #tpu.memory_space<vmem>>, vector<50x128xbf16>,
    %get3A_1068 = arith.constant 50 : index
    %get3A_1069 = arith.constant 0 : index
    %get3A_1070 = vector.load %arg15[%get3A_1068, %get3A_1069] : memref<3200x128xbf16, #tpu.memory_space<vmem>>, vector<50x128xbf16>
    %mul3A_1071 = arith.mulf %get3A_1070, %convert_element_type3A_65 : vector<50x128xbf16>
    %mul3A_1072 = arith.mulf %get3A_1070, %convert_element_type3A_70 : vector<50x128xbf16>
    %concatenate3A_1073 = tpu.concatenate %mul3A_1071, %mul3A_1072 in 0 : vector<50x128xbf16>, vector<50x128xbf16> -> vector<100x128xbf16>
    %slice3A_1074 = vector.extract_strided_slice %convert_element_type3A_60 {offsets = [1, 0, 0], sizes = [1, 50, 100], strides = [1, 1, 1]} : vector<64x50x100xbf16> to vector<1x50x100xbf16>
    %squeeze3A_1075 = vector.shape_cast %slice3A_1074 : vector<1x50x100xbf16> to vector<50x100xbf16>
    %dot_general3A_1076 = arith.constant dense<0.000000e+00> : vector<50x128xf32>
    %dot_general3A_1077 = tpu.matmul %squeeze3A_1075, %concatenate3A_1073, %dot_general3A_1076 {dimension_numbers = #tpu.dot_dimension_numbers<[1], [0], [0], [1], [0, 0, 1, 1], [], []>, transpose_lhs_hint = false} : vector<50x100xbf16>, vector<100x128xbf16>, vector<50x128xf32> -> vector<50x128xf32>
    %convert_element_type3A_1078 = arith.truncf %dot_general3A_1077 : vector<50x128xf32> to vector<50x128xbf16>
    %swap3A_1079 = arith.constant 50 : index
    %swap3A_1080 = arith.constant 0 : index
    %swap3A_1081 = vector.load %arg16[%swap3A_1079, %swap3A_1080] : memref<3200x128xbf16, #tpu.memory_space<vmem>>, vector<50x128xbf16>
    tpu.vector_store %arg16[%swap3A_1079, %swap3A_1080], %convert_element_type3A_1078 {strides = array<i32>} : memref<3200x128xbf16, #tpu.memory_space<vmem>>, vector<50x128xbf16>,
    %get3A_1082 = arith.constant 100 : index
    %get3A_1083 = arith.constant 0 : index
    %get3A_1084 = vector.load %arg15[%get3A_1082, %get3A_1083] : memref<3200x128xbf16, #tpu.memory_space<vmem>>, vector<50x128xbf16>
    %mul3A_1085 = arith.mulf %get3A_1084, %convert_element_type3A_65 : vector<50x128xbf16>
    %mul3A_1086 = arith.mulf %get3A_1084, %convert_element_type3A_70 : vector<50x128xbf16>
    %concatenate3A_1087 = tpu.concatenate %mul3A_1085, %mul3A_1086 in 0 : vector<50x128xbf16>, vector<50x128xbf16> -> vector<100x128xbf16>
    %slice3A_1088 = vector.extract_strided_slice %convert_element_type3A_60 {offsets = [2, 0, 0], sizes = [1, 50, 100], strides = [1, 1, 1]} : vector<64x50x100xbf16> to vector<1x50x100xbf16>
    %squeeze3A_1089 = vector.shape_cast %slice3A_1088 : vector<1x50x100xbf16> to vector<50x100xbf16>
    %dot_general3A_1090 = arith.constant dense<0.000000e+00> : vector<50x128xf32>
    %dot_general3A_1091 = tpu.matmul %squeeze3A_1089, %concatenate3A_1087, %dot_general3A_1090 {dimension_numbers = #tpu.dot_dimension_numbers<[1], [0], [0], [1], [0, 0, 1, 1], [], []>, transpose_lhs_hint = false} : vector<50x100xbf16>, vector<100x128xbf16>, vector<50x128xf32> -> vector<50x128xf32>
    %convert_element_type3A_1092 = arith.truncf %dot_general3A_1091 : vector<50x128xf32> to vector<50x128xbf16>
    %swap3A_1093 = arith.constant 100 : index
    %swap3A_1094 = arith.constant 0 : index
    %swap3A_1095 = vector.load %arg16[%swap3A_1093, %swap3A_1094] : memref<3200x128xbf16, #tpu.memory_space<vmem>>, vector<50x128xbf16>
    tpu.vector_store %arg16[%swap3A_1093, %swap3A_1094], %convert_element_type3A_1092 {strides = array<i32>} : memref<3200x128xbf16, #tpu.memory_space<vmem>>, vector<50x128xbf16>,
    %get3A_1096 = arith.constant 150 : index
    %get3A_1097 = arith.constant 0 : index
    %get3A_1098 = vector.load %arg15[%get3A_1096, %get3A_1097] : memref<3200x128xbf16, #tpu.memory_space<vmem>>, vector<50x128xbf16>
    %mul3A_1099 = arith.mulf %get3A_1098, %convert_element_type3A_65 : vector<50x128xbf16>
    %mul3A_1100 = arith.mulf %get3A_1098, %convert_element_type3A_70 : vector<50x128xbf16>
    %concatenate3A_1101 = tpu.concatenate %mul3A_1099, %mul3A_1100 in 0 : vector<50x128xbf16>, vector<50x128xbf16> -> vector<100x128xbf16>
    %slice3A_1102 = vector.extract_strided_slice %convert_element_type3A_60 {offsets = [3, 0, 0], sizes = [1, 50, 100], strides = [1, 1, 1]} : vector<64x50x100xbf16> to vector<1x50x100xbf16>
    %squeeze3A_1103 = vector.shape_cast %slice3A_1102 : vector<1x50x100xbf16> to vector<50x100xbf16>
    %dot_general3A_1104 = arith.constant dense<0.000000e+00> : vector<50x128xf32>
    %dot_general3A_1105 = tpu.matmul %squeeze3A_1103, %concatenate3A_1101, %dot_general3A_1104 {dimension_numbers = #tpu.dot_dimension_numbers<[1], [0], [0], [1], [0, 0, 1, 1], [], []>, transpose_lhs_hint = false} : vector<50x100xbf16>, vector<100x128xbf16>, vector<50x128xf32> -> vector<50x128xf32>
    %convert_element_type3A_1106 = arith.truncf %dot_general3A_1105 : vector<50x128xf32> to vector<50x128xbf16>
    %swap3A_1107 = arith.constant 150 : index
    %swap3A_1108 = arith.constant 0 : index
    %swap3A_1109 = vector.load %arg16[%swap3A_1107, %swap3A_1108] : memref<3200x128xbf16, #tpu.memory_space<vmem>>, vector<50x128xbf16>
    tpu.vector_store %arg16[%swap3A_1107, %swap3A_1108], %convert_element_type3A_1106 {strides = array<i32>} : memref<3200x128xbf16, #tpu.memory_space<vmem>>, vector<50x128xbf16>,
    %get3A_1110 = arith.constant 200 : index
    %get3A_1111 = arith.constant 0 : index
    %get3A_1112 = vector.load %arg15[%get3A_1110, %get3A_1111] : memref<3200x128xbf16, #tpu.memory_space<vmem>>, vector<50x128xbf16>
    %mul3A_1113 = arith.mulf %get3A_1112, %convert_element_type3A_65 : vector<50x128xbf16>
    %mul3A_1114 = arith.mulf %get3A_1112, %convert_element_type3A_70 : vector<50x128xbf16>
    %concatenate3A_1115 = tpu.concatenate %mul3A_1113, %mul3A_1114 in 0 : vector<50x128xbf16>, vector<50x128xbf16> -> vector<100x128xbf16>
    %slice3A_1116 = vector.extract_strided_slice %convert_element_type3A_60 {offsets = [4, 0, 0], sizes = [1, 50, 100], strides = [1, 1, 1]} : vector<64x50x100xbf16> to vector<1x50x100xbf16>
    %squeeze3A_1117 = vector.shape_cast %slice3A_1116 : vector<1x50x100xbf16> to vector<50x100xbf16>
    %dot_general3A_1118 = arith.constant dense<0.000000e+00> : vector<50x128xf32>
    %dot_general3A_1119 = tpu.matmul %squeeze3A_1117, %concatenate3A_1115, %dot_general3A_1118 {dimension_numbers = #tpu.dot_dimension_numbers<[1], [0], [0], [1], [0, 0, 1, 1], [], []>, transpose_lhs_hint = false} : vector<50x100xbf16>, vector<100x128xbf16>, vector<50x128xf32> -> vector<50x128xf32>
    %convert_element_type3A_1120 = arith.truncf %dot_general3A_1119 : vector<50x128xf32> to vector<50x128xbf16>
    %swap3A_1121 = arith.constant 200 : index
    %swap3A_1122 = arith.constant 0 : index
    %swap3A_1123 = vector.load %arg16[%swap3A_1121, %swap3A_1122] : memref<3200x128xbf16, #tpu.memory_space<vmem>>, vector<50x128xbf16>
    tpu.vector_store %arg16[%swap3A_1121, %swap3A_1122], %convert_element_type3A_1120 {strides = array<i32>} : memref<3200x128xbf16, #tpu.memory_space<vmem>>, vector<50x128xbf16>,
    %get3A_1124 = arith.constant 250 : index
    %get3A_1125 = arith.constant 0 : index
    %get3A_1126 = vector.load %arg15[%get3A_1124, %get3A_1125] : memref<3200x128xbf16, #tpu.memory_space<vmem>>, vector<50x128xbf16>
    %mul3A_1127 = arith.mulf %get3A_1126, %convert_element_type3A_65 : vector<50x128xbf16>
    %mul3A_1128 = arith.mulf %get3A_1126, %convert_element_type3A_70 : vector<50x128xbf16>
    %concatenate3A_1129 = tpu.concatenate %mul3A_1127, %mul3A_1128 in 0 : vector<50x128xbf16>, vector<50x128xbf16> -> vector<100x128xbf16>
    %slice3A_1130 = vector.extract_strided_slice %convert_element_type3A_60 {offsets = [5, 0, 0], sizes = [1, 50, 100], strides = [1, 1, 1]} : vector<64x50x100xbf16> to vector<1x50x100xbf16>
    %squeeze3A_1131 = vector.shape_cast %slice3A_1130 : vector<1x50x100xbf16> to vector<50x100xbf16>
    %dot_general3A_1132 = arith.constant dense<0.000000e+00> : vector<50x128xf32>
    %dot_general3A_1133 = tpu.matmul %squeeze3A_1131, %concatenate3A_1129, %dot_general3A_1132 {dimension_numbers = #tpu.dot_dimension_numbers<[1], [0], [0], [1], [0, 0, 1, 1], [], []>, transpose_lhs_hint = false} : vector<50x100xbf16>, vector<100x128xbf16>, vector<50x128xf32> -> vector<50x128xf32>
    %convert_element_type3A_1134 = arith.truncf %dot_general3A_1133 : vector<50x128xf32> to vector<50x128xbf16>
    %swap3A_1135 = arith.constant 250 : index
    %swap3A_1136 = arith.constant 0 : index
    %swap3A_1137 = vector.load %arg16[%swap3A_1135, %swap3A_1136] : memref<3200x128xbf16, #tpu.memory_space<vmem>>, vector<50x128xbf16>
    tpu.vector_store %arg16[%swap3A_1135, %swap3A_1136], %convert_element_type3A_1134 {strides = array<i32>} : memref<3200x128xbf16, #tpu.memory_space<vmem>>, vector<50x128xbf16>,
    %get3A_1138 = arith.constant 300 : index
    %get3A_1139 = arith.constant 0 : index
    %get3A_1140 = vector.load %arg15[%get3A_1138, %get3A_1139] : memref<3200x128xbf16, #tpu.memory_space<vmem>>, vector<50x128xbf16>
    %mul3A_1141 = arith.mulf %get3A_1140, %convert_element_type3A_65 : vector<50x128xbf16>
    %mul3A_1142 = arith.mulf %get3A_1140, %convert_element_type3A_70 : vector<50x128xbf16>
    %concatenate3A_1143 = tpu.concatenate %mul3A_1141, %mul3A_1142 in 0 : vector<50x128xbf16>, vector<50x128xbf16> -> vector<100x128xbf16>
    %slice3A_1144 = vector.extract_strided_slice %convert_element_type3A_60 {offsets = [6, 0, 0], sizes = [1, 50, 100], strides = [1, 1, 1]} : vector<64x50x100xbf16> to vector<1x50x100xbf16>
    %squeeze3A_1145 = vector.shape_cast %slice3A_1144 : vector<1x50x100xbf16> to vector<50x100xbf16>
    %dot_general3A_1146 = arith.constant dense<0.000000e+00> : vector<50x128xf32>
    %dot_general3A_1147 = tpu.matmul %squeeze3A_1145, %concatenate3A_1143, %dot_general3A_1146 {dimension_numbers = #tpu.dot_dimension_numbers<[1], [0], [0], [1], [0, 0, 1, 1], [], []>, transpose_lhs_hint = false} : vector<50x100xbf16>, vector<100x128xbf16>, vector<50x128xf32> -> vector<50x128xf32>
    %convert_element_type3A_1148 = arith.truncf %dot_general3A_1147 : vector<50x128xf32> to vector<50x128xbf16>
    %swap3A_1149 = arith.constant 300 : index
    %swap3A_1150 = arith.constant 0 : index
    %swap3A_1151 = vector.load %arg16[%swap3A_1149, %swap3A_1150] : memref<3200x128xbf16, #tpu.memory_space<vmem>>, vector<50x128xbf16>
    tpu.vector_store %arg16[%swap3A_1149, %swap3A_1150], %convert_element_type3A_1148 {strides = array<i32>} : memref<3200x128xbf16, #tpu.memory_space<vmem>>, vector<50x128xbf16>,
    %get3A_1152 = arith.constant 350 : index
    %get3A_1153 = arith.constant 0 : index
    %get3A_1154 = vector.load %arg15[%get3A_1152, %get3A_1153] : memref<3200x128xbf16, #tpu.memory_space<vmem>>, vector<50x128xbf16>
    %mul3A_1155 = arith.mulf %get3A_1154, %convert_element_type3A_65 : vector<50x128xbf16>
    %mul3A_1156 = arith.mulf %get3A_1154, %convert_element_type3A_70 : vector<50x128xbf16>
    %concatenate3A_1157 = tpu.concatenate %mul3A_1155, %mul3A_1156 in 0 : vector<50x128xbf16>, vector<50x128xbf16> -> vector<100x128xbf16>
    %slice3A_1158 = vector.extract_strided_slice %convert_element_type3A_60 {offsets = [7, 0, 0], sizes = [1, 50, 100], strides = [1, 1, 1]} : vector<64x50x100xbf16> to vector<1x50x100xbf16>
    %squeeze3A_1159 = vector.shape_cast %slice3A_1158 : vector<1x50x100xbf16> to vector<50x100xbf16>
    %dot_general3A_1160 = arith.constant dense<0.000000e+00> : vector<50x128xf32>
    %dot_general3A_1161 = tpu.matmul %squeeze3A_1159, %concatenate3A_1157, %dot_general3A_1160 {dimension_numbers = #tpu.dot_dimension_numbers<[1], [0], [0], [1], [0, 0, 1, 1], [], []>, transpose_lhs_hint = false} : vector<50x100xbf16>, vector<100x128xbf16>, vector<50x128xf32> -> vector<50x128xf32>
    %convert_element_type3A_1162 = arith.truncf %dot_general3A_1161 : vector<50x128xf32> to vector<50x128xbf16>
    %swap3A_1163 = arith.constant 350 : index
    %swap3A_1164 = arith.constant 0 : index
    %swap3A_1165 = vector.load %arg16[%swap3A_1163, %swap3A_1164] : memref<3200x128xbf16, #tpu.memory_space<vmem>>, vector<50x128xbf16>
    tpu.vector_store %arg16[%swap3A_1163, %swap3A_1164], %convert_element_type3A_1162 {strides = array<i32>} : memref<3200x128xbf16, #tpu.memory_space<vmem>>, vector<50x128xbf16>,
    %get3A_1166 = arith.constant 400 : index
    %get3A_1167 = arith.constant 0 : index
    %get3A_1168 = vector.load %arg15[%get3A_1166, %get3A_1167] : memref<3200x128xbf16, #tpu.memory_space<vmem>>, vector<50x128xbf16>
    %mul3A_1169 = arith.mulf %get3A_1168, %convert_element_type3A_65 : vector<50x128xbf16>
    %mul3A_1170 = arith.mulf %get3A_1168, %convert_element_type3A_70 : vector<50x128xbf16>
    %concatenate3A_1171 = tpu.concatenate %mul3A_1169, %mul3A_1170 in 0 : vector<50x128xbf16>, vector<50x128xbf16> -> vector<100x128xbf16>
    %slice3A_1172 = vector.extract_strided_slice %convert_element_type3A_60 {offsets = [8, 0, 0], sizes = [1, 50, 100], strides = [1, 1, 1]} : vector<64x50x100xbf16> to vector<1x50x100xbf16>
    %squeeze3A_1173 = vector.shape_cast %slice3A_1172 : vector<1x50x100xbf16> to vector<50x100xbf16>
    %dot_general3A_1174 = arith.constant dense<0.000000e+00> : vector<50x128xf32>
    %dot_general3A_1175 = tpu.matmul %squeeze3A_1173, %concatenate3A_1171, %dot_general3A_1174 {dimension_numbers = #tpu.dot_dimension_numbers<[1], [0], [0], [1], [0, 0, 1, 1], [], []>, transpose_lhs_hint = false} : vector<50x100xbf16>, vector<100x128xbf16>, vector<50x128xf32> -> vector<50x128xf32>
    %convert_element_type3A_1176 = arith.truncf %dot_general3A_1175 : vector<50x128xf32> to vector<50x128xbf16>
    %swap3A_1177 = arith.constant 400 : index
    %swap3A_1178 = arith.constant 0 : index
    %swap3A_1179 = vector.load %arg16[%swap3A_1177, %swap3A_1178] : memref<3200x128xbf16, #tpu.memory_space<vmem>>, vector<50x128xbf16>
    tpu.vector_store %arg16[%swap3A_1177, %swap3A_1178], %convert_element_type3A_1176 {strides = array<i32>} : memref<3200x128xbf16, #tpu.memory_space<vmem>>, vector<50x128xbf16>,
    %get3A_1180 = arith.constant 450 : index
    %get3A_1181 = arith.constant 0 : index
    %get3A_1182 = vector.load %arg15[%get3A_1180, %get3A_1181] : memref<3200x128xbf16, #tpu.memory_space<vmem>>, vector<50x128xbf16>
    %mul3A_1183 = arith.mulf %get3A_1182, %convert_element_type3A_65 : vector<50x128xbf16>
    %mul3A_1184 = arith.mulf %get3A_1182, %convert_element_type3A_70 : vector<50x128xbf16>
    %concatenate3A_1185 = tpu.concatenate %mul3A_1183, %mul3A_1184 in 0 : vector<50x128xbf16>, vector<50x128xbf16> -> vector<100x128xbf16>
    %slice3A_1186 = vector.extract_strided_slice %convert_element_type3A_60 {offsets = [9, 0, 0], sizes = [1, 50, 100], strides = [1, 1, 1]} : vector<64x50x100xbf16> to vector<1x50x100xbf16>
    %squeeze3A_1187 = vector.shape_cast %slice3A_1186 : vector<1x50x100xbf16> to vector<50x100xbf16>
    %dot_general3A_1188 = arith.constant dense<0.000000e+00> : vector<50x128xf32>
    %dot_general3A_1189 = tpu.matmul %squeeze3A_1187, %concatenate3A_1185, %dot_general3A_1188 {dimension_numbers = #tpu.dot_dimension_numbers<[1], [0], [0], [1], [0, 0, 1, 1], [], []>, transpose_lhs_hint = false} : vector<50x100xbf16>, vector<100x128xbf16>, vector<50x128xf32> -> vector<50x128xf32>
    %convert_element_type3A_1190 = arith.truncf %dot_general3A_1189 : vector<50x128xf32> to vector<50x128xbf16>
    %swap3A_1191 = arith.constant 450 : index
    %swap3A_1192 = arith.constant 0 : index
    %swap3A_1193 = vector.load %arg16[%swap3A_1191, %swap3A_1192] : memref<3200x128xbf16, #tpu.memory_space<vmem>>, vector<50x128xbf16>
    tpu.vector_store %arg16[%swap3A_1191, %swap3A_1192], %convert_element_type3A_1190 {strides = array<i32>} : memref<3200x128xbf16, #tpu.memory_space<vmem>>, vector<50x128xbf16>,
    %get3A_1194 = arith.constant 500 : index
    %get3A_1195 = arith.constant 0 : index
    %get3A_1196 = vector.load %arg15[%get3A_1194, %get3A_1195] : memref<3200x128xbf16, #tpu.memory_space<vmem>>, vector<50x128xbf16>
    %mul3A_1197 = arith.mulf %get3A_1196, %convert_element_type3A_65 : vector<50x128xbf16>
    %mul3A_1198 = arith.mulf %get3A_1196, %convert_element_type3A_70 : vector<50x128xbf16>
    %concatenate3A_1199 = tpu.concatenate %mul3A_1197, %mul3A_1198 in 0 : vector<50x128xbf16>, vector<50x128xbf16> -> vector<100x128xbf16>
    %slice3A_1200 = vector.extract_strided_slice %convert_element_type3A_60 {offsets = [10, 0, 0], sizes = [1, 50, 100], strides = [1, 1, 1]} : vector<64x50x100xbf16> to vector<1x50x100xbf16>
    %squeeze3A_1201 = vector.shape_cast %slice3A_1200 : vector<1x50x100xbf16> to vector<50x100xbf16>
    %dot_general3A_1202 = arith.constant dense<0.000000e+00> : vector<50x128xf32>
    %dot_general3A_1203 = tpu.matmul %squeeze3A_1201, %concatenate3A_1199, %dot_general3A_1202 {dimension_numbers = #tpu.dot_dimension_numbers<[1], [0], [0], [1], [0, 0, 1, 1], [], []>, transpose_lhs_hint = false} : vector<50x100xbf16>, vector<100x128xbf16>, vector<50x128xf32> -> vector<50x128xf32>
    %convert_element_type3A_1204 = arith.truncf %dot_general3A_1203 : vector<50x128xf32> to vector<50x128xbf16>
    %swap3A_1205 = arith.constant 500 : index
    %swap3A_1206 = arith.constant 0 : index
    %swap3A_1207 = vector.load %arg16[%swap3A_1205, %swap3A_1206] : memref<3200x128xbf16, #tpu.memory_space<vmem>>, vector<50x128xbf16>
    tpu.vector_store %arg16[%swap3A_1205, %swap3A_1206], %convert_element_type3A_1204 {strides = array<i32>} : memref<3200x128xbf16, #tpu.memory_space<vmem>>, vector<50x128xbf16>,
    %get3A_1208 = arith.constant 550 : index
    %get3A_1209 = arith.constant 0 : index
    %get3A_1210 = vector.load %arg15[%get3A_1208, %get3A_1209] : memref<3200x128xbf16, #tpu.memory_space<vmem>>, vector<50x128xbf16>
    %mul3A_1211 = arith.mulf %get3A_1210, %convert_element_type3A_65 : vector<50x128xbf16>
    %mul3A_1212 = arith.mulf %get3A_1210, %convert_element_type3A_70 : vector<50x128xbf16>
    %concatenate3A_1213 = tpu.concatenate %mul3A_1211, %mul3A_1212 in 0 : vector<50x128xbf16>, vector<50x128xbf16> -> vector<100x128xbf16>
    %slice3A_1214 = vector.extract_strided_slice %convert_element_type3A_60 {offsets = [11, 0, 0], sizes = [1, 50, 100], strides = [1, 1, 1]} : vector<64x50x100xbf16> to vector<1x50x100xbf16>
    %squeeze3A_1215 = vector.shape_cast %slice3A_1214 : vector<1x50x100xbf16> to vector<50x100xbf16>
    %dot_general3A_1216 = arith.constant dense<0.000000e+00> : vector<50x128xf32>
    %dot_general3A_1217 = tpu.matmul %squeeze3A_1215, %concatenate3A_1213, %dot_general3A_1216 {dimension_numbers = #tpu.dot_dimension_numbers<[1], [0], [0], [1], [0, 0, 1, 1], [], []>, transpose_lhs_hint = false} : vector<50x100xbf16>, vector<100x128xbf16>, vector<50x128xf32> -> vector<50x128xf32>
    %convert_element_type3A_1218 = arith.truncf %dot_general3A_1217 : vector<50x128xf32> to vector<50x128xbf16>
    %swap3A_1219 = arith.constant 550 : index
    %swap3A_1220 = arith.constant 0 : index
    %swap3A_1221 = vector.load %arg16[%swap3A_1219, %swap3A_1220] : memref<3200x128xbf16, #tpu.memory_space<vmem>>, vector<50x128xbf16>
    tpu.vector_store %arg16[%swap3A_1219, %swap3A_1220], %convert_element_type3A_1218 {strides = array<i32>} : memref<3200x128xbf16, #tpu.memory_space<vmem>>, vector<50x128xbf16>,
    %get3A_1222 = arith.constant 600 : index
    %get3A_1223 = arith.constant 0 : index
    %get3A_1224 = vector.load %arg15[%get3A_1222, %get3A_1223] : memref<3200x128xbf16, #tpu.memory_space<vmem>>, vector<50x128xbf16>
    %mul3A_1225 = arith.mulf %get3A_1224, %convert_element_type3A_65 : vector<50x128xbf16>
    %mul3A_1226 = arith.mulf %get3A_1224, %convert_element_type3A_70 : vector<50x128xbf16>
    %concatenate3A_1227 = tpu.concatenate %mul3A_1225, %mul3A_1226 in 0 : vector<50x128xbf16>, vector<50x128xbf16> -> vector<100x128xbf16>
    %slice3A_1228 = vector.extract_strided_slice %convert_element_type3A_60 {offsets = [12, 0, 0], sizes = [1, 50, 100], strides = [1, 1, 1]} : vector<64x50x100xbf16> to vector<1x50x100xbf16>
    %squeeze3A_1229 = vector.shape_cast %slice3A_1228 : vector<1x50x100xbf16> to vector<50x100xbf16>
    %dot_general3A_1230 = arith.constant dense<0.000000e+00> : vector<50x128xf32>
    %dot_general3A_1231 = tpu.matmul %squeeze3A_1229, %concatenate3A_1227, %dot_general3A_1230 {dimension_numbers = #tpu.dot_dimension_numbers<[1], [0], [0], [1], [0, 0, 1, 1], [], []>, transpose_lhs_hint = false} : vector<50x100xbf16>, vector<100x128xbf16>, vector<50x128xf32> -> vector<50x128xf32>
    %convert_element_type3A_1232 = arith.truncf %dot_general3A_1231 : vector<50x128xf32> to vector<50x128xbf16>
    %swap3A_1233 = arith.constant 600 : index
    %swap3A_1234 = arith.constant 0 : index
    %swap3A_1235 = vector.load %arg16[%swap3A_1233, %swap3A_1234] : memref<3200x128xbf16, #tpu.memory_space<vmem>>, vector<50x128xbf16>
    tpu.vector_store %arg16[%swap3A_1233, %swap3A_1234], %convert_element_type3A_1232 {strides = array<i32>} : memref<3200x128xbf16, #tpu.memory_space<vmem>>, vector<50x128xbf16>,
    %get3A_1236 = arith.constant 650 : index
    %get3A_1237 = arith.constant 0 : index
    %get3A_1238 = vector.load %arg15[%get3A_1236, %get3A_1237] : memref<3200x128xbf16, #tpu.memory_space<vmem>>, vector<50x128xbf16>
    %mul3A_1239 = arith.mulf %get3A_1238, %convert_element_type3A_65 : vector<50x128xbf16>
    %mul3A_1240 = arith.mulf %get3A_1238, %convert_element_type3A_70 : vector<50x128xbf16>
    %concatenate3A_1241 = tpu.concatenate %mul3A_1239, %mul3A_1240 in 0 : vector<50x128xbf16>, vector<50x128xbf16> -> vector<100x128xbf16>
    %slice3A_1242 = vector.extract_strided_slice %convert_element_type3A_60 {offsets = [13, 0, 0], sizes = [1, 50, 100], strides = [1, 1, 1]} : vector<64x50x100xbf16> to vector<1x50x100xbf16>
    %squeeze3A_1243 = vector.shape_cast %slice3A_1242 : vector<1x50x100xbf16> to vector<50x100xbf16>
    %dot_general3A_1244 = arith.constant dense<0.000000e+00> : vector<50x128xf32>
    %dot_general3A_1245 = tpu.matmul %squeeze3A_1243, %concatenate3A_1241, %dot_general3A_1244 {dimension_numbers = #tpu.dot_dimension_numbers<[1], [0], [0], [1], [0, 0, 1, 1], [], []>, transpose_lhs_hint = false} : vector<50x100xbf16>, vector<100x128xbf16>, vector<50x128xf32> -> vector<50x128xf32>
    %convert_element_type3A_1246 = arith.truncf %dot_general3A_1245 : vector<50x128xf32> to vector<50x128xbf16>
    %swap3A_1247 = arith.constant 650 : index
    %swap3A_1248 = arith.constant 0 : index
    %swap3A_1249 = vector.load %arg16[%swap3A_1247, %swap3A_1248] : memref<3200x128xbf16, #tpu.memory_space<vmem>>, vector<50x128xbf16>
    tpu.vector_store %arg16[%swap3A_1247, %swap3A_1248], %convert_element_type3A_1246 {strides = array<i32>} : memref<3200x128xbf16, #tpu.memory_space<vmem>>, vector<50x128xbf16>,
    %get3A_1250 = arith.constant 700 : index
    %get3A_1251 = arith.constant 0 : index
    %get3A_1252 = vector.load %arg15[%get3A_1250, %get3A_1251] : memref<3200x128xbf16, #tpu.memory_space<vmem>>, vector<50x128xbf16>
    %mul3A_1253 = arith.mulf %get3A_1252, %convert_element_type3A_65 : vector<50x128xbf16>
    %mul3A_1254 = arith.mulf %get3A_1252, %convert_element_type3A_70 : vector<50x128xbf16>
    %concatenate3A_1255 = tpu.concatenate %mul3A_1253, %mul3A_1254 in 0 : vector<50x128xbf16>, vector<50x128xbf16> -> vector<100x128xbf16>
    %slice3A_1256 = vector.extract_strided_slice %convert_element_type3A_60 {offsets = [14, 0, 0], sizes = [1, 50, 100], strides = [1, 1, 1]} : vector<64x50x100xbf16> to vector<1x50x100xbf16>
    %squeeze3A_1257 = vector.shape_cast %slice3A_1256 : vector<1x50x100xbf16> to vector<50x100xbf16>
    %dot_general3A_1258 = arith.constant dense<0.000000e+00> : vector<50x128xf32>
    %dot_general3A_1259 = tpu.matmul %squeeze3A_1257, %concatenate3A_1255, %dot_general3A_1258 {dimension_numbers = #tpu.dot_dimension_numbers<[1], [0], [0], [1], [0, 0, 1, 1], [], []>, transpose_lhs_hint = false} : vector<50x100xbf16>, vector<100x128xbf16>, vector<50x128xf32> -> vector<50x128xf32>
    %convert_element_type3A_1260 = arith.truncf %dot_general3A_1259 : vector<50x128xf32> to vector<50x128xbf16>
    %swap3A_1261 = arith.constant 700 : index
    %swap3A_1262 = arith.constant 0 : index
    %swap3A_1263 = vector.load %arg16[%swap3A_1261, %swap3A_1262] : memref<3200x128xbf16, #tpu.memory_space<vmem>>, vector<50x128xbf16>
    tpu.vector_store %arg16[%swap3A_1261, %swap3A_1262], %convert_element_type3A_1260 {strides = array<i32>} : memref<3200x128xbf16, #tpu.memory_space<vmem>>, vector<50x128xbf16>,
    %get3A_1264 = arith.constant 750 : index
    %get3A_1265 = arith.constant 0 : index
    %get3A_1266 = vector.load %arg15[%get3A_1264, %get3A_1265] : memref<3200x128xbf16, #tpu.memory_space<vmem>>, vector<50x128xbf16>
    %mul3A_1267 = arith.mulf %get3A_1266, %convert_element_type3A_65 : vector<50x128xbf16>
    %mul3A_1268 = arith.mulf %get3A_1266, %convert_element_type3A_70 : vector<50x128xbf16>
    %concatenate3A_1269 = tpu.concatenate %mul3A_1267, %mul3A_1268 in 0 : vector<50x128xbf16>, vector<50x128xbf16> -> vector<100x128xbf16>
    %slice3A_1270 = vector.extract_strided_slice %convert_element_type3A_60 {offsets = [15, 0, 0], sizes = [1, 50, 100], strides = [1, 1, 1]} : vector<64x50x100xbf16> to vector<1x50x100xbf16>
    %squeeze3A_1271 = vector.shape_cast %slice3A_1270 : vector<1x50x100xbf16> to vector<50x100xbf16>
    %dot_general3A_1272 = arith.constant dense<0.000000e+00> : vector<50x128xf32>
    %dot_general3A_1273 = tpu.matmul %squeeze3A_1271, %concatenate3A_1269, %dot_general3A_1272 {dimension_numbers = #tpu.dot_dimension_numbers<[1], [0], [0], [1], [0, 0, 1, 1], [], []>, transpose_lhs_hint = false} : vector<50x100xbf16>, vector<100x128xbf16>, vector<50x128xf32> -> vector<50x128xf32>
    %convert_element_type3A_1274 = arith.truncf %dot_general3A_1273 : vector<50x128xf32> to vector<50x128xbf16>
    %swap3A_1275 = arith.constant 750 : index
    %swap3A_1276 = arith.constant 0 : index
    %swap3A_1277 = vector.load %arg16[%swap3A_1275, %swap3A_1276] : memref<3200x128xbf16, #tpu.memory_space<vmem>>, vector<50x128xbf16>
    tpu.vector_store %arg16[%swap3A_1275, %swap3A_1276], %convert_element_type3A_1274 {strides = array<i32>} : memref<3200x128xbf16, #tpu.memory_space<vmem>>, vector<50x128xbf16>,
    %get3A_1278 = arith.constant 800 : index
    %get3A_1279 = arith.constant 0 : index
    %get3A_1280 = vector.load %arg15[%get3A_1278, %get3A_1279] : memref<3200x128xbf16, #tpu.memory_space<vmem>>, vector<50x128xbf16>
    %mul3A_1281 = arith.mulf %get3A_1280, %convert_element_type3A_65 : vector<50x128xbf16>
    %mul3A_1282 = arith.mulf %get3A_1280, %convert_element_type3A_70 : vector<50x128xbf16>
    %concatenate3A_1283 = tpu.concatenate %mul3A_1281, %mul3A_1282 in 0 : vector<50x128xbf16>, vector<50x128xbf16> -> vector<100x128xbf16>
    %slice3A_1284 = vector.extract_strided_slice %convert_element_type3A_60 {offsets = [16, 0, 0], sizes = [1, 50, 100], strides = [1, 1, 1]} : vector<64x50x100xbf16> to vector<1x50x100xbf16>
    %squeeze3A_1285 = vector.shape_cast %slice3A_1284 : vector<1x50x100xbf16> to vector<50x100xbf16>
    %dot_general3A_1286 = arith.constant dense<0.000000e+00> : vector<50x128xf32>
    %dot_general3A_1287 = tpu.matmul %squeeze3A_1285, %concatenate3A_1283, %dot_general3A_1286 {dimension_numbers = #tpu.dot_dimension_numbers<[1], [0], [0], [1], [0, 0, 1, 1], [], []>, transpose_lhs_hint = false} : vector<50x100xbf16>, vector<100x128xbf16>, vector<50x128xf32> -> vector<50x128xf32>
    %convert_element_type3A_1288 = arith.truncf %dot_general3A_1287 : vector<50x128xf32> to vector<50x128xbf16>
    %swap3A_1289 = arith.constant 800 : index
    %swap3A_1290 = arith.constant 0 : index
    %swap3A_1291 = vector.load %arg16[%swap3A_1289, %swap3A_1290] : memref<3200x128xbf16, #tpu.memory_space<vmem>>, vector<50x128xbf16>
    tpu.vector_store %arg16[%swap3A_1289, %swap3A_1290], %convert_element_type3A_1288 {strides = array<i32>} : memref<3200x128xbf16, #tpu.memory_space<vmem>>, vector<50x128xbf16>,
    %get3A_1292 = arith.constant 850 : index
    %get3A_1293 = arith.constant 0 : index
    %get3A_1294 = vector.load %arg15[%get3A_1292, %get3A_1293] : memref<3200x128xbf16, #tpu.memory_space<vmem>>, vector<50x128xbf16>
    %mul3A_1295 = arith.mulf %get3A_1294, %convert_element_type3A_65 : vector<50x128xbf16>
    %mul3A_1296 = arith.mulf %get3A_1294, %convert_element_type3A_70 : vector<50x128xbf16>
    %concatenate3A_1297 = tpu.concatenate %mul3A_1295, %mul3A_1296 in 0 : vector<50x128xbf16>, vector<50x128xbf16> -> vector<100x128xbf16>
    %slice3A_1298 = vector.extract_strided_slice %convert_element_type3A_60 {offsets = [17, 0, 0], sizes = [1, 50, 100], strides = [1, 1, 1]} : vector<64x50x100xbf16> to vector<1x50x100xbf16>
    %squeeze3A_1299 = vector.shape_cast %slice3A_1298 : vector<1x50x100xbf16> to vector<50x100xbf16>
    %dot_general3A_1300 = arith.constant dense<0.000000e+00> : vector<50x128xf32>
    %dot_general3A_1301 = tpu.matmul %squeeze3A_1299, %concatenate3A_1297, %dot_general3A_1300 {dimension_numbers = #tpu.dot_dimension_numbers<[1], [0], [0], [1], [0, 0, 1, 1], [], []>, transpose_lhs_hint = false} : vector<50x100xbf16>, vector<100x128xbf16>, vector<50x128xf32> -> vector<50x128xf32>
    %convert_element_type3A_1302 = arith.truncf %dot_general3A_1301 : vector<50x128xf32> to vector<50x128xbf16>
    %swap3A_1303 = arith.constant 850 : index
    %swap3A_1304 = arith.constant 0 : index
    %swap3A_1305 = vector.load %arg16[%swap3A_1303, %swap3A_1304] : memref<3200x128xbf16, #tpu.memory_space<vmem>>, vector<50x128xbf16>
    tpu.vector_store %arg16[%swap3A_1303, %swap3A_1304], %convert_element_type3A_1302 {strides = array<i32>} : memref<3200x128xbf16, #tpu.memory_space<vmem>>, vector<50x128xbf16>,
    %get3A_1306 = arith.constant 900 : index
    %get3A_1307 = arith.constant 0 : index
    %get3A_1308 = vector.load %arg15[%get3A_1306, %get3A_1307] : memref<3200x128xbf16, #tpu.memory_space<vmem>>, vector<50x128xbf16>
    %mul3A_1309 = arith.mulf %get3A_1308, %convert_element_type3A_65 : vector<50x128xbf16>
    %mul3A_1310 = arith.mulf %get3A_1308, %convert_element_type3A_70 : vector<50x128xbf16>
    %concatenate3A_1311 = tpu.concatenate %mul3A_1309, %mul3A_1310 in 0 : vector<50x128xbf16>, vector<50x128xbf16> -> vector<100x128xbf16>
    %slice3A_1312 = vector.extract_strided_slice %convert_element_type3A_60 {offsets = [18, 0, 0], sizes = [1, 50, 100], strides = [1, 1, 1]} : vector<64x50x100xbf16> to vector<1x50x100xbf16>
    %squeeze3A_1313 = vector.shape_cast %slice3A_1312 : vector<1x50x100xbf16> to vector<50x100xbf16>
    %dot_general3A_1314 = arith.constant dense<0.000000e+00> : vector<50x128xf32>
    %dot_general3A_1315 = tpu.matmul %squeeze3A_1313, %concatenate3A_1311, %dot_general3A_1314 {dimension_numbers = #tpu.dot_dimension_numbers<[1], [0], [0], [1], [0, 0, 1, 1], [], []>, transpose_lhs_hint = false} : vector<50x100xbf16>, vector<100x128xbf16>, vector<50x128xf32> -> vector<50x128xf32>
    %convert_element_type3A_1316 = arith.truncf %dot_general3A_1315 : vector<50x128xf32> to vector<50x128xbf16>
    %swap3A_1317 = arith.constant 900 : index
    %swap3A_1318 = arith.constant 0 : index
    %swap3A_1319 = vector.load %arg16[%swap3A_1317, %swap3A_1318] : memref<3200x128xbf16, #tpu.memory_space<vmem>>, vector<50x128xbf16>
    tpu.vector_store %arg16[%swap3A_1317, %swap3A_1318], %convert_element_type3A_1316 {strides = array<i32>} : memref<3200x128xbf16, #tpu.memory_space<vmem>>, vector<50x128xbf16>,
    %get3A_1320 = arith.constant 950 : index
    %get3A_1321 = arith.constant 0 : index
    %get3A_1322 = vector.load %arg15[%get3A_1320, %get3A_1321] : memref<3200x128xbf16, #tpu.memory_space<vmem>>, vector<50x128xbf16>
    %mul3A_1323 = arith.mulf %get3A_1322, %convert_element_type3A_65 : vector<50x128xbf16>
    %mul3A_1324 = arith.mulf %get3A_1322, %convert_element_type3A_70 : vector<50x128xbf16>
    %concatenate3A_1325 = tpu.concatenate %mul3A_1323, %mul3A_1324 in 0 : vector<50x128xbf16>, vector<50x128xbf16> -> vector<100x128xbf16>
    %slice3A_1326 = vector.extract_strided_slice %convert_element_type3A_60 {offsets = [19, 0, 0], sizes = [1, 50, 100], strides = [1, 1, 1]} : vector<64x50x100xbf16> to vector<1x50x100xbf16>
    %squeeze3A_1327 = vector.shape_cast %slice3A_1326 : vector<1x50x100xbf16> to vector<50x100xbf16>
    %dot_general3A_1328 = arith.constant dense<0.000000e+00> : vector<50x128xf32>
    %dot_general3A_1329 = tpu.matmul %squeeze3A_1327, %concatenate3A_1325, %dot_general3A_1328 {dimension_numbers = #tpu.dot_dimension_numbers<[1], [0], [0], [1], [0, 0, 1, 1], [], []>, transpose_lhs_hint = false} : vector<50x100xbf16>, vector<100x128xbf16>, vector<50x128xf32> -> vector<50x128xf32>
    %convert_element_type3A_1330 = arith.truncf %dot_general3A_1329 : vector<50x128xf32> to vector<50x128xbf16>
    %swap3A_1331 = arith.constant 950 : index
    %swap3A_1332 = arith.constant 0 : index
    %swap3A_1333 = vector.load %arg16[%swap3A_1331, %swap3A_1332] : memref<3200x128xbf16, #tpu.memory_space<vmem>>, vector<50x128xbf16>
    tpu.vector_store %arg16[%swap3A_1331, %swap3A_1332], %convert_element_type3A_1330 {strides = array<i32>} : memref<3200x128xbf16, #tpu.memory_space<vmem>>, vector<50x128xbf16>,
    %get3A_1334 = arith.constant 1000 : index
    %get3A_1335 = arith.constant 0 : index
    %get3A_1336 = vector.load %arg15[%get3A_1334, %get3A_1335] : memref<3200x128xbf16, #tpu.memory_space<vmem>>, vector<50x128xbf16>
    %mul3A_1337 = arith.mulf %get3A_1336, %convert_element_type3A_65 : vector<50x128xbf16>
    %mul3A_1338 = arith.mulf %get3A_1336, %convert_element_type3A_70 : vector<50x128xbf16>
    %concatenate3A_1339 = tpu.concatenate %mul3A_1337, %mul3A_1338 in 0 : vector<50x128xbf16>, vector<50x128xbf16> -> vector<100x128xbf16>
    %slice3A_1340 = vector.extract_strided_slice %convert_element_type3A_60 {offsets = [20, 0, 0], sizes = [1, 50, 100], strides = [1, 1, 1]} : vector<64x50x100xbf16> to vector<1x50x100xbf16>
    %squeeze3A_1341 = vector.shape_cast %slice3A_1340 : vector<1x50x100xbf16> to vector<50x100xbf16>
    %dot_general3A_1342 = arith.constant dense<0.000000e+00> : vector<50x128xf32>
    %dot_general3A_1343 = tpu.matmul %squeeze3A_1341, %concatenate3A_1339, %dot_general3A_1342 {dimension_numbers = #tpu.dot_dimension_numbers<[1], [0], [0], [1], [0, 0, 1, 1], [], []>, transpose_lhs_hint = false} : vector<50x100xbf16>, vector<100x128xbf16>, vector<50x128xf32> -> vector<50x128xf32>
    %convert_element_type3A_1344 = arith.truncf %dot_general3A_1343 : vector<50x128xf32> to vector<50x128xbf16>
    %swap3A_1345 = arith.constant 1000 : index
    %swap3A_1346 = arith.constant 0 : index
    %swap3A_1347 = vector.load %arg16[%swap3A_1345, %swap3A_1346] : memref<3200x128xbf16, #tpu.memory_space<vmem>>, vector<50x128xbf16>
    tpu.vector_store %arg16[%swap3A_1345, %swap3A_1346], %convert_element_type3A_1344 {strides = array<i32>} : memref<3200x128xbf16, #tpu.memory_space<vmem>>, vector<50x128xbf16>,
    %get3A_1348 = arith.constant 1050 : index
    %get3A_1349 = arith.constant 0 : index
    %get3A_1350 = vector.load %arg15[%get3A_1348, %get3A_1349] : memref<3200x128xbf16, #tpu.memory_space<vmem>>, vector<50x128xbf16>
    %mul3A_1351 = arith.mulf %get3A_1350, %convert_element_type3A_65 : vector<50x128xbf16>
    %mul3A_1352 = arith.mulf %get3A_1350, %convert_element_type3A_70 : vector<50x128xbf16>
    %concatenate3A_1353 = tpu.concatenate %mul3A_1351, %mul3A_1352 in 0 : vector<50x128xbf16>, vector<50x128xbf16> -> vector<100x128xbf16>
    %slice3A_1354 = vector.extract_strided_slice %convert_element_type3A_60 {offsets = [21, 0, 0], sizes = [1, 50, 100], strides = [1, 1, 1]} : vector<64x50x100xbf16> to vector<1x50x100xbf16>
    %squeeze3A_1355 = vector.shape_cast %slice3A_1354 : vector<1x50x100xbf16> to vector<50x100xbf16>
    %dot_general3A_1356 = arith.constant dense<0.000000e+00> : vector<50x128xf32>
    %dot_general3A_1357 = tpu.matmul %squeeze3A_1355, %concatenate3A_1353, %dot_general3A_1356 {dimension_numbers = #tpu.dot_dimension_numbers<[1], [0], [0], [1], [0, 0, 1, 1], [], []>, transpose_lhs_hint = false} : vector<50x100xbf16>, vector<100x128xbf16>, vector<50x128xf32> -> vector<50x128xf32>
    %convert_element_type3A_1358 = arith.truncf %dot_general3A_1357 : vector<50x128xf32> to vector<50x128xbf16>
    %swap3A_1359 = arith.constant 1050 : index
    %swap3A_1360 = arith.constant 0 : index
    %swap3A_1361 = vector.load %arg16[%swap3A_1359, %swap3A_1360] : memref<3200x128xbf16, #tpu.memory_space<vmem>>, vector<50x128xbf16>
    tpu.vector_store %arg16[%swap3A_1359, %swap3A_1360], %convert_element_type3A_1358 {strides = array<i32>} : memref<3200x128xbf16, #tpu.memory_space<vmem>>, vector<50x128xbf16>,
    %get3A_1362 = arith.constant 1100 : index
    %get3A_1363 = arith.constant 0 : index
    %get3A_1364 = vector.load %arg15[%get3A_1362, %get3A_1363] : memref<3200x128xbf16, #tpu.memory_space<vmem>>, vector<50x128xbf16>
    %mul3A_1365 = arith.mulf %get3A_1364, %convert_element_type3A_65 : vector<50x128xbf16>
    %mul3A_1366 = arith.mulf %get3A_1364, %convert_element_type3A_70 : vector<50x128xbf16>
    %concatenate3A_1367 = tpu.concatenate %mul3A_1365, %mul3A_1366 in 0 : vector<50x128xbf16>, vector<50x128xbf16> -> vector<100x128xbf16>
    %slice3A_1368 = vector.extract_strided_slice %convert_element_type3A_60 {offsets = [22, 0, 0], sizes = [1, 50, 100], strides = [1, 1, 1]} : vector<64x50x100xbf16> to vector<1x50x100xbf16>
    %squeeze3A_1369 = vector.shape_cast %slice3A_1368 : vector<1x50x100xbf16> to vector<50x100xbf16>
    %dot_general3A_1370 = arith.constant dense<0.000000e+00> : vector<50x128xf32>
    %dot_general3A_1371 = tpu.matmul %squeeze3A_1369, %concatenate3A_1367, %dot_general3A_1370 {dimension_numbers = #tpu.dot_dimension_numbers<[1], [0], [0], [1], [0, 0, 1, 1], [], []>, transpose_lhs_hint = false} : vector<50x100xbf16>, vector<100x128xbf16>, vector<50x128xf32> -> vector<50x128xf32>
    %convert_element_type3A_1372 = arith.truncf %dot_general3A_1371 : vector<50x128xf32> to vector<50x128xbf16>
    %swap3A_1373 = arith.constant 1100 : index
    %swap3A_1374 = arith.constant 0 : index
    %swap3A_1375 = vector.load %arg16[%swap3A_1373, %swap3A_1374] : memref<3200x128xbf16, #tpu.memory_space<vmem>>, vector<50x128xbf16>
    tpu.vector_store %arg16[%swap3A_1373, %swap3A_1374], %convert_element_type3A_1372 {strides = array<i32>} : memref<3200x128xbf16, #tpu.memory_space<vmem>>, vector<50x128xbf16>,
    %get3A_1376 = arith.constant 1150 : index
    %get3A_1377 = arith.constant 0 : index
    %get3A_1378 = vector.load %arg15[%get3A_1376, %get3A_1377] : memref<3200x128xbf16, #tpu.memory_space<vmem>>, vector<50x128xbf16>
    %mul3A_1379 = arith.mulf %get3A_1378, %convert_element_type3A_65 : vector<50x128xbf16>
    %mul3A_1380 = arith.mulf %get3A_1378, %convert_element_type3A_70 : vector<50x128xbf16>
    %concatenate3A_1381 = tpu.concatenate %mul3A_1379, %mul3A_1380 in 0 : vector<50x128xbf16>, vector<50x128xbf16> -> vector<100x128xbf16>
    %slice3A_1382 = vector.extract_strided_slice %convert_element_type3A_60 {offsets = [23, 0, 0], sizes = [1, 50, 100], strides = [1, 1, 1]} : vector<64x50x100xbf16> to vector<1x50x100xbf16>
    %squeeze3A_1383 = vector.shape_cast %slice3A_1382 : vector<1x50x100xbf16> to vector<50x100xbf16>
    %dot_general3A_1384 = arith.constant dense<0.000000e+00> : vector<50x128xf32>
    %dot_general3A_1385 = tpu.matmul %squeeze3A_1383, %concatenate3A_1381, %dot_general3A_1384 {dimension_numbers = #tpu.dot_dimension_numbers<[1], [0], [0], [1], [0, 0, 1, 1], [], []>, transpose_lhs_hint = false} : vector<50x100xbf16>, vector<100x128xbf16>, vector<50x128xf32> -> vector<50x128xf32>
    %convert_element_type3A_1386 = arith.truncf %dot_general3A_1385 : vector<50x128xf32> to vector<50x128xbf16>
    %swap3A_1387 = arith.constant 1150 : index
    %swap3A_1388 = arith.constant 0 : index
    %swap3A_1389 = vector.load %arg16[%swap3A_1387, %swap3A_1388] : memref<3200x128xbf16, #tpu.memory_space<vmem>>, vector<50x128xbf16>
    tpu.vector_store %arg16[%swap3A_1387, %swap3A_1388], %convert_element_type3A_1386 {strides = array<i32>} : memref<3200x128xbf16, #tpu.memory_space<vmem>>, vector<50x128xbf16>,
    %get3A_1390 = arith.constant 1200 : index
    %get3A_1391 = arith.constant 0 : index
    %get3A_1392 = vector.load %arg15[%get3A_1390, %get3A_1391] : memref<3200x128xbf16, #tpu.memory_space<vmem>>, vector<50x128xbf16>
    %mul3A_1393 = arith.mulf %get3A_1392, %convert_element_type3A_65 : vector<50x128xbf16>
    %mul3A_1394 = arith.mulf %get3A_1392, %convert_element_type3A_70 : vector<50x128xbf16>
    %concatenate3A_1395 = tpu.concatenate %mul3A_1393, %mul3A_1394 in 0 : vector<50x128xbf16>, vector<50x128xbf16> -> vector<100x128xbf16>
    %slice3A_1396 = vector.extract_strided_slice %convert_element_type3A_60 {offsets = [24, 0, 0], sizes = [1, 50, 100], strides = [1, 1, 1]} : vector<64x50x100xbf16> to vector<1x50x100xbf16>
    %squeeze3A_1397 = vector.shape_cast %slice3A_1396 : vector<1x50x100xbf16> to vector<50x100xbf16>
    %dot_general3A_1398 = arith.constant dense<0.000000e+00> : vector<50x128xf32>
    %dot_general3A_1399 = tpu.matmul %squeeze3A_1397, %concatenate3A_1395, %dot_general3A_1398 {dimension_numbers = #tpu.dot_dimension_numbers<[1], [0], [0], [1], [0, 0, 1, 1], [], []>, transpose_lhs_hint = false} : vector<50x100xbf16>, vector<100x128xbf16>, vector<50x128xf32> -> vector<50x128xf32>
    %convert_element_type3A_1400 = arith.truncf %dot_general3A_1399 : vector<50x128xf32> to vector<50x128xbf16>
    %swap3A_1401 = arith.constant 1200 : index
    %swap3A_1402 = arith.constant 0 : index
    %swap3A_1403 = vector.load %arg16[%swap3A_1401, %swap3A_1402] : memref<3200x128xbf16, #tpu.memory_space<vmem>>, vector<50x128xbf16>
    tpu.vector_store %arg16[%swap3A_1401, %swap3A_1402], %convert_element_type3A_1400 {strides = array<i32>} : memref<3200x128xbf16, #tpu.memory_space<vmem>>, vector<50x128xbf16>,
    %get3A_1404 = arith.constant 1250 : index
    %get3A_1405 = arith.constant 0 : index
    %get3A_1406 = vector.load %arg15[%get3A_1404, %get3A_1405] : memref<3200x128xbf16, #tpu.memory_space<vmem>>, vector<50x128xbf16>
    %mul3A_1407 = arith.mulf %get3A_1406, %convert_element_type3A_65 : vector<50x128xbf16>
    %mul3A_1408 = arith.mulf %get3A_1406, %convert_element_type3A_70 : vector<50x128xbf16>
    %concatenate3A_1409 = tpu.concatenate %mul3A_1407, %mul3A_1408 in 0 : vector<50x128xbf16>, vector<50x128xbf16> -> vector<100x128xbf16>
    %slice3A_1410 = vector.extract_strided_slice %convert_element_type3A_60 {offsets = [25, 0, 0], sizes = [1, 50, 100], strides = [1, 1, 1]} : vector<64x50x100xbf16> to vector<1x50x100xbf16>
    %squeeze3A_1411 = vector.shape_cast %slice3A_1410 : vector<1x50x100xbf16> to vector<50x100xbf16>
    %dot_general3A_1412 = arith.constant dense<0.000000e+00> : vector<50x128xf32>
    %dot_general3A_1413 = tpu.matmul %squeeze3A_1411, %concatenate3A_1409, %dot_general3A_1412 {dimension_numbers = #tpu.dot_dimension_numbers<[1], [0], [0], [1], [0, 0, 1, 1], [], []>, transpose_lhs_hint = false} : vector<50x100xbf16>, vector<100x128xbf16>, vector<50x128xf32> -> vector<50x128xf32>
    %convert_element_type3A_1414 = arith.truncf %dot_general3A_1413 : vector<50x128xf32> to vector<50x128xbf16>
    %swap3A_1415 = arith.constant 1250 : index
    %swap3A_1416 = arith.constant 0 : index
    %swap3A_1417 = vector.load %arg16[%swap3A_1415, %swap3A_1416] : memref<3200x128xbf16, #tpu.memory_space<vmem>>, vector<50x128xbf16>
    tpu.vector_store %arg16[%swap3A_1415, %swap3A_1416], %convert_element_type3A_1414 {strides = array<i32>} : memref<3200x128xbf16, #tpu.memory_space<vmem>>, vector<50x128xbf16>,
    %get3A_1418 = arith.constant 1300 : index
    %get3A_1419 = arith.constant 0 : index
    %get3A_1420 = vector.load %arg15[%get3A_1418, %get3A_1419] : memref<3200x128xbf16, #tpu.memory_space<vmem>>, vector<50x128xbf16>
    %mul3A_1421 = arith.mulf %get3A_1420, %convert_element_type3A_65 : vector<50x128xbf16>
    %mul3A_1422 = arith.mulf %get3A_1420, %convert_element_type3A_70 : vector<50x128xbf16>
    %concatenate3A_1423 = tpu.concatenate %mul3A_1421, %mul3A_1422 in 0 : vector<50x128xbf16>, vector<50x128xbf16> -> vector<100x128xbf16>
    %slice3A_1424 = vector.extract_strided_slice %convert_element_type3A_60 {offsets = [26, 0, 0], sizes = [1, 50, 100], strides = [1, 1, 1]} : vector<64x50x100xbf16> to vector<1x50x100xbf16>
    %squeeze3A_1425 = vector.shape_cast %slice3A_1424 : vector<1x50x100xbf16> to vector<50x100xbf16>
    %dot_general3A_1426 = arith.constant dense<0.000000e+00> : vector<50x128xf32>
    %dot_general3A_1427 = tpu.matmul %squeeze3A_1425, %concatenate3A_1423, %dot_general3A_1426 {dimension_numbers = #tpu.dot_dimension_numbers<[1], [0], [0], [1], [0, 0, 1, 1], [], []>, transpose_lhs_hint = false} : vector<50x100xbf16>, vector<100x128xbf16>, vector<50x128xf32> -> vector<50x128xf32>
    %convert_element_type3A_1428 = arith.truncf %dot_general3A_1427 : vector<50x128xf32> to vector<50x128xbf16>
    %swap3A_1429 = arith.constant 1300 : index
    %swap3A_1430 = arith.constant 0 : index
    %swap3A_1431 = vector.load %arg16[%swap3A_1429, %swap3A_1430] : memref<3200x128xbf16, #tpu.memory_space<vmem>>, vector<50x128xbf16>
    tpu.vector_store %arg16[%swap3A_1429, %swap3A_1430], %convert_element_type3A_1428 {strides = array<i32>} : memref<3200x128xbf16, #tpu.memory_space<vmem>>, vector<50x128xbf16>,
    %get3A_1432 = arith.constant 1350 : index
    %get3A_1433 = arith.constant 0 : index
    %get3A_1434 = vector.load %arg15[%get3A_1432, %get3A_1433] : memref<3200x128xbf16, #tpu.memory_space<vmem>>, vector<50x128xbf16>
    %mul3A_1435 = arith.mulf %get3A_1434, %convert_element_type3A_65 : vector<50x128xbf16>
    %mul3A_1436 = arith.mulf %get3A_1434, %convert_element_type3A_70 : vector<50x128xbf16>
    %concatenate3A_1437 = tpu.concatenate %mul3A_1435, %mul3A_1436 in 0 : vector<50x128xbf16>, vector<50x128xbf16> -> vector<100x128xbf16>
    %slice3A_1438 = vector.extract_strided_slice %convert_element_type3A_60 {offsets = [27, 0, 0], sizes = [1, 50, 100], strides = [1, 1, 1]} : vector<64x50x100xbf16> to vector<1x50x100xbf16>
    %squeeze3A_1439 = vector.shape_cast %slice3A_1438 : vector<1x50x100xbf16> to vector<50x100xbf16>
    %dot_general3A_1440 = arith.constant dense<0.000000e+00> : vector<50x128xf32>
    %dot_general3A_1441 = tpu.matmul %squeeze3A_1439, %concatenate3A_1437, %dot_general3A_1440 {dimension_numbers = #tpu.dot_dimension_numbers<[1], [0], [0], [1], [0, 0, 1, 1], [], []>, transpose_lhs_hint = false} : vector<50x100xbf16>, vector<100x128xbf16>, vector<50x128xf32> -> vector<50x128xf32>
    %convert_element_type3A_1442 = arith.truncf %dot_general3A_1441 : vector<50x128xf32> to vector<50x128xbf16>
    %swap3A_1443 = arith.constant 1350 : index
    %swap3A_1444 = arith.constant 0 : index
    %swap3A_1445 = vector.load %arg16[%swap3A_1443, %swap3A_1444] : memref<3200x128xbf16, #tpu.memory_space<vmem>>, vector<50x128xbf16>
    tpu.vector_store %arg16[%swap3A_1443, %swap3A_1444], %convert_element_type3A_1442 {strides = array<i32>} : memref<3200x128xbf16, #tpu.memory_space<vmem>>, vector<50x128xbf16>,
    %get3A_1446 = arith.constant 1400 : index
    %get3A_1447 = arith.constant 0 : index
    %get3A_1448 = vector.load %arg15[%get3A_1446, %get3A_1447] : memref<3200x128xbf16, #tpu.memory_space<vmem>>, vector<50x128xbf16>
    %mul3A_1449 = arith.mulf %get3A_1448, %convert_element_type3A_65 : vector<50x128xbf16>
    %mul3A_1450 = arith.mulf %get3A_1448, %convert_element_type3A_70 : vector<50x128xbf16>
    %concatenate3A_1451 = tpu.concatenate %mul3A_1449, %mul3A_1450 in 0 : vector<50x128xbf16>, vector<50x128xbf16> -> vector<100x128xbf16>
    %slice3A_1452 = vector.extract_strided_slice %convert_element_type3A_60 {offsets = [28, 0, 0], sizes = [1, 50, 100], strides = [1, 1, 1]} : vector<64x50x100xbf16> to vector<1x50x100xbf16>
    %squeeze3A_1453 = vector.shape_cast %slice3A_1452 : vector<1x50x100xbf16> to vector<50x100xbf16>
    %dot_general3A_1454 = arith.constant dense<0.000000e+00> : vector<50x128xf32>
    %dot_general3A_1455 = tpu.matmul %squeeze3A_1453, %concatenate3A_1451, %dot_general3A_1454 {dimension_numbers = #tpu.dot_dimension_numbers<[1], [0], [0], [1], [0, 0, 1, 1], [], []>, transpose_lhs_hint = false} : vector<50x100xbf16>, vector<100x128xbf16>, vector<50x128xf32> -> vector<50x128xf32>
    %convert_element_type3A_1456 = arith.truncf %dot_general3A_1455 : vector<50x128xf32> to vector<50x128xbf16>
    %swap3A_1457 = arith.constant 1400 : index
    %swap3A_1458 = arith.constant 0 : index
    %swap3A_1459 = vector.load %arg16[%swap3A_1457, %swap3A_1458] : memref<3200x128xbf16, #tpu.memory_space<vmem>>, vector<50x128xbf16>
    tpu.vector_store %arg16[%swap3A_1457, %swap3A_1458], %convert_element_type3A_1456 {strides = array<i32>} : memref<3200x128xbf16, #tpu.memory_space<vmem>>, vector<50x128xbf16>,
    %get3A_1460 = arith.constant 1450 : index
    %get3A_1461 = arith.constant 0 : index
    %get3A_1462 = vector.load %arg15[%get3A_1460, %get3A_1461] : memref<3200x128xbf16, #tpu.memory_space<vmem>>, vector<50x128xbf16>
    %mul3A_1463 = arith.mulf %get3A_1462, %convert_element_type3A_65 : vector<50x128xbf16>
    %mul3A_1464 = arith.mulf %get3A_1462, %convert_element_type3A_70 : vector<50x128xbf16>
    %concatenate3A_1465 = tpu.concatenate %mul3A_1463, %mul3A_1464 in 0 : vector<50x128xbf16>, vector<50x128xbf16> -> vector<100x128xbf16>
    %slice3A_1466 = vector.extract_strided_slice %convert_element_type3A_60 {offsets = [29, 0, 0], sizes = [1, 50, 100], strides = [1, 1, 1]} : vector<64x50x100xbf16> to vector<1x50x100xbf16>
    %squeeze3A_1467 = vector.shape_cast %slice3A_1466 : vector<1x50x100xbf16> to vector<50x100xbf16>
    %dot_general3A_1468 = arith.constant dense<0.000000e+00> : vector<50x128xf32>
    %dot_general3A_1469 = tpu.matmul %squeeze3A_1467, %concatenate3A_1465, %dot_general3A_1468 {dimension_numbers = #tpu.dot_dimension_numbers<[1], [0], [0], [1], [0, 0, 1, 1], [], []>, transpose_lhs_hint = false} : vector<50x100xbf16>, vector<100x128xbf16>, vector<50x128xf32> -> vector<50x128xf32>
    %convert_element_type3A_1470 = arith.truncf %dot_general3A_1469 : vector<50x128xf32> to vector<50x128xbf16>
    %swap3A_1471 = arith.constant 1450 : index
    %swap3A_1472 = arith.constant 0 : index
    %swap3A_1473 = vector.load %arg16[%swap3A_1471, %swap3A_1472] : memref<3200x128xbf16, #tpu.memory_space<vmem>>, vector<50x128xbf16>
    tpu.vector_store %arg16[%swap3A_1471, %swap3A_1472], %convert_element_type3A_1470 {strides = array<i32>} : memref<3200x128xbf16, #tpu.memory_space<vmem>>, vector<50x128xbf16>,
    %get3A_1474 = arith.constant 1500 : index
    %get3A_1475 = arith.constant 0 : index
    %get3A_1476 = vector.load %arg15[%get3A_1474, %get3A_1475] : memref<3200x128xbf16, #tpu.memory_space<vmem>>, vector<50x128xbf16>
    %mul3A_1477 = arith.mulf %get3A_1476, %convert_element_type3A_65 : vector<50x128xbf16>
    %mul3A_1478 = arith.mulf %get3A_1476, %convert_element_type3A_70 : vector<50x128xbf16>
    %concatenate3A_1479 = tpu.concatenate %mul3A_1477, %mul3A_1478 in 0 : vector<50x128xbf16>, vector<50x128xbf16> -> vector<100x128xbf16>
    %slice3A_1480 = vector.extract_strided_slice %convert_element_type3A_60 {offsets = [30, 0, 0], sizes = [1, 50, 100], strides = [1, 1, 1]} : vector<64x50x100xbf16> to vector<1x50x100xbf16>
    %squeeze3A_1481 = vector.shape_cast %slice3A_1480 : vector<1x50x100xbf16> to vector<50x100xbf16>
    %dot_general3A_1482 = arith.constant dense<0.000000e+00> : vector<50x128xf32>
    %dot_general3A_1483 = tpu.matmul %squeeze3A_1481, %concatenate3A_1479, %dot_general3A_1482 {dimension_numbers = #tpu.dot_dimension_numbers<[1], [0], [0], [1], [0, 0, 1, 1], [], []>, transpose_lhs_hint = false} : vector<50x100xbf16>, vector<100x128xbf16>, vector<50x128xf32> -> vector<50x128xf32>
    %convert_element_type3A_1484 = arith.truncf %dot_general3A_1483 : vector<50x128xf32> to vector<50x128xbf16>
    %swap3A_1485 = arith.constant 1500 : index
    %swap3A_1486 = arith.constant 0 : index
    %swap3A_1487 = vector.load %arg16[%swap3A_1485, %swap3A_1486] : memref<3200x128xbf16, #tpu.memory_space<vmem>>, vector<50x128xbf16>
    tpu.vector_store %arg16[%swap3A_1485, %swap3A_1486], %convert_element_type3A_1484 {strides = array<i32>} : memref<3200x128xbf16, #tpu.memory_space<vmem>>, vector<50x128xbf16>,
    %get3A_1488 = arith.constant 1550 : index
    %get3A_1489 = arith.constant 0 : index
    %get3A_1490 = vector.load %arg15[%get3A_1488, %get3A_1489] : memref<3200x128xbf16, #tpu.memory_space<vmem>>, vector<50x128xbf16>
    %mul3A_1491 = arith.mulf %get3A_1490, %convert_element_type3A_65 : vector<50x128xbf16>
    %mul3A_1492 = arith.mulf %get3A_1490, %convert_element_type3A_70 : vector<50x128xbf16>
    %concatenate3A_1493 = tpu.concatenate %mul3A_1491, %mul3A_1492 in 0 : vector<50x128xbf16>, vector<50x128xbf16> -> vector<100x128xbf16>
    %slice3A_1494 = vector.extract_strided_slice %convert_element_type3A_60 {offsets = [31, 0, 0], sizes = [1, 50, 100], strides = [1, 1, 1]} : vector<64x50x100xbf16> to vector<1x50x100xbf16>
    %squeeze3A_1495 = vector.shape_cast %slice3A_1494 : vector<1x50x100xbf16> to vector<50x100xbf16>
    %dot_general3A_1496 = arith.constant dense<0.000000e+00> : vector<50x128xf32>
    %dot_general3A_1497 = tpu.matmul %squeeze3A_1495, %concatenate3A_1493, %dot_general3A_1496 {dimension_numbers = #tpu.dot_dimension_numbers<[1], [0], [0], [1], [0, 0, 1, 1], [], []>, transpose_lhs_hint = false} : vector<50x100xbf16>, vector<100x128xbf16>, vector<50x128xf32> -> vector<50x128xf32>
    %convert_element_type3A_1498 = arith.truncf %dot_general3A_1497 : vector<50x128xf32> to vector<50x128xbf16>
    %swap3A_1499 = arith.constant 1550 : index
    %swap3A_1500 = arith.constant 0 : index
    %swap3A_1501 = vector.load %arg16[%swap3A_1499, %swap3A_1500] : memref<3200x128xbf16, #tpu.memory_space<vmem>>, vector<50x128xbf16>
    tpu.vector_store %arg16[%swap3A_1499, %swap3A_1500], %convert_element_type3A_1498 {strides = array<i32>} : memref<3200x128xbf16, #tpu.memory_space<vmem>>, vector<50x128xbf16>,
    %get3A_1502 = arith.constant 1600 : index
    %get3A_1503 = arith.constant 0 : index
    %get3A_1504 = vector.load %arg15[%get3A_1502, %get3A_1503] : memref<3200x128xbf16, #tpu.memory_space<vmem>>, vector<50x128xbf16>
    %mul3A_1505 = arith.mulf %get3A_1504, %convert_element_type3A_65 : vector<50x128xbf16>
    %mul3A_1506 = arith.mulf %get3A_1504, %convert_element_type3A_70 : vector<50x128xbf16>
    %concatenate3A_1507 = tpu.concatenate %mul3A_1505, %mul3A_1506 in 0 : vector<50x128xbf16>, vector<50x128xbf16> -> vector<100x128xbf16>
    %slice3A_1508 = vector.extract_strided_slice %convert_element_type3A_60 {offsets = [32, 0, 0], sizes = [1, 50, 100], strides = [1, 1, 1]} : vector<64x50x100xbf16> to vector<1x50x100xbf16>
    %squeeze3A_1509 = vector.shape_cast %slice3A_1508 : vector<1x50x100xbf16> to vector<50x100xbf16>
    %dot_general3A_1510 = arith.constant dense<0.000000e+00> : vector<50x128xf32>
    %dot_general3A_1511 = tpu.matmul %squeeze3A_1509, %concatenate3A_1507, %dot_general3A_1510 {dimension_numbers = #tpu.dot_dimension_numbers<[1], [0], [0], [1], [0, 0, 1, 1], [], []>, transpose_lhs_hint = false} : vector<50x100xbf16>, vector<100x128xbf16>, vector<50x128xf32> -> vector<50x128xf32>
    %convert_element_type3A_1512 = arith.truncf %dot_general3A_1511 : vector<50x128xf32> to vector<50x128xbf16>
    %swap3A_1513 = arith.constant 1600 : index
    %swap3A_1514 = arith.constant 0 : index
    %swap3A_1515 = vector.load %arg16[%swap3A_1513, %swap3A_1514] : memref<3200x128xbf16, #tpu.memory_space<vmem>>, vector<50x128xbf16>
    tpu.vector_store %arg16[%swap3A_1513, %swap3A_1514], %convert_element_type3A_1512 {strides = array<i32>} : memref<3200x128xbf16, #tpu.memory_space<vmem>>, vector<50x128xbf16>,
    %get3A_1516 = arith.constant 1650 : index
    %get3A_1517 = arith.constant 0 : index
    %get3A_1518 = vector.load %arg15[%get3A_1516, %get3A_1517] : memref<3200x128xbf16, #tpu.memory_space<vmem>>, vector<50x128xbf16>
    %mul3A_1519 = arith.mulf %get3A_1518, %convert_element_type3A_65 : vector<50x128xbf16>
    %mul3A_1520 = arith.mulf %get3A_1518, %convert_element_type3A_70 : vector<50x128xbf16>
    %concatenate3A_1521 = tpu.concatenate %mul3A_1519, %mul3A_1520 in 0 : vector<50x128xbf16>, vector<50x128xbf16> -> vector<100x128xbf16>
    %slice3A_1522 = vector.extract_strided_slice %convert_element_type3A_60 {offsets = [33, 0, 0], sizes = [1, 50, 100], strides = [1, 1, 1]} : vector<64x50x100xbf16> to vector<1x50x100xbf16>
    %squeeze3A_1523 = vector.shape_cast %slice3A_1522 : vector<1x50x100xbf16> to vector<50x100xbf16>
    %dot_general3A_1524 = arith.constant dense<0.000000e+00> : vector<50x128xf32>
    %dot_general3A_1525 = tpu.matmul %squeeze3A_1523, %concatenate3A_1521, %dot_general3A_1524 {dimension_numbers = #tpu.dot_dimension_numbers<[1], [0], [0], [1], [0, 0, 1, 1], [], []>, transpose_lhs_hint = false} : vector<50x100xbf16>, vector<100x128xbf16>, vector<50x128xf32> -> vector<50x128xf32>
    %convert_element_type3A_1526 = arith.truncf %dot_general3A_1525 : vector<50x128xf32> to vector<50x128xbf16>
    %swap3A_1527 = arith.constant 1650 : index
    %swap3A_1528 = arith.constant 0 : index
    %swap3A_1529 = vector.load %arg16[%swap3A_1527, %swap3A_1528] : memref<3200x128xbf16, #tpu.memory_space<vmem>>, vector<50x128xbf16>
    tpu.vector_store %arg16[%swap3A_1527, %swap3A_1528], %convert_element_type3A_1526 {strides = array<i32>} : memref<3200x128xbf16, #tpu.memory_space<vmem>>, vector<50x128xbf16>,
    %get3A_1530 = arith.constant 1700 : index
    %get3A_1531 = arith.constant 0 : index
    %get3A_1532 = vector.load %arg15[%get3A_1530, %get3A_1531] : memref<3200x128xbf16, #tpu.memory_space<vmem>>, vector<50x128xbf16>
    %mul3A_1533 = arith.mulf %get3A_1532, %convert_element_type3A_65 : vector<50x128xbf16>
    %mul3A_1534 = arith.mulf %get3A_1532, %convert_element_type3A_70 : vector<50x128xbf16>
    %concatenate3A_1535 = tpu.concatenate %mul3A_1533, %mul3A_1534 in 0 : vector<50x128xbf16>, vector<50x128xbf16> -> vector<100x128xbf16>
    %slice3A_1536 = vector.extract_strided_slice %convert_element_type3A_60 {offsets = [34, 0, 0], sizes = [1, 50, 100], strides = [1, 1, 1]} : vector<64x50x100xbf16> to vector<1x50x100xbf16>
    %squeeze3A_1537 = vector.shape_cast %slice3A_1536 : vector<1x50x100xbf16> to vector<50x100xbf16>
    %dot_general3A_1538 = arith.constant dense<0.000000e+00> : vector<50x128xf32>
    %dot_general3A_1539 = tpu.matmul %squeeze3A_1537, %concatenate3A_1535, %dot_general3A_1538 {dimension_numbers = #tpu.dot_dimension_numbers<[1], [0], [0], [1], [0, 0, 1, 1], [], []>, transpose_lhs_hint = false} : vector<50x100xbf16>, vector<100x128xbf16>, vector<50x128xf32> -> vector<50x128xf32>
    %convert_element_type3A_1540 = arith.truncf %dot_general3A_1539 : vector<50x128xf32> to vector<50x128xbf16>
    %swap3A_1541 = arith.constant 1700 : index
    %swap3A_1542 = arith.constant 0 : index
    %swap3A_1543 = vector.load %arg16[%swap3A_1541, %swap3A_1542] : memref<3200x128xbf16, #tpu.memory_space<vmem>>, vector<50x128xbf16>
    tpu.vector_store %arg16[%swap3A_1541, %swap3A_1542], %convert_element_type3A_1540 {strides = array<i32>} : memref<3200x128xbf16, #tpu.memory_space<vmem>>, vector<50x128xbf16>,
    %get3A_1544 = arith.constant 1750 : index
    %get3A_1545 = arith.constant 0 : index
    %get3A_1546 = vector.load %arg15[%get3A_1544, %get3A_1545] : memref<3200x128xbf16, #tpu.memory_space<vmem>>, vector<50x128xbf16>
    %mul3A_1547 = arith.mulf %get3A_1546, %convert_element_type3A_65 : vector<50x128xbf16>
    %mul3A_1548 = arith.mulf %get3A_1546, %convert_element_type3A_70 : vector<50x128xbf16>
    %concatenate3A_1549 = tpu.concatenate %mul3A_1547, %mul3A_1548 in 0 : vector<50x128xbf16>, vector<50x128xbf16> -> vector<100x128xbf16>
    %slice3A_1550 = vector.extract_strided_slice %convert_element_type3A_60 {offsets = [35, 0, 0], sizes = [1, 50, 100], strides = [1, 1, 1]} : vector<64x50x100xbf16> to vector<1x50x100xbf16>
    %squeeze3A_1551 = vector.shape_cast %slice3A_1550 : vector<1x50x100xbf16> to vector<50x100xbf16>
    %dot_general3A_1552 = arith.constant dense<0.000000e+00> : vector<50x128xf32>
    %dot_general3A_1553 = tpu.matmul %squeeze3A_1551, %concatenate3A_1549, %dot_general3A_1552 {dimension_numbers = #tpu.dot_dimension_numbers<[1], [0], [0], [1], [0, 0, 1, 1], [], []>, transpose_lhs_hint = false} : vector<50x100xbf16>, vector<100x128xbf16>, vector<50x128xf32> -> vector<50x128xf32>
    %convert_element_type3A_1554 = arith.truncf %dot_general3A_1553 : vector<50x128xf32> to vector<50x128xbf16>
    %swap3A_1555 = arith.constant 1750 : index
    %swap3A_1556 = arith.constant 0 : index
    %swap3A_1557 = vector.load %arg16[%swap3A_1555, %swap3A_1556] : memref<3200x128xbf16, #tpu.memory_space<vmem>>, vector<50x128xbf16>
    tpu.vector_store %arg16[%swap3A_1555, %swap3A_1556], %convert_element_type3A_1554 {strides = array<i32>} : memref<3200x128xbf16, #tpu.memory_space<vmem>>, vector<50x128xbf16>,
    %get3A_1558 = arith.constant 1800 : index
    %get3A_1559 = arith.constant 0 : index
    %get3A_1560 = vector.load %arg15[%get3A_1558, %get3A_1559] : memref<3200x128xbf16, #tpu.memory_space<vmem>>, vector<50x128xbf16>
    %mul3A_1561 = arith.mulf %get3A_1560, %convert_element_type3A_65 : vector<50x128xbf16>
    %mul3A_1562 = arith.mulf %get3A_1560, %convert_element_type3A_70 : vector<50x128xbf16>
    %concatenate3A_1563 = tpu.concatenate %mul3A_1561, %mul3A_1562 in 0 : vector<50x128xbf16>, vector<50x128xbf16> -> vector<100x128xbf16>
    %slice3A_1564 = vector.extract_strided_slice %convert_element_type3A_60 {offsets = [36, 0, 0], sizes = [1, 50, 100], strides = [1, 1, 1]} : vector<64x50x100xbf16> to vector<1x50x100xbf16>
    %squeeze3A_1565 = vector.shape_cast %slice3A_1564 : vector<1x50x100xbf16> to vector<50x100xbf16>
    %dot_general3A_1566 = arith.constant dense<0.000000e+00> : vector<50x128xf32>
    %dot_general3A_1567 = tpu.matmul %squeeze3A_1565, %concatenate3A_1563, %dot_general3A_1566 {dimension_numbers = #tpu.dot_dimension_numbers<[1], [0], [0], [1], [0, 0, 1, 1], [], []>, transpose_lhs_hint = false} : vector<50x100xbf16>, vector<100x128xbf16>, vector<50x128xf32> -> vector<50x128xf32>
    %convert_element_type3A_1568 = arith.truncf %dot_general3A_1567 : vector<50x128xf32> to vector<50x128xbf16>
    %swap3A_1569 = arith.constant 1800 : index
    %swap3A_1570 = arith.constant 0 : index
    %swap3A_1571 = vector.load %arg16[%swap3A_1569, %swap3A_1570] : memref<3200x128xbf16, #tpu.memory_space<vmem>>, vector<50x128xbf16>
    tpu.vector_store %arg16[%swap3A_1569, %swap3A_1570], %convert_element_type3A_1568 {strides = array<i32>} : memref<3200x128xbf16, #tpu.memory_space<vmem>>, vector<50x128xbf16>,
    %get3A_1572 = arith.constant 1850 : index
    %get3A_1573 = arith.constant 0 : index
    %get3A_1574 = vector.load %arg15[%get3A_1572, %get3A_1573] : memref<3200x128xbf16, #tpu.memory_space<vmem>>, vector<50x128xbf16>
    %mul3A_1575 = arith.mulf %get3A_1574, %convert_element_type3A_65 : vector<50x128xbf16>
    %mul3A_1576 = arith.mulf %get3A_1574, %convert_element_type3A_70 : vector<50x128xbf16>
    %concatenate3A_1577 = tpu.concatenate %mul3A_1575, %mul3A_1576 in 0 : vector<50x128xbf16>, vector<50x128xbf16> -> vector<100x128xbf16>
    %slice3A_1578 = vector.extract_strided_slice %convert_element_type3A_60 {offsets = [37, 0, 0], sizes = [1, 50, 100], strides = [1, 1, 1]} : vector<64x50x100xbf16> to vector<1x50x100xbf16>
    %squeeze3A_1579 = vector.shape_cast %slice3A_1578 : vector<1x50x100xbf16> to vector<50x100xbf16>
    %dot_general3A_1580 = arith.constant dense<0.000000e+00> : vector<50x128xf32>
    %dot_general3A_1581 = tpu.matmul %squeeze3A_1579, %concatenate3A_1577, %dot_general3A_1580 {dimension_numbers = #tpu.dot_dimension_numbers<[1], [0], [0], [1], [0, 0, 1, 1], [], []>, transpose_lhs_hint = false} : vector<50x100xbf16>, vector<100x128xbf16>, vector<50x128xf32> -> vector<50x128xf32>
    %convert_element_type3A_1582 = arith.truncf %dot_general3A_1581 : vector<50x128xf32> to vector<50x128xbf16>
    %swap3A_1583 = arith.constant 1850 : index
    %swap3A_1584 = arith.constant 0 : index
    %swap3A_1585 = vector.load %arg16[%swap3A_1583, %swap3A_1584] : memref<3200x128xbf16, #tpu.memory_space<vmem>>, vector<50x128xbf16>
    tpu.vector_store %arg16[%swap3A_1583, %swap3A_1584], %convert_element_type3A_1582 {strides = array<i32>} : memref<3200x128xbf16, #tpu.memory_space<vmem>>, vector<50x128xbf16>,
    %get3A_1586 = arith.constant 1900 : index
    %get3A_1587 = arith.constant 0 : index
    %get3A_1588 = vector.load %arg15[%get3A_1586, %get3A_1587] : memref<3200x128xbf16, #tpu.memory_space<vmem>>, vector<50x128xbf16>
    %mul3A_1589 = arith.mulf %get3A_1588, %convert_element_type3A_65 : vector<50x128xbf16>
    %mul3A_1590 = arith.mulf %get3A_1588, %convert_element_type3A_70 : vector<50x128xbf16>
    %concatenate3A_1591 = tpu.concatenate %mul3A_1589, %mul3A_1590 in 0 : vector<50x128xbf16>, vector<50x128xbf16> -> vector<100x128xbf16>
    %slice3A_1592 = vector.extract_strided_slice %convert_element_type3A_60 {offsets = [38, 0, 0], sizes = [1, 50, 100], strides = [1, 1, 1]} : vector<64x50x100xbf16> to vector<1x50x100xbf16>
    %squeeze3A_1593 = vector.shape_cast %slice3A_1592 : vector<1x50x100xbf16> to vector<50x100xbf16>
    %dot_general3A_1594 = arith.constant dense<0.000000e+00> : vector<50x128xf32>
    %dot_general3A_1595 = tpu.matmul %squeeze3A_1593, %concatenate3A_1591, %dot_general3A_1594 {dimension_numbers = #tpu.dot_dimension_numbers<[1], [0], [0], [1], [0, 0, 1, 1], [], []>, transpose_lhs_hint = false} : vector<50x100xbf16>, vector<100x128xbf16>, vector<50x128xf32> -> vector<50x128xf32>
    %convert_element_type3A_1596 = arith.truncf %dot_general3A_1595 : vector<50x128xf32> to vector<50x128xbf16>
    %swap3A_1597 = arith.constant 1900 : index
    %swap3A_1598 = arith.constant 0 : index
    %swap3A_1599 = vector.load %arg16[%swap3A_1597, %swap3A_1598] : memref<3200x128xbf16, #tpu.memory_space<vmem>>, vector<50x128xbf16>
    tpu.vector_store %arg16[%swap3A_1597, %swap3A_1598], %convert_element_type3A_1596 {strides = array<i32>} : memref<3200x128xbf16, #tpu.memory_space<vmem>>, vector<50x128xbf16>,
    %get3A_1600 = arith.constant 1950 : index
    %get3A_1601 = arith.constant 0 : index
    %get3A_1602 = vector.load %arg15[%get3A_1600, %get3A_1601] : memref<3200x128xbf16, #tpu.memory_space<vmem>>, vector<50x128xbf16>
    %mul3A_1603 = arith.mulf %get3A_1602, %convert_element_type3A_65 : vector<50x128xbf16>
    %mul3A_1604 = arith.mulf %get3A_1602, %convert_element_type3A_70 : vector<50x128xbf16>
    %concatenate3A_1605 = tpu.concatenate %mul3A_1603, %mul3A_1604 in 0 : vector<50x128xbf16>, vector<50x128xbf16> -> vector<100x128xbf16>
    %slice3A_1606 = vector.extract_strided_slice %convert_element_type3A_60 {offsets = [39, 0, 0], sizes = [1, 50, 100], strides = [1, 1, 1]} : vector<64x50x100xbf16> to vector<1x50x100xbf16>
    %squeeze3A_1607 = vector.shape_cast %slice3A_1606 : vector<1x50x100xbf16> to vector<50x100xbf16>
    %dot_general3A_1608 = arith.constant dense<0.000000e+00> : vector<50x128xf32>
    %dot_general3A_1609 = tpu.matmul %squeeze3A_1607, %concatenate3A_1605, %dot_general3A_1608 {dimension_numbers = #tpu.dot_dimension_numbers<[1], [0], [0], [1], [0, 0, 1, 1], [], []>, transpose_lhs_hint = false} : vector<50x100xbf16>, vector<100x128xbf16>, vector<50x128xf32> -> vector<50x128xf32>
    %convert_element_type3A_1610 = arith.truncf %dot_general3A_1609 : vector<50x128xf32> to vector<50x128xbf16>
    %swap3A_1611 = arith.constant 1950 : index
    %swap3A_1612 = arith.constant 0 : index
    %swap3A_1613 = vector.load %arg16[%swap3A_1611, %swap3A_1612] : memref<3200x128xbf16, #tpu.memory_space<vmem>>, vector<50x128xbf16>
    tpu.vector_store %arg16[%swap3A_1611, %swap3A_1612], %convert_element_type3A_1610 {strides = array<i32>} : memref<3200x128xbf16, #tpu.memory_space<vmem>>, vector<50x128xbf16>,
    %get3A_1614 = arith.constant 2000 : index
    %get3A_1615 = arith.constant 0 : index
    %get3A_1616 = vector.load %arg15[%get3A_1614, %get3A_1615] : memref<3200x128xbf16, #tpu.memory_space<vmem>>, vector<50x128xbf16>
    %mul3A_1617 = arith.mulf %get3A_1616, %convert_element_type3A_65 : vector<50x128xbf16>
    %mul3A_1618 = arith.mulf %get3A_1616, %convert_element_type3A_70 : vector<50x128xbf16>
    %concatenate3A_1619 = tpu.concatenate %mul3A_1617, %mul3A_1618 in 0 : vector<50x128xbf16>, vector<50x128xbf16> -> vector<100x128xbf16>
    %slice3A_1620 = vector.extract_strided_slice %convert_element_type3A_60 {offsets = [40, 0, 0], sizes = [1, 50, 100], strides = [1, 1, 1]} : vector<64x50x100xbf16> to vector<1x50x100xbf16>
    %squeeze3A_1621 = vector.shape_cast %slice3A_1620 : vector<1x50x100xbf16> to vector<50x100xbf16>
    %dot_general3A_1622 = arith.constant dense<0.000000e+00> : vector<50x128xf32>
    %dot_general3A_1623 = tpu.matmul %squeeze3A_1621, %concatenate3A_1619, %dot_general3A_1622 {dimension_numbers = #tpu.dot_dimension_numbers<[1], [0], [0], [1], [0, 0, 1, 1], [], []>, transpose_lhs_hint = false} : vector<50x100xbf16>, vector<100x128xbf16>, vector<50x128xf32> -> vector<50x128xf32>
    %convert_element_type3A_1624 = arith.truncf %dot_general3A_1623 : vector<50x128xf32> to vector<50x128xbf16>
    %swap3A_1625 = arith.constant 2000 : index
    %swap3A_1626 = arith.constant 0 : index
    %swap3A_1627 = vector.load %arg16[%swap3A_1625, %swap3A_1626] : memref<3200x128xbf16, #tpu.memory_space<vmem>>, vector<50x128xbf16>
    tpu.vector_store %arg16[%swap3A_1625, %swap3A_1626], %convert_element_type3A_1624 {strides = array<i32>} : memref<3200x128xbf16, #tpu.memory_space<vmem>>, vector<50x128xbf16>,
    %get3A_1628 = arith.constant 2050 : index
    %get3A_1629 = arith.constant 0 : index
    %get3A_1630 = vector.load %arg15[%get3A_1628, %get3A_1629] : memref<3200x128xbf16, #tpu.memory_space<vmem>>, vector<50x128xbf16>
    %mul3A_1631 = arith.mulf %get3A_1630, %convert_element_type3A_65 : vector<50x128xbf16>
    %mul3A_1632 = arith.mulf %get3A_1630, %convert_element_type3A_70 : vector<50x128xbf16>
    %concatenate3A_1633 = tpu.concatenate %mul3A_1631, %mul3A_1632 in 0 : vector<50x128xbf16>, vector<50x128xbf16> -> vector<100x128xbf16>
    %slice3A_1634 = vector.extract_strided_slice %convert_element_type3A_60 {offsets = [41, 0, 0], sizes = [1, 50, 100], strides = [1, 1, 1]} : vector<64x50x100xbf16> to vector<1x50x100xbf16>
    %squeeze3A_1635 = vector.shape_cast %slice3A_1634 : vector<1x50x100xbf16> to vector<50x100xbf16>
    %dot_general3A_1636 = arith.constant dense<0.000000e+00> : vector<50x128xf32>
    %dot_general3A_1637 = tpu.matmul %squeeze3A_1635, %concatenate3A_1633, %dot_general3A_1636 {dimension_numbers = #tpu.dot_dimension_numbers<[1], [0], [0], [1], [0, 0, 1, 1], [], []>, transpose_lhs_hint = false} : vector<50x100xbf16>, vector<100x128xbf16>, vector<50x128xf32> -> vector<50x128xf32>
    %convert_element_type3A_1638 = arith.truncf %dot_general3A_1637 : vector<50x128xf32> to vector<50x128xbf16>
    %swap3A_1639 = arith.constant 2050 : index
    %swap3A_1640 = arith.constant 0 : index
    %swap3A_1641 = vector.load %arg16[%swap3A_1639, %swap3A_1640] : memref<3200x128xbf16, #tpu.memory_space<vmem>>, vector<50x128xbf16>
    tpu.vector_store %arg16[%swap3A_1639, %swap3A_1640], %convert_element_type3A_1638 {strides = array<i32>} : memref<3200x128xbf16, #tpu.memory_space<vmem>>, vector<50x128xbf16>,
    %get3A_1642 = arith.constant 2100 : index
    %get3A_1643 = arith.constant 0 : index
    %get3A_1644 = vector.load %arg15[%get3A_1642, %get3A_1643] : memref<3200x128xbf16, #tpu.memory_space<vmem>>, vector<50x128xbf16>
    %mul3A_1645 = arith.mulf %get3A_1644, %convert_element_type3A_65 : vector<50x128xbf16>
    %mul3A_1646 = arith.mulf %get3A_1644, %convert_element_type3A_70 : vector<50x128xbf16>
    %concatenate3A_1647 = tpu.concatenate %mul3A_1645, %mul3A_1646 in 0 : vector<50x128xbf16>, vector<50x128xbf16> -> vector<100x128xbf16>
    %slice3A_1648 = vector.extract_strided_slice %convert_element_type3A_60 {offsets = [42, 0, 0], sizes = [1, 50, 100], strides = [1, 1, 1]} : vector<64x50x100xbf16> to vector<1x50x100xbf16>
    %squeeze3A_1649 = vector.shape_cast %slice3A_1648 : vector<1x50x100xbf16> to vector<50x100xbf16>
    %dot_general3A_1650 = arith.constant dense<0.000000e+00> : vector<50x128xf32>
    %dot_general3A_1651 = tpu.matmul %squeeze3A_1649, %concatenate3A_1647, %dot_general3A_1650 {dimension_numbers = #tpu.dot_dimension_numbers<[1], [0], [0], [1], [0, 0, 1, 1], [], []>, transpose_lhs_hint = false} : vector<50x100xbf16>, vector<100x128xbf16>, vector<50x128xf32> -> vector<50x128xf32>
    %convert_element_type3A_1652 = arith.truncf %dot_general3A_1651 : vector<50x128xf32> to vector<50x128xbf16>
    %swap3A_1653 = arith.constant 2100 : index
    %swap3A_1654 = arith.constant 0 : index
    %swap3A_1655 = vector.load %arg16[%swap3A_1653, %swap3A_1654] : memref<3200x128xbf16, #tpu.memory_space<vmem>>, vector<50x128xbf16>
    tpu.vector_store %arg16[%swap3A_1653, %swap3A_1654], %convert_element_type3A_1652 {strides = array<i32>} : memref<3200x128xbf16, #tpu.memory_space<vmem>>, vector<50x128xbf16>,
    %get3A_1656 = arith.constant 2150 : index
    %get3A_1657 = arith.constant 0 : index
    %get3A_1658 = vector.load %arg15[%get3A_1656, %get3A_1657] : memref<3200x128xbf16, #tpu.memory_space<vmem>>, vector<50x128xbf16>
    %mul3A_1659 = arith.mulf %get3A_1658, %convert_element_type3A_65 : vector<50x128xbf16>
    %mul3A_1660 = arith.mulf %get3A_1658, %convert_element_type3A_70 : vector<50x128xbf16>
    %concatenate3A_1661 = tpu.concatenate %mul3A_1659, %mul3A_1660 in 0 : vector<50x128xbf16>, vector<50x128xbf16> -> vector<100x128xbf16>
    %slice3A_1662 = vector.extract_strided_slice %convert_element_type3A_60 {offsets = [43, 0, 0], sizes = [1, 50, 100], strides = [1, 1, 1]} : vector<64x50x100xbf16> to vector<1x50x100xbf16>
    %squeeze3A_1663 = vector.shape_cast %slice3A_1662 : vector<1x50x100xbf16> to vector<50x100xbf16>
    %dot_general3A_1664 = arith.constant dense<0.000000e+00> : vector<50x128xf32>
    %dot_general3A_1665 = tpu.matmul %squeeze3A_1663, %concatenate3A_1661, %dot_general3A_1664 {dimension_numbers = #tpu.dot_dimension_numbers<[1], [0], [0], [1], [0, 0, 1, 1], [], []>, transpose_lhs_hint = false} : vector<50x100xbf16>, vector<100x128xbf16>, vector<50x128xf32> -> vector<50x128xf32>
    %convert_element_type3A_1666 = arith.truncf %dot_general3A_1665 : vector<50x128xf32> to vector<50x128xbf16>
    %swap3A_1667 = arith.constant 2150 : index
    %swap3A_1668 = arith.constant 0 : index
    %swap3A_1669 = vector.load %arg16[%swap3A_1667, %swap3A_1668] : memref<3200x128xbf16, #tpu.memory_space<vmem>>, vector<50x128xbf16>
    tpu.vector_store %arg16[%swap3A_1667, %swap3A_1668], %convert_element_type3A_1666 {strides = array<i32>} : memref<3200x128xbf16, #tpu.memory_space<vmem>>, vector<50x128xbf16>,
    %get3A_1670 = arith.constant 2200 : index
    %get3A_1671 = arith.constant 0 : index
    %get3A_1672 = vector.load %arg15[%get3A_1670, %get3A_1671] : memref<3200x128xbf16, #tpu.memory_space<vmem>>, vector<50x128xbf16>
    %mul3A_1673 = arith.mulf %get3A_1672, %convert_element_type3A_65 : vector<50x128xbf16>
    %mul3A_1674 = arith.mulf %get3A_1672, %convert_element_type3A_70 : vector<50x128xbf16>
    %concatenate3A_1675 = tpu.concatenate %mul3A_1673, %mul3A_1674 in 0 : vector<50x128xbf16>, vector<50x128xbf16> -> vector<100x128xbf16>
    %slice3A_1676 = vector.extract_strided_slice %convert_element_type3A_60 {offsets = [44, 0, 0], sizes = [1, 50, 100], strides = [1, 1, 1]} : vector<64x50x100xbf16> to vector<1x50x100xbf16>
    %squeeze3A_1677 = vector.shape_cast %slice3A_1676 : vector<1x50x100xbf16> to vector<50x100xbf16>
    %dot_general3A_1678 = arith.constant dense<0.000000e+00> : vector<50x128xf32>
    %dot_general3A_1679 = tpu.matmul %squeeze3A_1677, %concatenate3A_1675, %dot_general3A_1678 {dimension_numbers = #tpu.dot_dimension_numbers<[1], [0], [0], [1], [0, 0, 1, 1], [], []>, transpose_lhs_hint = false} : vector<50x100xbf16>, vector<100x128xbf16>, vector<50x128xf32> -> vector<50x128xf32>
    %convert_element_type3A_1680 = arith.truncf %dot_general3A_1679 : vector<50x128xf32> to vector<50x128xbf16>
    %swap3A_1681 = arith.constant 2200 : index
    %swap3A_1682 = arith.constant 0 : index
    %swap3A_1683 = vector.load %arg16[%swap3A_1681, %swap3A_1682] : memref<3200x128xbf16, #tpu.memory_space<vmem>>, vector<50x128xbf16>
    tpu.vector_store %arg16[%swap3A_1681, %swap3A_1682], %convert_element_type3A_1680 {strides = array<i32>} : memref<3200x128xbf16, #tpu.memory_space<vmem>>, vector<50x128xbf16>,
    %get3A_1684 = arith.constant 2250 : index
    %get3A_1685 = arith.constant 0 : index
    %get3A_1686 = vector.load %arg15[%get3A_1684, %get3A_1685] : memref<3200x128xbf16, #tpu.memory_space<vmem>>, vector<50x128xbf16>
    %mul3A_1687 = arith.mulf %get3A_1686, %convert_element_type3A_65 : vector<50x128xbf16>
    %mul3A_1688 = arith.mulf %get3A_1686, %convert_element_type3A_70 : vector<50x128xbf16>
    %concatenate3A_1689 = tpu.concatenate %mul3A_1687, %mul3A_1688 in 0 : vector<50x128xbf16>, vector<50x128xbf16> -> vector<100x128xbf16>
    %slice3A_1690 = vector.extract_strided_slice %convert_element_type3A_60 {offsets = [45, 0, 0], sizes = [1, 50, 100], strides = [1, 1, 1]} : vector<64x50x100xbf16> to vector<1x50x100xbf16>
    %squeeze3A_1691 = vector.shape_cast %slice3A_1690 : vector<1x50x100xbf16> to vector<50x100xbf16>
    %dot_general3A_1692 = arith.constant dense<0.000000e+00> : vector<50x128xf32>
    %dot_general3A_1693 = tpu.matmul %squeeze3A_1691, %concatenate3A_1689, %dot_general3A_1692 {dimension_numbers = #tpu.dot_dimension_numbers<[1], [0], [0], [1], [0, 0, 1, 1], [], []>, transpose_lhs_hint = false} : vector<50x100xbf16>, vector<100x128xbf16>, vector<50x128xf32> -> vector<50x128xf32>
    %convert_element_type3A_1694 = arith.truncf %dot_general3A_1693 : vector<50x128xf32> to vector<50x128xbf16>
    %swap3A_1695 = arith.constant 2250 : index
    %swap3A_1696 = arith.constant 0 : index
    %swap3A_1697 = vector.load %arg16[%swap3A_1695, %swap3A_1696] : memref<3200x128xbf16, #tpu.memory_space<vmem>>, vector<50x128xbf16>
    tpu.vector_store %arg16[%swap3A_1695, %swap3A_1696], %convert_element_type3A_1694 {strides = array<i32>} : memref<3200x128xbf16, #tpu.memory_space<vmem>>, vector<50x128xbf16>,
    %get3A_1698 = arith.constant 2300 : index
    %get3A_1699 = arith.constant 0 : index
    %get3A_1700 = vector.load %arg15[%get3A_1698, %get3A_1699] : memref<3200x128xbf16, #tpu.memory_space<vmem>>, vector<50x128xbf16>
    %mul3A_1701 = arith.mulf %get3A_1700, %convert_element_type3A_65 : vector<50x128xbf16>
    %mul3A_1702 = arith.mulf %get3A_1700, %convert_element_type3A_70 : vector<50x128xbf16>
    %concatenate3A_1703 = tpu.concatenate %mul3A_1701, %mul3A_1702 in 0 : vector<50x128xbf16>, vector<50x128xbf16> -> vector<100x128xbf16>
    %slice3A_1704 = vector.extract_strided_slice %convert_element_type3A_60 {offsets = [46, 0, 0], sizes = [1, 50, 100], strides = [1, 1, 1]} : vector<64x50x100xbf16> to vector<1x50x100xbf16>
    %squeeze3A_1705 = vector.shape_cast %slice3A_1704 : vector<1x50x100xbf16> to vector<50x100xbf16>
    %dot_general3A_1706 = arith.constant dense<0.000000e+00> : vector<50x128xf32>
    %dot_general3A_1707 = tpu.matmul %squeeze3A_1705, %concatenate3A_1703, %dot_general3A_1706 {dimension_numbers = #tpu.dot_dimension_numbers<[1], [0], [0], [1], [0, 0, 1, 1], [], []>, transpose_lhs_hint = false} : vector<50x100xbf16>, vector<100x128xbf16>, vector<50x128xf32> -> vector<50x128xf32>
    %convert_element_type3A_1708 = arith.truncf %dot_general3A_1707 : vector<50x128xf32> to vector<50x128xbf16>
    %swap3A_1709 = arith.constant 2300 : index
    %swap3A_1710 = arith.constant 0 : index
    %swap3A_1711 = vector.load %arg16[%swap3A_1709, %swap3A_1710] : memref<3200x128xbf16, #tpu.memory_space<vmem>>, vector<50x128xbf16>
    tpu.vector_store %arg16[%swap3A_1709, %swap3A_1710], %convert_element_type3A_1708 {strides = array<i32>} : memref<3200x128xbf16, #tpu.memory_space<vmem>>, vector<50x128xbf16>,
    %get3A_1712 = arith.constant 2350 : index
    %get3A_1713 = arith.constant 0 : index
    %get3A_1714 = vector.load %arg15[%get3A_1712, %get3A_1713] : memref<3200x128xbf16, #tpu.memory_space<vmem>>, vector<50x128xbf16>
    %mul3A_1715 = arith.mulf %get3A_1714, %convert_element_type3A_65 : vector<50x128xbf16>
    %mul3A_1716 = arith.mulf %get3A_1714, %convert_element_type3A_70 : vector<50x128xbf16>
    %concatenate3A_1717 = tpu.concatenate %mul3A_1715, %mul3A_1716 in 0 : vector<50x128xbf16>, vector<50x128xbf16> -> vector<100x128xbf16>
    %slice3A_1718 = vector.extract_strided_slice %convert_element_type3A_60 {offsets = [47, 0, 0], sizes = [1, 50, 100], strides = [1, 1, 1]} : vector<64x50x100xbf16> to vector<1x50x100xbf16>
    %squeeze3A_1719 = vector.shape_cast %slice3A_1718 : vector<1x50x100xbf16> to vector<50x100xbf16>
    %dot_general3A_1720 = arith.constant dense<0.000000e+00> : vector<50x128xf32>
    %dot_general3A_1721 = tpu.matmul %squeeze3A_1719, %concatenate3A_1717, %dot_general3A_1720 {dimension_numbers = #tpu.dot_dimension_numbers<[1], [0], [0], [1], [0, 0, 1, 1], [], []>, transpose_lhs_hint = false} : vector<50x100xbf16>, vector<100x128xbf16>, vector<50x128xf32> -> vector<50x128xf32>
    %convert_element_type3A_1722 = arith.truncf %dot_general3A_1721 : vector<50x128xf32> to vector<50x128xbf16>
    %swap3A_1723 = arith.constant 2350 : index
    %swap3A_1724 = arith.constant 0 : index
    %swap3A_1725 = vector.load %arg16[%swap3A_1723, %swap3A_1724] : memref<3200x128xbf16, #tpu.memory_space<vmem>>, vector<50x128xbf16>
    tpu.vector_store %arg16[%swap3A_1723, %swap3A_1724], %convert_element_type3A_1722 {strides = array<i32>} : memref<3200x128xbf16, #tpu.memory_space<vmem>>, vector<50x128xbf16>,
    %get3A_1726 = arith.constant 2400 : index
    %get3A_1727 = arith.constant 0 : index
    %get3A_1728 = vector.load %arg15[%get3A_1726, %get3A_1727] : memref<3200x128xbf16, #tpu.memory_space<vmem>>, vector<50x128xbf16>
    %mul3A_1729 = arith.mulf %get3A_1728, %convert_element_type3A_65 : vector<50x128xbf16>
    %mul3A_1730 = arith.mulf %get3A_1728, %convert_element_type3A_70 : vector<50x128xbf16>
    %concatenate3A_1731 = tpu.concatenate %mul3A_1729, %mul3A_1730 in 0 : vector<50x128xbf16>, vector<50x128xbf16> -> vector<100x128xbf16>
    %slice3A_1732 = vector.extract_strided_slice %convert_element_type3A_60 {offsets = [48, 0, 0], sizes = [1, 50, 100], strides = [1, 1, 1]} : vector<64x50x100xbf16> to vector<1x50x100xbf16>
    %squeeze3A_1733 = vector.shape_cast %slice3A_1732 : vector<1x50x100xbf16> to vector<50x100xbf16>
    %dot_general3A_1734 = arith.constant dense<0.000000e+00> : vector<50x128xf32>
    %dot_general3A_1735 = tpu.matmul %squeeze3A_1733, %concatenate3A_1731, %dot_general3A_1734 {dimension_numbers = #tpu.dot_dimension_numbers<[1], [0], [0], [1], [0, 0, 1, 1], [], []>, transpose_lhs_hint = false} : vector<50x100xbf16>, vector<100x128xbf16>, vector<50x128xf32> -> vector<50x128xf32>
    %convert_element_type3A_1736 = arith.truncf %dot_general3A_1735 : vector<50x128xf32> to vector<50x128xbf16>
    %swap3A_1737 = arith.constant 2400 : index
    %swap3A_1738 = arith.constant 0 : index
    %swap3A_1739 = vector.load %arg16[%swap3A_1737, %swap3A_1738] : memref<3200x128xbf16, #tpu.memory_space<vmem>>, vector<50x128xbf16>
    tpu.vector_store %arg16[%swap3A_1737, %swap3A_1738], %convert_element_type3A_1736 {strides = array<i32>} : memref<3200x128xbf16, #tpu.memory_space<vmem>>, vector<50x128xbf16>,
    %get3A_1740 = arith.constant 2450 : index
    %get3A_1741 = arith.constant 0 : index
    %get3A_1742 = vector.load %arg15[%get3A_1740, %get3A_1741] : memref<3200x128xbf16, #tpu.memory_space<vmem>>, vector<50x128xbf16>
    %mul3A_1743 = arith.mulf %get3A_1742, %convert_element_type3A_65 : vector<50x128xbf16>
    %mul3A_1744 = arith.mulf %get3A_1742, %convert_element_type3A_70 : vector<50x128xbf16>
    %concatenate3A_1745 = tpu.concatenate %mul3A_1743, %mul3A_1744 in 0 : vector<50x128xbf16>, vector<50x128xbf16> -> vector<100x128xbf16>
    %slice3A_1746 = vector.extract_strided_slice %convert_element_type3A_60 {offsets = [49, 0, 0], sizes = [1, 50, 100], strides = [1, 1, 1]} : vector<64x50x100xbf16> to vector<1x50x100xbf16>
    %squeeze3A_1747 = vector.shape_cast %slice3A_1746 : vector<1x50x100xbf16> to vector<50x100xbf16>
    %dot_general3A_1748 = arith.constant dense<0.000000e+00> : vector<50x128xf32>
    %dot_general3A_1749 = tpu.matmul %squeeze3A_1747, %concatenate3A_1745, %dot_general3A_1748 {dimension_numbers = #tpu.dot_dimension_numbers<[1], [0], [0], [1], [0, 0, 1, 1], [], []>, transpose_lhs_hint = false} : vector<50x100xbf16>, vector<100x128xbf16>, vector<50x128xf32> -> vector<50x128xf32>
    %convert_element_type3A_1750 = arith.truncf %dot_general3A_1749 : vector<50x128xf32> to vector<50x128xbf16>
    %swap3A_1751 = arith.constant 2450 : index
    %swap3A_1752 = arith.constant 0 : index
    %swap3A_1753 = vector.load %arg16[%swap3A_1751, %swap3A_1752] : memref<3200x128xbf16, #tpu.memory_space<vmem>>, vector<50x128xbf16>
    tpu.vector_store %arg16[%swap3A_1751, %swap3A_1752], %convert_element_type3A_1750 {strides = array<i32>} : memref<3200x128xbf16, #tpu.memory_space<vmem>>, vector<50x128xbf16>,
    %get3A_1754 = arith.constant 2500 : index
    %get3A_1755 = arith.constant 0 : index
    %get3A_1756 = vector.load %arg15[%get3A_1754, %get3A_1755] : memref<3200x128xbf16, #tpu.memory_space<vmem>>, vector<50x128xbf16>
    %mul3A_1757 = arith.mulf %get3A_1756, %convert_element_type3A_65 : vector<50x128xbf16>
    %mul3A_1758 = arith.mulf %get3A_1756, %convert_element_type3A_70 : vector<50x128xbf16>
    %concatenate3A_1759 = tpu.concatenate %mul3A_1757, %mul3A_1758 in 0 : vector<50x128xbf16>, vector<50x128xbf16> -> vector<100x128xbf16>
    %slice3A_1760 = vector.extract_strided_slice %convert_element_type3A_60 {offsets = [50, 0, 0], sizes = [1, 50, 100], strides = [1, 1, 1]} : vector<64x50x100xbf16> to vector<1x50x100xbf16>
    %squeeze3A_1761 = vector.shape_cast %slice3A_1760 : vector<1x50x100xbf16> to vector<50x100xbf16>
    %dot_general3A_1762 = arith.constant dense<0.000000e+00> : vector<50x128xf32>
    %dot_general3A_1763 = tpu.matmul %squeeze3A_1761, %concatenate3A_1759, %dot_general3A_1762 {dimension_numbers = #tpu.dot_dimension_numbers<[1], [0], [0], [1], [0, 0, 1, 1], [], []>, transpose_lhs_hint = false} : vector<50x100xbf16>, vector<100x128xbf16>, vector<50x128xf32> -> vector<50x128xf32>
    %convert_element_type3A_1764 = arith.truncf %dot_general3A_1763 : vector<50x128xf32> to vector<50x128xbf16>
    %swap3A_1765 = arith.constant 2500 : index
    %swap3A_1766 = arith.constant 0 : index
    %swap3A_1767 = vector.load %arg16[%swap3A_1765, %swap3A_1766] : memref<3200x128xbf16, #tpu.memory_space<vmem>>, vector<50x128xbf16>
    tpu.vector_store %arg16[%swap3A_1765, %swap3A_1766], %convert_element_type3A_1764 {strides = array<i32>} : memref<3200x128xbf16, #tpu.memory_space<vmem>>, vector<50x128xbf16>,
    %get3A_1768 = arith.constant 2550 : index
    %get3A_1769 = arith.constant 0 : index
    %get3A_1770 = vector.load %arg15[%get3A_1768, %get3A_1769] : memref<3200x128xbf16, #tpu.memory_space<vmem>>, vector<50x128xbf16>
    %mul3A_1771 = arith.mulf %get3A_1770, %convert_element_type3A_65 : vector<50x128xbf16>
    %mul3A_1772 = arith.mulf %get3A_1770, %convert_element_type3A_70 : vector<50x128xbf16>
    %concatenate3A_1773 = tpu.concatenate %mul3A_1771, %mul3A_1772 in 0 : vector<50x128xbf16>, vector<50x128xbf16> -> vector<100x128xbf16>
    %slice3A_1774 = vector.extract_strided_slice %convert_element_type3A_60 {offsets = [51, 0, 0], sizes = [1, 50, 100], strides = [1, 1, 1]} : vector<64x50x100xbf16> to vector<1x50x100xbf16>
    %squeeze3A_1775 = vector.shape_cast %slice3A_1774 : vector<1x50x100xbf16> to vector<50x100xbf16>
    %dot_general3A_1776 = arith.constant dense<0.000000e+00> : vector<50x128xf32>
    %dot_general3A_1777 = tpu.matmul %squeeze3A_1775, %concatenate3A_1773, %dot_general3A_1776 {dimension_numbers = #tpu.dot_dimension_numbers<[1], [0], [0], [1], [0, 0, 1, 1], [], []>, transpose_lhs_hint = false} : vector<50x100xbf16>, vector<100x128xbf16>, vector<50x128xf32> -> vector<50x128xf32>
    %convert_element_type3A_1778 = arith.truncf %dot_general3A_1777 : vector<50x128xf32> to vector<50x128xbf16>
    %swap3A_1779 = arith.constant 2550 : index
    %swap3A_1780 = arith.constant 0 : index
    %swap3A_1781 = vector.load %arg16[%swap3A_1779, %swap3A_1780] : memref<3200x128xbf16, #tpu.memory_space<vmem>>, vector<50x128xbf16>
    tpu.vector_store %arg16[%swap3A_1779, %swap3A_1780], %convert_element_type3A_1778 {strides = array<i32>} : memref<3200x128xbf16, #tpu.memory_space<vmem>>, vector<50x128xbf16>,
    %get3A_1782 = arith.constant 2600 : index
    %get3A_1783 = arith.constant 0 : index
    %get3A_1784 = vector.load %arg15[%get3A_1782, %get3A_1783] : memref<3200x128xbf16, #tpu.memory_space<vmem>>, vector<50x128xbf16>
    %mul3A_1785 = arith.mulf %get3A_1784, %convert_element_type3A_65 : vector<50x128xbf16>
    %mul3A_1786 = arith.mulf %get3A_1784, %convert_element_type3A_70 : vector<50x128xbf16>
    %concatenate3A_1787 = tpu.concatenate %mul3A_1785, %mul3A_1786 in 0 : vector<50x128xbf16>, vector<50x128xbf16> -> vector<100x128xbf16>
    %slice3A_1788 = vector.extract_strided_slice %convert_element_type3A_60 {offsets = [52, 0, 0], sizes = [1, 50, 100], strides = [1, 1, 1]} : vector<64x50x100xbf16> to vector<1x50x100xbf16>
    %squeeze3A_1789 = vector.shape_cast %slice3A_1788 : vector<1x50x100xbf16> to vector<50x100xbf16>
    %dot_general3A_1790 = arith.constant dense<0.000000e+00> : vector<50x128xf32>
    %dot_general3A_1791 = tpu.matmul %squeeze3A_1789, %concatenate3A_1787, %dot_general3A_1790 {dimension_numbers = #tpu.dot_dimension_numbers<[1], [0], [0], [1], [0, 0, 1, 1], [], []>, transpose_lhs_hint = false} : vector<50x100xbf16>, vector<100x128xbf16>, vector<50x128xf32> -> vector<50x128xf32>
    %convert_element_type3A_1792 = arith.truncf %dot_general3A_1791 : vector<50x128xf32> to vector<50x128xbf16>
    %swap3A_1793 = arith.constant 2600 : index
    %swap3A_1794 = arith.constant 0 : index
    %swap3A_1795 = vector.load %arg16[%swap3A_1793, %swap3A_1794] : memref<3200x128xbf16, #tpu.memory_space<vmem>>, vector<50x128xbf16>
    tpu.vector_store %arg16[%swap3A_1793, %swap3A_1794], %convert_element_type3A_1792 {strides = array<i32>} : memref<3200x128xbf16, #tpu.memory_space<vmem>>, vector<50x128xbf16>,
    %get3A_1796 = arith.constant 2650 : index
    %get3A_1797 = arith.constant 0 : index
    %get3A_1798 = vector.load %arg15[%get3A_1796, %get3A_1797] : memref<3200x128xbf16, #tpu.memory_space<vmem>>, vector<50x128xbf16>
    %mul3A_1799 = arith.mulf %get3A_1798, %convert_element_type3A_65 : vector<50x128xbf16>
    %mul3A_1800 = arith.mulf %get3A_1798, %convert_element_type3A_70 : vector<50x128xbf16>
    %concatenate3A_1801 = tpu.concatenate %mul3A_1799, %mul3A_1800 in 0 : vector<50x128xbf16>, vector<50x128xbf16> -> vector<100x128xbf16>
    %slice3A_1802 = vector.extract_strided_slice %convert_element_type3A_60 {offsets = [53, 0, 0], sizes = [1, 50, 100], strides = [1, 1, 1]} : vector<64x50x100xbf16> to vector<1x50x100xbf16>
    %squeeze3A_1803 = vector.shape_cast %slice3A_1802 : vector<1x50x100xbf16> to vector<50x100xbf16>
    %dot_general3A_1804 = arith.constant dense<0.000000e+00> : vector<50x128xf32>
    %dot_general3A_1805 = tpu.matmul %squeeze3A_1803, %concatenate3A_1801, %dot_general3A_1804 {dimension_numbers = #tpu.dot_dimension_numbers<[1], [0], [0], [1], [0, 0, 1, 1], [], []>, transpose_lhs_hint = false} : vector<50x100xbf16>, vector<100x128xbf16>, vector<50x128xf32> -> vector<50x128xf32>
    %convert_element_type3A_1806 = arith.truncf %dot_general3A_1805 : vector<50x128xf32> to vector<50x128xbf16>
    %swap3A_1807 = arith.constant 2650 : index
    %swap3A_1808 = arith.constant 0 : index
    %swap3A_1809 = vector.load %arg16[%swap3A_1807, %swap3A_1808] : memref<3200x128xbf16, #tpu.memory_space<vmem>>, vector<50x128xbf16>
    tpu.vector_store %arg16[%swap3A_1807, %swap3A_1808], %convert_element_type3A_1806 {strides = array<i32>} : memref<3200x128xbf16, #tpu.memory_space<vmem>>, vector<50x128xbf16>,
    %get3A_1810 = arith.constant 2700 : index
    %get3A_1811 = arith.constant 0 : index
    %get3A_1812 = vector.load %arg15[%get3A_1810, %get3A_1811] : memref<3200x128xbf16, #tpu.memory_space<vmem>>, vector<50x128xbf16>
    %mul3A_1813 = arith.mulf %get3A_1812, %convert_element_type3A_65 : vector<50x128xbf16>
    %mul3A_1814 = arith.mulf %get3A_1812, %convert_element_type3A_70 : vector<50x128xbf16>
    %concatenate3A_1815 = tpu.concatenate %mul3A_1813, %mul3A_1814 in 0 : vector<50x128xbf16>, vector<50x128xbf16> -> vector<100x128xbf16>
    %slice3A_1816 = vector.extract_strided_slice %convert_element_type3A_60 {offsets = [54, 0, 0], sizes = [1, 50, 100], strides = [1, 1, 1]} : vector<64x50x100xbf16> to vector<1x50x100xbf16>
    %squeeze3A_1817 = vector.shape_cast %slice3A_1816 : vector<1x50x100xbf16> to vector<50x100xbf16>
    %dot_general3A_1818 = arith.constant dense<0.000000e+00> : vector<50x128xf32>
    %dot_general3A_1819 = tpu.matmul %squeeze3A_1817, %concatenate3A_1815, %dot_general3A_1818 {dimension_numbers = #tpu.dot_dimension_numbers<[1], [0], [0], [1], [0, 0, 1, 1], [], []>, transpose_lhs_hint = false} : vector<50x100xbf16>, vector<100x128xbf16>, vector<50x128xf32> -> vector<50x128xf32>
    %convert_element_type3A_1820 = arith.truncf %dot_general3A_1819 : vector<50x128xf32> to vector<50x128xbf16>
    %swap3A_1821 = arith.constant 2700 : index
    %swap3A_1822 = arith.constant 0 : index
    %swap3A_1823 = vector.load %arg16[%swap3A_1821, %swap3A_1822] : memref<3200x128xbf16, #tpu.memory_space<vmem>>, vector<50x128xbf16>
    tpu.vector_store %arg16[%swap3A_1821, %swap3A_1822], %convert_element_type3A_1820 {strides = array<i32>} : memref<3200x128xbf16, #tpu.memory_space<vmem>>, vector<50x128xbf16>,
    %get3A_1824 = arith.constant 2750 : index
    %get3A_1825 = arith.constant 0 : index
    %get3A_1826 = vector.load %arg15[%get3A_1824, %get3A_1825] : memref<3200x128xbf16, #tpu.memory_space<vmem>>, vector<50x128xbf16>
    %mul3A_1827 = arith.mulf %get3A_1826, %convert_element_type3A_65 : vector<50x128xbf16>
    %mul3A_1828 = arith.mulf %get3A_1826, %convert_element_type3A_70 : vector<50x128xbf16>
    %concatenate3A_1829 = tpu.concatenate %mul3A_1827, %mul3A_1828 in 0 : vector<50x128xbf16>, vector<50x128xbf16> -> vector<100x128xbf16>
    %slice3A_1830 = vector.extract_strided_slice %convert_element_type3A_60 {offsets = [55, 0, 0], sizes = [1, 50, 100], strides = [1, 1, 1]} : vector<64x50x100xbf16> to vector<1x50x100xbf16>
    %squeeze3A_1831 = vector.shape_cast %slice3A_1830 : vector<1x50x100xbf16> to vector<50x100xbf16>
    %dot_general3A_1832 = arith.constant dense<0.000000e+00> : vector<50x128xf32>
    %dot_general3A_1833 = tpu.matmul %squeeze3A_1831, %concatenate3A_1829, %dot_general3A_1832 {dimension_numbers = #tpu.dot_dimension_numbers<[1], [0], [0], [1], [0, 0, 1, 1], [], []>, transpose_lhs_hint = false} : vector<50x100xbf16>, vector<100x128xbf16>, vector<50x128xf32> -> vector<50x128xf32>
    %convert_element_type3A_1834 = arith.truncf %dot_general3A_1833 : vector<50x128xf32> to vector<50x128xbf16>
    %swap3A_1835 = arith.constant 2750 : index
    %swap3A_1836 = arith.constant 0 : index
    %swap3A_1837 = vector.load %arg16[%swap3A_1835, %swap3A_1836] : memref<3200x128xbf16, #tpu.memory_space<vmem>>, vector<50x128xbf16>
    tpu.vector_store %arg16[%swap3A_1835, %swap3A_1836], %convert_element_type3A_1834 {strides = array<i32>} : memref<3200x128xbf16, #tpu.memory_space<vmem>>, vector<50x128xbf16>,
    %get3A_1838 = arith.constant 2800 : index
    %get3A_1839 = arith.constant 0 : index
    %get3A_1840 = vector.load %arg15[%get3A_1838, %get3A_1839] : memref<3200x128xbf16, #tpu.memory_space<vmem>>, vector<50x128xbf16>
    %mul3A_1841 = arith.mulf %get3A_1840, %convert_element_type3A_65 : vector<50x128xbf16>
    %mul3A_1842 = arith.mulf %get3A_1840, %convert_element_type3A_70 : vector<50x128xbf16>
    %concatenate3A_1843 = tpu.concatenate %mul3A_1841, %mul3A_1842 in 0 : vector<50x128xbf16>, vector<50x128xbf16> -> vector<100x128xbf16>
    %slice3A_1844 = vector.extract_strided_slice %convert_element_type3A_60 {offsets = [56, 0, 0], sizes = [1, 50, 100], strides = [1, 1, 1]} : vector<64x50x100xbf16> to vector<1x50x100xbf16>
    %squeeze3A_1845 = vector.shape_cast %slice3A_1844 : vector<1x50x100xbf16> to vector<50x100xbf16>
    %dot_general3A_1846 = arith.constant dense<0.000000e+00> : vector<50x128xf32>
    %dot_general3A_1847 = tpu.matmul %squeeze3A_1845, %concatenate3A_1843, %dot_general3A_1846 {dimension_numbers = #tpu.dot_dimension_numbers<[1], [0], [0], [1], [0, 0, 1, 1], [], []>, transpose_lhs_hint = false} : vector<50x100xbf16>, vector<100x128xbf16>, vector<50x128xf32> -> vector<50x128xf32>
    %convert_element_type3A_1848 = arith.truncf %dot_general3A_1847 : vector<50x128xf32> to vector<50x128xbf16>
    %swap3A_1849 = arith.constant 2800 : index
    %swap3A_1850 = arith.constant 0 : index
    %swap3A_1851 = vector.load %arg16[%swap3A_1849, %swap3A_1850] : memref<3200x128xbf16, #tpu.memory_space<vmem>>, vector<50x128xbf16>
    tpu.vector_store %arg16[%swap3A_1849, %swap3A_1850], %convert_element_type3A_1848 {strides = array<i32>} : memref<3200x128xbf16, #tpu.memory_space<vmem>>, vector<50x128xbf16>,
    %get3A_1852 = arith.constant 2850 : index
    %get3A_1853 = arith.constant 0 : index
    %get3A_1854 = vector.load %arg15[%get3A_1852, %get3A_1853] : memref<3200x128xbf16, #tpu.memory_space<vmem>>, vector<50x128xbf16>
    %mul3A_1855 = arith.mulf %get3A_1854, %convert_element_type3A_65 : vector<50x128xbf16>
    %mul3A_1856 = arith.mulf %get3A_1854, %convert_element_type3A_70 : vector<50x128xbf16>
    %concatenate3A_1857 = tpu.concatenate %mul3A_1855, %mul3A_1856 in 0 : vector<50x128xbf16>, vector<50x128xbf16> -> vector<100x128xbf16>
    %slice3A_1858 = vector.extract_strided_slice %convert_element_type3A_60 {offsets = [57, 0, 0], sizes = [1, 50, 100], strides = [1, 1, 1]} : vector<64x50x100xbf16> to vector<1x50x100xbf16>
    %squeeze3A_1859 = vector.shape_cast %slice3A_1858 : vector<1x50x100xbf16> to vector<50x100xbf16>
    %dot_general3A_1860 = arith.constant dense<0.000000e+00> : vector<50x128xf32>
    %dot_general3A_1861 = tpu.matmul %squeeze3A_1859, %concatenate3A_1857, %dot_general3A_1860 {dimension_numbers = #tpu.dot_dimension_numbers<[1], [0], [0], [1], [0, 0, 1, 1], [], []>, transpose_lhs_hint = false} : vector<50x100xbf16>, vector<100x128xbf16>, vector<50x128xf32> -> vector<50x128xf32>
    %convert_element_type3A_1862 = arith.truncf %dot_general3A_1861 : vector<50x128xf32> to vector<50x128xbf16>
    %swap3A_1863 = arith.constant 2850 : index
    %swap3A_1864 = arith.constant 0 : index
    %swap3A_1865 = vector.load %arg16[%swap3A_1863, %swap3A_1864] : memref<3200x128xbf16, #tpu.memory_space<vmem>>, vector<50x128xbf16>
    tpu.vector_store %arg16[%swap3A_1863, %swap3A_1864], %convert_element_type3A_1862 {strides = array<i32>} : memref<3200x128xbf16, #tpu.memory_space<vmem>>, vector<50x128xbf16>,
    %get3A_1866 = arith.constant 2900 : index
    %get3A_1867 = arith.constant 0 : index
    %get3A_1868 = vector.load %arg15[%get3A_1866, %get3A_1867] : memref<3200x128xbf16, #tpu.memory_space<vmem>>, vector<50x128xbf16>
    %mul3A_1869 = arith.mulf %get3A_1868, %convert_element_type3A_65 : vector<50x128xbf16>
    %mul3A_1870 = arith.mulf %get3A_1868, %convert_element_type3A_70 : vector<50x128xbf16>
    %concatenate3A_1871 = tpu.concatenate %mul3A_1869, %mul3A_1870 in 0 : vector<50x128xbf16>, vector<50x128xbf16> -> vector<100x128xbf16>
    %slice3A_1872 = vector.extract_strided_slice %convert_element_type3A_60 {offsets = [58, 0, 0], sizes = [1, 50, 100], strides = [1, 1, 1]} : vector<64x50x100xbf16> to vector<1x50x100xbf16>
    %squeeze3A_1873 = vector.shape_cast %slice3A_1872 : vector<1x50x100xbf16> to vector<50x100xbf16>
    %dot_general3A_1874 = arith.constant dense<0.000000e+00> : vector<50x128xf32>
    %dot_general3A_1875 = tpu.matmul %squeeze3A_1873, %concatenate3A_1871, %dot_general3A_1874 {dimension_numbers = #tpu.dot_dimension_numbers<[1], [0], [0], [1], [0, 0, 1, 1], [], []>, transpose_lhs_hint = false} : vector<50x100xbf16>, vector<100x128xbf16>, vector<50x128xf32> -> vector<50x128xf32>
    %convert_element_type3A_1876 = arith.truncf %dot_general3A_1875 : vector<50x128xf32> to vector<50x128xbf16>
    %swap3A_1877 = arith.constant 2900 : index
    %swap3A_1878 = arith.constant 0 : index
    %swap3A_1879 = vector.load %arg16[%swap3A_1877, %swap3A_1878] : memref<3200x128xbf16, #tpu.memory_space<vmem>>, vector<50x128xbf16>
    tpu.vector_store %arg16[%swap3A_1877, %swap3A_1878], %convert_element_type3A_1876 {strides = array<i32>} : memref<3200x128xbf16, #tpu.memory_space<vmem>>, vector<50x128xbf16>,
    %get3A_1880 = arith.constant 2950 : index
    %get3A_1881 = arith.constant 0 : index
    %get3A_1882 = vector.load %arg15[%get3A_1880, %get3A_1881] : memref<3200x128xbf16, #tpu.memory_space<vmem>>, vector<50x128xbf16>
    %mul3A_1883 = arith.mulf %get3A_1882, %convert_element_type3A_65 : vector<50x128xbf16>
    %mul3A_1884 = arith.mulf %get3A_1882, %convert_element_type3A_70 : vector<50x128xbf16>
    %concatenate3A_1885 = tpu.concatenate %mul3A_1883, %mul3A_1884 in 0 : vector<50x128xbf16>, vector<50x128xbf16> -> vector<100x128xbf16>
    %slice3A_1886 = vector.extract_strided_slice %convert_element_type3A_60 {offsets = [59, 0, 0], sizes = [1, 50, 100], strides = [1, 1, 1]} : vector<64x50x100xbf16> to vector<1x50x100xbf16>
    %squeeze3A_1887 = vector.shape_cast %slice3A_1886 : vector<1x50x100xbf16> to vector<50x100xbf16>
    %dot_general3A_1888 = arith.constant dense<0.000000e+00> : vector<50x128xf32>
    %dot_general3A_1889 = tpu.matmul %squeeze3A_1887, %concatenate3A_1885, %dot_general3A_1888 {dimension_numbers = #tpu.dot_dimension_numbers<[1], [0], [0], [1], [0, 0, 1, 1], [], []>, transpose_lhs_hint = false} : vector<50x100xbf16>, vector<100x128xbf16>, vector<50x128xf32> -> vector<50x128xf32>
    %convert_element_type3A_1890 = arith.truncf %dot_general3A_1889 : vector<50x128xf32> to vector<50x128xbf16>
    %swap3A_1891 = arith.constant 2950 : index
    %swap3A_1892 = arith.constant 0 : index
    %swap3A_1893 = vector.load %arg16[%swap3A_1891, %swap3A_1892] : memref<3200x128xbf16, #tpu.memory_space<vmem>>, vector<50x128xbf16>
    tpu.vector_store %arg16[%swap3A_1891, %swap3A_1892], %convert_element_type3A_1890 {strides = array<i32>} : memref<3200x128xbf16, #tpu.memory_space<vmem>>, vector<50x128xbf16>,
    %get3A_1894 = arith.constant 3000 : index
    %get3A_1895 = arith.constant 0 : index
    %get3A_1896 = vector.load %arg15[%get3A_1894, %get3A_1895] : memref<3200x128xbf16, #tpu.memory_space<vmem>>, vector<50x128xbf16>
    %mul3A_1897 = arith.mulf %get3A_1896, %convert_element_type3A_65 : vector<50x128xbf16>
    %mul3A_1898 = arith.mulf %get3A_1896, %convert_element_type3A_70 : vector<50x128xbf16>
    %concatenate3A_1899 = tpu.concatenate %mul3A_1897, %mul3A_1898 in 0 : vector<50x128xbf16>, vector<50x128xbf16> -> vector<100x128xbf16>
    %slice3A_1900 = vector.extract_strided_slice %convert_element_type3A_60 {offsets = [60, 0, 0], sizes = [1, 50, 100], strides = [1, 1, 1]} : vector<64x50x100xbf16> to vector<1x50x100xbf16>
    %squeeze3A_1901 = vector.shape_cast %slice3A_1900 : vector<1x50x100xbf16> to vector<50x100xbf16>
    %dot_general3A_1902 = arith.constant dense<0.000000e+00> : vector<50x128xf32>
    %dot_general3A_1903 = tpu.matmul %squeeze3A_1901, %concatenate3A_1899, %dot_general3A_1902 {dimension_numbers = #tpu.dot_dimension_numbers<[1], [0], [0], [1], [0, 0, 1, 1], [], []>, transpose_lhs_hint = false} : vector<50x100xbf16>, vector<100x128xbf16>, vector<50x128xf32> -> vector<50x128xf32>
    %convert_element_type3A_1904 = arith.truncf %dot_general3A_1903 : vector<50x128xf32> to vector<50x128xbf16>
    %swap3A_1905 = arith.constant 3000 : index
    %swap3A_1906 = arith.constant 0 : index
    %swap3A_1907 = vector.load %arg16[%swap3A_1905, %swap3A_1906] : memref<3200x128xbf16, #tpu.memory_space<vmem>>, vector<50x128xbf16>
    tpu.vector_store %arg16[%swap3A_1905, %swap3A_1906], %convert_element_type3A_1904 {strides = array<i32>} : memref<3200x128xbf16, #tpu.memory_space<vmem>>, vector<50x128xbf16>,
    %get3A_1908 = arith.constant 3050 : index
    %get3A_1909 = arith.constant 0 : index
    %get3A_1910 = vector.load %arg15[%get3A_1908, %get3A_1909] : memref<3200x128xbf16, #tpu.memory_space<vmem>>, vector<50x128xbf16>
    %mul3A_1911 = arith.mulf %get3A_1910, %convert_element_type3A_65 : vector<50x128xbf16>
    %mul3A_1912 = arith.mulf %get3A_1910, %convert_element_type3A_70 : vector<50x128xbf16>
    %concatenate3A_1913 = tpu.concatenate %mul3A_1911, %mul3A_1912 in 0 : vector<50x128xbf16>, vector<50x128xbf16> -> vector<100x128xbf16>
    %slice3A_1914 = vector.extract_strided_slice %convert_element_type3A_60 {offsets = [61, 0, 0], sizes = [1, 50, 100], strides = [1, 1, 1]} : vector<64x50x100xbf16> to vector<1x50x100xbf16>
    %squeeze3A_1915 = vector.shape_cast %slice3A_1914 : vector<1x50x100xbf16> to vector<50x100xbf16>
    %dot_general3A_1916 = arith.constant dense<0.000000e+00> : vector<50x128xf32>
    %dot_general3A_1917 = tpu.matmul %squeeze3A_1915, %concatenate3A_1913, %dot_general3A_1916 {dimension_numbers = #tpu.dot_dimension_numbers<[1], [0], [0], [1], [0, 0, 1, 1], [], []>, transpose_lhs_hint = false} : vector<50x100xbf16>, vector<100x128xbf16>, vector<50x128xf32> -> vector<50x128xf32>
    %convert_element_type3A_1918 = arith.truncf %dot_general3A_1917 : vector<50x128xf32> to vector<50x128xbf16>
    %swap3A_1919 = arith.constant 3050 : index
    %swap3A_1920 = arith.constant 0 : index
    %swap3A_1921 = vector.load %arg16[%swap3A_1919, %swap3A_1920] : memref<3200x128xbf16, #tpu.memory_space<vmem>>, vector<50x128xbf16>
    tpu.vector_store %arg16[%swap3A_1919, %swap3A_1920], %convert_element_type3A_1918 {strides = array<i32>} : memref<3200x128xbf16, #tpu.memory_space<vmem>>, vector<50x128xbf16>,
    %get3A_1922 = arith.constant 3100 : index
    %get3A_1923 = arith.constant 0 : index
    %get3A_1924 = vector.load %arg15[%get3A_1922, %get3A_1923] : memref<3200x128xbf16, #tpu.memory_space<vmem>>, vector<50x128xbf16>
    %mul3A_1925 = arith.mulf %get3A_1924, %convert_element_type3A_65 : vector<50x128xbf16>
    %mul3A_1926 = arith.mulf %get3A_1924, %convert_element_type3A_70 : vector<50x128xbf16>
    %concatenate3A_1927 = tpu.concatenate %mul3A_1925, %mul3A_1926 in 0 : vector<50x128xbf16>, vector<50x128xbf16> -> vector<100x128xbf16>
    %slice3A_1928 = vector.extract_strided_slice %convert_element_type3A_60 {offsets = [62, 0, 0], sizes = [1, 50, 100], strides = [1, 1, 1]} : vector<64x50x100xbf16> to vector<1x50x100xbf16>
    %squeeze3A_1929 = vector.shape_cast %slice3A_1928 : vector<1x50x100xbf16> to vector<50x100xbf16>
    %dot_general3A_1930 = arith.constant dense<0.000000e+00> : vector<50x128xf32>
    %dot_general3A_1931 = tpu.matmul %squeeze3A_1929, %concatenate3A_1927, %dot_general3A_1930 {dimension_numbers = #tpu.dot_dimension_numbers<[1], [0], [0], [1], [0, 0, 1, 1], [], []>, transpose_lhs_hint = false} : vector<50x100xbf16>, vector<100x128xbf16>, vector<50x128xf32> -> vector<50x128xf32>
    %convert_element_type3A_1932 = arith.truncf %dot_general3A_1931 : vector<50x128xf32> to vector<50x128xbf16>
    %swap3A_1933 = arith.constant 3100 : index
    %swap3A_1934 = arith.constant 0 : index
    %swap3A_1935 = vector.load %arg16[%swap3A_1933, %swap3A_1934] : memref<3200x128xbf16, #tpu.memory_space<vmem>>, vector<50x128xbf16>
    tpu.vector_store %arg16[%swap3A_1933, %swap3A_1934], %convert_element_type3A_1932 {strides = array<i32>} : memref<3200x128xbf16, #tpu.memory_space<vmem>>, vector<50x128xbf16>,
    %get3A_1936 = arith.constant 3150 : index
    %get3A_1937 = arith.constant 0 : index
    %get3A_1938 = vector.load %arg15[%get3A_1936, %get3A_1937] : memref<3200x128xbf16, #tpu.memory_space<vmem>>, vector<50x128xbf16>
    %mul3A_1939 = arith.mulf %get3A_1938, %convert_element_type3A_65 : vector<50x128xbf16>
    %mul3A_1940 = arith.mulf %get3A_1938, %convert_element_type3A_70 : vector<50x128xbf16>
    %concatenate3A_1941 = tpu.concatenate %mul3A_1939, %mul3A_1940 in 0 : vector<50x128xbf16>, vector<50x128xbf16> -> vector<100x128xbf16>
    %slice3A_1942 = vector.extract_strided_slice %convert_element_type3A_60 {offsets = [63, 0, 0], sizes = [1, 50, 100], strides = [1, 1, 1]} : vector<64x50x100xbf16> to vector<1x50x100xbf16>
    %squeeze3A_1943 = vector.shape_cast %slice3A_1942 : vector<1x50x100xbf16> to vector<50x100xbf16>
    %dot_general3A_1944 = arith.constant dense<0.000000e+00> : vector<50x128xf32>
    %dot_general3A_1945 = tpu.matmul %squeeze3A_1943, %concatenate3A_1941, %dot_general3A_1944 {dimension_numbers = #tpu.dot_dimension_numbers<[1], [0], [0], [1], [0, 0, 1, 1], [], []>, transpose_lhs_hint = false} : vector<50x100xbf16>, vector<100x128xbf16>, vector<50x128xf32> -> vector<50x128xf32>
    %convert_element_type3A_1946 = arith.truncf %dot_general3A_1945 : vector<50x128xf32> to vector<50x128xbf16>
    %swap3A_1947 = arith.constant 3150 : index
    %swap3A_1948 = arith.constant 0 : index
    %swap3A_1949 = vector.load %arg16[%swap3A_1947, %swap3A_1948] : memref<3200x128xbf16, #tpu.memory_space<vmem>>, vector<50x128xbf16>
    tpu.vector_store %arg16[%swap3A_1947, %swap3A_1948], %convert_element_type3A_1946 {strides = array<i32>} : memref<3200x128xbf16, #tpu.memory_space<vmem>>, vector<50x128xbf16>,
    %get3A_1950 = arith.constant 0 : index
    %get3A_1951 = arith.constant 0 : index
    %get3A_1952 = vector.load %arg16[%get3A_1950, %get3A_1951] : memref<3200x128xbf16, #tpu.memory_space<vmem>>, vector<3200x128xbf16>
    %get3A_1953 = arith.constant 0 : index
    %get3A_1954 = arith.constant 0 : index
    %get3A_1955 = vector.load %arg8[%get3A_1953, %get3A_1954] : memref<128x192xbf16, #tpu.memory_space<vmem>>, vector<128x192xbf16>
    %dot_general3A_1956 = arith.constant dense<0.000000e+00> : vector<3200x192xf32>
    %dot_general3A_1957 = tpu.matmul %get3A_1952, %get3A_1955, %dot_general3A_1956 {dimension_numbers = #tpu.dot_dimension_numbers<[1], [0], [0], [1], [0, 0, 1, 1], [], []>, transpose_lhs_hint = false} : vector<3200x128xbf16>, vector<128x192xbf16>, vector<3200x192xf32> -> vector<3200x192xf32>
    %get3A_1958 = arith.constant 0 : index
    %get3A_1959 = arith.constant 0 : index
    %get3A_1960 = vector.load %arg9[%get3A_1958, %get3A_1959] : memref<1x192xf32, #tpu.memory_space<vmem>>, vector<1x192xf32>
    %add3A_1961 = vector.broadcast %get3A_1960 : vector<1x192xf32> to vector<3200x192xf32>
    %add3A_1962 = arith.addf %dot_general3A_1957, %add3A_1961 : vector<3200x192xf32>
    %get3A_1963 = arith.constant 0 : index
    %get3A_1964 = arith.constant 0 : index
    %get3A_1965 = vector.load %arg10[%get3A_1963, %get3A_1964] : memref<64x192xbf16, #tpu.memory_space<vmem>>, vector<64x192xbf16>
    %dot_general3A_1966 = arith.constant dense<0.000000e+00> : vector<3200x192xf32>
    %dot_general3A_1967 = tpu.matmul %convert_element_type3A_1039, %get3A_1965, %dot_general3A_1966 {dimension_numbers = #tpu.dot_dimension_numbers<[1], [0], [0], [1], [0, 0, 1, 1], [], []>, transpose_lhs_hint = false} : vector<3200x64xbf16>, vector<64x192xbf16>, vector<3200x192xf32> -> vector<3200x192xf32>
    %get3A_1968 = arith.constant 0 : index
    %get3A_1969 = arith.constant 0 : index
    %get3A_1970 = vector.load %arg11[%get3A_1968, %get3A_1969] : memref<1x192xf32, #tpu.memory_space<vmem>>, vector<1x192xf32>
    %add3A_1971 = vector.broadcast %get3A_1970 : vector<1x192xf32> to vector<3200x192xf32>
    %add3A_1972 = arith.addf %dot_general3A_1967, %add3A_1971 : vector<3200x192xf32>
    %slice3A_1973 = vector.extract_strided_slice %add3A_1962 {offsets = [0, 0], sizes = [3200, 64], strides = [1, 1]} : vector<3200x192xf32> to vector<3200x64xf32>
    %slice3A_1974 = vector.extract_strided_slice %add3A_1972 {offsets = [0, 0], sizes = [3200, 64], strides = [1, 1]} : vector<3200x192xf32> to vector<3200x64xf32>
    %add3A_1975 = arith.addf %slice3A_1973, %slice3A_1974 : vector<3200x64xf32>
    %logistic3A_1976 = arith.negf %add3A_1975 : vector<3200x64xf32>
    %logistic3A_1977 = math.exp %logistic3A_1976 : vector<3200x64xf32>
    %logistic3A_1978 = arith.constant 1.000000e+00 : f32
    %logistic3A_1979 = vector.broadcast %logistic3A_1978 : f32 to vector<3200x64xf32>
    %logistic3A_1980 = arith.addf %logistic3A_1979, %logistic3A_1977 : vector<3200x64xf32>
    %logistic3A_1981 = arith.divf %logistic3A_1979, %logistic3A_1980 : vector<3200x64xf32>
    %slice3A_1982 = vector.extract_strided_slice %add3A_1962 {offsets = [0, 64], sizes = [3200, 64], strides = [1, 1]} : vector<3200x192xf32> to vector<3200x64xf32>
    %slice3A_1983 = vector.extract_strided_slice %add3A_1972 {offsets = [0, 64], sizes = [3200, 64], strides = [1, 1]} : vector<3200x192xf32> to vector<3200x64xf32>
    %add3A_1984 = arith.addf %slice3A_1982, %slice3A_1983 : vector<3200x64xf32>
    %logistic3A_1985 = arith.negf %add3A_1984 : vector<3200x64xf32>
    %logistic3A_1986 = math.exp %logistic3A_1985 : vector<3200x64xf32>
    %logistic3A_1987 = arith.constant 1.000000e+00 : f32
    %logistic3A_1988 = vector.broadcast %logistic3A_1987 : f32 to vector<3200x64xf32>
    %logistic3A_1989 = arith.addf %logistic3A_1988, %logistic3A_1986 : vector<3200x64xf32>
    %logistic3A_1990 = arith.divf %logistic3A_1988, %logistic3A_1989 : vector<3200x64xf32>
    %slice3A_1991 = vector.extract_strided_slice %add3A_1962 {offsets = [0, 128], sizes = [3200, 64], strides = [1, 1]} : vector<3200x192xf32> to vector<3200x64xf32>
    %slice3A_1992 = vector.extract_strided_slice %add3A_1972 {offsets = [0, 128], sizes = [3200, 64], strides = [1, 1]} : vector<3200x192xf32> to vector<3200x64xf32>
    %mul3A_1993 = arith.mulf %logistic3A_1981, %slice3A_1992 : vector<3200x64xf32>
    %add3A_1994 = arith.addf %slice3A_1991, %mul3A_1993 : vector<3200x64xf32>
    %tanh3A_1995 = math.tanh %add3A_1994 : vector<3200x64xf32>
    %sub3A_1996 = arith.constant 1.000000e+00 : f32
    %sub3A_1997 = vector.broadcast %sub3A_1996 : f32 to vector<3200x64xf32>
    %sub3A_1998 = arith.subf %sub3A_1997, %logistic3A_1990 : vector<3200x64xf32>
    %mul3A_1999 = arith.mulf %sub3A_1998, %tanh3A_1995 : vector<3200x64xf32>
    %mul3A_2000 = arith.mulf %logistic3A_1990, %get3A_1038 : vector<3200x64xf32>
    %add3A_2001 = arith.addf %mul3A_1999, %mul3A_2000 : vector<3200x64xf32>
    %swap3A_2002 = arith.constant 0 : index
    %swap3A_2003 = arith.constant 0 : index
    %swap3A_2004 = vector.load %arg14[%swap3A_2002, %swap3A_2003] : memref<3200x64xf32, #tpu.memory_space<vmem>>, vector<3200x64xf32>
    tpu.vector_store %arg14[%swap3A_2002, %swap3A_2003], %add3A_2001 {strides = array<i32>} : memref<3200x64xf32, #tpu.memory_space<vmem>>, vector<3200x64xf32>,
    %get3A_2005 = arith.constant 0 : index
    %get3A_2006 = arith.constant 0 : index
    %get3A_2007 = vector.load %arg14[%get3A_2005, %get3A_2006] : memref<3200x64xf32, #tpu.memory_space<vmem>>, vector<3200x64xf32>
    %reshape3A_2008 = vector.shape_cast %get3A_2007 : vector<3200x64xf32> to vector<64x50x64xf32>
    %swap3A_2009 = arith.constant 0 : index
    %swap3A_2010 = arith.constant 0 : index
    %swap3A_2011 = arith.constant 0 : index
    %swap3A_2012 = vector.load %arg12[%swap3A_2009, %swap3A_2010, %swap3A_2011] : memref<64x50x64xf32, #tpu.memory_space<vmem>>, vector<64x50x64xf32>
    tpu.vector_store %arg12[%swap3A_2009, %swap3A_2010, %swap3A_2011], %reshape3A_2008 {strides = array<i32>} : memref<64x50x64xf32, #tpu.memory_space<vmem>>, vector<64x50x64xf32>,
    return
  }
  func.func @transform_0(%arg0: i32) -> (i32, i32, i32) {
    %c0_i32 = arith.constant 0 : i32
    %c0_i32_0 = arith.constant 0 : i32
    %c0_i32_1 = arith.constant 0 : i32
    return %arg0, %c0_i32, %c0_i32_0 : i32, i32, i32
  }
  func.func @transform_1(%arg0: i32) -> (i32, i32) {
    %c0_i32 = arith.constant 0 : i32
    %c0_i32_0 = arith.constant 0 : i32
    return %arg0, %c0_i32 : i32, i32
  }
  func.func @transform_2(%arg0: i32) -> (i32, i32) {
    %c0_i32 = arith.constant 0 : i32
    %c0_i32_0 = arith.constant 0 : i32
    %c0_i32_1 = arith.constant 0 : i32
    return %c0_i32, %c0_i32_0 : i32, i32
  }
  func.func @transform_3(%arg0: i32) -> (i32, i32) {
    %c0_i32 = arith.constant 0 : i32
    %c0_i32_0 = arith.constant 0 : i32
    %c0_i32_1 = arith.constant 0 : i32
    return %c0_i32, %c0_i32_0 : i32, i32
  }
  func.func @transform_4(%arg0: i32) -> (i32, i32) {
    %c0_i32 = arith.constant 0 : i32
    %c0_i32_0 = arith.constant 0 : i32
    %c0_i32_1 = arith.constant 0 : i32
    return %c0_i32, %c0_i32_0 : i32, i32
  }
  func.func @transform_5(%arg0: i32) -> (i32, i32) {
    %c0_i32 = arith.constant 0 : i32
    %c0_i32_0 = arith.constant 0 : i32
    %c0_i32_1 = arith.constant 0 : i32
    return %c0_i32, %c0_i32_0 : i32, i32
  }
  func.func @transform_6(%arg0: i32) -> (i32, i32) {
    %c0_i32 = arith.constant 0 : i32
    %c0_i32_0 = arith.constant 0 : i32
    %c0_i32_1 = arith.constant 0 : i32
    return %c0_i32, %c0_i32_0 : i32, i32
  }
  func.func @transform_7(%arg0: i32) -> (i32, i32) {
    %c0_i32 = arith.constant 0 : i32
    %c0_i32_0 = arith.constant 0 : i32
    %c0_i32_1 = arith.constant 0 : i32
    return %c0_i32, %c0_i32_0 : i32, i32
  }
  func.func @transform_8(%arg0: i32) -> (i32, i32) {
    %c0_i32 = arith.constant 0 : i32
    %c0_i32_0 = arith.constant 0 : i32
    %c0_i32_1 = arith.constant 0 : i32
    return %c0_i32, %c0_i32_0 : i32, i32
  }
  func.func @transform_9(%arg0: i32) -> (i32, i32) {
    %c0_i32 = arith.constant 0 : i32
    %c0_i32_0 = arith.constant 0 : i32
    %c0_i32_1 = arith.constant 0 : i32
    return %c0_i32, %c0_i32_0 : i32, i32
  }
  func.func @transform_10(%arg0: i32) -> (i32, i32) {
    %c0_i32 = arith.constant 0 : i32
    %c0_i32_0 = arith.constant 0 : i32
    %c0_i32_1 = arith.constant 0 : i32
    return %c0_i32, %c0_i32_0 : i32, i32
  }
  func.func @transform_11(%arg0: i32) -> (i32, i32, i32) {
    %c0_i32 = arith.constant 0 : i32
    %c0_i32_0 = arith.constant 0 : i32
    %c0_i32_1 = arith.constant 0 : i32
    return %arg0, %c0_i32, %c0_i32_0 : i32, i32, i32
  }
  func.func @transform_12(%arg0: i32) -> (i32, i32, i32, i32) {
    %c0_i32 = arith.constant 0 : i32
    %c0_i32_0 = arith.constant 0 : i32
    %c0_i32_1 = arith.constant 0 : i32
    %c0_i32_2 = arith.constant 0 : i32
    return %c0_i32, %arg0, %c0_i32_0, %c0_i32_1 : i32, i32, i32, i32
  }
}

</mosaic_0001>

<sc_bundles>
// kernel: kernel.4.cloned.1.call-start
scs
__scs_entry_jumppad:
0x0: {  	(pc) =	sbr.rel $0x88, $3  }
0x1: {  	(tag) =	ssettag $0x0;
	lr =	simm.s32 $0x1  }
0x2: {  	[smem:$0x3F94] =	sst lr;
	_ =	strace $0xD0000000  }
0x3: {  	_ = 	snop  }
0x4: {  	_ = 	snop  }
0x5: {  	_ = 	snop  }
0x6: {  	_ = 	snop  }
0x7: {  	_ = 	snop  }
__scs_overlays_trampoline_lowered:
0x8: {  	[smem:$0x3FA3] =	sst s0  }
0x9: {  	[smem:$0x3FA4] =	sst s1  }
0xa: {  	[smem:$0x3FA5] =	sst s2  }
0xb: {  	[smem:$0x3FA6] =	sst s3  }
0xc: {  	[smem:$0x3FA7] =	sst s4  }
0xd: {  	[smem:$0x3FA8] =	sst s5  }
0xe: {  	[smem:$0x3FA9] =	sst s6  }
0xf: {  	[smem:$0x3FAA] =	sst s7  }
0x10: {  	[smem:$0x3FAB] =	sst s8  }
0x11: {  	[smem:$0x3FAC] =	sst s9;
	s0 =	simm.s32 @!p0 $0x0  }
0x12: {  	s1 =	sld [smem:$0x3F92];
	s0 =	simm.s32 @p0 $0x1  }
0x13: {  	[smem:$0x3FAD] =	sst s0;
	s0 =	simm.s32 @!p1 $0x0  }
0x14: {  	s2 =	sld [smem:$0x3F91];
	s0 =	simm.s32 @p1 $0x1  }
0x15: {  	[smem:$0x3FAE] =	sst s0;
	s0 =	simm.s32 @!p2 $0x0  }
0x16: {  	s3 =	sld [smem:$0x3FDB];
	s0 =	simm.s32 @p2 $0x1  }
0x17: {  	s4 =	simm.s32 $0x1BF5;
	[smem:$0x3FB0] =	sst s0  }
0x18: {  	s0 =	sld [smem:$0x3F93];
	_ =	swait.ge [sflag:s4], $0x0  }
0x19: {  	s7 =	sld [smem:$0x3F94]  }
0x1a: {  	s8 =	sadd.s32 $0xFFFFE003, lr  }
0x1b: {  	s9 =	sadd.s32 $0xFFFFFEF7, lr;
	s5 =	simm.s32 $0xFFFFFFFF;
	p2 =	slt.u32 s8, $0xFFFFF086  }
0x1c: {  	p1 =	slt.u32 s9, $0xF7A;
	s5 =	simm.s32 @!p2 $0x0  }
0x1d: {  	s5 =	simm.s32 @p1 $0x1;
	p0 =	seq.s32 s7, s2  }
0x1e: {  	s7 =	smul.u32 @!p0 $0xF7A, s2;
	p2 =	seq.s32 @!p0 s5, $0x0  }
0x1f: {  	s9 =	smul.u32 $0xF7A, s1;
	s8 =	simm.s32 @!p0 $0x1BF5;
	p2 =	por !p2, p0  }
0x20: {  	[sflag:s8] =	ssyncset.s32 @!p0 $0xFFFFF086;
	s6 =	sadd.s32 @!p0 s3, s7;
	s7 =	simm.s32 @!p0 $0x108  }
0x21: {  	s3 =	sadd.s32 s3, s9;
	s6 =	sadd.s32 @!p0 $0x88, s6;
	s7 =	simm.s32 @p2 $0x1082  }
0x22: {  	[simem:s7], [sflag:s8] =	dma.local @!p0 [hbm:s6], $0xF7A  }
0x23: {  	s9 =	sor.u32 $0xD0000000, s2;
	s6 =	simm.s32 $0x108;
	_ =	swait.ge @!p0 [sflag:s8], $0x0  }
0x24: {  	s3 =	sadd.s32 $0x88, s3;
	s6 =	simm.s32 @!p1 $0x1082;
	[sflag:s4] =	ssyncset.s32 $0xFFFFF086  }
0x25: {  	[simem:s6], [sflag:s4] =	dma.local [hbm:s3], $0xF7A  }
0x26: {  	[smem:$0x3F94] =	sst s1;
	(tag) =	ssettag s2;
	_ =	strace s9  }
0x27: {  	s1 =	sld [smem:$0x3FA4]  }
0x28: {  	s2 =	sld [smem:$0x3FA5]  }
0x29: {  	s4 =	sld [smem:$0x3FA7]  }
0x2a: {  	p0 =	seq.s32 s5, $0x0;
	s5 =	sld [smem:$0x3FA8]  }
0x2b: {  	s6 =	sld [smem:$0x3FA9]  }
0x2c: {  	s7 =	sld [smem:$0x3FAA]  }
0x2d: {  	s3 =	simm.s32 $0x108;
	s8 =	sld [smem:$0x3FAB]  }
0x2e: {  	s3 =	simm.s32 @!p0 $0x1082;
	s9 =	sld [smem:$0x3FAC]  }
0x2f: {  	lr =	sadd.s32 s0, s3;
	s0 =	sld [smem:$0x3FA3]  }
0x30: {  	s3 =	sld [smem:$0x3FA6]  }
0x31: {  	[smem:$0x3FAF] =	sst s10  }
0x32: {  	s10 =	sld [smem:$0x3FAD];
	_ =	sdelay $0x3  }
0x33: {  	p0 =	seq.s32 s10, $0x1;
	s10 =	sld [smem:$0x3FAF];
	_ =	sdelay $0x3  }
0x34: {  	[smem:$0x3FAF] =	sst s10  }
0x35: {  	s10 =	sld [smem:$0x3FAE];
	_ =	sdelay $0x3  }
0x36: {  	p1 =	seq.s32 s10, $0x1;
	s10 =	sld [smem:$0x3FAF];
	_ =	sdelay $0x3  }
0x37: {  	[smem:$0x3FAF] =	sst s10  }
0x38: {  	s10 =	sld [smem:$0x3FB0]  }
0x39: {  	_ = 	snop;
	(pc) =	sbr.ind lr, $3  }
0x3a: {  	_ = 	snop  }
0x3b: {  	_ = 	snop  }
0x3c: {  	p2 =	seq.s32 s10, $0x1;
	s10 =	sld [smem:$0x3FAF]  }
0x3d: {  	_ =	shalt  }
0x3e: {  	_ =	shalt  }
0x3f: {  	_ =	shalt  }
0x40: {  	_ =	shalt  }
0x41: {  	_ =	shalt  }
0x42: {  	_ =	shalt  }
0x43: {  	_ =	shalt  }
0x44: {  	_ =	shalt  }
0x45: {  	_ =	shalt  }
0x46: {  	_ =	shalt  }
0x47: {  	_ =	shalt  }
0x48: {  	_ =	shalt  }
0x49: {  	_ =	shalt  }
0x4a: {  	_ =	shalt  }
0x4b: {  	_ =	shalt  }
0x4c: {  	_ =	shalt  }
0x4d: {  	_ =	shalt  }
0x4e: {  	_ =	shalt  }
0x4f: {  	_ =	shalt  }
0x50: {  	_ =	shalt  }
0x51: {  	_ =	shalt  }
0x52: {  	_ =	shalt  }
0x53: {  	_ =	shalt  }
0x54: {  	_ =	shalt  }
0x55: {  	_ =	shalt  }
0x56: {  	_ =	shalt  }
0x57: {  	_ =	shalt  }
0x58: {  	_ =	shalt  }
0x59: {  	_ =	shalt  }
0x5a: {  	_ =	shalt  }
0x5b: {  	_ =	shalt  }
0x5c: {  	_ =	shalt  }
0x5d: {  	_ =	shalt  }
0x5e: {  	_ =	shalt  }
0x5f: {  	_ =	shalt  }
0x60: {  	_ =	shalt  }
0x61: {  	_ =	shalt  }
0x62: {  	_ =	shalt  }
0x63: {  	_ =	shalt  }
0x64: {  	_ =	shalt  }
0x65: {  	_ =	shalt  }
0x66: {  	_ =	shalt  }
0x67: {  	_ =	shalt  }
0x68: {  	_ =	shalt  }
0x69: {  	_ =	shalt  }
0x6a: {  	_ =	shalt  }
0x6b: {  	_ =	shalt  }
0x6c: {  	_ =	shalt  }
0x6d: {  	_ =	shalt  }
0x6e: {  	_ =	shalt  }
0x6f: {  	_ =	shalt  }
0x70: {  	_ =	shalt  }
0x71: {  	_ =	shalt  }
0x72: {  	_ =	shalt  }
0x73: {  	_ =	shalt  }
0x74: {  	_ =	shalt  }
0x75: {  	_ =	shalt  }
0x76: {  	_ =	shalt  }
0x77: {  	_ =	shalt  }
0x78: {  	_ =	shalt  }
0x79: {  	_ =	shalt  }
0x7a: {  	_ =	shalt  }
0x7b: {  	_ =	shalt  }
0x7c: {  	_ =	shalt  }
0x7d: {  	_ =	shalt  }
0x7e: {  	_ =	shalt  }
0x7f: {  	_ =	shalt  }
0x80: {  	_ =	shalt  }
0x81: {  	_ =	shalt  }
0x82: {  	_ =	shalt  }
0x83: {  	_ =	shalt  }
0x84: {  	_ =	shalt  }
0x85: {  	_ =	shalt  }
0x86: {  	_ =	shalt  }
0x87: {  	_ =	shalt  }
.Lfunc_end0:
.L_simem_size_0:
called_computation_lowered:
.L_overlay_start_0:
0x88: {  	s2 =	sld [smem:$0x3FD9]  }
0x89: {  	s3 =	sld [smem:$0x3FFE];
	_ =	sdelay $0x1  }
0x8a: {  	s1 =	srdreg.scid  }
0x8b: {  	s0 =	sand.u32 $0x1, s1  }
0x8c: {  	s14 =	sshll.u32 s0, $0xA;
	s2 =	sadd.s32 s3, s2  }
0x8d: {  	s2 =	sadd.s32 s2, s14  }
0x8e: {  	[smem:$0x3FBB] =	sst s2  }
0x8f: {  	_ = 	snop  }
0x90: {  	s2 =	sld [smem:$0x3FD0];
	_ =	sdelay $0x2  }
0x91: {  	s15 =	simm.s32 $0xA;
	s4 =	simm.s32 $0x10  }
0x92: {  	[smem:s4], [sflag:s15] =	dma.local [hbm:s2], $0x1  }
0x93: {  	_ =	swait.eq [sflag:s15], $0x1  }
0x94: {  	[sflag:s15] =	ssyncset.done $0x0  }
0x95: {  	s16 =	sld [smem:$0x10];
	[sflag:s15] =	ssyncadd.s32 $0xFFFFFFFF  }
0x96: {  	s17 =	sld [smem:$0x11];
	(tm) =	ssettm $0x1  }
0x97: {  	s18 =	sld [smem:$0x3FFB];
	_ =	sdelay $0x3  }
0x98: {  	_ =	strace s18  }
0x99: {  	s4 =	sld [smem:$0x3FFC];
	_ =	sdelay $0x3  }
0x9a: {  	_ =	strace s4  }
0x9b: {  	s4 =	sld [smem:$0x3FFD];
	_ =	sdelay $0x3  }
0x9c: {  	_ =	strace s4  }
0x9d: {  	_ =	strace $0x8FFFFFFF  }
0x9e: {  	s19 =	sld [smem:$0x3FDB];
	_ =	sdelay $0x1  }
0x9f: {  	s5 =	simm.s32 $_scs_section_size  }
0xa0: {  	s6 =	simm.s32 $_size__tile_overlayer_lowered;
	s7 =	simm.s32 $_tile_overlayer_lowered  }
0xa1: {  	s22 =	simm.s32 $0x1BFF;
	s21 =	sshll.u32 s7, $0x1;
	s4 =	sadd.s32 s5, s19  }
0xa2: {  	s8 =	simm.s32 $0x0;
	s20 =	sshll.u32 s6, $0x1;
	s6 =	sadd.s32 s21, s4  }
0xa3: {  	[timem:s8], [sflag:s22] =	dma.local [hbm:s6], s20  }
0xa4: {  	_ =	swait.ge [sflag:s22], s20  }
0xa5: {  	s5 =	ssub.s32 $0x0, s20;
	[sflag:s22] =	ssyncset.done $0x0  }
0xa6: {  	[sflag:s22] =	ssyncadd.s32 s5;
	_ =	sdelay $0x1  }
0xa7: {  	s23 =	simm.s32 $0x1B8B  }
0xa8: {  	_ =	swait.ge [sflag:s23], $0x1  }
0xa9: {  	[sflag:s23] =	ssyncset.done $0x0  }
0xaa: {  	s25 =	simm.s32 $0x1B8E;
	s24 =	sld [smem:$0x3FFE];
	[sflag:s23] =	ssyncadd.s32 $0xFFFFFFFF  }
0xab: {  	s26 =	simm.s32 $execute0_lowered;
	[smem:$0x3FD2] =	sst s25  }
0xac: {  	s6 =	sshll.u32 s26, $0x1;
	_ =	strace $0x80000046;
	[dreg:$0x1] =	wrdreg $0xFFFFFFFF  }
0xad: {  	s28 =	simm.s32 $_size_execute0_lowered;
	s4 =	sadd.s32 s4, s6;
	[dreg:$0x0] =	wrdreg $0x0  }
0xae: {  	s6 =	sshll.u32 s28, $0x1;
	[dreg:$0x2] =	wrdreg s4  }
0xaf: {  	[dreg:$0x3] =	wrdreg s6  }
0xb0: {  	[dreg:$0x4] =	wrdreg $0xC0  }
0xb1: {  	_ =	task [dreg:s8], $0x5FFFF  }
0xb2: {  	[dreg:$0x1] =	wrdreg $0xFFFFFFFF  }
0xb3: {  	[dreg:$0x0] =	wrdreg $0x60  }
0xb4: {  	[dreg:$0x2] =	wrdreg s24  }
0xb5: {  	[dreg:$0x3] =	wrdreg s16  }
0xb6: {  	[dreg:$0x4] =	wrdreg s17  }
0xb7: {  	[dreg:$0x5] =	wrdreg $0x9  }
0xb8: {  	_ =	task.clear_ibuf [dreg:s8], $0x6FFFF;
	_ =	strace $0x90000046  }
0xb9: {  	s29 =	simm.s32 $0x9;
	_ =	strace $0x80000048  }
0xba: {  	_ =	swait.ge [sflag:s29], $0x1  }
0xbb: {  	[sflag:s29] =	ssyncadd.s32 $0xFFFFFFFF  }
0xbc: {  	_ =	strace $0x90000048  }
0xbd: {  	_ =	sfence  }
0xbe: {  	s30 =	sld [smem:$0x0];
	_ =	sdelay $0x2  }
0xbf: {  	s31 =	sshll.u32 s1, $0xD;
	s1 =	sshrl.u32 s1, $0x2  }
0xc0: {  	s3 =	sand.u32 $0x4000, s31;
	s1 =	sadd.s32 s1, s30  }
0xc1: {  	s0 =	sor.u32 s3, s0;
	s1 =	sshll.u32 s1, $0x11  }
0xc2: {  	s0 =	sor.u32 s1, s0  }
0xc3: {  	s0 =	sadd.s32 $0x8F2B, s0  }
0xc4: {  	[sflag:s0] =	ssyncadd.remote.s32 $0x1  }
0xc5: {  	_ =	sfence.sel $0xFFFF  }
0xc6: {  	[dreg:$0x0] =	wrdreg $0xFFFFFFFF;
	(pc) =	sbr.abs _section_cstart, $3  }
0xc7: {  	[dreg:$0x1] =	wrdreg $0xFFFFFFFF  }
0xc8: {  	_ =	task.clear_ibuf [dreg:s8], $0x2FFFF;
	_ =	strace $0x9FFFFFFF  }
0xc9: {  	(tm) =	ssettm $0x7FFFFFFF  }
tec
execute0_lowered:
.L_overlay_start_1:
0x0: {  	(tag) =	ssettag $0x1  }
0x1: {  	s4 =	rddreg [dreg:$0x0]  }
0x2: {  	s1 =	srdreg.scid;
	s0 =	stileid.u32  }
0x3: {  	s3 =	rddreg [dreg:$0x1];
	s1 =	sand.u32 $0x1, s1;
	s2 =	sshll.u32 s0, $0x1  }
0x4: {  	s5 =	rddreg [dreg:$0x2];
	s6 =	sor.u32 s1, s2;
	s2 =	simm.s32 $0x0  }
0x5: {  	s0 =	simm.s32 $0x1A40;
	[smem:$0x7FF] =	sst s2  }
0x6: {  	s8 =	simm.s32 $0x4240;
	_ =	strace $0x80000047;
	[dreg:$0x6] =	wrdreg s0  }
0x7: {  	s9 =	simm.s32 $0x140;
	[dreg:$0xa] =	wrdreg s8  }
0x8: {  	s10 =	simm.s32 $0x5640;
	[dreg:$0xb] =	wrdreg s9  }
0x9: {  	s11 =	simm.s32 $0x190;
	[dreg:$0xc] =	wrdreg s10  }
0xa: {  	s12 =	simm.s32 $0x6A40;
	[dreg:$0xd] =	wrdreg s11  }
0xb: {  	s13 =	simm.s32 $0x1E0;
	[dreg:$0xe] =	wrdreg s12  }
0xc: {  	s14 =	simm.s32 $0x7E40;
	[dreg:$0xf] =	wrdreg s13  }
0xd: {  	s15 =	simm.s32 $0x230;
	[dreg:$0x10] =	wrdreg s14  }
0xe: {  	s16 =	simm.s32 $0x9240;
	s7 =	smul.u32 $0xC8, s6;
	[dreg:$0x11] =	wrdreg s15  }
0xf: {  	s18 =	simm.s32 $0x280;
	s6 =	smul.u32 $0x3200, s6;
	[dreg:$0x12] =	wrdreg s16  }
0x10: {  	[dreg:$0x13] =	wrdreg s18;
	s3 =	sadd.s32 s3, s7  }
0x11: {  	s26 =	sadd.s32 s5, s6;
	[dreg:$0x4] =	wrdreg s3  }
0x12: {  	s5 =	simm.s32 $0xA0;
	[dreg:$0x5] =	wrdreg s26  }
0x13: {  	s6 =	simm.s32 $0x2E40;
	[dreg:$0x7] =	wrdreg s5  }
0x14: {  	s7 =	simm.s32 $0xF0;
	[dreg:$0x8] =	wrdreg s6  }
0x15: {  	[dreg:$0x9] =	wrdreg s7  }
0x16: {  	s3 =	simm.s32 $0x2;
	s17 =	rddreg [dreg:$0x4]  }
0x17: {  	[tilespmem:s2], [sflag:$0x2] =	stream.linear.gather [hbm4b:s17+s2], $0x640, $0x38;
	[tilespmem:$0x19640] =	vst v63  }
0x18: {  	_ =	swait.ge [sflag:s3], $0x640  }
0x19: {  	s19 =	rddreg [dreg:$0x12]  }
0x1a: {  	s8 =	rddreg [dreg:$0x10]  }
0x1b: {  	s9 =	rddreg [dreg:$0xe]  }
0x1c: {  	s4 =	sadd.s32 $0x18A600, s4;
	s10 =	rddreg [dreg:$0xc]  }
0x1d: {  	s6 =	simm.s32 $0x50;
	s11 =	rddreg [dreg:$0x7];
	[sflag:s3] =	ssyncset.done $0x0  }
0x1e: {  	s5 =	simm.s32 $0x640;
	s12 =	rddreg [dreg:$0x6];
	[sflag:s3] =	ssyncadd.s32 $0xFFFFF9C0  }
0x1f: {  	[tilespmem:s5], [sflag:$0x1] =	stream.indirect.gather [hbm4b:s4+s6], $0x40, s2, s6, $0xb8;
	[tilespmem:$0x19640] =	vst v63  }
0x20: {  	s13 =	rddreg [dreg:$0x8]  }
0x21: {  	[tilespmem:s12], [sflag:$0x1] =	stream.indirect.gather [hbm4b:s4+s6], $0x40, s6, s6, $0xb8;
	[tilespmem:$0x19640] =	vst v63  }
0x22: {  	s14 =	rddreg [dreg:$0xa]  }
0x23: {  	[tilespmem:s13], [sflag:$0x1] =	stream.indirect.gather [hbm4b:s4+s6], $0x40, s11, s6, $0xb8;
	[tilespmem:$0x19640] =	vst v63  }
0x24: {  	s20 =	rddreg [dreg:$0x9]  }
0x25: {  	[tilespmem:s14], [sflag:$0x1] =	stream.indirect.gather [hbm4b:s4+s6], $0x40, s20, s6, $0xb8;
	[tilespmem:$0x19640] =	vst v63  }
0x26: {  	s21 =	rddreg [dreg:$0xb]  }
0x27: {  	[tilespmem:s10], [sflag:$0x1] =	stream.indirect.gather [hbm4b:s4+s6], $0x40, s21, s6, $0xb8;
	[tilespmem:$0x19640] =	vst v63  }
0x28: {  	s22 =	rddreg [dreg:$0xd]  }
0x29: {  	[tilespmem:s9], [sflag:$0x1] =	stream.indirect.gather [hbm4b:s4+s6], $0x40, s22, s6, $0xb8;
	[tilespmem:$0x19640] =	vst v63  }
0x2a: {  	s23 =	rddreg [dreg:$0xf]  }
0x2b: {  	[tilespmem:s8], [sflag:$0x1] =	stream.indirect.gather [hbm4b:s4+s6], $0x40, s23, s6, $0xb8;
	[tilespmem:$0x19640] =	vst v63  }
0x2c: {  	s24 =	rddreg [dreg:$0x11]  }
0x2d: {  	[tilespmem:s19], [sflag:$0x1] =	stream.indirect.gather [hbm4b:s4+s6], $0x40, s24, s6, $0xb8;
	[tilespmem:$0x19640] =	vst v63  }
0x2e: {  	s26 =	simm.s32 $0xA640;
	s25 =	rddreg [dreg:$0x13]  }
0x2f: {  	[tilespmem:s26], [sflag:$0x1] =	stream.indirect.gather [hbm4b:s4+s6], $0x40, s25, s6, $0xb8;
	[tilespmem:$0x19640] =	vst v63  }
0x30: {  	s7 =	simm.s32 $0x2D0;
	s8 =	simm.s32 $0xBA40  }
0x31: {  	[tilespmem:s8], [sflag:$0x1] =	stream.indirect.gather [hbm4b:s4+s6], $0x40, s7, s6, $0xb8;
	[tilespmem:$0x19640] =	vst v63  }
0x32: {  	s10 =	simm.s32 $0xCE40;
	s9 =	simm.s32 $0x320  }
0x33: {  	[tilespmem:s10], [sflag:$0x1] =	stream.indirect.gather [hbm4b:s4+s6], $0x40, s9, s6, $0xb8;
	[tilespmem:$0x19640] =	vst v63  }
0x34: {  	s12 =	simm.s32 $0xE240;
	s11 =	simm.s32 $0x370  }
0x35: {  	[tilespmem:s12], [sflag:$0x1] =	stream.indirect.gather [hbm4b:s4+s6], $0x40, s11, s6, $0xb8;
	[tilespmem:$0x19640] =	vst v63  }
0x36: {  	s15 =	simm.s32 $0xF640;
	s14 =	simm.s32 $0x3C0  }
0x37: {  	[tilespmem:s15], [sflag:$0x1] =	stream.indirect.gather [hbm4b:s4+s6], $0x40, s14, s6, $0xb8;
	[tilespmem:$0x19640] =	vst v63  }
0x38: {  	s16 =	simm.s32 $0x410;
	s17 =	simm.s32 $0x10A40  }
0x39: {  	[tilespmem:s17], [sflag:$0x1] =	stream.indirect.gather [hbm4b:s4+s6], $0x40, s16, s6, $0xb8;
	[tilespmem:$0x19640] =	vst v63  }
0x3a: {  	s18 =	simm.s32 $0x460;
	s19 =	simm.s32 $0x11E40  }
0x3b: {  	[tilespmem:s19], [sflag:$0x1] =	stream.indirect.gather [hbm4b:s4+s6], $0x40, s18, s6, $0xb8;
	[tilespmem:$0x19640] =	vst v63  }
0x3c: {  	s20 =	simm.s32 $0x4B0;
	s21 =	simm.s32 $0x13240  }
0x3d: {  	[tilespmem:s21], [sflag:$0x1] =	stream.indirect.gather [hbm4b:s4+s6], $0x40, s20, s6, $0xb8;
	[tilespmem:$0x19640] =	vst v63  }
0x3e: {  	s22 =	simm.s32 $0x500;
	s23 =	simm.s32 $0x14640  }
0x3f: {  	[tilespmem:s23], [sflag:$0x1] =	stream.indirect.gather [hbm4b:s4+s6], $0x40, s22, s6, $0xb8;
	[tilespmem:$0x19640] =	vst v63  }
0x40: {  	s24 =	simm.s32 $0x550;
	s25 =	simm.s32 $0x15A40  }
0x41: {  	[tilespmem:s25], [sflag:$0x1] =	stream.indirect.gather [hbm4b:s4+s6], $0x40, s24, s6, $0xb8;
	[tilespmem:$0x19640] =	vst v63  }
0x42: {  	s28 =	simm.s32 $0x16E40;
	s26 =	simm.s32 $0x5A0  }
0x43: {  	[tilespmem:s28], [sflag:$0x1] =	stream.indirect.gather [hbm4b:s4+s6], $0x40, s26, s6, $0xb8;
	[tilespmem:$0x19640] =	vst v63  }
0x44: {  	s30 =	simm.s32 $0x5F0;
	s31 =	simm.s32 $0x18240;
	s29 =	simm.s32 $0x1  }
0x45: {  	[tilespmem:s31], [sflag:$0x1] =	stream.indirect.gather [hbm4b:s4+s6], $0x40, s30, s6, $0xb8;
	[tilespmem:$0x19640] =	vst v63  }
0x46: {  	_ =	swait.ge [sflag:s29], $0x1400  }
0x47: {  	[sflag:s29] =	ssyncset.done $0x0  }
0x48: {  	[sflag:s29] =	ssyncadd.s32 $0xFFFFEC00  }
0x49: {  	_ =	swait.ge [sflag:s29], $0x1400  }
0x4a: {  	[sflag:s29] =	ssyncset.done $0x0  }
0x4b: {  	[sflag:s29] =	ssyncadd.s32 $0xFFFFEC00  }
0x4c: {  	_ =	swait.ge [sflag:s29], $0x1400  }
0x4d: {  	[sflag:s29] =	ssyncset.done $0x0  }
0x4e: {  	[sflag:s29] =	ssyncadd.s32 $0xFFFFEC00  }
0x4f: {  	_ =	swait.ge [sflag:s29], $0x1400  }
0x50: {  	[sflag:s29] =	ssyncset.done $0x0  }
0x51: {  	[sflag:s29] =	ssyncadd.s32 $0xFFFFEC00  }
0x52: {  	_ =	swait.ge [sflag:s29], $0x1400  }
0x53: {  	[sflag:s29] =	ssyncset.done $0x0  }
0x54: {  	[sflag:s29] =	ssyncadd.s32 $0xFFFFEC00  }
0x55: {  	_ =	swait.ge [sflag:s29], $0x1400  }
0x56: {  	[sflag:s29] =	ssyncset.done $0x0  }
0x57: {  	[sflag:s29] =	ssyncadd.s32 $0xFFFFEC00  }
0x58: {  	_ =	swait.ge [sflag:s29], $0x1400  }
0x59: {  	[sflag:s29] =	ssyncset.done $0x0  }
0x5a: {  	[sflag:s29] =	ssyncadd.s32 $0xFFFFEC00  }
0x5b: {  	_ =	swait.ge [sflag:s29], $0x1400  }
0x5c: {  	[sflag:s29] =	ssyncset.done $0x0  }
0x5d: {  	[sflag:s29] =	ssyncadd.s32 $0xFFFFEC00  }
0x5e: {  	_ =	swait.ge [sflag:s29], $0x1400  }
0x5f: {  	[sflag:s29] =	ssyncset.done $0x0  }
0x60: {  	[sflag:s29] =	ssyncadd.s32 $0xFFFFEC00  }
0x61: {  	_ =	swait.ge [sflag:s29], $0x1400  }
0x62: {  	[sflag:s29] =	ssyncset.done $0x0  }
0x63: {  	[sflag:s29] =	ssyncadd.s32 $0xFFFFEC00  }
0x64: {  	_ =	swait.ge [sflag:s29], $0x1400  }
0x65: {  	[sflag:s29] =	ssyncset.done $0x0  }
0x66: {  	[sflag:s29] =	ssyncadd.s32 $0xFFFFEC00  }
0x67: {  	_ =	swait.ge [sflag:s29], $0x1400  }
0x68: {  	[sflag:s29] =	ssyncset.done $0x0  }
0x69: {  	[sflag:s29] =	ssyncadd.s32 $0xFFFFEC00  }
0x6a: {  	_ =	swait.ge [sflag:s29], $0x1400  }
0x6b: {  	[sflag:s29] =	ssyncset.done $0x0  }
0x6c: {  	[sflag:s29] =	ssyncadd.s32 $0xFFFFEC00  }
0x6d: {  	_ =	swait.ge [sflag:s29], $0x1400  }
0x6e: {  	[sflag:s29] =	ssyncset.done $0x0  }
0x6f: {  	[sflag:s29] =	ssyncadd.s32 $0xFFFFEC00  }
0x70: {  	_ =	swait.ge [sflag:s29], $0x1400  }
0x71: {  	[sflag:s29] =	ssyncset.done $0x0  }
0x72: {  	[sflag:s29] =	ssyncadd.s32 $0xFFFFEC00  }
0x73: {  	_ =	swait.ge [sflag:s29], $0x1400  }
0x74: {  	[sflag:s29] =	ssyncset.done $0x0  }
0x75: {  	[sflag:s29] =	ssyncadd.s32 $0xFFFFEC00  }
0x76: {  	s1 =	ssub.s32 $0x2, s1;
	_ =	swait.ge [sflag:s29], $0x1400  }
0x77: {  	s13 =	sshrl.u32 s1, $0x1;
	[sflag:s29] =	ssyncset.done $0x0  }
0x78: {  	s0 =	ssub.s32 s1, s13;
	[sflag:s29] =	ssyncadd.s32 $0xFFFFEC00  }
0x79: {  	s0 =	smax.u32 s0, $0x1;
	_ =	swait.ge [sflag:s29], $0x1400  }
0x7a: {  	p0 =	sne.s32 s0, $0x1;
	[sflag:s29] =	ssyncset.done $0x0  }
.Ltmp0:
0x7b: {  	[sflag:s29] =	ssyncadd.s32 $0xFFFFEC00;
	(pc) =	sbr.rel @!p0 .LBB2_2-.Ltmp0, $4  }
0x7c: {  	_ =	swait.ge [sflag:s29], $0x1400  }
0x7d: {  	[sflag:s29] =	ssyncset.done $0x0  }
0x7e: {  	[sflag:s29] =	ssyncadd.s32 $0xFFFFEC00  }
0x7f: {  	s1 =	sadd.s32 $0xFFFFFFFF, s0;
	_ =	swait.ge [sflag:s29], $0x1400  }
.LBB2_1:
0x80: {  	[sflag:s29] =	ssyncset.done $0x0  }
0x81: {  	s0 =	rddreg [dreg:$0x5];
	[sflag:s29] =	ssyncadd.s32 $0xFFFFEC00  }
0x82: {  	[hbm4b:s0+s2] =	stream.linear.scatter [tilespmem:s5], [sflag:$0x2], $0x19000, $0x38;
	[tilespmem:$0x19640] =	vst v63  }
0x83: {  	_ =	swait.ge [sflag:s3], $0x19000  }
0x84: {  	[sflag:s3] =	ssyncset.done $0x0  }
0x85: {  	s11 =	rddreg [dreg:$0x4];
	[sflag:s3] =	ssyncadd.s32 $0xFFFE7000  }
0x86: {  	[tilespmem:s2], [sflag:$0x2] =	stream.linear.gather [hbm4b:s11+s2], $0x640, $0x38;
	[tilespmem:$0x19640] =	vst v63  }
0x87: {  	_ =	swait.ge [sflag:s3], $0x640  }
0x88: {  	s0 =	rddreg [dreg:$0x12]  }
0x89: {  	s7 =	rddreg [dreg:$0x10]  }
0x8a: {  	s8 =	rddreg [dreg:$0xe]  }
0x8b: {  	s9 =	rddreg [dreg:$0xc]  }
0x8c: {  	s10 =	rddreg [dreg:$0x7];
	[sflag:s3] =	ssyncset.done $0x0  }
0x8d: {  	s11 =	rddreg [dreg:$0x6];
	[sflag:s3] =	ssyncadd.s32 $0xFFFFF9C0  }
0x8e: {  	[tilespmem:s5], [sflag:$0x1] =	stream.indirect.gather [hbm4b:s4+s6], $0x40, s2, s6, $0xb8;
	[tilespmem:$0x19640] =	vst v63  }
0x8f: {  	s12 =	rddreg [dreg:$0x8]  }
0x90: {  	[tilespmem:s11], [sflag:$0x1] =	stream.indirect.gather [hbm4b:s4+s6], $0x40, s6, s6, $0xb8;
	[tilespmem:$0x19640] =	vst v63  }
0x91: {  	s13 =	rddreg [dreg:$0xa]  }
0x92: {  	[tilespmem:s12], [sflag:$0x1] =	stream.indirect.gather [hbm4b:s4+s6], $0x40, s10, s6, $0xb8;
	[tilespmem:$0x19640] =	vst v63  }
0x93: {  	s11 =	rddreg [dreg:$0x9]  }
0x94: {  	[tilespmem:s13], [sflag:$0x1] =	stream.indirect.gather [hbm4b:s4+s6], $0x40, s11, s6, $0xb8;
	[tilespmem:$0x19640] =	vst v63  }
0x95: {  	s12 =	rddreg [dreg:$0xb]  }
0x96: {  	[tilespmem:s9], [sflag:$0x1] =	stream.indirect.gather [hbm4b:s4+s6], $0x40, s12, s6, $0xb8;
	[tilespmem:$0x19640] =	vst v63  }
0x97: {  	s13 =	rddreg [dreg:$0xd]  }
0x98: {  	[tilespmem:s8], [sflag:$0x1] =	stream.indirect.gather [hbm4b:s4+s6], $0x40, s13, s6, $0xb8;
	[tilespmem:$0x19640] =	vst v63  }
0x99: {  	s10 =	rddreg [dreg:$0xf]  }
0x9a: {  	[tilespmem:s7], [sflag:$0x1] =	stream.indirect.gather [hbm4b:s4+s6], $0x40, s10, s6, $0xb8;
	[tilespmem:$0x19640] =	vst v63  }
0x9b: {  	s11 =	rddreg [dreg:$0x11]  }
0x9c: {  	[tilespmem:s0], [sflag:$0x1] =	stream.indirect.gather [hbm4b:s4+s6], $0x40, s11, s6, $0xb8;
	[tilespmem:$0x19640] =	vst v63  }
0x9d: {  	s12 =	rddreg [dreg:$0x13];
	s13 =	simm.s32 $0xA640  }
0x9e: {  	[tilespmem:s13], [sflag:$0x1] =	stream.indirect.gather [hbm4b:s4+s6], $0x40, s12, s6, $0xb8;
	[tilespmem:$0x19640] =	vst v63  }
0x9f: {  	s9 =	simm.s32 $0xBA40;
	s8 =	simm.s32 $0x2D0  }
0xa0: {  	[tilespmem:s9], [sflag:$0x1] =	stream.indirect.gather [hbm4b:s4+s6], $0x40, s8, s6, $0xb8;
	[tilespmem:$0x19640] =	vst v63  }
0xa1: {  	s10 =	simm.s32 $0x320;
	s11 =	simm.s32 $0xCE40  }
0xa2: {  	[tilespmem:s11], [sflag:$0x1] =	stream.indirect.gather [hbm4b:s4+s6], $0x40, s10, s6, $0xb8;
	[tilespmem:$0x19640] =	vst v63  }
0xa3: {  	s12 =	simm.s32 $0x370;
	s13 =	simm.s32 $0xE240  }
0xa4: {  	[tilespmem:s13], [sflag:$0x1] =	stream.indirect.gather [hbm4b:s4+s6], $0x40, s12, s6, $0xb8;
	[tilespmem:$0x19640] =	vst v63  }
0xa5: {  	_ = 	snop  }
0xa6: {  	[tilespmem:s15], [sflag:$0x1] =	stream.indirect.gather [hbm4b:s4+s6], $0x40, s14, s6, $0xb8;
	[tilespmem:$0x19640] =	vst v63  }
0xa7: {  	_ = 	snop  }
0xa8: {  	[tilespmem:s17], [sflag:$0x1] =	stream.indirect.gather [hbm4b:s4+s6], $0x40, s16, s6, $0xb8;
	[tilespmem:$0x19640] =	vst v63  }
0xa9: {  	_ = 	snop  }
0xaa: {  	[tilespmem:s19], [sflag:$0x1] =	stream.indirect.gather [hbm4b:s4+s6], $0x40, s18, s6, $0xb8;
	[tilespmem:$0x19640] =	vst v63  }
0xab: {  	_ = 	snop  }
0xac: {  	[tilespmem:s21], [sflag:$0x1] =	stream.indirect.gather [hbm4b:s4+s6], $0x40, s20, s6, $0xb8;
	[tilespmem:$0x19640] =	vst v63  }
0xad: {  	_ = 	snop  }
0xae: {  	[tilespmem:s23], [sflag:$0x1] =	stream.indirect.gather [hbm4b:s4+s6], $0x40, s22, s6, $0xb8;
	[tilespmem:$0x19640] =	vst v63  }
0xaf: {  	_ = 	snop  }
0xb0: {  	[tilespmem:s25], [sflag:$0x1] =	stream.indirect.gather [hbm4b:s4+s6], $0x40, s24, s6, $0xb8;
	[tilespmem:$0x19640] =	vst v63  }
0xb1: {  	_ = 	snop  }
0xb2: {  	[tilespmem:s28], [sflag:$0x1] =	stream.indirect.gather [hbm4b:s4+s6], $0x40, s26, s6, $0xb8;
	[tilespmem:$0x19640] =	vst v63  }
0xb3: {  	_ = 	snop  }
0xb4: {  	[tilespmem:s31], [sflag:$0x1] =	stream.indirect.gather [hbm4b:s4+s6], $0x40, s30, s6, $0xb8;
	[tilespmem:$0x19640] =	vst v63  }
0xb5: {  	_ =	swait.ge [sflag:s29], $0x1400  }
0xb6: {  	[sflag:s29] =	ssyncset.done $0x0  }
0xb7: {  	[sflag:s29] =	ssyncadd.s32 $0xFFFFEC00  }
0xb8: {  	_ =	swait.ge [sflag:s29], $0x1400  }
0xb9: {  	[sflag:s29] =	ssyncset.done $0x0  }
0xba: {  	[sflag:s29] =	ssyncadd.s32 $0xFFFFEC00  }
0xbb: {  	_ =	swait.ge [sflag:s29], $0x1400  }
0xbc: {  	[sflag:s29] =	ssyncset.done $0x0  }
0xbd: {  	[sflag:s29] =	ssyncadd.s32 $0xFFFFEC00  }
0xbe: {  	_ =	swait.ge [sflag:s29], $0x1400  }
0xbf: {  	[sflag:s29] =	ssyncset.done $0x0  }
0xc0: {  	[sflag:s29] =	ssyncadd.s32 $0xFFFFEC00  }
0xc1: {  	_ =	swait.ge [sflag:s29], $0x1400  }
0xc2: {  	[sflag:s29] =	ssyncset.done $0x0  }
0xc3: {  	[sflag:s29] =	ssyncadd.s32 $0xFFFFEC00  }
0xc4: {  	_ =	swait.ge [sflag:s29], $0x1400  }
0xc5: {  	[sflag:s29] =	ssyncset.done $0x0  }
0xc6: {  	[sflag:s29] =	ssyncadd.s32 $0xFFFFEC00  }
0xc7: {  	_ =	swait.ge [sflag:s29], $0x1400  }
0xc8: {  	[sflag:s29] =	ssyncset.done $0x0  }
0xc9: {  	[sflag:s29] =	ssyncadd.s32 $0xFFFFEC00  }
0xca: {  	_ =	swait.ge [sflag:s29], $0x1400  }
0xcb: {  	[sflag:s29] =	ssyncset.done $0x0  }
0xcc: {  	[sflag:s29] =	ssyncadd.s32 $0xFFFFEC00  }
0xcd: {  	_ =	swait.ge [sflag:s29], $0x1400  }
0xce: {  	[sflag:s29] =	ssyncset.done $0x0  }
0xcf: {  	[sflag:s29] =	ssyncadd.s32 $0xFFFFEC00  }
0xd0: {  	_ =	swait.ge [sflag:s29], $0x1400  }
0xd1: {  	[sflag:s29] =	ssyncset.done $0x0  }
0xd2: {  	[sflag:s29] =	ssyncadd.s32 $0xFFFFEC00  }
0xd3: {  	_ =	swait.ge [sflag:s29], $0x1400  }
0xd4: {  	[sflag:s29] =	ssyncset.done $0x0  }
0xd5: {  	[sflag:s29] =	ssyncadd.s32 $0xFFFFEC00  }
0xd6: {  	_ =	swait.ge [sflag:s29], $0x1400  }
0xd7: {  	[sflag:s29] =	ssyncset.done $0x0  }
0xd8: {  	[sflag:s29] =	ssyncadd.s32 $0xFFFFEC00  }
0xd9: {  	_ =	swait.ge [sflag:s29], $0x1400  }
0xda: {  	[sflag:s29] =	ssyncset.done $0x0  }
0xdb: {  	[sflag:s29] =	ssyncadd.s32 $0xFFFFEC00  }
0xdc: {  	_ =	swait.ge [sflag:s29], $0x1400  }
0xdd: {  	[sflag:s29] =	ssyncset.done $0x0  }
0xde: {  	[sflag:s29] =	ssyncadd.s32 $0xFFFFEC00  }
0xdf: {  	_ =	swait.ge [sflag:s29], $0x1400  }
0xe0: {  	[sflag:s29] =	ssyncset.done $0x0  }
0xe1: {  	[sflag:s29] =	ssyncadd.s32 $0xFFFFEC00  }
0xe2: {  	_ =	swait.ge [sflag:s29], $0x1400  }
0xe3: {  	[sflag:s29] =	ssyncset.done $0x0  }
0xe4: {  	[sflag:s29] =	ssyncadd.s32 $0xFFFFEC00  }
0xe5: {  	_ =	swait.ge [sflag:s29], $0x1400  }
0xe6: {  	[sflag:s29] =	ssyncset.done $0x0  }
0xe7: {  	[sflag:s29] =	ssyncadd.s32 $0xFFFFEC00  }
0xe8: {  	_ =	swait.ge [sflag:s29], $0x1400  }
0xe9: {  	p0 =	sne.s32 s1, $0x1;
	[sflag:s29] =	ssyncset.done $0x0  }
.Ltmp1:
0xea: {  	[sflag:s29] =	ssyncadd.s32 $0xFFFFEC00;
	(pc) =	sbr.rel @p0 .LBB2_1-.Ltmp1, $4  }
0xeb: {  	_ =	swait.ge [sflag:s29], $0x1400  }
0xec: {  	[sflag:s29] =	ssyncset.done $0x0  }
0xed: {  	[sflag:s29] =	ssyncadd.s32 $0xFFFFEC00  }
0xee: {  	s1 =	sadd.s32 $0xFFFFFFFF, s1;
	_ =	swait.ge [sflag:s29], $0x1400  }
.LBB2_2:
0xef: {  	[sflag:s29] =	ssyncset.done $0x0  }
0xf0: {  	s0 =	rddreg [dreg:$0x5];
	[sflag:s29] =	ssyncadd.s32 $0xFFFFEC00  }
0xf1: {  	[hbm4b:s0+s2] =	stream.linear.scatter [tilespmem:s5], [sflag:$0x2], $0x19000, $0x38;
	[tilespmem:$0x19640] =	vst v63  }
0xf2: {  	_ =	swait.ge [sflag:s3], $0x19000  }
0xf3: {  	[sflag:s3] =	ssyncset.done $0x0  }
0xf4: {  	[sflag:s3] =	ssyncadd.s32 $0xFFFE7000  }
0xf5: {  	_ =	sfence.sel $0x180000  }
0xf6: {  	[bflag:$0x0] =	sbarrier.arrive $0xFFFF  }
0xf7: {  	_ =	strace $0x90000047  }
0xf8: {  	s31 =	stileid.u32;
	[bflag:$0x2] =	sbarrier.arrive $0xFFFF  }
0xf9: {  	p0 =	sne.s32 s31, $0x0;
	s0 =	rddreg [dreg:$0x3]  }
0xfa: {  	s0 =	sadd.s32 @!p0 $0x100000, s0  }
0xfb: {  	[sflag:s0] =	ssyncadd.tile.s32 @!p0 $0x1;
	_ =	shalt  }
.Lfunc_end2:
_tile_overlayer_lowered:
.L_overlay_start_2:
0xfc: {  	(tag) =	ssettag $0x2  }
0xfd: {  	s0 =	rddreg [dreg:$0x0];
	s2 =	stileid.u32  }
0xfe: {  	s1 =	rddreg [dreg:$0x1];
	p0 =	sne.s32 s2, $0x0  }
0xff: {  	s3 =	rddreg [dreg:$0x2];
	[bflag:$0x3] =	sbarrier.arrive $0xFFFF;
	s2 =	simm.s32 @!p0 $0x1C02  }
0x100: {  	[timem:s3], [sflag:s2] =	dma.local @!p0 [hbm:s0], s1  }
0x101: {  	s0 =	simm.s32 @!p0 $0x2  }
0x102: {  	_ =	swait.ge @!p0 [sflag:s0], s1  }
0x103: {  	s1 =	ssub.s32 @!p0 $0x0, s1;
	[sflag:s0] =	ssyncset.done @!p0 $0x0  }
0x104: {  	[sflag:s0] =	ssyncadd.s32 @!p0 s1  }
0x105: {  	[bflag:$0x3] =	sbarrier.arrive $0xFFFF  }
0x106: {  	_ =	shalt  }

</sc_bundles>
